<compile_context>
chip_gen: v7x
topology: tpu7x:2x2x1
jax: 0.10.2.dev20260603
libtpu: 0.0.44.dev20260713+nightly
codegen_flags: <defaults>
</compile_context>

<pallas_src>
import functools

import jax
import jax.numpy as jnp
import numpy as np
from jax import lax
from jax.experimental import pallas as pl
from jax.experimental.pallas import tpu as pltpu
from jax.experimental.pallas import tpu_sc as plsc

BEAM = 16
VOCAB = 1_000_000
SEQ_LEN = 20
RSTRIDE = 1_024_000
RPAD = RSTRIDE - VOCAB
NC, NS, L = 2, 16, 16
NW = NC * NS
SHARD = RSTRIDE // 2
CHUNK = 51_200
NCHUNK = SHARD // CHUNK
G = 25
GROUPS = CHUNK // (G * L)

_NEG_INF = np.float32(-np.inf)


def _shard_topk_body(lp_hbm, keys_out, cols_out, buf0, buf1, kv_v, cv_v,
                     sem0, sem1):
    cid = lax.axis_index("c")
    sid = lax.axis_index("s")
    wid = sid * NC + cid
    base_elem = wid * SHARD
    col0 = (wid % 2) * SHARD
    iota = lax.iota(jnp.int32, L)

    def src_slice(c):
        return lp_hbm.at[pl.ds(base_elem + c * CHUNK, CHUNK)]

    def process(buf, ccol0, carry):
        def group_body(g, carry):
            Tk, Tv, thr = carry
            gbase = g * (G * L)
            vecs = [buf[pl.ds(gbase + j * L, L)] for j in range(G)]
            ms = list(vecs)
            while len(ms) > 1:
                nxt = [jnp.maximum(ms[i], ms[i + 1])
                       for i in range(0, len(ms) - 1, 2)]
                if len(ms) % 2:
                    nxt.append(ms[-1])
                ms = nxt
            gmax = jnp.max(ms[0])

            def rescan(carry):
                Tk, Tv, thr = carry
                for j, X in enumerate(vecs):
                    xm = jnp.max(X)

                    def mrg(a, X=X, j=j):
                        Tk, Tv, _ = a
                        idxv = (ccol0 + gbase + j * L) + iota
                        sk, sv = plsc.sort_key_val(X, idxv, descending=True)
                        nk = jnp.maximum(Tk, sk)
                        nv = jnp.where(Tk >= sk, Tv, sv)
                        Tk2, Tv2 = plsc.sort_key_val(nk, nv)
                        return Tk2, Tv2, jnp.min(Tk2)

                    Tk, Tv, thr = lax.cond(xm > thr, mrg, lambda a: a,
                                           (Tk, Tv, thr))
                return Tk, Tv, thr

            return lax.cond(gmax > thr, rescan, lambda a: a, (Tk, Tv, thr))

        return lax.fori_loop(0, GROUPS, group_body, carry)

    Tk0 = jnp.full((L,), _NEG_INF, jnp.float32)
    Tv0 = jnp.zeros((L,), jnp.int32)
    thr0 = _NEG_INF

    pltpu.async_copy(src_slice(0), buf0, sem0)

    @pl.loop(0, NCHUNK, step=2, init_carry=(Tk0, Tv0, thr0))
    def chunk_loop(c, carry):
        pltpu.make_async_copy(src_slice(c), buf0, sem0).wait()
        pltpu.async_copy(src_slice(c + 1), buf1, sem1)
        carry = process(buf0, col0 + c * CHUNK, carry)
        pltpu.make_async_copy(src_slice(c + 1), buf1, sem1).wait()

        @pl.when(c + 2 < NCHUNK)
        def _():
            pltpu.async_copy(src_slice(c + 2), buf0, sem0)

        return process(buf1, col0 + (c + 1) * CHUNK, carry)

    Tk, Tv, _ = chunk_loop
    kv_v[...] = Tk
    cv_v[...] = Tv
    pltpu.sync_copy(kv_v, keys_out.at[wid])
    pltpu.sync_copy(cv_v, cols_out.at[wid])


def _finalize_body(keys_hbm, cols_hbm, bsum_hbm, t_hbm, bseq_hbm, blogp_hbm,
                   state2_hbm, obseq_hbm, oblogp_hbm, topp_hbm, ostate_hbm,
                   kv, cv, bs, tv, bseq, blogp, obseq, oblogp, topv, qidx2,
                   srows, sem):
    cid = lax.axis_index("c")
    sid = lax.axis_index("s")

    @pl.when(jnp.logical_and(cid == 0, sid == 0))
    def _():
        pltpu.sync_copy(keys_hbm, kv)
        pltpu.sync_copy(cols_hbm, cv)
        pltpu.sync_copy(bsum_hbm, bs)
        pltpu.sync_copy(t_hbm, tv)
        pltpu.sync_copy(bseq_hbm, bseq)
        pltpu.sync_copy(blogp_hbm, blogp)

        lists = []
        for w in range(NW):
            kw = kv[w, :]
            pv = jnp.bitwise_or(cv[w, :], np.int32(w << 20))
            lists.append((kw, pv))
        while len(lists) > 1:
            nxt = []
            for i in range(0, len(lists), 2):
                ak, av = lists[i]
                bk, bv = lists[i + 1]
                bdk = lax.rev(bk, (0,))
                bdv = lax.rev(bv, (0,))
                nk = jnp.maximum(ak, bdk)
                take_a = jnp.logical_or(
                    ak > bdk, jnp.logical_and(ak == bdk, av < bdv))
                nv = jnp.where(take_a, av, bdv)
                nxt.append(plsc.sort_key_val(nk, nv))
            lists = nxt
        fk, fv = lists[0]
        pvs, kbits = plsc.sort_key_val(fv, plsc.bitcast(fk, jnp.int32))
        kd, vd = plsc.sort_key_val(
            plsc.bitcast(kbits, jnp.float32), pvs, descending=True)

        wv = lax.shift_right_logical(vd, 20)
        q = lax.shift_right_logical(wv, 1)
        cidx = jnp.bitwise_and(vd, np.int32((1 << 20) - 1))

        topv[...] = kd
        pltpu.sync_copy(topv, topp_hbm)

        bq = plsc.load_gather(bs, [q])
        rv = kd - bq
        tvec = tv[...]
        for i in range(SEQ_LEN):
            ivec = jnp.full((L,), i, jnp.int32)
            mlt = ivec < tvec
            meq = ivec == tvec
            row = bseq[i, :]
            gr = plsc.load_gather(bseq, [ivec, q])
            sel = jnp.where(mlt, gr, row)
            obseq[i, :] = jnp.where(meq, cidx, sel)
            frow = blogp[i, :]
            gf = plsc.load_gather(blogp, [ivec, q])
            self_ = jnp.where(mlt, gf, frow)
            oblogp[i, :] = jnp.where(meq, rv, self_)
        pltpu.sync_copy(obseq, obseq_hbm)
        pltpu.sync_copy(oblogp, oblogp_hbm)

        qidx2[pl.ds(0, L)] = q
        qidx2[pl.ds(L, L)] = q + np.int32(L)
        pltpu.async_copy(state2_hbm.at[qidx2], srows, sem).wait()
        pltpu.sync_copy(srows, ostate_hbm)


@functools.lru_cache(maxsize=1)
def _build_calls():
    mesh = plsc.VectorSubcoreMesh(
        core_axis_name="c", subcore_axis_name="s",
        num_cores=NC, num_subcores=NS)

    shard_topk = pl.kernel(
        _shard_topk_body,
        out_type=(
            jax.ShapeDtypeStruct((NW, L), jnp.float32),
            jax.ShapeDtypeStruct((NW, L), jnp.int32),
        ),
        mesh=mesh,
        compiler_params=pltpu.CompilerParams(needs_layout_passes=False),
        scratch_types=[
            pltpu.VMEM((CHUNK,), jnp.float32),
            pltpu.VMEM((CHUNK,), jnp.float32),
            pltpu.VMEM((L,), jnp.float32),
            pltpu.VMEM((L,), jnp.int32),
            pltpu.SemaphoreType.DMA,
            pltpu.SemaphoreType.DMA,
        ],
    )

    finalize = pl.kernel(
        _finalize_body,
        out_type=(
            jax.ShapeDtypeStruct((SEQ_LEN, BEAM), jnp.int32),
            jax.ShapeDtypeStruct((SEQ_LEN, BEAM), jnp.float32),
            jax.ShapeDtypeStruct((BEAM,), jnp.float32),
            jax.ShapeDtypeStruct((2 * BEAM, 1024), jnp.float32),
        ),
        mesh=mesh,
        compiler_params=pltpu.CompilerParams(needs_layout_passes=False),
        scratch_types=[
            pltpu.VMEM((NW, L), jnp.float32),
            pltpu.VMEM((NW, L), jnp.int32),
            pltpu.VMEM((L,), jnp.float32),
            pltpu.VMEM((L,), jnp.int32),
            pltpu.VMEM((SEQ_LEN, BEAM), jnp.int32),
            pltpu.VMEM((SEQ_LEN, BEAM), jnp.float32),
            pltpu.VMEM((SEQ_LEN, BEAM), jnp.int32),
            pltpu.VMEM((SEQ_LEN, BEAM), jnp.float32),
            pltpu.VMEM((L,), jnp.float32),
            pltpu.VMEM((2 * L,), jnp.int32),
            pltpu.VMEM((2 * BEAM, 1024), jnp.float32),
            pltpu.SemaphoreType.DMA,
        ],
    )
    return shard_topk, finalize


def kernel(logprobs, beam_logprobs_sum, beam_seq_logprobs, state, beam_seq,
           t, beam_size):
    del beam_size
    shard_topk, finalize = _build_calls()
    pen = jnp.where(jnp.arange(VOCAB, dtype=jnp.int32) == VOCAB - 1,
                    np.float32(-1000.0), np.float32(0.0))
    lpb = (logprobs + pen[None, :]) + beam_logprobs_sum[:, None]
    padded = jnp.concatenate(
        [lpb, jnp.full((BEAM, RPAD), _NEG_INF, jnp.float32)], axis=1)
    flat = padded.reshape(-1)
    keys, cols = shard_topk(flat)
    t_arr = jnp.full((L,), t, dtype=jnp.int32)
    state2 = state.reshape(2 * BEAM, 1024)
    obseq, oblogp, topp, ostate2 = finalize(
        keys, cols, beam_logprobs_sum, t_arr, beam_seq, beam_seq_logprobs,
        state2)
    return obseq, oblogp, topp, ostate2.reshape(2, BEAM, 1024)

# --- scband reference (transcript-rebuilt; emitter-appended) ---
"""Pipeline reference for scband-caption-model-42417097017011 (READ-ONLY COPY).

The authoritative reference and input builder live on the scoring server;
editing this copy changes nothing except your own understanding.
"""

import jax, jax.numpy as jnp
import numpy as np

BEAM = 16
VOCAB = 1000000
SEQ_LEN = 20
STATE_LAYERS = 2
D_MODEL = 1024


def setup_inputs(seed: int = 0) -> dict:
    key = jax.random.key(seed)
    k1, k2, k3, k4, k5 = jax.random.split(key, 5)
    logprobs = jax.nn.log_softmax(jax.random.normal(k1, (BEAM, VOCAB), dtype=jnp.float32), axis=-1)
    beam_logprobs_sum = jax.random.normal(k2, (BEAM,), dtype=jnp.float32)
    beam_seq_logprobs = jax.random.normal(k3, (SEQ_LEN, BEAM), dtype=jnp.float32)
    state = jax.random.normal(k4, (STATE_LAYERS, BEAM, D_MODEL), dtype=jnp.float32)
    beam_seq = jax.random.randint(k5, (SEQ_LEN, BEAM), 0, VOCAB, dtype=jnp.int32)
    return {
        "logprobs": logprobs,
        "beam_logprobs_sum": beam_logprobs_sum,
        "beam_seq_logprobs": beam_seq_logprobs,
        "state": state,
        "beam_seq": beam_seq,
        "t": 5,
        "beam_size": BEAM,
    }


def reference(logprobs, beam_logprobs_sum, beam_seq_logprobs, state, beam_seq, t, beam_size):
    # Faithful JAX translation of one CaptionModel.beam_search beam_step at time t >= 1.
    # 1) penalize last vocab token (the 'unknown' token) by -1000, as in the torch code
    logprobsf = logprobs.astype(jnp.float32)
    logprobsf = logprobsf.at[:, -1].add(-1000.0)
    # 2) torch sorts each row descending and only inspects the top `cols = beam_size`
    #    entries per row -> equivalent to per-row top_k
    k_static = logprobs.shape[0]
    ys, ix = jax.lax.top_k(logprobsf, k_static)  # [beam, beam]
    # 3) candidate_logprob = beam_logprobs_sum[q] + local_logprob; sort all rows*cols
    #    candidates by p and keep the top beam_size
    cand = beam_logprobs_sum[:, None] + ys  # [beam, beam]
    flat = cand.reshape(-1)
    top_p, top_i = jax.lax.top_k(flat, k_static)  # [beam]
    q = top_i // beam_size  # parent beam index
    col = top_i % beam_size
    c = ix[q, col]  # chosen token ids, [beam]
    r = ys[q, col]  # local logprobs of chosen tokens, [beam]
    # 4) rearrange beam histories by parent q for rows < t, write new entries at row t
    rows = jnp.arange(beam_seq.shape[0])[:, None]
    new_beam_seq = jnp.where(rows < t, beam_seq[:, q], beam_seq)
    new_beam_seq = new_beam_seq.at[t].set(c)
    new_beam_seq_logprobs = jnp.where(rows < t, beam_seq_logprobs[:, q], beam_seq_logprobs)
    new_beam_seq_logprobs = new_beam_seq_logprobs.at[t].set(r)
    # 5) state is re-indexed along the beam dimension by parent q
    new_state = state[:, q, :]
    return new_beam_seq, new_beam_seq_logprobs, top_p, new_state

if __name__ == "__main__":
    import jax
    _d = setup_inputs()
    print(jax.jit(kernel)(*tuple(_d.values())))

</pallas_src>

<mosaic_0001>
#map = affine_map<(d0, d1) -> (0)>
#map1 = affine_map<(d0, d1) -> (0, 0)>
module attributes {stable_mosaic.version = 14 : i64} {
  func.func @_shard_topk_body(%arg0: i32, %arg1: i32, %arg2: memref<16384000xf32, #tpu.memory_space<hbm>>, %arg3: memref<32x16xf32, #tpu.memory_space<hbm>>, %arg4: memref<32x16xi32, #tpu.memory_space<hbm>>, %arg5: memref<51200xf32, #tpu.memory_space<vmem>>, %arg6: memref<51200xf32, #tpu.memory_space<vmem>>, %arg7: memref<16xf32, #tpu.memory_space<vmem>>, %arg8: memref<16xi32, #tpu.memory_space<vmem>>, %arg9: memref<!tpu.dma_semaphore, #tpu.memory_space<semaphore_mem>>, %arg10: memref<!tpu.dma_semaphore, #tpu.memory_space<semaphore_mem>>) attributes {dimension_semantics = [#tpu.dimension_semantics<core_parallel>, #tpu.dimension_semantics<subcore_parallel>], iteration_bounds = array<i64: 2, 16>, scalar_prefetch = 0 : i64, scratch_operands = 6 : i64, tpu.core_type = #tpu.core_type<sc_vector_subcore>, window_params = [{transform_indices = #map}, {transform_indices = #map1}, {transform_indices = #map1}]} {
    %mul3A = arith.constant 2 : i32
    %mul3A_0 = arith.muli %arg1, %mul3A : i32
    %add3A = arith.addi %mul3A_0, %arg0 : i32
    %mul3A_1 = arith.constant 512000 : i32
    %mul3A_2 = arith.muli %add3A, %mul3A_1 : i32
    %jit3A = arith.constant 2 : i32
    %eq3A = arith.constant 0 : i32
    %eq3A_3 = arith.cmpi eq, %jit3A, %eq3A : i32
    %jit3A_4 = arith.constant 1 : i32
    %select_n3A = arith.select %eq3A_3, %jit3A_4, %jit3A : i32
    %rem3A = arith.remsi %add3A, %select_n3A : i32
    %ne3A = arith.constant 0 : i32
    %ne3A_5 = arith.cmpi ne, %rem3A, %ne3A : i32
    %lt3A = arith.constant 0 : i32
    %lt3A_6 = arith.cmpi slt, %rem3A, %lt3A : i32
    %lt3A_7 = arith.constant 0 : i32
    %lt3A_8 = arith.cmpi slt, %select_n3A, %lt3A_7 : i32
    %ne3A_9 = arith.xori %lt3A_6, %lt3A_8 : i1
    %and3A = arith.andi %ne3A_9, %ne3A_5 : i1
    %add3A_10 = arith.addi %rem3A, %select_n3A : i32
    %select_n3A_11 = arith.select %and3A, %add3A_10, %rem3A : i32
    %mul3A_12 = arith.constant 512000 : i32
    %mul3A_13 = arith.muli %select_n3A_11, %mul3A_12 : i32
    %iota3A = tpu.iota {dimensions = array<i32: 0>} : vector<16xi32>
    %broadcast_in_dim3A = arith.constant 0xFF800000 : f32
    %broadcast_in_dim3A_14 = vector.broadcast %broadcast_in_dim3A : f32 to vector<16xf32>
    %broadcast_in_dim3A_15 = arith.constant 0 : i32
    %broadcast_in_dim3A_16 = vector.broadcast %broadcast_in_dim3A_15 : i32 to vector<16xi32>
    %add3A_17 = arith.constant 0 : i32
    %add3A_18 = arith.addi %mul3A_2, %add3A_17 : i32
    %dma_start3A = tpu.memref_slice %arg2[%add3A_18] : memref<16384000xf32, #tpu.memory_space<hbm>> -> memref<51200xf32, #tpu.memory_space<hbm>>
    %dma_start3A_19 = tpu.memref_slice %arg2[%add3A_18] : memref<16384000xf32, #tpu.memory_space<hbm>> -> memref<51200xf32, #tpu.memory_space<hbm>>
    tpu.enqueue_dma source(%dma_start3A_19 : memref<51200xf32, #tpu.memory_space<hbm>>) target(%arg5 : memref<51200xf32, #tpu.memory_space<vmem>>) target_semaphore(%arg9 : memref<!tpu.dma_semaphore, #tpu.memory_space<semaphore_mem>>)
    %scan3A = arith.constant 0xFF800000 : f32
    %scan3A_20 = arith.constant 0 : i32
    %scan3A_21 = arith.constant 5 : i32
    %scan3A_22 = arith.addi %scan3A_20, %scan3A_21 : i32
    %scan3A_23 = arith.constant 1 : i32
    %scan3A_24:3 = scf.for %scan3A_29 = %scan3A_20 to %scan3A_22 step %scan3A_23 iter_args(%scan3A_30 = %broadcast_in_dim3A_14, %scan3A_31 = %broadcast_in_dim3A_16, %scan3A_32 = %scan3A) -> (vector<16xf32>, vector<16xi32>, f32)  : i32 {
      %mul3A_33 = arith.constant 2 : i32
      %mul3A_34 = arith.muli %scan3A_29, %mul3A_33 : i32
      %add3A_35 = arith.constant 0 : i32
      %add3A_36 = arith.addi %add3A_35, %mul3A_34 : i32
      %mul3A_37 = arith.constant 51200 : i32
      %mul3A_38 = arith.muli %add3A_36, %mul3A_37 : i32
      %add3A_39 = arith.addi %mul3A_2, %mul3A_38 : i32
      %dma_wait3A = tpu.memref_slice %arg2[%add3A_39] : memref<16384000xf32, #tpu.memory_space<hbm>> -> memref<51200xf32, #tpu.memory_space<hbm>>
      %dma_wait3A_40 = tpu.memref_slice %arg2[%add3A_39] : memref<16384000xf32, #tpu.memory_space<hbm>> -> memref<51200xf32, #tpu.memory_space<hbm>>
      tpu.wait_dma2 semaphore(%arg9 : memref<!tpu.dma_semaphore, #tpu.memory_space<semaphore_mem>>) src(%dma_wait3A_40 : memref<51200xf32, #tpu.memory_space<hbm>>) dst(%arg5 : memref<51200xf32, #tpu.memory_space<vmem>>)
      %add3A_41 = arith.constant 1 : i32
      %add3A_42 = arith.addi %add3A_36, %add3A_41 : i32
      %mul3A_43 = arith.constant 51200 : i32
      %mul3A_44 = arith.muli %add3A_42, %mul3A_43 : i32
      %add3A_45 = arith.addi %mul3A_2, %mul3A_44 : i32
      %dma_start3A_46 = tpu.memref_slice %arg2[%add3A_45] : memref<16384000xf32, #tpu.memory_space<hbm>> -> memref<51200xf32, #tpu.memory_space<hbm>>
      %dma_start3A_47 = tpu.memref_slice %arg2[%add3A_45] : memref<16384000xf32, #tpu.memory_space<hbm>> -> memref<51200xf32, #tpu.memory_space<hbm>>
      tpu.enqueue_dma source(%dma_start3A_47 : memref<51200xf32, #tpu.memory_space<hbm>>) target(%arg6 : memref<51200xf32, #tpu.memory_space<vmem>>) target_semaphore(%arg10 : memref<!tpu.dma_semaphore, #tpu.memory_space<semaphore_mem>>)
      %mul3A_48 = arith.constant 51200 : i32
      %mul3A_49 = arith.muli %add3A_36, %mul3A_48 : i32
      %add3A_50 = arith.addi %mul3A_13, %mul3A_49 : i32
      %scan3A_51 = arith.constant 0 : i32
      %scan3A_52 = arith.constant 128 : i32
      %scan3A_53 = arith.addi %scan3A_51, %scan3A_52 : i32
      %scan3A_54 = arith.constant 1 : i32
      %scan3A_55:3 = scf.for %scan3A_80 = %scan3A_51 to %scan3A_53 step %scan3A_54 iter_args(%scan3A_81 = %scan3A_30, %scan3A_82 = %scan3A_31, %scan3A_83 = %scan3A_32) -> (vector<16xf32>, vector<16xi32>, f32)  : i32 {
        %mul3A_84 = arith.constant 400 : i32
        %mul3A_85 = arith.muli %scan3A_80, %mul3A_84 : i32
        %add3A_86 = arith.constant 0 : i32
        %add3A_87 = arith.addi %mul3A_85, %add3A_86 : i32
        %get3A = arith.index_cast %add3A_87 : i32 to index
        %get3A_88 = tpu.vector_load %arg5[%get3A] {strides = array<i32>} : memref<51200xf32, #tpu.memory_space<vmem>>, vector<16xf32>,
        %add3A_89 = arith.constant 16 : i32
        %add3A_90 = arith.addi %mul3A_85, %add3A_89 : i32
        %get3A_91 = arith.index_cast %add3A_90 : i32 to index
        %get3A_92 = tpu.vector_load %arg5[%get3A_91] {strides = array<i32>} : memref<51200xf32, #tpu.memory_space<vmem>>, vector<16xf32>,
        %add3A_93 = arith.constant 32 : i32
        %add3A_94 = arith.addi %mul3A_85, %add3A_93 : i32
        %get3A_95 = arith.index_cast %add3A_94 : i32 to index
        %get3A_96 = tpu.vector_load %arg5[%get3A_95] {strides = array<i32>} : memref<51200xf32, #tpu.memory_space<vmem>>, vector<16xf32>,
        %add3A_97 = arith.constant 48 : i32
        %add3A_98 = arith.addi %mul3A_85, %add3A_97 : i32
        %get3A_99 = arith.index_cast %add3A_98 : i32 to index
        %get3A_100 = tpu.vector_load %arg5[%get3A_99] {strides = array<i32>} : memref<51200xf32, #tpu.memory_space<vmem>>, vector<16xf32>,
        %add3A_101 = arith.constant 64 : i32
        %add3A_102 = arith.addi %mul3A_85, %add3A_101 : i32
        %get3A_103 = arith.index_cast %add3A_102 : i32 to index
        %get3A_104 = tpu.vector_load %arg5[%get3A_103] {strides = array<i32>} : memref<51200xf32, #tpu.memory_space<vmem>>, vector<16xf32>,
        %add3A_105 = arith.constant 80 : i32
        %add3A_106 = arith.addi %mul3A_85, %add3A_105 : i32
        %get3A_107 = arith.index_cast %add3A_106 : i32 to index
        %get3A_108 = tpu.vector_load %arg5[%get3A_107] {strides = array<i32>} : memref<51200xf32, #tpu.memory_space<vmem>>, vector<16xf32>,
        %add3A_109 = arith.constant 96 : i32
        %add3A_110 = arith.addi %mul3A_85, %add3A_109 : i32
        %get3A_111 = arith.index_cast %add3A_110 : i32 to index
        %get3A_112 = tpu.vector_load %arg5[%get3A_111] {strides = array<i32>} : memref<51200xf32, #tpu.memory_space<vmem>>, vector<16xf32>,
        %add3A_113 = arith.constant 112 : i32
        %add3A_114 = arith.addi %mul3A_85, %add3A_113 : i32
        %get3A_115 = arith.index_cast %add3A_114 : i32 to index
        %get3A_116 = tpu.vector_load %arg5[%get3A_115] {strides = array<i32>} : memref<51200xf32, #tpu.memory_space<vmem>>, vector<16xf32>,
        %add3A_117 = arith.constant 128 : i32
        %add3A_118 = arith.addi %mul3A_85, %add3A_117 : i32
        %get3A_119 = arith.index_cast %add3A_118 : i32 to index
        %get3A_120 = tpu.vector_load %arg5[%get3A_119] {strides = array<i32>} : memref<51200xf32, #tpu.memory_space<vmem>>, vector<16xf32>,
        %add3A_121 = arith.constant 144 : i32
        %add3A_122 = arith.addi %mul3A_85, %add3A_121 : i32
        %get3A_123 = arith.index_cast %add3A_122 : i32 to index
        %get3A_124 = tpu.vector_load %arg5[%get3A_123] {strides = array<i32>} : memref<51200xf32, #tpu.memory_space<vmem>>, vector<16xf32>,
        %add3A_125 = arith.constant 160 : i32
        %add3A_126 = arith.addi %mul3A_85, %add3A_125 : i32
        %get3A_127 = arith.index_cast %add3A_126 : i32 to index
        %get3A_128 = tpu.vector_load %arg5[%get3A_127] {strides = array<i32>} : memref<51200xf32, #tpu.memory_space<vmem>>, vector<16xf32>,
        %add3A_129 = arith.constant 176 : i32
        %add3A_130 = arith.addi %mul3A_85, %add3A_129 : i32
        %get3A_131 = arith.index_cast %add3A_130 : i32 to index
        %get3A_132 = tpu.vector_load %arg5[%get3A_131] {strides = array<i32>} : memref<51200xf32, #tpu.memory_space<vmem>>, vector<16xf32>,
        %add3A_133 = arith.constant 192 : i32
        %add3A_134 = arith.addi %mul3A_85, %add3A_133 : i32
        %get3A_135 = arith.index_cast %add3A_134 : i32 to index
        %get3A_136 = tpu.vector_load %arg5[%get3A_135] {strides = array<i32>} : memref<51200xf32, #tpu.memory_space<vmem>>, vector<16xf32>,
        %add3A_137 = arith.constant 208 : i32
        %add3A_138 = arith.addi %mul3A_85, %add3A_137 : i32
        %get3A_139 = arith.index_cast %add3A_138 : i32 to index
        %get3A_140 = tpu.vector_load %arg5[%get3A_139] {strides = array<i32>} : memref<51200xf32, #tpu.memory_space<vmem>>, vector<16xf32>,
        %add3A_141 = arith.constant 224 : i32
        %add3A_142 = arith.addi %mul3A_85, %add3A_141 : i32
        %get3A_143 = arith.index_cast %add3A_142 : i32 to index
        %get3A_144 = tpu.vector_load %arg5[%get3A_143] {strides = array<i32>} : memref<51200xf32, #tpu.memory_space<vmem>>, vector<16xf32>,
        %add3A_145 = arith.constant 240 : i32
        %add3A_146 = arith.addi %mul3A_85, %add3A_145 : i32
        %get3A_147 = arith.index_cast %add3A_146 : i32 to index
        %get3A_148 = tpu.vector_load %arg5[%get3A_147] {strides = array<i32>} : memref<51200xf32, #tpu.memory_space<vmem>>, vector<16xf32>,
        %add3A_149 = arith.constant 256 : i32
        %add3A_150 = arith.addi %mul3A_85, %add3A_149 : i32
        %get3A_151 = arith.index_cast %add3A_150 : i32 to index
        %get3A_152 = tpu.vector_load %arg5[%get3A_151] {strides = array<i32>} : memref<51200xf32, #tpu.memory_space<vmem>>, vector<16xf32>,
        %add3A_153 = arith.constant 272 : i32
        %add3A_154 = arith.addi %mul3A_85, %add3A_153 : i32
        %get3A_155 = arith.index_cast %add3A_154 : i32 to index
        %get3A_156 = tpu.vector_load %arg5[%get3A_155] {strides = array<i32>} : memref<51200xf32, #tpu.memory_space<vmem>>, vector<16xf32>,
        %add3A_157 = arith.constant 288 : i32
        %add3A_158 = arith.addi %mul3A_85, %add3A_157 : i32
        %get3A_159 = arith.index_cast %add3A_158 : i32 to index
        %get3A_160 = tpu.vector_load %arg5[%get3A_159] {strides = array<i32>} : memref<51200xf32, #tpu.memory_space<vmem>>, vector<16xf32>,
        %add3A_161 = arith.constant 304 : i32
        %add3A_162 = arith.addi %mul3A_85, %add3A_161 : i32
        %get3A_163 = arith.index_cast %add3A_162 : i32 to index
        %get3A_164 = tpu.vector_load %arg5[%get3A_163] {strides = array<i32>} : memref<51200xf32, #tpu.memory_space<vmem>>, vector<16xf32>,
        %add3A_165 = arith.constant 320 : i32
        %add3A_166 = arith.addi %mul3A_85, %add3A_165 : i32
        %get3A_167 = arith.index_cast %add3A_166 : i32 to index
        %get3A_168 = tpu.vector_load %arg5[%get3A_167] {strides = array<i32>} : memref<51200xf32, #tpu.memory_space<vmem>>, vector<16xf32>,
        %add3A_169 = arith.constant 336 : i32
        %add3A_170 = arith.addi %mul3A_85, %add3A_169 : i32
        %get3A_171 = arith.index_cast %add3A_170 : i32 to index
        %get3A_172 = tpu.vector_load %arg5[%get3A_171] {strides = array<i32>} : memref<51200xf32, #tpu.memory_space<vmem>>, vector<16xf32>,
        %add3A_173 = arith.constant 352 : i32
        %add3A_174 = arith.addi %mul3A_85, %add3A_173 : i32
        %get3A_175 = arith.index_cast %add3A_174 : i32 to index
        %get3A_176 = tpu.vector_load %arg5[%get3A_175] {strides = array<i32>} : memref<51200xf32, #tpu.memory_space<vmem>>, vector<16xf32>,
        %add3A_177 = arith.constant 368 : i32
        %add3A_178 = arith.addi %mul3A_85, %add3A_177 : i32
        %get3A_179 = arith.index_cast %add3A_178 : i32 to index
        %get3A_180 = tpu.vector_load %arg5[%get3A_179] {strides = array<i32>} : memref<51200xf32, #tpu.memory_space<vmem>>, vector<16xf32>,
        %add3A_181 = arith.constant 384 : i32
        %add3A_182 = arith.addi %mul3A_85, %add3A_181 : i32
        %get3A_183 = arith.index_cast %add3A_182 : i32 to index
        %get3A_184 = tpu.vector_load %arg5[%get3A_183] {strides = array<i32>} : memref<51200xf32, #tpu.memory_space<vmem>>, vector<16xf32>,
        %max3A = arith.maximumf %get3A_88, %get3A_92 : vector<16xf32>
        %max3A_185 = arith.maximumf %get3A_96, %get3A_100 : vector<16xf32>
        %max3A_186 = arith.maximumf %get3A_104, %get3A_108 : vector<16xf32>
        %max3A_187 = arith.maximumf %get3A_112, %get3A_116 : vector<16xf32>
        %max3A_188 = arith.maximumf %get3A_120, %get3A_124 : vector<16xf32>
        %max3A_189 = arith.maximumf %get3A_128, %get3A_132 : vector<16xf32>
        %max3A_190 = arith.maximumf %get3A_136, %get3A_140 : vector<16xf32>
        %max3A_191 = arith.maximumf %get3A_144, %get3A_148 : vector<16xf32>
        %max3A_192 = arith.maximumf %get3A_152, %get3A_156 : vector<16xf32>
        %max3A_193 = arith.maximumf %get3A_160, %get3A_164 : vector<16xf32>
        %max3A_194 = arith.maximumf %get3A_168, %get3A_172 : vector<16xf32>
        %max3A_195 = arith.maximumf %get3A_176, %get3A_180 : vector<16xf32>
        %max3A_196 = arith.maximumf %max3A, %max3A_185 : vector<16xf32>
        %max3A_197 = arith.maximumf %max3A_186, %max3A_187 : vector<16xf32>
        %max3A_198 = arith.maximumf %max3A_188, %max3A_189 : vector<16xf32>
        %max3A_199 = arith.maximumf %max3A_190, %max3A_191 : vector<16xf32>
        %max3A_200 = arith.maximumf %max3A_192, %max3A_193 : vector<16xf32>
        %max3A_201 = arith.maximumf %max3A_194, %max3A_195 : vector<16xf32>
        %max3A_202 = arith.maximumf %max3A_196, %max3A_197 : vector<16xf32>
        %max3A_203 = arith.maximumf %max3A_198, %max3A_199 : vector<16xf32>
        %max3A_204 = arith.maximumf %max3A_200, %max3A_201 : vector<16xf32>
        %max3A_205 = arith.maximumf %max3A_202, %max3A_203 : vector<16xf32>
        %max3A_206 = arith.maximumf %max3A_204, %get3A_184 : vector<16xf32>
        %max3A_207 = arith.maximumf %max3A_205, %max3A_206 : vector<16xf32>
        %reduce_max3A = arith.constant true
        %reduce_max3A_208 = vector.broadcast %reduce_max3A : i1 to vector<16xi1>
        %reduce_max3A_209 = tpu.scan <max>, %max3A_207 masked %reduce_max3A_208 : vector<16xf32>, vector<16xi1> -> vector<16xf32>
        %reduce_max3A_210 = vector.extract %reduce_max3A_209[15] : f32 from vector<16xf32>
        %gt3A = arith.cmpf ogt, %reduce_max3A_210, %scan3A_83 : f32
        %convert_element_type3A_211 = arith.extui %gt3A : i1 to i32
        %cond3A_212 = arith.constant 0 : i32
        %cond3A_213 = arith.cmpi ne, %convert_element_type3A_211, %cond3A_212 : i32
        %cond3A_214:3 = scf.if %cond3A_213 -> (vector<16xf32>, vector<16xi32>, f32) {
          %reduce_max3A_215 = arith.constant true
          %reduce_max3A_216 = vector.broadcast %reduce_max3A_215 : i1 to vector<16xi1>
          %reduce_max3A_217 = tpu.scan <max>, %get3A_88 masked %reduce_max3A_216 : vector<16xf32>, vector<16xi1> -> vector<16xf32>
          %reduce_max3A_218 = vector.extract %reduce_max3A_217[15] : f32 from vector<16xf32>
          %gt3A_219 = arith.cmpf ogt, %reduce_max3A_218, %scan3A_83 : f32
          %convert_element_type3A_220 = arith.extui %gt3A_219 : i1 to i32
          %cond3A_221 = arith.constant 0 : i32
          %cond3A_222 = arith.cmpi ne, %convert_element_type3A_220, %cond3A_221 : i32
          %cond3A_223:3 = scf.if %cond3A_222 -> (vector<16xf32>, vector<16xi32>, f32) {
            %add3A_440 = arith.addi %add3A_50, %mul3A_85 : i32
            %add3A_441 = arith.constant 0 : i32
            %add3A_442 = arith.addi %add3A_440, %add3A_441 : i32
            %add3A_443 = vector.broadcast %add3A_442 : i32 to vector<16xi32>
            %add3A_444 = arith.addi %add3A_443, %iota3A : vector<16xi32>
            %masked_sort3A = arith.constant dense<true> : vector<16xi1>
            %masked_sort3A_445, %masked_sort3A_446, %masked_sort3A_447 = tpu.sort %get3A_88, %add3A_444 masked %masked_sort3A {descending = true} : (vector<16xf32>, vector<16xi32>, vector<16xi1>) -> (vector<16xi1>, vector<16xf32>, vector<16xi32>)
            %max3A_448 = arith.maximumf %scan3A_81, %masked_sort3A_446 : vector<16xf32>
            %ge3A = arith.cmpf oge, %scan3A_81, %masked_sort3A_446 : vector<16xf32>
            %select_n3A_449 = arith.select %ge3A, %scan3A_82, %masked_sort3A_447 : vector<16xi1>, vector<16xi32>
            %masked_sort3A_450 = arith.constant dense<true> : vector<16xi1>
            %masked_sort3A_451, %masked_sort3A_452, %masked_sort3A_453 = tpu.sort %max3A_448, %select_n3A_449 masked %masked_sort3A_450 : (vector<16xf32>, vector<16xi32>, vector<16xi1>) -> (vector<16xi1>, vector<16xf32>, vector<16xi32>)
            %reduce_min3A = arith.constant true
            %reduce_min3A_454 = vector.broadcast %reduce_min3A : i1 to vector<16xi1>
            %reduce_min3A_455 = tpu.scan <min>, %masked_sort3A_452 masked %reduce_min3A_454 : vector<16xf32>, vector<16xi1> -> vector<16xf32>
            %reduce_min3A_456 = vector.extract %reduce_min3A_455[15] : f32 from vector<16xf32>
            scf.yield %masked_sort3A_452, %masked_sort3A_453, %reduce_min3A_456 : vector<16xf32>, vector<16xi32>, f32
          } else {
            scf.yield %scan3A_81, %scan3A_82, %scan3A_83 : vector<16xf32>, vector<16xi32>, f32
          }
          %reduce_max3A_224 = arith.constant true
          %reduce_max3A_225 = vector.broadcast %reduce_max3A_224 : i1 to vector<16xi1>
          %reduce_max3A_226 = tpu.scan <max>, %get3A_92 masked %reduce_max3A_225 : vector<16xf32>, vector<16xi1> -> vector<16xf32>
          %reduce_max3A_227 = vector.extract %reduce_max3A_226[15] : f32 from vector<16xf32>
          %gt3A_228 = arith.cmpf ogt, %reduce_max3A_227, %cond3A_223#2 : f32
          %convert_element_type3A_229 = arith.extui %gt3A_228 : i1 to i32
          %cond3A_230 = arith.constant 0 : i32
          %cond3A_231 = arith.cmpi ne, %convert_element_type3A_229, %cond3A_230 : i32
          %cond3A_232:3 = scf.if %cond3A_231 -> (vector<16xf32>, vector<16xi32>, f32) {
            %add3A_440 = arith.addi %add3A_50, %mul3A_85 : i32
            %add3A_441 = arith.constant 16 : i32
            %add3A_442 = arith.addi %add3A_440, %add3A_441 : i32
            %add3A_443 = vector.broadcast %add3A_442 : i32 to vector<16xi32>
            %add3A_444 = arith.addi %add3A_443, %iota3A : vector<16xi32>
            %masked_sort3A = arith.constant dense<true> : vector<16xi1>
            %masked_sort3A_445, %masked_sort3A_446, %masked_sort3A_447 = tpu.sort %get3A_92, %add3A_444 masked %masked_sort3A {descending = true} : (vector<16xf32>, vector<16xi32>, vector<16xi1>) -> (vector<16xi1>, vector<16xf32>, vector<16xi32>)
            %max3A_448 = arith.maximumf %cond3A_223#0, %masked_sort3A_446 : vector<16xf32>
            %ge3A = arith.cmpf oge, %cond3A_223#0, %masked_sort3A_446 : vector<16xf32>
            %select_n3A_449 = arith.select %ge3A, %cond3A_223#1, %masked_sort3A_447 : vector<16xi1>, vector<16xi32>
            %masked_sort3A_450 = arith.constant dense<true> : vector<16xi1>
            %masked_sort3A_451, %masked_sort3A_452, %masked_sort3A_453 = tpu.sort %max3A_448, %select_n3A_449 masked %masked_sort3A_450 : (vector<16xf32>, vector<16xi32>, vector<16xi1>) -> (vector<16xi1>, vector<16xf32>, vector<16xi32>)
            %reduce_min3A = arith.constant true
            %reduce_min3A_454 = vector.broadcast %reduce_min3A : i1 to vector<16xi1>
            %reduce_min3A_455 = tpu.scan <min>, %masked_sort3A_452 masked %reduce_min3A_454 : vector<16xf32>, vector<16xi1> -> vector<16xf32>
            %reduce_min3A_456 = vector.extract %reduce_min3A_455[15] : f32 from vector<16xf32>
            scf.yield %masked_sort3A_452, %masked_sort3A_453, %reduce_min3A_456 : vector<16xf32>, vector<16xi32>, f32
          } else {
            scf.yield %cond3A_223#0, %cond3A_223#1, %cond3A_223#2 : vector<16xf32>, vector<16xi32>, f32
          }
          %reduce_max3A_233 = arith.constant true
          %reduce_max3A_234 = vector.broadcast %reduce_max3A_233 : i1 to vector<16xi1>
          %reduce_max3A_235 = tpu.scan <max>, %get3A_96 masked %reduce_max3A_234 : vector<16xf32>, vector<16xi1> -> vector<16xf32>
          %reduce_max3A_236 = vector.extract %reduce_max3A_235[15] : f32 from vector<16xf32>
          %gt3A_237 = arith.cmpf ogt, %reduce_max3A_236, %cond3A_232#2 : f32
          %convert_element_type3A_238 = arith.extui %gt3A_237 : i1 to i32
          %cond3A_239 = arith.constant 0 : i32
          %cond3A_240 = arith.cmpi ne, %convert_element_type3A_238, %cond3A_239 : i32
          %cond3A_241:3 = scf.if %cond3A_240 -> (vector<16xf32>, vector<16xi32>, f32) {
            %add3A_440 = arith.addi %add3A_50, %mul3A_85 : i32
            %add3A_441 = arith.constant 32 : i32
            %add3A_442 = arith.addi %add3A_440, %add3A_441 : i32
            %add3A_443 = vector.broadcast %add3A_442 : i32 to vector<16xi32>
            %add3A_444 = arith.addi %add3A_443, %iota3A : vector<16xi32>
            %masked_sort3A = arith.constant dense<true> : vector<16xi1>
            %masked_sort3A_445, %masked_sort3A_446, %masked_sort3A_447 = tpu.sort %get3A_96, %add3A_444 masked %masked_sort3A {descending = true} : (vector<16xf32>, vector<16xi32>, vector<16xi1>) -> (vector<16xi1>, vector<16xf32>, vector<16xi32>)
            %max3A_448 = arith.maximumf %cond3A_232#0, %masked_sort3A_446 : vector<16xf32>
            %ge3A = arith.cmpf oge, %cond3A_232#0, %masked_sort3A_446 : vector<16xf32>
            %select_n3A_449 = arith.select %ge3A, %cond3A_232#1, %masked_sort3A_447 : vector<16xi1>, vector<16xi32>
            %masked_sort3A_450 = arith.constant dense<true> : vector<16xi1>
            %masked_sort3A_451, %masked_sort3A_452, %masked_sort3A_453 = tpu.sort %max3A_448, %select_n3A_449 masked %masked_sort3A_450 : (vector<16xf32>, vector<16xi32>, vector<16xi1>) -> (vector<16xi1>, vector<16xf32>, vector<16xi32>)
            %reduce_min3A = arith.constant true
            %reduce_min3A_454 = vector.broadcast %reduce_min3A : i1 to vector<16xi1>
            %reduce_min3A_455 = tpu.scan <min>, %masked_sort3A_452 masked %reduce_min3A_454 : vector<16xf32>, vector<16xi1> -> vector<16xf32>
            %reduce_min3A_456 = vector.extract %reduce_min3A_455[15] : f32 from vector<16xf32>
            scf.yield %masked_sort3A_452, %masked_sort3A_453, %reduce_min3A_456 : vector<16xf32>, vector<16xi32>, f32
          } else {
            scf.yield %cond3A_232#0, %cond3A_232#1, %cond3A_232#2 : vector<16xf32>, vector<16xi32>, f32
          }
          %reduce_max3A_242 = arith.constant true
          %reduce_max3A_243 = vector.broadcast %reduce_max3A_242 : i1 to vector<16xi1>
          %reduce_max3A_244 = tpu.scan <max>, %get3A_100 masked %reduce_max3A_243 : vector<16xf32>, vector<16xi1> -> vector<16xf32>
          %reduce_max3A_245 = vector.extract %reduce_max3A_244[15] : f32 from vector<16xf32>
          %gt3A_246 = arith.cmpf ogt, %reduce_max3A_245, %cond3A_241#2 : f32
          %convert_element_type3A_247 = arith.extui %gt3A_246 : i1 to i32
          %cond3A_248 = arith.constant 0 : i32
          %cond3A_249 = arith.cmpi ne, %convert_element_type3A_247, %cond3A_248 : i32
          %cond3A_250:3 = scf.if %cond3A_249 -> (vector<16xf32>, vector<16xi32>, f32) {
            %add3A_440 = arith.addi %add3A_50, %mul3A_85 : i32
            %add3A_441 = arith.constant 48 : i32
            %add3A_442 = arith.addi %add3A_440, %add3A_441 : i32
            %add3A_443 = vector.broadcast %add3A_442 : i32 to vector<16xi32>
            %add3A_444 = arith.addi %add3A_443, %iota3A : vector<16xi32>
            %masked_sort3A = arith.constant dense<true> : vector<16xi1>
            %masked_sort3A_445, %masked_sort3A_446, %masked_sort3A_447 = tpu.sort %get3A_100, %add3A_444 masked %masked_sort3A {descending = true} : (vector<16xf32>, vector<16xi32>, vector<16xi1>) -> (vector<16xi1>, vector<16xf32>, vector<16xi32>)
            %max3A_448 = arith.maximumf %cond3A_241#0, %masked_sort3A_446 : vector<16xf32>
            %ge3A = arith.cmpf oge, %cond3A_241#0, %masked_sort3A_446 : vector<16xf32>
            %select_n3A_449 = arith.select %ge3A, %cond3A_241#1, %masked_sort3A_447 : vector<16xi1>, vector<16xi32>
            %masked_sort3A_450 = arith.constant dense<true> : vector<16xi1>
            %masked_sort3A_451, %masked_sort3A_452, %masked_sort3A_453 = tpu.sort %max3A_448, %select_n3A_449 masked %masked_sort3A_450 : (vector<16xf32>, vector<16xi32>, vector<16xi1>) -> (vector<16xi1>, vector<16xf32>, vector<16xi32>)
            %reduce_min3A = arith.constant true
            %reduce_min3A_454 = vector.broadcast %reduce_min3A : i1 to vector<16xi1>
            %reduce_min3A_455 = tpu.scan <min>, %masked_sort3A_452 masked %reduce_min3A_454 : vector<16xf32>, vector<16xi1> -> vector<16xf32>
            %reduce_min3A_456 = vector.extract %reduce_min3A_455[15] : f32 from vector<16xf32>
            scf.yield %masked_sort3A_452, %masked_sort3A_453, %reduce_min3A_456 : vector<16xf32>, vector<16xi32>, f32
          } else {
            scf.yield %cond3A_241#0, %cond3A_241#1, %cond3A_241#2 : vector<16xf32>, vector<16xi32>, f32
          }
          %reduce_max3A_251 = arith.constant true
          %reduce_max3A_252 = vector.broadcast %reduce_max3A_251 : i1 to vector<16xi1>
          %reduce_max3A_253 = tpu.scan <max>, %get3A_104 masked %reduce_max3A_252 : vector<16xf32>, vector<16xi1> -> vector<16xf32>
          %reduce_max3A_254 = vector.extract %reduce_max3A_253[15] : f32 from vector<16xf32>
          %gt3A_255 = arith.cmpf ogt, %reduce_max3A_254, %cond3A_250#2 : f32
          %convert_element_type3A_256 = arith.extui %gt3A_255 : i1 to i32
          %cond3A_257 = arith.constant 0 : i32
          %cond3A_258 = arith.cmpi ne, %convert_element_type3A_256, %cond3A_257 : i32
          %cond3A_259:3 = scf.if %cond3A_258 -> (vector<16xf32>, vector<16xi32>, f32) {
            %add3A_440 = arith.addi %add3A_50, %mul3A_85 : i32
            %add3A_441 = arith.constant 64 : i32
            %add3A_442 = arith.addi %add3A_440, %add3A_441 : i32
            %add3A_443 = vector.broadcast %add3A_442 : i32 to vector<16xi32>
            %add3A_444 = arith.addi %add3A_443, %iota3A : vector<16xi32>
            %masked_sort3A = arith.constant dense<true> : vector<16xi1>
            %masked_sort3A_445, %masked_sort3A_446, %masked_sort3A_447 = tpu.sort %get3A_104, %add3A_444 masked %masked_sort3A {descending = true} : (vector<16xf32>, vector<16xi32>, vector<16xi1>) -> (vector<16xi1>, vector<16xf32>, vector<16xi32>)
            %max3A_448 = arith.maximumf %cond3A_250#0, %masked_sort3A_446 : vector<16xf32>
            %ge3A = arith.cmpf oge, %cond3A_250#0, %masked_sort3A_446 : vector<16xf32>
            %select_n3A_449 = arith.select %ge3A, %cond3A_250#1, %masked_sort3A_447 : vector<16xi1>, vector<16xi32>
            %masked_sort3A_450 = arith.constant dense<true> : vector<16xi1>
            %masked_sort3A_451, %masked_sort3A_452, %masked_sort3A_453 = tpu.sort %max3A_448, %select_n3A_449 masked %masked_sort3A_450 : (vector<16xf32>, vector<16xi32>, vector<16xi1>) -> (vector<16xi1>, vector<16xf32>, vector<16xi32>)
            %reduce_min3A = arith.constant true
            %reduce_min3A_454 = vector.broadcast %reduce_min3A : i1 to vector<16xi1>
            %reduce_min3A_455 = tpu.scan <min>, %masked_sort3A_452 masked %reduce_min3A_454 : vector<16xf32>, vector<16xi1> -> vector<16xf32>
            %reduce_min3A_456 = vector.extract %reduce_min3A_455[15] : f32 from vector<16xf32>
            scf.yield %masked_sort3A_452, %masked_sort3A_453, %reduce_min3A_456 : vector<16xf32>, vector<16xi32>, f32
          } else {
            scf.yield %cond3A_250#0, %cond3A_250#1, %cond3A_250#2 : vector<16xf32>, vector<16xi32>, f32
          }
          %reduce_max3A_260 = arith.constant true
          %reduce_max3A_261 = vector.broadcast %reduce_max3A_260 : i1 to vector<16xi1>
          %reduce_max3A_262 = tpu.scan <max>, %get3A_108 masked %reduce_max3A_261 : vector<16xf32>, vector<16xi1> -> vector<16xf32>
          %reduce_max3A_263 = vector.extract %reduce_max3A_262[15] : f32 from vector<16xf32>
          %gt3A_264 = arith.cmpf ogt, %reduce_max3A_263, %cond3A_259#2 : f32
          %convert_element_type3A_265 = arith.extui %gt3A_264 : i1 to i32
          %cond3A_266 = arith.constant 0 : i32
          %cond3A_267 = arith.cmpi ne, %convert_element_type3A_265, %cond3A_266 : i32
          %cond3A_268:3 = scf.if %cond3A_267 -> (vector<16xf32>, vector<16xi32>, f32) {
            %add3A_440 = arith.addi %add3A_50, %mul3A_85 : i32
            %add3A_441 = arith.constant 80 : i32
            %add3A_442 = arith.addi %add3A_440, %add3A_441 : i32
            %add3A_443 = vector.broadcast %add3A_442 : i32 to vector<16xi32>
            %add3A_444 = arith.addi %add3A_443, %iota3A : vector<16xi32>
            %masked_sort3A = arith.constant dense<true> : vector<16xi1>
            %masked_sort3A_445, %masked_sort3A_446, %masked_sort3A_447 = tpu.sort %get3A_108, %add3A_444 masked %masked_sort3A {descending = true} : (vector<16xf32>, vector<16xi32>, vector<16xi1>) -> (vector<16xi1>, vector<16xf32>, vector<16xi32>)
            %max3A_448 = arith.maximumf %cond3A_259#0, %masked_sort3A_446 : vector<16xf32>
            %ge3A = arith.cmpf oge, %cond3A_259#0, %masked_sort3A_446 : vector<16xf32>
            %select_n3A_449 = arith.select %ge3A, %cond3A_259#1, %masked_sort3A_447 : vector<16xi1>, vector<16xi32>
            %masked_sort3A_450 = arith.constant dense<true> : vector<16xi1>
            %masked_sort3A_451, %masked_sort3A_452, %masked_sort3A_453 = tpu.sort %max3A_448, %select_n3A_449 masked %masked_sort3A_450 : (vector<16xf32>, vector<16xi32>, vector<16xi1>) -> (vector<16xi1>, vector<16xf32>, vector<16xi32>)
            %reduce_min3A = arith.constant true
            %reduce_min3A_454 = vector.broadcast %reduce_min3A : i1 to vector<16xi1>
            %reduce_min3A_455 = tpu.scan <min>, %masked_sort3A_452 masked %reduce_min3A_454 : vector<16xf32>, vector<16xi1> -> vector<16xf32>
            %reduce_min3A_456 = vector.extract %reduce_min3A_455[15] : f32 from vector<16xf32>
            scf.yield %masked_sort3A_452, %masked_sort3A_453, %reduce_min3A_456 : vector<16xf32>, vector<16xi32>, f32
          } else {
            scf.yield %cond3A_259#0, %cond3A_259#1, %cond3A_259#2 : vector<16xf32>, vector<16xi32>, f32
          }
          %reduce_max3A_269 = arith.constant true
          %reduce_max3A_270 = vector.broadcast %reduce_max3A_269 : i1 to vector<16xi1>
          %reduce_max3A_271 = tpu.scan <max>, %get3A_112 masked %reduce_max3A_270 : vector<16xf32>, vector<16xi1> -> vector<16xf32>
          %reduce_max3A_272 = vector.extract %reduce_max3A_271[15] : f32 from vector<16xf32>
          %gt3A_273 = arith.cmpf ogt, %reduce_max3A_272, %cond3A_268#2 : f32
          %convert_element_type3A_274 = arith.extui %gt3A_273 : i1 to i32
          %cond3A_275 = arith.constant 0 : i32
          %cond3A_276 = arith.cmpi ne, %convert_element_type3A_274, %cond3A_275 : i32
          %cond3A_277:3 = scf.if %cond3A_276 -> (vector<16xf32>, vector<16xi32>, f32) {
            %add3A_440 = arith.addi %add3A_50, %mul3A_85 : i32
            %add3A_441 = arith.constant 96 : i32
            %add3A_442 = arith.addi %add3A_440, %add3A_441 : i32
            %add3A_443 = vector.broadcast %add3A_442 : i32 to vector<16xi32>
            %add3A_444 = arith.addi %add3A_443, %iota3A : vector<16xi32>
            %masked_sort3A = arith.constant dense<true> : vector<16xi1>
            %masked_sort3A_445, %masked_sort3A_446, %masked_sort3A_447 = tpu.sort %get3A_112, %add3A_444 masked %masked_sort3A {descending = true} : (vector<16xf32>, vector<16xi32>, vector<16xi1>) -> (vector<16xi1>, vector<16xf32>, vector<16xi32>)
            %max3A_448 = arith.maximumf %cond3A_268#0, %masked_sort3A_446 : vector<16xf32>
            %ge3A = arith.cmpf oge, %cond3A_268#0, %masked_sort3A_446 : vector<16xf32>
            %select_n3A_449 = arith.select %ge3A, %cond3A_268#1, %masked_sort3A_447 : vector<16xi1>, vector<16xi32>
            %masked_sort3A_450 = arith.constant dense<true> : vector<16xi1>
            %masked_sort3A_451, %masked_sort3A_452, %masked_sort3A_453 = tpu.sort %max3A_448, %select_n3A_449 masked %masked_sort3A_450 : (vector<16xf32>, vector<16xi32>, vector<16xi1>) -> (vector<16xi1>, vector<16xf32>, vector<16xi32>)
            %reduce_min3A = arith.constant true
            %reduce_min3A_454 = vector.broadcast %reduce_min3A : i1 to vector<16xi1>
            %reduce_min3A_455 = tpu.scan <min>, %masked_sort3A_452 masked %reduce_min3A_454 : vector<16xf32>, vector<16xi1> -> vector<16xf32>
            %reduce_min3A_456 = vector.extract %reduce_min3A_455[15] : f32 from vector<16xf32>
            scf.yield %masked_sort3A_452, %masked_sort3A_453, %reduce_min3A_456 : vector<16xf32>, vector<16xi32>, f32
          } else {
            scf.yield %cond3A_268#0, %cond3A_268#1, %cond3A_268#2 : vector<16xf32>, vector<16xi32>, f32
          }
          %reduce_max3A_278 = arith.constant true
          %reduce_max3A_279 = vector.broadcast %reduce_max3A_278 : i1 to vector<16xi1>
          %reduce_max3A_280 = tpu.scan <max>, %get3A_116 masked %reduce_max3A_279 : vector<16xf32>, vector<16xi1> -> vector<16xf32>
          %reduce_max3A_281 = vector.extract %reduce_max3A_280[15] : f32 from vector<16xf32>
          %gt3A_282 = arith.cmpf ogt, %reduce_max3A_281, %cond3A_277#2 : f32
          %convert_element_type3A_283 = arith.extui %gt3A_282 : i1 to i32
          %cond3A_284 = arith.constant 0 : i32
          %cond3A_285 = arith.cmpi ne, %convert_element_type3A_283, %cond3A_284 : i32
          %cond3A_286:3 = scf.if %cond3A_285 -> (vector<16xf32>, vector<16xi32>, f32) {
            %add3A_440 = arith.addi %add3A_50, %mul3A_85 : i32
            %add3A_441 = arith.constant 112 : i32
            %add3A_442 = arith.addi %add3A_440, %add3A_441 : i32
            %add3A_443 = vector.broadcast %add3A_442 : i32 to vector<16xi32>
            %add3A_444 = arith.addi %add3A_443, %iota3A : vector<16xi32>
            %masked_sort3A = arith.constant dense<true> : vector<16xi1>
            %masked_sort3A_445, %masked_sort3A_446, %masked_sort3A_447 = tpu.sort %get3A_116, %add3A_444 masked %masked_sort3A {descending = true} : (vector<16xf32>, vector<16xi32>, vector<16xi1>) -> (vector<16xi1>, vector<16xf32>, vector<16xi32>)
            %max3A_448 = arith.maximumf %cond3A_277#0, %masked_sort3A_446 : vector<16xf32>
            %ge3A = arith.cmpf oge, %cond3A_277#0, %masked_sort3A_446 : vector<16xf32>
            %select_n3A_449 = arith.select %ge3A, %cond3A_277#1, %masked_sort3A_447 : vector<16xi1>, vector<16xi32>
            %masked_sort3A_450 = arith.constant dense<true> : vector<16xi1>
            %masked_sort3A_451, %masked_sort3A_452, %masked_sort3A_453 = tpu.sort %max3A_448, %select_n3A_449 masked %masked_sort3A_450 : (vector<16xf32>, vector<16xi32>, vector<16xi1>) -> (vector<16xi1>, vector<16xf32>, vector<16xi32>)
            %reduce_min3A = arith.constant true
            %reduce_min3A_454 = vector.broadcast %reduce_min3A : i1 to vector<16xi1>
            %reduce_min3A_455 = tpu.scan <min>, %masked_sort3A_452 masked %reduce_min3A_454 : vector<16xf32>, vector<16xi1> -> vector<16xf32>
            %reduce_min3A_456 = vector.extract %reduce_min3A_455[15] : f32 from vector<16xf32>
            scf.yield %masked_sort3A_452, %masked_sort3A_453, %reduce_min3A_456 : vector<16xf32>, vector<16xi32>, f32
          } else {
            scf.yield %cond3A_277#0, %cond3A_277#1, %cond3A_277#2 : vector<16xf32>, vector<16xi32>, f32
          }
          %reduce_max3A_287 = arith.constant true
          %reduce_max3A_288 = vector.broadcast %reduce_max3A_287 : i1 to vector<16xi1>
          %reduce_max3A_289 = tpu.scan <max>, %get3A_120 masked %reduce_max3A_288 : vector<16xf32>, vector<16xi1> -> vector<16xf32>
          %reduce_max3A_290 = vector.extract %reduce_max3A_289[15] : f32 from vector<16xf32>
          %gt3A_291 = arith.cmpf ogt, %reduce_max3A_290, %cond3A_286#2 : f32
          %convert_element_type3A_292 = arith.extui %gt3A_291 : i1 to i32
          %cond3A_293 = arith.constant 0 : i32
          %cond3A_294 = arith.cmpi ne, %convert_element_type3A_292, %cond3A_293 : i32
          %cond3A_295:3 = scf.if %cond3A_294 -> (vector<16xf32>, vector<16xi32>, f32) {
            %add3A_440 = arith.addi %add3A_50, %mul3A_85 : i32
            %add3A_441 = arith.constant 128 : i32
            %add3A_442 = arith.addi %add3A_440, %add3A_441 : i32
            %add3A_443 = vector.broadcast %add3A_442 : i32 to vector<16xi32>
            %add3A_444 = arith.addi %add3A_443, %iota3A : vector<16xi32>
            %masked_sort3A = arith.constant dense<true> : vector<16xi1>
            %masked_sort3A_445, %masked_sort3A_446, %masked_sort3A_447 = tpu.sort %get3A_120, %add3A_444 masked %masked_sort3A {descending = true} : (vector<16xf32>, vector<16xi32>, vector<16xi1>) -> (vector<16xi1>, vector<16xf32>, vector<16xi32>)
            %max3A_448 = arith.maximumf %cond3A_286#0, %masked_sort3A_446 : vector<16xf32>
            %ge3A = arith.cmpf oge, %cond3A_286#0, %masked_sort3A_446 : vector<16xf32>
            %select_n3A_449 = arith.select %ge3A, %cond3A_286#1, %masked_sort3A_447 : vector<16xi1>, vector<16xi32>
            %masked_sort3A_450 = arith.constant dense<true> : vector<16xi1>
            %masked_sort3A_451, %masked_sort3A_452, %masked_sort3A_453 = tpu.sort %max3A_448, %select_n3A_449 masked %masked_sort3A_450 : (vector<16xf32>, vector<16xi32>, vector<16xi1>) -> (vector<16xi1>, vector<16xf32>, vector<16xi32>)
            %reduce_min3A = arith.constant true
            %reduce_min3A_454 = vector.broadcast %reduce_min3A : i1 to vector<16xi1>
            %reduce_min3A_455 = tpu.scan <min>, %masked_sort3A_452 masked %reduce_min3A_454 : vector<16xf32>, vector<16xi1> -> vector<16xf32>
            %reduce_min3A_456 = vector.extract %reduce_min3A_455[15] : f32 from vector<16xf32>
            scf.yield %masked_sort3A_452, %masked_sort3A_453, %reduce_min3A_456 : vector<16xf32>, vector<16xi32>, f32
          } else {
            scf.yield %cond3A_286#0, %cond3A_286#1, %cond3A_286#2 : vector<16xf32>, vector<16xi32>, f32
          }
          %reduce_max3A_296 = arith.constant true
          %reduce_max3A_297 = vector.broadcast %reduce_max3A_296 : i1 to vector<16xi1>
          %reduce_max3A_298 = tpu.scan <max>, %get3A_124 masked %reduce_max3A_297 : vector<16xf32>, vector<16xi1> -> vector<16xf32>
          %reduce_max3A_299 = vector.extract %reduce_max3A_298[15] : f32 from vector<16xf32>
          %gt3A_300 = arith.cmpf ogt, %reduce_max3A_299, %cond3A_295#2 : f32
          %convert_element_type3A_301 = arith.extui %gt3A_300 : i1 to i32
          %cond3A_302 = arith.constant 0 : i32
          %cond3A_303 = arith.cmpi ne, %convert_element_type3A_301, %cond3A_302 : i32
          %cond3A_304:3 = scf.if %cond3A_303 -> (vector<16xf32>, vector<16xi32>, f32) {
            %add3A_440 = arith.addi %add3A_50, %mul3A_85 : i32
            %add3A_441 = arith.constant 144 : i32
            %add3A_442 = arith.addi %add3A_440, %add3A_441 : i32
            %add3A_443 = vector.broadcast %add3A_442 : i32 to vector<16xi32>
            %add3A_444 = arith.addi %add3A_443, %iota3A : vector<16xi32>
            %masked_sort3A = arith.constant dense<true> : vector<16xi1>
            %masked_sort3A_445, %masked_sort3A_446, %masked_sort3A_447 = tpu.sort %get3A_124, %add3A_444 masked %masked_sort3A {descending = true} : (vector<16xf32>, vector<16xi32>, vector<16xi1>) -> (vector<16xi1>, vector<16xf32>, vector<16xi32>)
            %max3A_448 = arith.maximumf %cond3A_295#0, %masked_sort3A_446 : vector<16xf32>
            %ge3A = arith.cmpf oge, %cond3A_295#0, %masked_sort3A_446 : vector<16xf32>
            %select_n3A_449 = arith.select %ge3A, %cond3A_295#1, %masked_sort3A_447 : vector<16xi1>, vector<16xi32>
            %masked_sort3A_450 = arith.constant dense<true> : vector<16xi1>
            %masked_sort3A_451, %masked_sort3A_452, %masked_sort3A_453 = tpu.sort %max3A_448, %select_n3A_449 masked %masked_sort3A_450 : (vector<16xf32>, vector<16xi32>, vector<16xi1>) -> (vector<16xi1>, vector<16xf32>, vector<16xi32>)
            %reduce_min3A = arith.constant true
            %reduce_min3A_454 = vector.broadcast %reduce_min3A : i1 to vector<16xi1>
            %reduce_min3A_455 = tpu.scan <min>, %masked_sort3A_452 masked %reduce_min3A_454 : vector<16xf32>, vector<16xi1> -> vector<16xf32>
            %reduce_min3A_456 = vector.extract %reduce_min3A_455[15] : f32 from vector<16xf32>
            scf.yield %masked_sort3A_452, %masked_sort3A_453, %reduce_min3A_456 : vector<16xf32>, vector<16xi32>, f32
          } else {
            scf.yield %cond3A_295#0, %cond3A_295#1, %cond3A_295#2 : vector<16xf32>, vector<16xi32>, f32
          }
          %reduce_max3A_305 = arith.constant true
          %reduce_max3A_306 = vector.broadcast %reduce_max3A_305 : i1 to vector<16xi1>
          %reduce_max3A_307 = tpu.scan <max>, %get3A_128 masked %reduce_max3A_306 : vector<16xf32>, vector<16xi1> -> vector<16xf32>
          %reduce_max3A_308 = vector.extract %reduce_max3A_307[15] : f32 from vector<16xf32>
          %gt3A_309 = arith.cmpf ogt, %reduce_max3A_308, %cond3A_304#2 : f32
          %convert_element_type3A_310 = arith.extui %gt3A_309 : i1 to i32
          %cond3A_311 = arith.constant 0 : i32
          %cond3A_312 = arith.cmpi ne, %convert_element_type3A_310, %cond3A_311 : i32
          %cond3A_313:3 = scf.if %cond3A_312 -> (vector<16xf32>, vector<16xi32>, f32) {
            %add3A_440 = arith.addi %add3A_50, %mul3A_85 : i32
            %add3A_441 = arith.constant 160 : i32
            %add3A_442 = arith.addi %add3A_440, %add3A_441 : i32
            %add3A_443 = vector.broadcast %add3A_442 : i32 to vector<16xi32>
            %add3A_444 = arith.addi %add3A_443, %iota3A : vector<16xi32>
            %masked_sort3A = arith.constant dense<true> : vector<16xi1>
            %masked_sort3A_445, %masked_sort3A_446, %masked_sort3A_447 = tpu.sort %get3A_128, %add3A_444 masked %masked_sort3A {descending = true} : (vector<16xf32>, vector<16xi32>, vector<16xi1>) -> (vector<16xi1>, vector<16xf32>, vector<16xi32>)
            %max3A_448 = arith.maximumf %cond3A_304#0, %masked_sort3A_446 : vector<16xf32>
            %ge3A = arith.cmpf oge, %cond3A_304#0, %masked_sort3A_446 : vector<16xf32>
            %select_n3A_449 = arith.select %ge3A, %cond3A_304#1, %masked_sort3A_447 : vector<16xi1>, vector<16xi32>
            %masked_sort3A_450 = arith.constant dense<true> : vector<16xi1>
            %masked_sort3A_451, %masked_sort3A_452, %masked_sort3A_453 = tpu.sort %max3A_448, %select_n3A_449 masked %masked_sort3A_450 : (vector<16xf32>, vector<16xi32>, vector<16xi1>) -> (vector<16xi1>, vector<16xf32>, vector<16xi32>)
            %reduce_min3A = arith.constant true
            %reduce_min3A_454 = vector.broadcast %reduce_min3A : i1 to vector<16xi1>
            %reduce_min3A_455 = tpu.scan <min>, %masked_sort3A_452 masked %reduce_min3A_454 : vector<16xf32>, vector<16xi1> -> vector<16xf32>
            %reduce_min3A_456 = vector.extract %reduce_min3A_455[15] : f32 from vector<16xf32>
            scf.yield %masked_sort3A_452, %masked_sort3A_453, %reduce_min3A_456 : vector<16xf32>, vector<16xi32>, f32
          } else {
            scf.yield %cond3A_304#0, %cond3A_304#1, %cond3A_304#2 : vector<16xf32>, vector<16xi32>, f32
          }
          %reduce_max3A_314 = arith.constant true
          %reduce_max3A_315 = vector.broadcast %reduce_max3A_314 : i1 to vector<16xi1>
          %reduce_max3A_316 = tpu.scan <max>, %get3A_132 masked %reduce_max3A_315 : vector<16xf32>, vector<16xi1> -> vector<16xf32>
          %reduce_max3A_317 = vector.extract %reduce_max3A_316[15] : f32 from vector<16xf32>
          %gt3A_318 = arith.cmpf ogt, %reduce_max3A_317, %cond3A_313#2 : f32
          %convert_element_type3A_319 = arith.extui %gt3A_318 : i1 to i32
          %cond3A_320 = arith.constant 0 : i32
          %cond3A_321 = arith.cmpi ne, %convert_element_type3A_319, %cond3A_320 : i32
          %cond3A_322:3 = scf.if %cond3A_321 -> (vector<16xf32>, vector<16xi32>, f32) {
            %add3A_440 = arith.addi %add3A_50, %mul3A_85 : i32
            %add3A_441 = arith.constant 176 : i32
            %add3A_442 = arith.addi %add3A_440, %add3A_441 : i32
            %add3A_443 = vector.broadcast %add3A_442 : i32 to vector<16xi32>
            %add3A_444 = arith.addi %add3A_443, %iota3A : vector<16xi32>
            %masked_sort3A = arith.constant dense<true> : vector<16xi1>
            %masked_sort3A_445, %masked_sort3A_446, %masked_sort3A_447 = tpu.sort %get3A_132, %add3A_444 masked %masked_sort3A {descending = true} : (vector<16xf32>, vector<16xi32>, vector<16xi1>) -> (vector<16xi1>, vector<16xf32>, vector<16xi32>)
            %max3A_448 = arith.maximumf %cond3A_313#0, %masked_sort3A_446 : vector<16xf32>
            %ge3A = arith.cmpf oge, %cond3A_313#0, %masked_sort3A_446 : vector<16xf32>
            %select_n3A_449 = arith.select %ge3A, %cond3A_313#1, %masked_sort3A_447 : vector<16xi1>, vector<16xi32>
            %masked_sort3A_450 = arith.constant dense<true> : vector<16xi1>
            %masked_sort3A_451, %masked_sort3A_452, %masked_sort3A_453 = tpu.sort %max3A_448, %select_n3A_449 masked %masked_sort3A_450 : (vector<16xf32>, vector<16xi32>, vector<16xi1>) -> (vector<16xi1>, vector<16xf32>, vector<16xi32>)
            %reduce_min3A = arith.constant true
            %reduce_min3A_454 = vector.broadcast %reduce_min3A : i1 to vector<16xi1>
            %reduce_min3A_455 = tpu.scan <min>, %masked_sort3A_452 masked %reduce_min3A_454 : vector<16xf32>, vector<16xi1> -> vector<16xf32>
            %reduce_min3A_456 = vector.extract %reduce_min3A_455[15] : f32 from vector<16xf32>
            scf.yield %masked_sort3A_452, %masked_sort3A_453, %reduce_min3A_456 : vector<16xf32>, vector<16xi32>, f32
          } else {
            scf.yield %cond3A_313#0, %cond3A_313#1, %cond3A_313#2 : vector<16xf32>, vector<16xi32>, f32
          }
          %reduce_max3A_323 = arith.constant true
          %reduce_max3A_324 = vector.broadcast %reduce_max3A_323 : i1 to vector<16xi1>
          %reduce_max3A_325 = tpu.scan <max>, %get3A_136 masked %reduce_max3A_324 : vector<16xf32>, vector<16xi1> -> vector<16xf32>
          %reduce_max3A_326 = vector.extract %reduce_max3A_325[15] : f32 from vector<16xf32>
          %gt3A_327 = arith.cmpf ogt, %reduce_max3A_326, %cond3A_322#2 : f32
          %convert_element_type3A_328 = arith.extui %gt3A_327 : i1 to i32
          %cond3A_329 = arith.constant 0 : i32
          %cond3A_330 = arith.cmpi ne, %convert_element_type3A_328, %cond3A_329 : i32
          %cond3A_331:3 = scf.if %cond3A_330 -> (vector<16xf32>, vector<16xi32>, f32) {
            %add3A_440 = arith.addi %add3A_50, %mul3A_85 : i32
            %add3A_441 = arith.constant 192 : i32
            %add3A_442 = arith.addi %add3A_440, %add3A_441 : i32
            %add3A_443 = vector.broadcast %add3A_442 : i32 to vector<16xi32>
            %add3A_444 = arith.addi %add3A_443, %iota3A : vector<16xi32>
            %masked_sort3A = arith.constant dense<true> : vector<16xi1>
            %masked_sort3A_445, %masked_sort3A_446, %masked_sort3A_447 = tpu.sort %get3A_136, %add3A_444 masked %masked_sort3A {descending = true} : (vector<16xf32>, vector<16xi32>, vector<16xi1>) -> (vector<16xi1>, vector<16xf32>, vector<16xi32>)
            %max3A_448 = arith.maximumf %cond3A_322#0, %masked_sort3A_446 : vector<16xf32>
            %ge3A = arith.cmpf oge, %cond3A_322#0, %masked_sort3A_446 : vector<16xf32>
            %select_n3A_449 = arith.select %ge3A, %cond3A_322#1, %masked_sort3A_447 : vector<16xi1>, vector<16xi32>
            %masked_sort3A_450 = arith.constant dense<true> : vector<16xi1>
            %masked_sort3A_451, %masked_sort3A_452, %masked_sort3A_453 = tpu.sort %max3A_448, %select_n3A_449 masked %masked_sort3A_450 : (vector<16xf32>, vector<16xi32>, vector<16xi1>) -> (vector<16xi1>, vector<16xf32>, vector<16xi32>)
            %reduce_min3A = arith.constant true
            %reduce_min3A_454 = vector.broadcast %reduce_min3A : i1 to vector<16xi1>
            %reduce_min3A_455 = tpu.scan <min>, %masked_sort3A_452 masked %reduce_min3A_454 : vector<16xf32>, vector<16xi1> -> vector<16xf32>
            %reduce_min3A_456 = vector.extract %reduce_min3A_455[15] : f32 from vector<16xf32>
            scf.yield %masked_sort3A_452, %masked_sort3A_453, %reduce_min3A_456 : vector<16xf32>, vector<16xi32>, f32
          } else {
            scf.yield %cond3A_322#0, %cond3A_322#1, %cond3A_322#2 : vector<16xf32>, vector<16xi32>, f32
          }
          %reduce_max3A_332 = arith.constant true
          %reduce_max3A_333 = vector.broadcast %reduce_max3A_332 : i1 to vector<16xi1>
          %reduce_max3A_334 = tpu.scan <max>, %get3A_140 masked %reduce_max3A_333 : vector<16xf32>, vector<16xi1> -> vector<16xf32>
          %reduce_max3A_335 = vector.extract %reduce_max3A_334[15] : f32 from vector<16xf32>
          %gt3A_336 = arith.cmpf ogt, %reduce_max3A_335, %cond3A_331#2 : f32
          %convert_element_type3A_337 = arith.extui %gt3A_336 : i1 to i32
          %cond3A_338 = arith.constant 0 : i32
          %cond3A_339 = arith.cmpi ne, %convert_element_type3A_337, %cond3A_338 : i32
          %cond3A_340:3 = scf.if %cond3A_339 -> (vector<16xf32>, vector<16xi32>, f32) {
            %add3A_440 = arith.addi %add3A_50, %mul3A_85 : i32
            %add3A_441 = arith.constant 208 : i32
            %add3A_442 = arith.addi %add3A_440, %add3A_441 : i32
            %add3A_443 = vector.broadcast %add3A_442 : i32 to vector<16xi32>
            %add3A_444 = arith.addi %add3A_443, %iota3A : vector<16xi32>
            %masked_sort3A = arith.constant dense<true> : vector<16xi1>
            %masked_sort3A_445, %masked_sort3A_446, %masked_sort3A_447 = tpu.sort %get3A_140, %add3A_444 masked %masked_sort3A {descending = true} : (vector<16xf32>, vector<16xi32>, vector<16xi1>) -> (vector<16xi1>, vector<16xf32>, vector<16xi32>)
            %max3A_448 = arith.maximumf %cond3A_331#0, %masked_sort3A_446 : vector<16xf32>
            %ge3A = arith.cmpf oge, %cond3A_331#0, %masked_sort3A_446 : vector<16xf32>
            %select_n3A_449 = arith.select %ge3A, %cond3A_331#1, %masked_sort3A_447 : vector<16xi1>, vector<16xi32>
            %masked_sort3A_450 = arith.constant dense<true> : vector<16xi1>
            %masked_sort3A_451, %masked_sort3A_452, %masked_sort3A_453 = tpu.sort %max3A_448, %select_n3A_449 masked %masked_sort3A_450 : (vector<16xf32>, vector<16xi32>, vector<16xi1>) -> (vector<16xi1>, vector<16xf32>, vector<16xi32>)
            %reduce_min3A = arith.constant true
            %reduce_min3A_454 = vector.broadcast %reduce_min3A : i1 to vector<16xi1>
            %reduce_min3A_455 = tpu.scan <min>, %masked_sort3A_452 masked %reduce_min3A_454 : vector<16xf32>, vector<16xi1> -> vector<16xf32>
            %reduce_min3A_456 = vector.extract %reduce_min3A_455[15] : f32 from vector<16xf32>
            scf.yield %masked_sort3A_452, %masked_sort3A_453, %reduce_min3A_456 : vector<16xf32>, vector<16xi32>, f32
          } else {
            scf.yield %cond3A_331#0, %cond3A_331#1, %cond3A_331#2 : vector<16xf32>, vector<16xi32>, f32
          }
          %reduce_max3A_341 = arith.constant true
          %reduce_max3A_342 = vector.broadcast %reduce_max3A_341 : i1 to vector<16xi1>
          %reduce_max3A_343 = tpu.scan <max>, %get3A_144 masked %reduce_max3A_342 : vector<16xf32>, vector<16xi1> -> vector<16xf32>
          %reduce_max3A_344 = vector.extract %reduce_max3A_343[15] : f32 from vector<16xf32>
          %gt3A_345 = arith.cmpf ogt, %reduce_max3A_344, %cond3A_340#2 : f32
          %convert_element_type3A_346 = arith.extui %gt3A_345 : i1 to i32
          %cond3A_347 = arith.constant 0 : i32
          %cond3A_348 = arith.cmpi ne, %convert_element_type3A_346, %cond3A_347 : i32
          %cond3A_349:3 = scf.if %cond3A_348 -> (vector<16xf32>, vector<16xi32>, f32) {
            %add3A_440 = arith.addi %add3A_50, %mul3A_85 : i32
            %add3A_441 = arith.constant 224 : i32
            %add3A_442 = arith.addi %add3A_440, %add3A_441 : i32
            %add3A_443 = vector.broadcast %add3A_442 : i32 to vector<16xi32>
            %add3A_444 = arith.addi %add3A_443, %iota3A : vector<16xi32>
            %masked_sort3A = arith.constant dense<true> : vector<16xi1>
            %masked_sort3A_445, %masked_sort3A_446, %masked_sort3A_447 = tpu.sort %get3A_144, %add3A_444 masked %masked_sort3A {descending = true} : (vector<16xf32>, vector<16xi32>, vector<16xi1>) -> (vector<16xi1>, vector<16xf32>, vector<16xi32>)
            %max3A_448 = arith.maximumf %cond3A_340#0, %masked_sort3A_446 : vector<16xf32>
            %ge3A = arith.cmpf oge, %cond3A_340#0, %masked_sort3A_446 : vector<16xf32>
            %select_n3A_449 = arith.select %ge3A, %cond3A_340#1, %masked_sort3A_447 : vector<16xi1>, vector<16xi32>
            %masked_sort3A_450 = arith.constant dense<true> : vector<16xi1>
            %masked_sort3A_451, %masked_sort3A_452, %masked_sort3A_453 = tpu.sort %max3A_448, %select_n3A_449 masked %masked_sort3A_450 : (vector<16xf32>, vector<16xi32>, vector<16xi1>) -> (vector<16xi1>, vector<16xf32>, vector<16xi32>)
            %reduce_min3A = arith.constant true
            %reduce_min3A_454 = vector.broadcast %reduce_min3A : i1 to vector<16xi1>
            %reduce_min3A_455 = tpu.scan <min>, %masked_sort3A_452 masked %reduce_min3A_454 : vector<16xf32>, vector<16xi1> -> vector<16xf32>
            %reduce_min3A_456 = vector.extract %reduce_min3A_455[15] : f32 from vector<16xf32>
            scf.yield %masked_sort3A_452, %masked_sort3A_453, %reduce_min3A_456 : vector<16xf32>, vector<16xi32>, f32
          } else {
            scf.yield %cond3A_340#0, %cond3A_340#1, %cond3A_340#2 : vector<16xf32>, vector<16xi32>, f32
          }
          %reduce_max3A_350 = arith.constant true
          %reduce_max3A_351 = vector.broadcast %reduce_max3A_350 : i1 to vector<16xi1>
          %reduce_max3A_352 = tpu.scan <max>, %get3A_148 masked %reduce_max3A_351 : vector<16xf32>, vector<16xi1> -> vector<16xf32>
          %reduce_max3A_353 = vector.extract %reduce_max3A_352[15] : f32 from vector<16xf32>
          %gt3A_354 = arith.cmpf ogt, %reduce_max3A_353, %cond3A_349#2 : f32
          %convert_element_type3A_355 = arith.extui %gt3A_354 : i1 to i32
          %cond3A_356 = arith.constant 0 : i32
          %cond3A_357 = arith.cmpi ne, %convert_element_type3A_355, %cond3A_356 : i32
          %cond3A_358:3 = scf.if %cond3A_357 -> (vector<16xf32>, vector<16xi32>, f32) {
            %add3A_440 = arith.addi %add3A_50, %mul3A_85 : i32
            %add3A_441 = arith.constant 240 : i32
            %add3A_442 = arith.addi %add3A_440, %add3A_441 : i32
            %add3A_443 = vector.broadcast %add3A_442 : i32 to vector<16xi32>
            %add3A_444 = arith.addi %add3A_443, %iota3A : vector<16xi32>
            %masked_sort3A = arith.constant dense<true> : vector<16xi1>
            %masked_sort3A_445, %masked_sort3A_446, %masked_sort3A_447 = tpu.sort %get3A_148, %add3A_444 masked %masked_sort3A {descending = true} : (vector<16xf32>, vector<16xi32>, vector<16xi1>) -> (vector<16xi1>, vector<16xf32>, vector<16xi32>)
            %max3A_448 = arith.maximumf %cond3A_349#0, %masked_sort3A_446 : vector<16xf32>
            %ge3A = arith.cmpf oge, %cond3A_349#0, %masked_sort3A_446 : vector<16xf32>
            %select_n3A_449 = arith.select %ge3A, %cond3A_349#1, %masked_sort3A_447 : vector<16xi1>, vector<16xi32>
            %masked_sort3A_450 = arith.constant dense<true> : vector<16xi1>
            %masked_sort3A_451, %masked_sort3A_452, %masked_sort3A_453 = tpu.sort %max3A_448, %select_n3A_449 masked %masked_sort3A_450 : (vector<16xf32>, vector<16xi32>, vector<16xi1>) -> (vector<16xi1>, vector<16xf32>, vector<16xi32>)
            %reduce_min3A = arith.constant true
            %reduce_min3A_454 = vector.broadcast %reduce_min3A : i1 to vector<16xi1>
            %reduce_min3A_455 = tpu.scan <min>, %masked_sort3A_452 masked %reduce_min3A_454 : vector<16xf32>, vector<16xi1> -> vector<16xf32>
            %reduce_min3A_456 = vector.extract %reduce_min3A_455[15] : f32 from vector<16xf32>
            scf.yield %masked_sort3A_452, %masked_sort3A_453, %reduce_min3A_456 : vector<16xf32>, vector<16xi32>, f32
          } else {
            scf.yield %cond3A_349#0, %cond3A_349#1, %cond3A_349#2 : vector<16xf32>, vector<16xi32>, f32
          }
          %reduce_max3A_359 = arith.constant true
          %reduce_max3A_360 = vector.broadcast %reduce_max3A_359 : i1 to vector<16xi1>
          %reduce_max3A_361 = tpu.scan <max>, %get3A_152 masked %reduce_max3A_360 : vector<16xf32>, vector<16xi1> -> vector<16xf32>
          %reduce_max3A_362 = vector.extract %reduce_max3A_361[15] : f32 from vector<16xf32>
          %gt3A_363 = arith.cmpf ogt, %reduce_max3A_362, %cond3A_358#2 : f32
          %convert_element_type3A_364 = arith.extui %gt3A_363 : i1 to i32
          %cond3A_365 = arith.constant 0 : i32
          %cond3A_366 = arith.cmpi ne, %convert_element_type3A_364, %cond3A_365 : i32
          %cond3A_367:3 = scf.if %cond3A_366 -> (vector<16xf32>, vector<16xi32>, f32) {
            %add3A_440 = arith.addi %add3A_50, %mul3A_85 : i32
            %add3A_441 = arith.constant 256 : i32
            %add3A_442 = arith.addi %add3A_440, %add3A_441 : i32
            %add3A_443 = vector.broadcast %add3A_442 : i32 to vector<16xi32>
            %add3A_444 = arith.addi %add3A_443, %iota3A : vector<16xi32>
            %masked_sort3A = arith.constant dense<true> : vector<16xi1>
            %masked_sort3A_445, %masked_sort3A_446, %masked_sort3A_447 = tpu.sort %get3A_152, %add3A_444 masked %masked_sort3A {descending = true} : (vector<16xf32>, vector<16xi32>, vector<16xi1>) -> (vector<16xi1>, vector<16xf32>, vector<16xi32>)
            %max3A_448 = arith.maximumf %cond3A_358#0, %masked_sort3A_446 : vector<16xf32>
            %ge3A = arith.cmpf oge, %cond3A_358#0, %masked_sort3A_446 : vector<16xf32>
            %select_n3A_449 = arith.select %ge3A, %cond3A_358#1, %masked_sort3A_447 : vector<16xi1>, vector<16xi32>
            %masked_sort3A_450 = arith.constant dense<true> : vector<16xi1>
            %masked_sort3A_451, %masked_sort3A_452, %masked_sort3A_453 = tpu.sort %max3A_448, %select_n3A_449 masked %masked_sort3A_450 : (vector<16xf32>, vector<16xi32>, vector<16xi1>) -> (vector<16xi1>, vector<16xf32>, vector<16xi32>)
            %reduce_min3A = arith.constant true
            %reduce_min3A_454 = vector.broadcast %reduce_min3A : i1 to vector<16xi1>
            %reduce_min3A_455 = tpu.scan <min>, %masked_sort3A_452 masked %reduce_min3A_454 : vector<16xf32>, vector<16xi1> -> vector<16xf32>
            %reduce_min3A_456 = vector.extract %reduce_min3A_455[15] : f32 from vector<16xf32>
            scf.yield %masked_sort3A_452, %masked_sort3A_453, %reduce_min3A_456 : vector<16xf32>, vector<16xi32>, f32
          } else {
            scf.yield %cond3A_358#0, %cond3A_358#1, %cond3A_358#2 : vector<16xf32>, vector<16xi32>, f32
          }
          %reduce_max3A_368 = arith.constant true
          %reduce_max3A_369 = vector.broadcast %reduce_max3A_368 : i1 to vector<16xi1>
          %reduce_max3A_370 = tpu.scan <max>, %get3A_156 masked %reduce_max3A_369 : vector<16xf32>, vector<16xi1> -> vector<16xf32>
          %reduce_max3A_371 = vector.extract %reduce_max3A_370[15] : f32 from vector<16xf32>
          %gt3A_372 = arith.cmpf ogt, %reduce_max3A_371, %cond3A_367#2 : f32
          %convert_element_type3A_373 = arith.extui %gt3A_372 : i1 to i32
          %cond3A_374 = arith.constant 0 : i32
          %cond3A_375 = arith.cmpi ne, %convert_element_type3A_373, %cond3A_374 : i32
          %cond3A_376:3 = scf.if %cond3A_375 -> (vector<16xf32>, vector<16xi32>, f32) {
            %add3A_440 = arith.addi %add3A_50, %mul3A_85 : i32
            %add3A_441 = arith.constant 272 : i32
            %add3A_442 = arith.addi %add3A_440, %add3A_441 : i32
            %add3A_443 = vector.broadcast %add3A_442 : i32 to vector<16xi32>
            %add3A_444 = arith.addi %add3A_443, %iota3A : vector<16xi32>
            %masked_sort3A = arith.constant dense<true> : vector<16xi1>
            %masked_sort3A_445, %masked_sort3A_446, %masked_sort3A_447 = tpu.sort %get3A_156, %add3A_444 masked %masked_sort3A {descending = true} : (vector<16xf32>, vector<16xi32>, vector<16xi1>) -> (vector<16xi1>, vector<16xf32>, vector<16xi32>)
            %max3A_448 = arith.maximumf %cond3A_367#0, %masked_sort3A_446 : vector<16xf32>
            %ge3A = arith.cmpf oge, %cond3A_367#0, %masked_sort3A_446 : vector<16xf32>
            %select_n3A_449 = arith.select %ge3A, %cond3A_367#1, %masked_sort3A_447 : vector<16xi1>, vector<16xi32>
            %masked_sort3A_450 = arith.constant dense<true> : vector<16xi1>
            %masked_sort3A_451, %masked_sort3A_452, %masked_sort3A_453 = tpu.sort %max3A_448, %select_n3A_449 masked %masked_sort3A_450 : (vector<16xf32>, vector<16xi32>, vector<16xi1>) -> (vector<16xi1>, vector<16xf32>, vector<16xi32>)
            %reduce_min3A = arith.constant true
            %reduce_min3A_454 = vector.broadcast %reduce_min3A : i1 to vector<16xi1>
            %reduce_min3A_455 = tpu.scan <min>, %masked_sort3A_452 masked %reduce_min3A_454 : vector<16xf32>, vector<16xi1> -> vector<16xf32>
            %reduce_min3A_456 = vector.extract %reduce_min3A_455[15] : f32 from vector<16xf32>
            scf.yield %masked_sort3A_452, %masked_sort3A_453, %reduce_min3A_456 : vector<16xf32>, vector<16xi32>, f32
          } else {
            scf.yield %cond3A_367#0, %cond3A_367#1, %cond3A_367#2 : vector<16xf32>, vector<16xi32>, f32
          }
          %reduce_max3A_377 = arith.constant true
          %reduce_max3A_378 = vector.broadcast %reduce_max3A_377 : i1 to vector<16xi1>
          %reduce_max3A_379 = tpu.scan <max>, %get3A_160 masked %reduce_max3A_378 : vector<16xf32>, vector<16xi1> -> vector<16xf32>
          %reduce_max3A_380 = vector.extract %reduce_max3A_379[15] : f32 from vector<16xf32>
          %gt3A_381 = arith.cmpf ogt, %reduce_max3A_380, %cond3A_376#2 : f32
          %convert_element_type3A_382 = arith.extui %gt3A_381 : i1 to i32
          %cond3A_383 = arith.constant 0 : i32
          %cond3A_384 = arith.cmpi ne, %convert_element_type3A_382, %cond3A_383 : i32
          %cond3A_385:3 = scf.if %cond3A_384 -> (vector<16xf32>, vector<16xi32>, f32) {
            %add3A_440 = arith.addi %add3A_50, %mul3A_85 : i32
            %add3A_441 = arith.constant 288 : i32
            %add3A_442 = arith.addi %add3A_440, %add3A_441 : i32
            %add3A_443 = vector.broadcast %add3A_442 : i32 to vector<16xi32>
            %add3A_444 = arith.addi %add3A_443, %iota3A : vector<16xi32>
            %masked_sort3A = arith.constant dense<true> : vector<16xi1>
            %masked_sort3A_445, %masked_sort3A_446, %masked_sort3A_447 = tpu.sort %get3A_160, %add3A_444 masked %masked_sort3A {descending = true} : (vector<16xf32>, vector<16xi32>, vector<16xi1>) -> (vector<16xi1>, vector<16xf32>, vector<16xi32>)
            %max3A_448 = arith.maximumf %cond3A_376#0, %masked_sort3A_446 : vector<16xf32>
            %ge3A = arith.cmpf oge, %cond3A_376#0, %masked_sort3A_446 : vector<16xf32>
            %select_n3A_449 = arith.select %ge3A, %cond3A_376#1, %masked_sort3A_447 : vector<16xi1>, vector<16xi32>
            %masked_sort3A_450 = arith.constant dense<true> : vector<16xi1>
            %masked_sort3A_451, %masked_sort3A_452, %masked_sort3A_453 = tpu.sort %max3A_448, %select_n3A_449 masked %masked_sort3A_450 : (vector<16xf32>, vector<16xi32>, vector<16xi1>) -> (vector<16xi1>, vector<16xf32>, vector<16xi32>)
            %reduce_min3A = arith.constant true
            %reduce_min3A_454 = vector.broadcast %reduce_min3A : i1 to vector<16xi1>
            %reduce_min3A_455 = tpu.scan <min>, %masked_sort3A_452 masked %reduce_min3A_454 : vector<16xf32>, vector<16xi1> -> vector<16xf32>
            %reduce_min3A_456 = vector.extract %reduce_min3A_455[15] : f32 from vector<16xf32>
            scf.yield %masked_sort3A_452, %masked_sort3A_453, %reduce_min3A_456 : vector<16xf32>, vector<16xi32>, f32
          } else {
            scf.yield %cond3A_376#0, %cond3A_376#1, %cond3A_376#2 : vector<16xf32>, vector<16xi32>, f32
          }
          %reduce_max3A_386 = arith.constant true
          %reduce_max3A_387 = vector.broadcast %reduce_max3A_386 : i1 to vector<16xi1>
          %reduce_max3A_388 = tpu.scan <max>, %get3A_164 masked %reduce_max3A_387 : vector<16xf32>, vector<16xi1> -> vector<16xf32>
          %reduce_max3A_389 = vector.extract %reduce_max3A_388[15] : f32 from vector<16xf32>
          %gt3A_390 = arith.cmpf ogt, %reduce_max3A_389, %cond3A_385#2 : f32
          %convert_element_type3A_391 = arith.extui %gt3A_390 : i1 to i32
          %cond3A_392 = arith.constant 0 : i32
          %cond3A_393 = arith.cmpi ne, %convert_element_type3A_391, %cond3A_392 : i32
          %cond3A_394:3 = scf.if %cond3A_393 -> (vector<16xf32>, vector<16xi32>, f32) {
            %add3A_440 = arith.addi %add3A_50, %mul3A_85 : i32
            %add3A_441 = arith.constant 304 : i32
            %add3A_442 = arith.addi %add3A_440, %add3A_441 : i32
            %add3A_443 = vector.broadcast %add3A_442 : i32 to vector<16xi32>
            %add3A_444 = arith.addi %add3A_443, %iota3A : vector<16xi32>
            %masked_sort3A = arith.constant dense<true> : vector<16xi1>
            %masked_sort3A_445, %masked_sort3A_446, %masked_sort3A_447 = tpu.sort %get3A_164, %add3A_444 masked %masked_sort3A {descending = true} : (vector<16xf32>, vector<16xi32>, vector<16xi1>) -> (vector<16xi1>, vector<16xf32>, vector<16xi32>)
            %max3A_448 = arith.maximumf %cond3A_385#0, %masked_sort3A_446 : vector<16xf32>
            %ge3A = arith.cmpf oge, %cond3A_385#0, %masked_sort3A_446 : vector<16xf32>
            %select_n3A_449 = arith.select %ge3A, %cond3A_385#1, %masked_sort3A_447 : vector<16xi1>, vector<16xi32>
            %masked_sort3A_450 = arith.constant dense<true> : vector<16xi1>
            %masked_sort3A_451, %masked_sort3A_452, %masked_sort3A_453 = tpu.sort %max3A_448, %select_n3A_449 masked %masked_sort3A_450 : (vector<16xf32>, vector<16xi32>, vector<16xi1>) -> (vector<16xi1>, vector<16xf32>, vector<16xi32>)
            %reduce_min3A = arith.constant true
            %reduce_min3A_454 = vector.broadcast %reduce_min3A : i1 to vector<16xi1>
            %reduce_min3A_455 = tpu.scan <min>, %masked_sort3A_452 masked %reduce_min3A_454 : vector<16xf32>, vector<16xi1> -> vector<16xf32>
            %reduce_min3A_456 = vector.extract %reduce_min3A_455[15] : f32 from vector<16xf32>
            scf.yield %masked_sort3A_452, %masked_sort3A_453, %reduce_min3A_456 : vector<16xf32>, vector<16xi32>, f32
          } else {
            scf.yield %cond3A_385#0, %cond3A_385#1, %cond3A_385#2 : vector<16xf32>, vector<16xi32>, f32
          }
          %reduce_max3A_395 = arith.constant true
          %reduce_max3A_396 = vector.broadcast %reduce_max3A_395 : i1 to vector<16xi1>
          %reduce_max3A_397 = tpu.scan <max>, %get3A_168 masked %reduce_max3A_396 : vector<16xf32>, vector<16xi1> -> vector<16xf32>
          %reduce_max3A_398 = vector.extract %reduce_max3A_397[15] : f32 from vector<16xf32>
          %gt3A_399 = arith.cmpf ogt, %reduce_max3A_398, %cond3A_394#2 : f32
          %convert_element_type3A_400 = arith.extui %gt3A_399 : i1 to i32
          %cond3A_401 = arith.constant 0 : i32
          %cond3A_402 = arith.cmpi ne, %convert_element_type3A_400, %cond3A_401 : i32
          %cond3A_403:3 = scf.if %cond3A_402 -> (vector<16xf32>, vector<16xi32>, f32) {
            %add3A_440 = arith.addi %add3A_50, %mul3A_85 : i32
            %add3A_441 = arith.constant 320 : i32
            %add3A_442 = arith.addi %add3A_440, %add3A_441 : i32
            %add3A_443 = vector.broadcast %add3A_442 : i32 to vector<16xi32>
            %add3A_444 = arith.addi %add3A_443, %iota3A : vector<16xi32>
            %masked_sort3A = arith.constant dense<true> : vector<16xi1>
            %masked_sort3A_445, %masked_sort3A_446, %masked_sort3A_447 = tpu.sort %get3A_168, %add3A_444 masked %masked_sort3A {descending = true} : (vector<16xf32>, vector<16xi32>, vector<16xi1>) -> (vector<16xi1>, vector<16xf32>, vector<16xi32>)
            %max3A_448 = arith.maximumf %cond3A_394#0, %masked_sort3A_446 : vector<16xf32>
            %ge3A = arith.cmpf oge, %cond3A_394#0, %masked_sort3A_446 : vector<16xf32>
            %select_n3A_449 = arith.select %ge3A, %cond3A_394#1, %masked_sort3A_447 : vector<16xi1>, vector<16xi32>
            %masked_sort3A_450 = arith.constant dense<true> : vector<16xi1>
            %masked_sort3A_451, %masked_sort3A_452, %masked_sort3A_453 = tpu.sort %max3A_448, %select_n3A_449 masked %masked_sort3A_450 : (vector<16xf32>, vector<16xi32>, vector<16xi1>) -> (vector<16xi1>, vector<16xf32>, vector<16xi32>)
            %reduce_min3A = arith.constant true
            %reduce_min3A_454 = vector.broadcast %reduce_min3A : i1 to vector<16xi1>
            %reduce_min3A_455 = tpu.scan <min>, %masked_sort3A_452 masked %reduce_min3A_454 : vector<16xf32>, vector<16xi1> -> vector<16xf32>
            %reduce_min3A_456 = vector.extract %reduce_min3A_455[15] : f32 from vector<16xf32>
            scf.yield %masked_sort3A_452, %masked_sort3A_453, %reduce_min3A_456 : vector<16xf32>, vector<16xi32>, f32
          } else {
            scf.yield %cond3A_394#0, %cond3A_394#1, %cond3A_394#2 : vector<16xf32>, vector<16xi32>, f32
          }
          %reduce_max3A_404 = arith.constant true
          %reduce_max3A_405 = vector.broadcast %reduce_max3A_404 : i1 to vector<16xi1>
          %reduce_max3A_406 = tpu.scan <max>, %get3A_172 masked %reduce_max3A_405 : vector<16xf32>, vector<16xi1> -> vector<16xf32>
          %reduce_max3A_407 = vector.extract %reduce_max3A_406[15] : f32 from vector<16xf32>
          %gt3A_408 = arith.cmpf ogt, %reduce_max3A_407, %cond3A_403#2 : f32
          %convert_element_type3A_409 = arith.extui %gt3A_408 : i1 to i32
          %cond3A_410 = arith.constant 0 : i32
          %cond3A_411 = arith.cmpi ne, %convert_element_type3A_409, %cond3A_410 : i32
          %cond3A_412:3 = scf.if %cond3A_411 -> (vector<16xf32>, vector<16xi32>, f32) {
            %add3A_440 = arith.addi %add3A_50, %mul3A_85 : i32
            %add3A_441 = arith.constant 336 : i32
            %add3A_442 = arith.addi %add3A_440, %add3A_441 : i32
            %add3A_443 = vector.broadcast %add3A_442 : i32 to vector<16xi32>
            %add3A_444 = arith.addi %add3A_443, %iota3A : vector<16xi32>
            %masked_sort3A = arith.constant dense<true> : vector<16xi1>
            %masked_sort3A_445, %masked_sort3A_446, %masked_sort3A_447 = tpu.sort %get3A_172, %add3A_444 masked %masked_sort3A {descending = true} : (vector<16xf32>, vector<16xi32>, vector<16xi1>) -> (vector<16xi1>, vector<16xf32>, vector<16xi32>)
            %max3A_448 = arith.maximumf %cond3A_403#0, %masked_sort3A_446 : vector<16xf32>
            %ge3A = arith.cmpf oge, %cond3A_403#0, %masked_sort3A_446 : vector<16xf32>
            %select_n3A_449 = arith.select %ge3A, %cond3A_403#1, %masked_sort3A_447 : vector<16xi1>, vector<16xi32>
            %masked_sort3A_450 = arith.constant dense<true> : vector<16xi1>
            %masked_sort3A_451, %masked_sort3A_452, %masked_sort3A_453 = tpu.sort %max3A_448, %select_n3A_449 masked %masked_sort3A_450 : (vector<16xf32>, vector<16xi32>, vector<16xi1>) -> (vector<16xi1>, vector<16xf32>, vector<16xi32>)
            %reduce_min3A = arith.constant true
            %reduce_min3A_454 = vector.broadcast %reduce_min3A : i1 to vector<16xi1>
            %reduce_min3A_455 = tpu.scan <min>, %masked_sort3A_452 masked %reduce_min3A_454 : vector<16xf32>, vector<16xi1> -> vector<16xf32>
            %reduce_min3A_456 = vector.extract %reduce_min3A_455[15] : f32 from vector<16xf32>
            scf.yield %masked_sort3A_452, %masked_sort3A_453, %reduce_min3A_456 : vector<16xf32>, vector<16xi32>, f32
          } else {
            scf.yield %cond3A_403#0, %cond3A_403#1, %cond3A_403#2 : vector<16xf32>, vector<16xi32>, f32
          }
          %reduce_max3A_413 = arith.constant true
          %reduce_max3A_414 = vector.broadcast %reduce_max3A_413 : i1 to vector<16xi1>
          %reduce_max3A_415 = tpu.scan <max>, %get3A_176 masked %reduce_max3A_414 : vector<16xf32>, vector<16xi1> -> vector<16xf32>
          %reduce_max3A_416 = vector.extract %reduce_max3A_415[15] : f32 from vector<16xf32>
          %gt3A_417 = arith.cmpf ogt, %reduce_max3A_416, %cond3A_412#2 : f32
          %convert_element_type3A_418 = arith.extui %gt3A_417 : i1 to i32
          %cond3A_419 = arith.constant 0 : i32
          %cond3A_420 = arith.cmpi ne, %convert_element_type3A_418, %cond3A_419 : i32
          %cond3A_421:3 = scf.if %cond3A_420 -> (vector<16xf32>, vector<16xi32>, f32) {
            %add3A_440 = arith.addi %add3A_50, %mul3A_85 : i32
            %add3A_441 = arith.constant 352 : i32
            %add3A_442 = arith.addi %add3A_440, %add3A_441 : i32
            %add3A_443 = vector.broadcast %add3A_442 : i32 to vector<16xi32>
            %add3A_444 = arith.addi %add3A_443, %iota3A : vector<16xi32>
            %masked_sort3A = arith.constant dense<true> : vector<16xi1>
            %masked_sort3A_445, %masked_sort3A_446, %masked_sort3A_447 = tpu.sort %get3A_176, %add3A_444 masked %masked_sort3A {descending = true} : (vector<16xf32>, vector<16xi32>, vector<16xi1>) -> (vector<16xi1>, vector<16xf32>, vector<16xi32>)
            %max3A_448 = arith.maximumf %cond3A_412#0, %masked_sort3A_446 : vector<16xf32>
            %ge3A = arith.cmpf oge, %cond3A_412#0, %masked_sort3A_446 : vector<16xf32>
            %select_n3A_449 = arith.select %ge3A, %cond3A_412#1, %masked_sort3A_447 : vector<16xi1>, vector<16xi32>
            %masked_sort3A_450 = arith.constant dense<true> : vector<16xi1>
            %masked_sort3A_451, %masked_sort3A_452, %masked_sort3A_453 = tpu.sort %max3A_448, %select_n3A_449 masked %masked_sort3A_450 : (vector<16xf32>, vector<16xi32>, vector<16xi1>) -> (vector<16xi1>, vector<16xf32>, vector<16xi32>)
            %reduce_min3A = arith.constant true
            %reduce_min3A_454 = vector.broadcast %reduce_min3A : i1 to vector<16xi1>
            %reduce_min3A_455 = tpu.scan <min>, %masked_sort3A_452 masked %reduce_min3A_454 : vector<16xf32>, vector<16xi1> -> vector<16xf32>
            %reduce_min3A_456 = vector.extract %reduce_min3A_455[15] : f32 from vector<16xf32>
            scf.yield %masked_sort3A_452, %masked_sort3A_453, %reduce_min3A_456 : vector<16xf32>, vector<16xi32>, f32
          } else {
            scf.yield %cond3A_412#0, %cond3A_412#1, %cond3A_412#2 : vector<16xf32>, vector<16xi32>, f32
          }
          %reduce_max3A_422 = arith.constant true
          %reduce_max3A_423 = vector.broadcast %reduce_max3A_422 : i1 to vector<16xi1>
          %reduce_max3A_424 = tpu.scan <max>, %get3A_180 masked %reduce_max3A_423 : vector<16xf32>, vector<16xi1> -> vector<16xf32>
          %reduce_max3A_425 = vector.extract %reduce_max3A_424[15] : f32 from vector<16xf32>
          %gt3A_426 = arith.cmpf ogt, %reduce_max3A_425, %cond3A_421#2 : f32
          %convert_element_type3A_427 = arith.extui %gt3A_426 : i1 to i32
          %cond3A_428 = arith.constant 0 : i32
          %cond3A_429 = arith.cmpi ne, %convert_element_type3A_427, %cond3A_428 : i32
          %cond3A_430:3 = scf.if %cond3A_429 -> (vector<16xf32>, vector<16xi32>, f32) {
            %add3A_440 = arith.addi %add3A_50, %mul3A_85 : i32
            %add3A_441 = arith.constant 368 : i32
            %add3A_442 = arith.addi %add3A_440, %add3A_441 : i32
            %add3A_443 = vector.broadcast %add3A_442 : i32 to vector<16xi32>
            %add3A_444 = arith.addi %add3A_443, %iota3A : vector<16xi32>
            %masked_sort3A = arith.constant dense<true> : vector<16xi1>
            %masked_sort3A_445, %masked_sort3A_446, %masked_sort3A_447 = tpu.sort %get3A_180, %add3A_444 masked %masked_sort3A {descending = true} : (vector<16xf32>, vector<16xi32>, vector<16xi1>) -> (vector<16xi1>, vector<16xf32>, vector<16xi32>)
            %max3A_448 = arith.maximumf %cond3A_421#0, %masked_sort3A_446 : vector<16xf32>
            %ge3A = arith.cmpf oge, %cond3A_421#0, %masked_sort3A_446 : vector<16xf32>
            %select_n3A_449 = arith.select %ge3A, %cond3A_421#1, %masked_sort3A_447 : vector<16xi1>, vector<16xi32>
            %masked_sort3A_450 = arith.constant dense<true> : vector<16xi1>
            %masked_sort3A_451, %masked_sort3A_452, %masked_sort3A_453 = tpu.sort %max3A_448, %select_n3A_449 masked %masked_sort3A_450 : (vector<16xf32>, vector<16xi32>, vector<16xi1>) -> (vector<16xi1>, vector<16xf32>, vector<16xi32>)
            %reduce_min3A = arith.constant true
            %reduce_min3A_454 = vector.broadcast %reduce_min3A : i1 to vector<16xi1>
            %reduce_min3A_455 = tpu.scan <min>, %masked_sort3A_452 masked %reduce_min3A_454 : vector<16xf32>, vector<16xi1> -> vector<16xf32>
            %reduce_min3A_456 = vector.extract %reduce_min3A_455[15] : f32 from vector<16xf32>
            scf.yield %masked_sort3A_452, %masked_sort3A_453, %reduce_min3A_456 : vector<16xf32>, vector<16xi32>, f32
          } else {
            scf.yield %cond3A_421#0, %cond3A_421#1, %cond3A_421#2 : vector<16xf32>, vector<16xi32>, f32
          }
          %reduce_max3A_431 = arith.constant true
          %reduce_max3A_432 = vector.broadcast %reduce_max3A_431 : i1 to vector<16xi1>
          %reduce_max3A_433 = tpu.scan <max>, %get3A_184 masked %reduce_max3A_432 : vector<16xf32>, vector<16xi1> -> vector<16xf32>
          %reduce_max3A_434 = vector.extract %reduce_max3A_433[15] : f32 from vector<16xf32>
          %gt3A_435 = arith.cmpf ogt, %reduce_max3A_434, %cond3A_430#2 : f32
          %convert_element_type3A_436 = arith.extui %gt3A_435 : i1 to i32
          %cond3A_437 = arith.constant 0 : i32
          %cond3A_438 = arith.cmpi ne, %convert_element_type3A_436, %cond3A_437 : i32
          %cond3A_439:3 = scf.if %cond3A_438 -> (vector<16xf32>, vector<16xi32>, f32) {
            %add3A_440 = arith.addi %add3A_50, %mul3A_85 : i32
            %add3A_441 = arith.constant 384 : i32
            %add3A_442 = arith.addi %add3A_440, %add3A_441 : i32
            %add3A_443 = vector.broadcast %add3A_442 : i32 to vector<16xi32>
            %add3A_444 = arith.addi %add3A_443, %iota3A : vector<16xi32>
            %masked_sort3A = arith.constant dense<true> : vector<16xi1>
            %masked_sort3A_445, %masked_sort3A_446, %masked_sort3A_447 = tpu.sort %get3A_184, %add3A_444 masked %masked_sort3A {descending = true} : (vector<16xf32>, vector<16xi32>, vector<16xi1>) -> (vector<16xi1>, vector<16xf32>, vector<16xi32>)
            %max3A_448 = arith.maximumf %cond3A_430#0, %masked_sort3A_446 : vector<16xf32>
            %ge3A = arith.cmpf oge, %cond3A_430#0, %masked_sort3A_446 : vector<16xf32>
            %select_n3A_449 = arith.select %ge3A, %cond3A_430#1, %masked_sort3A_447 : vector<16xi1>, vector<16xi32>
            %masked_sort3A_450 = arith.constant dense<true> : vector<16xi1>
            %masked_sort3A_451, %masked_sort3A_452, %masked_sort3A_453 = tpu.sort %max3A_448, %select_n3A_449 masked %masked_sort3A_450 : (vector<16xf32>, vector<16xi32>, vector<16xi1>) -> (vector<16xi1>, vector<16xf32>, vector<16xi32>)
            %reduce_min3A = arith.constant true
            %reduce_min3A_454 = vector.broadcast %reduce_min3A : i1 to vector<16xi1>
            %reduce_min3A_455 = tpu.scan <min>, %masked_sort3A_452 masked %reduce_min3A_454 : vector<16xf32>, vector<16xi1> -> vector<16xf32>
            %reduce_min3A_456 = vector.extract %reduce_min3A_455[15] : f32 from vector<16xf32>
            scf.yield %masked_sort3A_452, %masked_sort3A_453, %reduce_min3A_456 : vector<16xf32>, vector<16xi32>, f32
          } else {
            scf.yield %cond3A_430#0, %cond3A_430#1, %cond3A_430#2 : vector<16xf32>, vector<16xi32>, f32
          }
          scf.yield %cond3A_439#0, %cond3A_439#1, %cond3A_439#2 : vector<16xf32>, vector<16xi32>, f32
        } else {
          scf.yield %scan3A_81, %scan3A_82, %scan3A_83 : vector<16xf32>, vector<16xi32>, f32
        }
        scf.yield %cond3A_214#0, %cond3A_214#1, %cond3A_214#2 : vector<16xf32>, vector<16xi32>, f32
      }
      %scan3A_56 = arith.constant 128 : i32
      %add3A_57 = arith.constant 1 : i32
      %add3A_58 = arith.addi %add3A_36, %add3A_57 : i32
      %mul3A_59 = arith.constant 51200 : i32
      %mul3A_60 = arith.muli %add3A_58, %mul3A_59 : i32
      %add3A_61 = arith.addi %mul3A_2, %mul3A_60 : i32
      %dma_wait3A_62 = tpu.memref_slice %arg2[%add3A_61] : memref<16384000xf32, #tpu.memory_space<hbm>> -> memref<51200xf32, #tpu.memory_space<hbm>>
      %dma_wait3A_63 = tpu.memref_slice %arg2[%add3A_61] : memref<16384000xf32, #tpu.memory_space<hbm>> -> memref<51200xf32, #tpu.memory_space<hbm>>
      tpu.wait_dma2 semaphore(%arg10 : memref<!tpu.dma_semaphore, #tpu.memory_space<semaphore_mem>>) src(%dma_wait3A_63 : memref<51200xf32, #tpu.memory_space<hbm>>) dst(%arg6 : memref<51200xf32, #tpu.memory_space<vmem>>)
      %add3A_64 = arith.constant 2 : i32
      %add3A_65 = arith.addi %add3A_36, %add3A_64 : i32
      %lt3A_66 = arith.constant 10 : i32
      %lt3A_67 = arith.cmpi slt, %add3A_65, %lt3A_66 : i32
      %convert_element_type3A = arith.extui %lt3A_67 : i1 to i32
      %cond3A = arith.constant 0 : i32
      %cond3A_68 = arith.cmpi ne, %convert_element_type3A, %cond3A : i32
      scf.if %cond3A_68 {
        %add3A_80 = arith.constant 2 : i32
        %add3A_81 = arith.addi %add3A_36, %add3A_80 : i32
        %mul3A_82 = arith.constant 51200 : i32
        %mul3A_83 = arith.muli %add3A_81, %mul3A_82 : i32
        %add3A_84 = arith.addi %mul3A_2, %mul3A_83 : i32
        %dma_start3A_85 = tpu.memref_slice %arg2[%add3A_84] : memref<16384000xf32, #tpu.memory_space<hbm>> -> memref<51200xf32, #tpu.memory_space<hbm>>
        %dma_start3A_86 = tpu.memref_slice %arg2[%add3A_84] : memref<16384000xf32, #tpu.memory_space<hbm>> -> memref<51200xf32, #tpu.memory_space<hbm>>
        tpu.enqueue_dma source(%dma_start3A_86 : memref<51200xf32, #tpu.memory_space<hbm>>) target(%arg5 : memref<51200xf32, #tpu.memory_space<vmem>>) target_semaphore(%arg9 : memref<!tpu.dma_semaphore, #tpu.memory_space<semaphore_mem>>)
      } else {
      }
      %add3A_69 = arith.constant 1 : i32
      %add3A_70 = arith.addi %add3A_36, %add3A_69 : i32
      %mul3A_71 = arith.constant 51200 : i32
      %mul3A_72 = arith.muli %add3A_70, %mul3A_71 : i32
      %add3A_73 = arith.addi %mul3A_13, %mul3A_72 : i32
      %scan3A_74 = arith.constant 0 : i32
      %scan3A_75 = arith.constant 128 : i32
      %scan3A_76 = arith.addi %scan3A_74, %scan3A_75 : i32
      %scan3A_77 = arith.constant 1 : i32
      %scan3A_78:3 = scf.for %scan3A_80 = %scan3A_74 to %scan3A_76 step %scan3A_77 iter_args(%scan3A_81 = %scan3A_55#0, %scan3A_82 = %scan3A_55#1, %scan3A_83 = %scan3A_55#2) -> (vector<16xf32>, vector<16xi32>, f32)  : i32 {
        %mul3A_84 = arith.constant 400 : i32
        %mul3A_85 = arith.muli %scan3A_80, %mul3A_84 : i32
        %add3A_86 = arith.constant 0 : i32
        %add3A_87 = arith.addi %mul3A_85, %add3A_86 : i32
        %get3A = arith.index_cast %add3A_87 : i32 to index
        %get3A_88 = tpu.vector_load %arg6[%get3A] {strides = array<i32>} : memref<51200xf32, #tpu.memory_space<vmem>>, vector<16xf32>,
        %add3A_89 = arith.constant 16 : i32
        %add3A_90 = arith.addi %mul3A_85, %add3A_89 : i32
        %get3A_91 = arith.index_cast %add3A_90 : i32 to index
        %get3A_92 = tpu.vector_load %arg6[%get3A_91] {strides = array<i32>} : memref<51200xf32, #tpu.memory_space<vmem>>, vector<16xf32>,
        %add3A_93 = arith.constant 32 : i32
        %add3A_94 = arith.addi %mul3A_85, %add3A_93 : i32
        %get3A_95 = arith.index_cast %add3A_94 : i32 to index
        %get3A_96 = tpu.vector_load %arg6[%get3A_95] {strides = array<i32>} : memref<51200xf32, #tpu.memory_space<vmem>>, vector<16xf32>,
        %add3A_97 = arith.constant 48 : i32
        %add3A_98 = arith.addi %mul3A_85, %add3A_97 : i32
        %get3A_99 = arith.index_cast %add3A_98 : i32 to index
        %get3A_100 = tpu.vector_load %arg6[%get3A_99] {strides = array<i32>} : memref<51200xf32, #tpu.memory_space<vmem>>, vector<16xf32>,
        %add3A_101 = arith.constant 64 : i32
        %add3A_102 = arith.addi %mul3A_85, %add3A_101 : i32
        %get3A_103 = arith.index_cast %add3A_102 : i32 to index
        %get3A_104 = tpu.vector_load %arg6[%get3A_103] {strides = array<i32>} : memref<51200xf32, #tpu.memory_space<vmem>>, vector<16xf32>,
        %add3A_105 = arith.constant 80 : i32
        %add3A_106 = arith.addi %mul3A_85, %add3A_105 : i32
        %get3A_107 = arith.index_cast %add3A_106 : i32 to index
        %get3A_108 = tpu.vector_load %arg6[%get3A_107] {strides = array<i32>} : memref<51200xf32, #tpu.memory_space<vmem>>, vector<16xf32>,
        %add3A_109 = arith.constant 96 : i32
        %add3A_110 = arith.addi %mul3A_85, %add3A_109 : i32
        %get3A_111 = arith.index_cast %add3A_110 : i32 to index
        %get3A_112 = tpu.vector_load %arg6[%get3A_111] {strides = array<i32>} : memref<51200xf32, #tpu.memory_space<vmem>>, vector<16xf32>,
        %add3A_113 = arith.constant 112 : i32
        %add3A_114 = arith.addi %mul3A_85, %add3A_113 : i32
        %get3A_115 = arith.index_cast %add3A_114 : i32 to index
        %get3A_116 = tpu.vector_load %arg6[%get3A_115] {strides = array<i32>} : memref<51200xf32, #tpu.memory_space<vmem>>, vector<16xf32>,
        %add3A_117 = arith.constant 128 : i32
        %add3A_118 = arith.addi %mul3A_85, %add3A_117 : i32
        %get3A_119 = arith.index_cast %add3A_118 : i32 to index
        %get3A_120 = tpu.vector_load %arg6[%get3A_119] {strides = array<i32>} : memref<51200xf32, #tpu.memory_space<vmem>>, vector<16xf32>,
        %add3A_121 = arith.constant 144 : i32
        %add3A_122 = arith.addi %mul3A_85, %add3A_121 : i32
        %get3A_123 = arith.index_cast %add3A_122 : i32 to index
        %get3A_124 = tpu.vector_load %arg6[%get3A_123] {strides = array<i32>} : memref<51200xf32, #tpu.memory_space<vmem>>, vector<16xf32>,
        %add3A_125 = arith.constant 160 : i32
        %add3A_126 = arith.addi %mul3A_85, %add3A_125 : i32
        %get3A_127 = arith.index_cast %add3A_126 : i32 to index
        %get3A_128 = tpu.vector_load %arg6[%get3A_127] {strides = array<i32>} : memref<51200xf32, #tpu.memory_space<vmem>>, vector<16xf32>,
        %add3A_129 = arith.constant 176 : i32
        %add3A_130 = arith.addi %mul3A_85, %add3A_129 : i32
        %get3A_131 = arith.index_cast %add3A_130 : i32 to index
        %get3A_132 = tpu.vector_load %arg6[%get3A_131] {strides = array<i32>} : memref<51200xf32, #tpu.memory_space<vmem>>, vector<16xf32>,
        %add3A_133 = arith.constant 192 : i32
        %add3A_134 = arith.addi %mul3A_85, %add3A_133 : i32
        %get3A_135 = arith.index_cast %add3A_134 : i32 to index
        %get3A_136 = tpu.vector_load %arg6[%get3A_135] {strides = array<i32>} : memref<51200xf32, #tpu.memory_space<vmem>>, vector<16xf32>,
        %add3A_137 = arith.constant 208 : i32
        %add3A_138 = arith.addi %mul3A_85, %add3A_137 : i32
        %get3A_139 = arith.index_cast %add3A_138 : i32 to index
        %get3A_140 = tpu.vector_load %arg6[%get3A_139] {strides = array<i32>} : memref<51200xf32, #tpu.memory_space<vmem>>, vector<16xf32>,
        %add3A_141 = arith.constant 224 : i32
        %add3A_142 = arith.addi %mul3A_85, %add3A_141 : i32
        %get3A_143 = arith.index_cast %add3A_142 : i32 to index
        %get3A_144 = tpu.vector_load %arg6[%get3A_143] {strides = array<i32>} : memref<51200xf32, #tpu.memory_space<vmem>>, vector<16xf32>,
        %add3A_145 = arith.constant 240 : i32
        %add3A_146 = arith.addi %mul3A_85, %add3A_145 : i32
        %get3A_147 = arith.index_cast %add3A_146 : i32 to index
        %get3A_148 = tpu.vector_load %arg6[%get3A_147] {strides = array<i32>} : memref<51200xf32, #tpu.memory_space<vmem>>, vector<16xf32>,
        %add3A_149 = arith.constant 256 : i32
        %add3A_150 = arith.addi %mul3A_85, %add3A_149 : i32
        %get3A_151 = arith.index_cast %add3A_150 : i32 to index
        %get3A_152 = tpu.vector_load %arg6[%get3A_151] {strides = array<i32>} : memref<51200xf32, #tpu.memory_space<vmem>>, vector<16xf32>,
        %add3A_153 = arith.constant 272 : i32
        %add3A_154 = arith.addi %mul3A_85, %add3A_153 : i32
        %get3A_155 = arith.index_cast %add3A_154 : i32 to index
        %get3A_156 = tpu.vector_load %arg6[%get3A_155] {strides = array<i32>} : memref<51200xf32, #tpu.memory_space<vmem>>, vector<16xf32>,
        %add3A_157 = arith.constant 288 : i32
        %add3A_158 = arith.addi %mul3A_85, %add3A_157 : i32
        %get3A_159 = arith.index_cast %add3A_158 : i32 to index
        %get3A_160 = tpu.vector_load %arg6[%get3A_159] {strides = array<i32>} : memref<51200xf32, #tpu.memory_space<vmem>>, vector<16xf32>,
        %add3A_161 = arith.constant 304 : i32
        %add3A_162 = arith.addi %mul3A_85, %add3A_161 : i32
        %get3A_163 = arith.index_cast %add3A_162 : i32 to index
        %get3A_164 = tpu.vector_load %arg6[%get3A_163] {strides = array<i32>} : memref<51200xf32, #tpu.memory_space<vmem>>, vector<16xf32>,
        %add3A_165 = arith.constant 320 : i32
        %add3A_166 = arith.addi %mul3A_85, %add3A_165 : i32
        %get3A_167 = arith.index_cast %add3A_166 : i32 to index
        %get3A_168 = tpu.vector_load %arg6[%get3A_167] {strides = array<i32>} : memref<51200xf32, #tpu.memory_space<vmem>>, vector<16xf32>,
        %add3A_169 = arith.constant 336 : i32
        %add3A_170 = arith.addi %mul3A_85, %add3A_169 : i32
        %get3A_171 = arith.index_cast %add3A_170 : i32 to index
        %get3A_172 = tpu.vector_load %arg6[%get3A_171] {strides = array<i32>} : memref<51200xf32, #tpu.memory_space<vmem>>, vector<16xf32>,
        %add3A_173 = arith.constant 352 : i32
        %add3A_174 = arith.addi %mul3A_85, %add3A_173 : i32
        %get3A_175 = arith.index_cast %add3A_174 : i32 to index
        %get3A_176 = tpu.vector_load %arg6[%get3A_175] {strides = array<i32>} : memref<51200xf32, #tpu.memory_space<vmem>>, vector<16xf32>,
        %add3A_177 = arith.constant 368 : i32
        %add3A_178 = arith.addi %mul3A_85, %add3A_177 : i32
        %get3A_179 = arith.index_cast %add3A_178 : i32 to index
        %get3A_180 = tpu.vector_load %arg6[%get3A_179] {strides = array<i32>} : memref<51200xf32, #tpu.memory_space<vmem>>, vector<16xf32>,
        %add3A_181 = arith.constant 384 : i32
        %add3A_182 = arith.addi %mul3A_85, %add3A_181 : i32
        %get3A_183 = arith.index_cast %add3A_182 : i32 to index
        %get3A_184 = tpu.vector_load %arg6[%get3A_183] {strides = array<i32>} : memref<51200xf32, #tpu.memory_space<vmem>>, vector<16xf32>,
        %max3A = arith.maximumf %get3A_88, %get3A_92 : vector<16xf32>
        %max3A_185 = arith.maximumf %get3A_96, %get3A_100 : vector<16xf32>
        %max3A_186 = arith.maximumf %get3A_104, %get3A_108 : vector<16xf32>
        %max3A_187 = arith.maximumf %get3A_112, %get3A_116 : vector<16xf32>
        %max3A_188 = arith.maximumf %get3A_120, %get3A_124 : vector<16xf32>
        %max3A_189 = arith.maximumf %get3A_128, %get3A_132 : vector<16xf32>
        %max3A_190 = arith.maximumf %get3A_136, %get3A_140 : vector<16xf32>
        %max3A_191 = arith.maximumf %get3A_144, %get3A_148 : vector<16xf32>
        %max3A_192 = arith.maximumf %get3A_152, %get3A_156 : vector<16xf32>
        %max3A_193 = arith.maximumf %get3A_160, %get3A_164 : vector<16xf32>
        %max3A_194 = arith.maximumf %get3A_168, %get3A_172 : vector<16xf32>
        %max3A_195 = arith.maximumf %get3A_176, %get3A_180 : vector<16xf32>
        %max3A_196 = arith.maximumf %max3A, %max3A_185 : vector<16xf32>
        %max3A_197 = arith.maximumf %max3A_186, %max3A_187 : vector<16xf32>
        %max3A_198 = arith.maximumf %max3A_188, %max3A_189 : vector<16xf32>
        %max3A_199 = arith.maximumf %max3A_190, %max3A_191 : vector<16xf32>
        %max3A_200 = arith.maximumf %max3A_192, %max3A_193 : vector<16xf32>
        %max3A_201 = arith.maximumf %max3A_194, %max3A_195 : vector<16xf32>
        %max3A_202 = arith.maximumf %max3A_196, %max3A_197 : vector<16xf32>
        %max3A_203 = arith.maximumf %max3A_198, %max3A_199 : vector<16xf32>
        %max3A_204 = arith.maximumf %max3A_200, %max3A_201 : vector<16xf32>
        %max3A_205 = arith.maximumf %max3A_202, %max3A_203 : vector<16xf32>
        %max3A_206 = arith.maximumf %max3A_204, %get3A_184 : vector<16xf32>
        %max3A_207 = arith.maximumf %max3A_205, %max3A_206 : vector<16xf32>
        %reduce_max3A = arith.constant true
        %reduce_max3A_208 = vector.broadcast %reduce_max3A : i1 to vector<16xi1>
        %reduce_max3A_209 = tpu.scan <max>, %max3A_207 masked %reduce_max3A_208 : vector<16xf32>, vector<16xi1> -> vector<16xf32>
        %reduce_max3A_210 = vector.extract %reduce_max3A_209[15] : f32 from vector<16xf32>
        %gt3A = arith.cmpf ogt, %reduce_max3A_210, %scan3A_83 : f32
        %convert_element_type3A_211 = arith.extui %gt3A : i1 to i32
        %cond3A_212 = arith.constant 0 : i32
        %cond3A_213 = arith.cmpi ne, %convert_element_type3A_211, %cond3A_212 : i32
        %cond3A_214:3 = scf.if %cond3A_213 -> (vector<16xf32>, vector<16xi32>, f32) {
          %reduce_max3A_215 = arith.constant true
          %reduce_max3A_216 = vector.broadcast %reduce_max3A_215 : i1 to vector<16xi1>
          %reduce_max3A_217 = tpu.scan <max>, %get3A_88 masked %reduce_max3A_216 : vector<16xf32>, vector<16xi1> -> vector<16xf32>
          %reduce_max3A_218 = vector.extract %reduce_max3A_217[15] : f32 from vector<16xf32>
          %gt3A_219 = arith.cmpf ogt, %reduce_max3A_218, %scan3A_83 : f32
          %convert_element_type3A_220 = arith.extui %gt3A_219 : i1 to i32
          %cond3A_221 = arith.constant 0 : i32
          %cond3A_222 = arith.cmpi ne, %convert_element_type3A_220, %cond3A_221 : i32
          %cond3A_223:3 = scf.if %cond3A_222 -> (vector<16xf32>, vector<16xi32>, f32) {
            %add3A_440 = arith.addi %add3A_73, %mul3A_85 : i32
            %add3A_441 = arith.constant 0 : i32
            %add3A_442 = arith.addi %add3A_440, %add3A_441 : i32
            %add3A_443 = vector.broadcast %add3A_442 : i32 to vector<16xi32>
            %add3A_444 = arith.addi %add3A_443, %iota3A : vector<16xi32>
            %masked_sort3A = arith.constant dense<true> : vector<16xi1>
            %masked_sort3A_445, %masked_sort3A_446, %masked_sort3A_447 = tpu.sort %get3A_88, %add3A_444 masked %masked_sort3A {descending = true} : (vector<16xf32>, vector<16xi32>, vector<16xi1>) -> (vector<16xi1>, vector<16xf32>, vector<16xi32>)
            %max3A_448 = arith.maximumf %scan3A_81, %masked_sort3A_446 : vector<16xf32>
            %ge3A = arith.cmpf oge, %scan3A_81, %masked_sort3A_446 : vector<16xf32>
            %select_n3A_449 = arith.select %ge3A, %scan3A_82, %masked_sort3A_447 : vector<16xi1>, vector<16xi32>
            %masked_sort3A_450 = arith.constant dense<true> : vector<16xi1>
            %masked_sort3A_451, %masked_sort3A_452, %masked_sort3A_453 = tpu.sort %max3A_448, %select_n3A_449 masked %masked_sort3A_450 : (vector<16xf32>, vector<16xi32>, vector<16xi1>) -> (vector<16xi1>, vector<16xf32>, vector<16xi32>)
            %reduce_min3A = arith.constant true
            %reduce_min3A_454 = vector.broadcast %reduce_min3A : i1 to vector<16xi1>
            %reduce_min3A_455 = tpu.scan <min>, %masked_sort3A_452 masked %reduce_min3A_454 : vector<16xf32>, vector<16xi1> -> vector<16xf32>
            %reduce_min3A_456 = vector.extract %reduce_min3A_455[15] : f32 from vector<16xf32>
            scf.yield %masked_sort3A_452, %masked_sort3A_453, %reduce_min3A_456 : vector<16xf32>, vector<16xi32>, f32
          } else {
            scf.yield %scan3A_81, %scan3A_82, %scan3A_83 : vector<16xf32>, vector<16xi32>, f32
          }
          %reduce_max3A_224 = arith.constant true
          %reduce_max3A_225 = vector.broadcast %reduce_max3A_224 : i1 to vector<16xi1>
          %reduce_max3A_226 = tpu.scan <max>, %get3A_92 masked %reduce_max3A_225 : vector<16xf32>, vector<16xi1> -> vector<16xf32>
          %reduce_max3A_227 = vector.extract %reduce_max3A_226[15] : f32 from vector<16xf32>
          %gt3A_228 = arith.cmpf ogt, %reduce_max3A_227, %cond3A_223#2 : f32
          %convert_element_type3A_229 = arith.extui %gt3A_228 : i1 to i32
          %cond3A_230 = arith.constant 0 : i32
          %cond3A_231 = arith.cmpi ne, %convert_element_type3A_229, %cond3A_230 : i32
          %cond3A_232:3 = scf.if %cond3A_231 -> (vector<16xf32>, vector<16xi32>, f32) {
            %add3A_440 = arith.addi %add3A_73, %mul3A_85 : i32
            %add3A_441 = arith.constant 16 : i32
            %add3A_442 = arith.addi %add3A_440, %add3A_441 : i32
            %add3A_443 = vector.broadcast %add3A_442 : i32 to vector<16xi32>
            %add3A_444 = arith.addi %add3A_443, %iota3A : vector<16xi32>
            %masked_sort3A = arith.constant dense<true> : vector<16xi1>
            %masked_sort3A_445, %masked_sort3A_446, %masked_sort3A_447 = tpu.sort %get3A_92, %add3A_444 masked %masked_sort3A {descending = true} : (vector<16xf32>, vector<16xi32>, vector<16xi1>) -> (vector<16xi1>, vector<16xf32>, vector<16xi32>)
            %max3A_448 = arith.maximumf %cond3A_223#0, %masked_sort3A_446 : vector<16xf32>
            %ge3A = arith.cmpf oge, %cond3A_223#0, %masked_sort3A_446 : vector<16xf32>
            %select_n3A_449 = arith.select %ge3A, %cond3A_223#1, %masked_sort3A_447 : vector<16xi1>, vector<16xi32>
            %masked_sort3A_450 = arith.constant dense<true> : vector<16xi1>
            %masked_sort3A_451, %masked_sort3A_452, %masked_sort3A_453 = tpu.sort %max3A_448, %select_n3A_449 masked %masked_sort3A_450 : (vector<16xf32>, vector<16xi32>, vector<16xi1>) -> (vector<16xi1>, vector<16xf32>, vector<16xi32>)
            %reduce_min3A = arith.constant true
            %reduce_min3A_454 = vector.broadcast %reduce_min3A : i1 to vector<16xi1>
            %reduce_min3A_455 = tpu.scan <min>, %masked_sort3A_452 masked %reduce_min3A_454 : vector<16xf32>, vector<16xi1> -> vector<16xf32>
            %reduce_min3A_456 = vector.extract %reduce_min3A_455[15] : f32 from vector<16xf32>
            scf.yield %masked_sort3A_452, %masked_sort3A_453, %reduce_min3A_456 : vector<16xf32>, vector<16xi32>, f32
          } else {
            scf.yield %cond3A_223#0, %cond3A_223#1, %cond3A_223#2 : vector<16xf32>, vector<16xi32>, f32
          }
          %reduce_max3A_233 = arith.constant true
          %reduce_max3A_234 = vector.broadcast %reduce_max3A_233 : i1 to vector<16xi1>
          %reduce_max3A_235 = tpu.scan <max>, %get3A_96 masked %reduce_max3A_234 : vector<16xf32>, vector<16xi1> -> vector<16xf32>
          %reduce_max3A_236 = vector.extract %reduce_max3A_235[15] : f32 from vector<16xf32>
          %gt3A_237 = arith.cmpf ogt, %reduce_max3A_236, %cond3A_232#2 : f32
          %convert_element_type3A_238 = arith.extui %gt3A_237 : i1 to i32
          %cond3A_239 = arith.constant 0 : i32
          %cond3A_240 = arith.cmpi ne, %convert_element_type3A_238, %cond3A_239 : i32
          %cond3A_241:3 = scf.if %cond3A_240 -> (vector<16xf32>, vector<16xi32>, f32) {
            %add3A_440 = arith.addi %add3A_73, %mul3A_85 : i32
            %add3A_441 = arith.constant 32 : i32
            %add3A_442 = arith.addi %add3A_440, %add3A_441 : i32
            %add3A_443 = vector.broadcast %add3A_442 : i32 to vector<16xi32>
            %add3A_444 = arith.addi %add3A_443, %iota3A : vector<16xi32>
            %masked_sort3A = arith.constant dense<true> : vector<16xi1>
            %masked_sort3A_445, %masked_sort3A_446, %masked_sort3A_447 = tpu.sort %get3A_96, %add3A_444 masked %masked_sort3A {descending = true} : (vector<16xf32>, vector<16xi32>, vector<16xi1>) -> (vector<16xi1>, vector<16xf32>, vector<16xi32>)
            %max3A_448 = arith.maximumf %cond3A_232#0, %masked_sort3A_446 : vector<16xf32>
            %ge3A = arith.cmpf oge, %cond3A_232#0, %masked_sort3A_446 : vector<16xf32>
            %select_n3A_449 = arith.select %ge3A, %cond3A_232#1, %masked_sort3A_447 : vector<16xi1>, vector<16xi32>
            %masked_sort3A_450 = arith.constant dense<true> : vector<16xi1>
            %masked_sort3A_451, %masked_sort3A_452, %masked_sort3A_453 = tpu.sort %max3A_448, %select_n3A_449 masked %masked_sort3A_450 : (vector<16xf32>, vector<16xi32>, vector<16xi1>) -> (vector<16xi1>, vector<16xf32>, vector<16xi32>)
            %reduce_min3A = arith.constant true
            %reduce_min3A_454 = vector.broadcast %reduce_min3A : i1 to vector<16xi1>
            %reduce_min3A_455 = tpu.scan <min>, %masked_sort3A_452 masked %reduce_min3A_454 : vector<16xf32>, vector<16xi1> -> vector<16xf32>
            %reduce_min3A_456 = vector.extract %reduce_min3A_455[15] : f32 from vector<16xf32>
            scf.yield %masked_sort3A_452, %masked_sort3A_453, %reduce_min3A_456 : vector<16xf32>, vector<16xi32>, f32
          } else {
            scf.yield %cond3A_232#0, %cond3A_232#1, %cond3A_232#2 : vector<16xf32>, vector<16xi32>, f32
          }
          %reduce_max3A_242 = arith.constant true
          %reduce_max3A_243 = vector.broadcast %reduce_max3A_242 : i1 to vector<16xi1>
          %reduce_max3A_244 = tpu.scan <max>, %get3A_100 masked %reduce_max3A_243 : vector<16xf32>, vector<16xi1> -> vector<16xf32>
          %reduce_max3A_245 = vector.extract %reduce_max3A_244[15] : f32 from vector<16xf32>
          %gt3A_246 = arith.cmpf ogt, %reduce_max3A_245, %cond3A_241#2 : f32
          %convert_element_type3A_247 = arith.extui %gt3A_246 : i1 to i32
          %cond3A_248 = arith.constant 0 : i32
          %cond3A_249 = arith.cmpi ne, %convert_element_type3A_247, %cond3A_248 : i32
          %cond3A_250:3 = scf.if %cond3A_249 -> (vector<16xf32>, vector<16xi32>, f32) {
            %add3A_440 = arith.addi %add3A_73, %mul3A_85 : i32
            %add3A_441 = arith.constant 48 : i32
            %add3A_442 = arith.addi %add3A_440, %add3A_441 : i32
            %add3A_443 = vector.broadcast %add3A_442 : i32 to vector<16xi32>
            %add3A_444 = arith.addi %add3A_443, %iota3A : vector<16xi32>
            %masked_sort3A = arith.constant dense<true> : vector<16xi1>
            %masked_sort3A_445, %masked_sort3A_446, %masked_sort3A_447 = tpu.sort %get3A_100, %add3A_444 masked %masked_sort3A {descending = true} : (vector<16xf32>, vector<16xi32>, vector<16xi1>) -> (vector<16xi1>, vector<16xf32>, vector<16xi32>)
            %max3A_448 = arith.maximumf %cond3A_241#0, %masked_sort3A_446 : vector<16xf32>
            %ge3A = arith.cmpf oge, %cond3A_241#0, %masked_sort3A_446 : vector<16xf32>
            %select_n3A_449 = arith.select %ge3A, %cond3A_241#1, %masked_sort3A_447 : vector<16xi1>, vector<16xi32>
            %masked_sort3A_450 = arith.constant dense<true> : vector<16xi1>
            %masked_sort3A_451, %masked_sort3A_452, %masked_sort3A_453 = tpu.sort %max3A_448, %select_n3A_449 masked %masked_sort3A_450 : (vector<16xf32>, vector<16xi32>, vector<16xi1>) -> (vector<16xi1>, vector<16xf32>, vector<16xi32>)
            %reduce_min3A = arith.constant true
            %reduce_min3A_454 = vector.broadcast %reduce_min3A : i1 to vector<16xi1>
            %reduce_min3A_455 = tpu.scan <min>, %masked_sort3A_452 masked %reduce_min3A_454 : vector<16xf32>, vector<16xi1> -> vector<16xf32>
            %reduce_min3A_456 = vector.extract %reduce_min3A_455[15] : f32 from vector<16xf32>
            scf.yield %masked_sort3A_452, %masked_sort3A_453, %reduce_min3A_456 : vector<16xf32>, vector<16xi32>, f32
          } else {
            scf.yield %cond3A_241#0, %cond3A_241#1, %cond3A_241#2 : vector<16xf32>, vector<16xi32>, f32
          }
          %reduce_max3A_251 = arith.constant true
          %reduce_max3A_252 = vector.broadcast %reduce_max3A_251 : i1 to vector<16xi1>
          %reduce_max3A_253 = tpu.scan <max>, %get3A_104 masked %reduce_max3A_252 : vector<16xf32>, vector<16xi1> -> vector<16xf32>
          %reduce_max3A_254 = vector.extract %reduce_max3A_253[15] : f32 from vector<16xf32>
          %gt3A_255 = arith.cmpf ogt, %reduce_max3A_254, %cond3A_250#2 : f32
          %convert_element_type3A_256 = arith.extui %gt3A_255 : i1 to i32
          %cond3A_257 = arith.constant 0 : i32
          %cond3A_258 = arith.cmpi ne, %convert_element_type3A_256, %cond3A_257 : i32
          %cond3A_259:3 = scf.if %cond3A_258 -> (vector<16xf32>, vector<16xi32>, f32) {
            %add3A_440 = arith.addi %add3A_73, %mul3A_85 : i32
            %add3A_441 = arith.constant 64 : i32
            %add3A_442 = arith.addi %add3A_440, %add3A_441 : i32
            %add3A_443 = vector.broadcast %add3A_442 : i32 to vector<16xi32>
            %add3A_444 = arith.addi %add3A_443, %iota3A : vector<16xi32>
            %masked_sort3A = arith.constant dense<true> : vector<16xi1>
            %masked_sort3A_445, %masked_sort3A_446, %masked_sort3A_447 = tpu.sort %get3A_104, %add3A_444 masked %masked_sort3A {descending = true} : (vector<16xf32>, vector<16xi32>, vector<16xi1>) -> (vector<16xi1>, vector<16xf32>, vector<16xi32>)
            %max3A_448 = arith.maximumf %cond3A_250#0, %masked_sort3A_446 : vector<16xf32>
            %ge3A = arith.cmpf oge, %cond3A_250#0, %masked_sort3A_446 : vector<16xf32>
            %select_n3A_449 = arith.select %ge3A, %cond3A_250#1, %masked_sort3A_447 : vector<16xi1>, vector<16xi32>
            %masked_sort3A_450 = arith.constant dense<true> : vector<16xi1>
            %masked_sort3A_451, %masked_sort3A_452, %masked_sort3A_453 = tpu.sort %max3A_448, %select_n3A_449 masked %masked_sort3A_450 : (vector<16xf32>, vector<16xi32>, vector<16xi1>) -> (vector<16xi1>, vector<16xf32>, vector<16xi32>)
            %reduce_min3A = arith.constant true
            %reduce_min3A_454 = vector.broadcast %reduce_min3A : i1 to vector<16xi1>
            %reduce_min3A_455 = tpu.scan <min>, %masked_sort3A_452 masked %reduce_min3A_454 : vector<16xf32>, vector<16xi1> -> vector<16xf32>
            %reduce_min3A_456 = vector.extract %reduce_min3A_455[15] : f32 from vector<16xf32>
            scf.yield %masked_sort3A_452, %masked_sort3A_453, %reduce_min3A_456 : vector<16xf32>, vector<16xi32>, f32
          } else {
            scf.yield %cond3A_250#0, %cond3A_250#1, %cond3A_250#2 : vector<16xf32>, vector<16xi32>, f32
          }
          %reduce_max3A_260 = arith.constant true
          %reduce_max3A_261 = vector.broadcast %reduce_max3A_260 : i1 to vector<16xi1>
          %reduce_max3A_262 = tpu.scan <max>, %get3A_108 masked %reduce_max3A_261 : vector<16xf32>, vector<16xi1> -> vector<16xf32>
          %reduce_max3A_263 = vector.extract %reduce_max3A_262[15] : f32 from vector<16xf32>
          %gt3A_264 = arith.cmpf ogt, %reduce_max3A_263, %cond3A_259#2 : f32
          %convert_element_type3A_265 = arith.extui %gt3A_264 : i1 to i32
          %cond3A_266 = arith.constant 0 : i32
          %cond3A_267 = arith.cmpi ne, %convert_element_type3A_265, %cond3A_266 : i32
          %cond3A_268:3 = scf.if %cond3A_267 -> (vector<16xf32>, vector<16xi32>, f32) {
            %add3A_440 = arith.addi %add3A_73, %mul3A_85 : i32
            %add3A_441 = arith.constant 80 : i32
            %add3A_442 = arith.addi %add3A_440, %add3A_441 : i32
            %add3A_443 = vector.broadcast %add3A_442 : i32 to vector<16xi32>
            %add3A_444 = arith.addi %add3A_443, %iota3A : vector<16xi32>
            %masked_sort3A = arith.constant dense<true> : vector<16xi1>
            %masked_sort3A_445, %masked_sort3A_446, %masked_sort3A_447 = tpu.sort %get3A_108, %add3A_444 masked %masked_sort3A {descending = true} : (vector<16xf32>, vector<16xi32>, vector<16xi1>) -> (vector<16xi1>, vector<16xf32>, vector<16xi32>)
            %max3A_448 = arith.maximumf %cond3A_259#0, %masked_sort3A_446 : vector<16xf32>
            %ge3A = arith.cmpf oge, %cond3A_259#0, %masked_sort3A_446 : vector<16xf32>
            %select_n3A_449 = arith.select %ge3A, %cond3A_259#1, %masked_sort3A_447 : vector<16xi1>, vector<16xi32>
            %masked_sort3A_450 = arith.constant dense<true> : vector<16xi1>
            %masked_sort3A_451, %masked_sort3A_452, %masked_sort3A_453 = tpu.sort %max3A_448, %select_n3A_449 masked %masked_sort3A_450 : (vector<16xf32>, vector<16xi32>, vector<16xi1>) -> (vector<16xi1>, vector<16xf32>, vector<16xi32>)
            %reduce_min3A = arith.constant true
            %reduce_min3A_454 = vector.broadcast %reduce_min3A : i1 to vector<16xi1>
            %reduce_min3A_455 = tpu.scan <min>, %masked_sort3A_452 masked %reduce_min3A_454 : vector<16xf32>, vector<16xi1> -> vector<16xf32>
            %reduce_min3A_456 = vector.extract %reduce_min3A_455[15] : f32 from vector<16xf32>
            scf.yield %masked_sort3A_452, %masked_sort3A_453, %reduce_min3A_456 : vector<16xf32>, vector<16xi32>, f32
          } else {
            scf.yield %cond3A_259#0, %cond3A_259#1, %cond3A_259#2 : vector<16xf32>, vector<16xi32>, f32
          }
          %reduce_max3A_269 = arith.constant true
          %reduce_max3A_270 = vector.broadcast %reduce_max3A_269 : i1 to vector<16xi1>
          %reduce_max3A_271 = tpu.scan <max>, %get3A_112 masked %reduce_max3A_270 : vector<16xf32>, vector<16xi1> -> vector<16xf32>
          %reduce_max3A_272 = vector.extract %reduce_max3A_271[15] : f32 from vector<16xf32>
          %gt3A_273 = arith.cmpf ogt, %reduce_max3A_272, %cond3A_268#2 : f32
          %convert_element_type3A_274 = arith.extui %gt3A_273 : i1 to i32
          %cond3A_275 = arith.constant 0 : i32
          %cond3A_276 = arith.cmpi ne, %convert_element_type3A_274, %cond3A_275 : i32
          %cond3A_277:3 = scf.if %cond3A_276 -> (vector<16xf32>, vector<16xi32>, f32) {
            %add3A_440 = arith.addi %add3A_73, %mul3A_85 : i32
            %add3A_441 = arith.constant 96 : i32
            %add3A_442 = arith.addi %add3A_440, %add3A_441 : i32
            %add3A_443 = vector.broadcast %add3A_442 : i32 to vector<16xi32>
            %add3A_444 = arith.addi %add3A_443, %iota3A : vector<16xi32>
            %masked_sort3A = arith.constant dense<true> : vector<16xi1>
            %masked_sort3A_445, %masked_sort3A_446, %masked_sort3A_447 = tpu.sort %get3A_112, %add3A_444 masked %masked_sort3A {descending = true} : (vector<16xf32>, vector<16xi32>, vector<16xi1>) -> (vector<16xi1>, vector<16xf32>, vector<16xi32>)
            %max3A_448 = arith.maximumf %cond3A_268#0, %masked_sort3A_446 : vector<16xf32>
            %ge3A = arith.cmpf oge, %cond3A_268#0, %masked_sort3A_446 : vector<16xf32>
            %select_n3A_449 = arith.select %ge3A, %cond3A_268#1, %masked_sort3A_447 : vector<16xi1>, vector<16xi32>
            %masked_sort3A_450 = arith.constant dense<true> : vector<16xi1>
            %masked_sort3A_451, %masked_sort3A_452, %masked_sort3A_453 = tpu.sort %max3A_448, %select_n3A_449 masked %masked_sort3A_450 : (vector<16xf32>, vector<16xi32>, vector<16xi1>) -> (vector<16xi1>, vector<16xf32>, vector<16xi32>)
            %reduce_min3A = arith.constant true
            %reduce_min3A_454 = vector.broadcast %reduce_min3A : i1 to vector<16xi1>
            %reduce_min3A_455 = tpu.scan <min>, %masked_sort3A_452 masked %reduce_min3A_454 : vector<16xf32>, vector<16xi1> -> vector<16xf32>
            %reduce_min3A_456 = vector.extract %reduce_min3A_455[15] : f32 from vector<16xf32>
            scf.yield %masked_sort3A_452, %masked_sort3A_453, %reduce_min3A_456 : vector<16xf32>, vector<16xi32>, f32
          } else {
            scf.yield %cond3A_268#0, %cond3A_268#1, %cond3A_268#2 : vector<16xf32>, vector<16xi32>, f32
          }
          %reduce_max3A_278 = arith.constant true
          %reduce_max3A_279 = vector.broadcast %reduce_max3A_278 : i1 to vector<16xi1>
          %reduce_max3A_280 = tpu.scan <max>, %get3A_116 masked %reduce_max3A_279 : vector<16xf32>, vector<16xi1> -> vector<16xf32>
          %reduce_max3A_281 = vector.extract %reduce_max3A_280[15] : f32 from vector<16xf32>
          %gt3A_282 = arith.cmpf ogt, %reduce_max3A_281, %cond3A_277#2 : f32
          %convert_element_type3A_283 = arith.extui %gt3A_282 : i1 to i32
          %cond3A_284 = arith.constant 0 : i32
          %cond3A_285 = arith.cmpi ne, %convert_element_type3A_283, %cond3A_284 : i32
          %cond3A_286:3 = scf.if %cond3A_285 -> (vector<16xf32>, vector<16xi32>, f32) {
            %add3A_440 = arith.addi %add3A_73, %mul3A_85 : i32
            %add3A_441 = arith.constant 112 : i32
            %add3A_442 = arith.addi %add3A_440, %add3A_441 : i32
            %add3A_443 = vector.broadcast %add3A_442 : i32 to vector<16xi32>
            %add3A_444 = arith.addi %add3A_443, %iota3A : vector<16xi32>
            %masked_sort3A = arith.constant dense<true> : vector<16xi1>
            %masked_sort3A_445, %masked_sort3A_446, %masked_sort3A_447 = tpu.sort %get3A_116, %add3A_444 masked %masked_sort3A {descending = true} : (vector<16xf32>, vector<16xi32>, vector<16xi1>) -> (vector<16xi1>, vector<16xf32>, vector<16xi32>)
            %max3A_448 = arith.maximumf %cond3A_277#0, %masked_sort3A_446 : vector<16xf32>
            %ge3A = arith.cmpf oge, %cond3A_277#0, %masked_sort3A_446 : vector<16xf32>
            %select_n3A_449 = arith.select %ge3A, %cond3A_277#1, %masked_sort3A_447 : vector<16xi1>, vector<16xi32>
            %masked_sort3A_450 = arith.constant dense<true> : vector<16xi1>
            %masked_sort3A_451, %masked_sort3A_452, %masked_sort3A_453 = tpu.sort %max3A_448, %select_n3A_449 masked %masked_sort3A_450 : (vector<16xf32>, vector<16xi32>, vector<16xi1>) -> (vector<16xi1>, vector<16xf32>, vector<16xi32>)
            %reduce_min3A = arith.constant true
            %reduce_min3A_454 = vector.broadcast %reduce_min3A : i1 to vector<16xi1>
            %reduce_min3A_455 = tpu.scan <min>, %masked_sort3A_452 masked %reduce_min3A_454 : vector<16xf32>, vector<16xi1> -> vector<16xf32>
            %reduce_min3A_456 = vector.extract %reduce_min3A_455[15] : f32 from vector<16xf32>
            scf.yield %masked_sort3A_452, %masked_sort3A_453, %reduce_min3A_456 : vector<16xf32>, vector<16xi32>, f32
          } else {
            scf.yield %cond3A_277#0, %cond3A_277#1, %cond3A_277#2 : vector<16xf32>, vector<16xi32>, f32
          }
          %reduce_max3A_287 = arith.constant true
          %reduce_max3A_288 = vector.broadcast %reduce_max3A_287 : i1 to vector<16xi1>
          %reduce_max3A_289 = tpu.scan <max>, %get3A_120 masked %reduce_max3A_288 : vector<16xf32>, vector<16xi1> -> vector<16xf32>
          %reduce_max3A_290 = vector.extract %reduce_max3A_289[15] : f32 from vector<16xf32>
          %gt3A_291 = arith.cmpf ogt, %reduce_max3A_290, %cond3A_286#2 : f32
          %convert_element_type3A_292 = arith.extui %gt3A_291 : i1 to i32
          %cond3A_293 = arith.constant 0 : i32
          %cond3A_294 = arith.cmpi ne, %convert_element_type3A_292, %cond3A_293 : i32
          %cond3A_295:3 = scf.if %cond3A_294 -> (vector<16xf32>, vector<16xi32>, f32) {
            %add3A_440 = arith.addi %add3A_73, %mul3A_85 : i32
            %add3A_441 = arith.constant 128 : i32
            %add3A_442 = arith.addi %add3A_440, %add3A_441 : i32
            %add3A_443 = vector.broadcast %add3A_442 : i32 to vector<16xi32>
            %add3A_444 = arith.addi %add3A_443, %iota3A : vector<16xi32>
            %masked_sort3A = arith.constant dense<true> : vector<16xi1>
            %masked_sort3A_445, %masked_sort3A_446, %masked_sort3A_447 = tpu.sort %get3A_120, %add3A_444 masked %masked_sort3A {descending = true} : (vector<16xf32>, vector<16xi32>, vector<16xi1>) -> (vector<16xi1>, vector<16xf32>, vector<16xi32>)
            %max3A_448 = arith.maximumf %cond3A_286#0, %masked_sort3A_446 : vector<16xf32>
            %ge3A = arith.cmpf oge, %cond3A_286#0, %masked_sort3A_446 : vector<16xf32>
            %select_n3A_449 = arith.select %ge3A, %cond3A_286#1, %masked_sort3A_447 : vector<16xi1>, vector<16xi32>
            %masked_sort3A_450 = arith.constant dense<true> : vector<16xi1>
            %masked_sort3A_451, %masked_sort3A_452, %masked_sort3A_453 = tpu.sort %max3A_448, %select_n3A_449 masked %masked_sort3A_450 : (vector<16xf32>, vector<16xi32>, vector<16xi1>) -> (vector<16xi1>, vector<16xf32>, vector<16xi32>)
            %reduce_min3A = arith.constant true
            %reduce_min3A_454 = vector.broadcast %reduce_min3A : i1 to vector<16xi1>
            %reduce_min3A_455 = tpu.scan <min>, %masked_sort3A_452 masked %reduce_min3A_454 : vector<16xf32>, vector<16xi1> -> vector<16xf32>
            %reduce_min3A_456 = vector.extract %reduce_min3A_455[15] : f32 from vector<16xf32>
            scf.yield %masked_sort3A_452, %masked_sort3A_453, %reduce_min3A_456 : vector<16xf32>, vector<16xi32>, f32
          } else {
            scf.yield %cond3A_286#0, %cond3A_286#1, %cond3A_286#2 : vector<16xf32>, vector<16xi32>, f32
          }
          %reduce_max3A_296 = arith.constant true
          %reduce_max3A_297 = vector.broadcast %reduce_max3A_296 : i1 to vector<16xi1>
          %reduce_max3A_298 = tpu.scan <max>, %get3A_124 masked %reduce_max3A_297 : vector<16xf32>, vector<16xi1> -> vector<16xf32>
          %reduce_max3A_299 = vector.extract %reduce_max3A_298[15] : f32 from vector<16xf32>
          %gt3A_300 = arith.cmpf ogt, %reduce_max3A_299, %cond3A_295#2 : f32
          %convert_element_type3A_301 = arith.extui %gt3A_300 : i1 to i32
          %cond3A_302 = arith.constant 0 : i32
          %cond3A_303 = arith.cmpi ne, %convert_element_type3A_301, %cond3A_302 : i32
          %cond3A_304:3 = scf.if %cond3A_303 -> (vector<16xf32>, vector<16xi32>, f32) {
            %add3A_440 = arith.addi %add3A_73, %mul3A_85 : i32
            %add3A_441 = arith.constant 144 : i32
            %add3A_442 = arith.addi %add3A_440, %add3A_441 : i32
            %add3A_443 = vector.broadcast %add3A_442 : i32 to vector<16xi32>
            %add3A_444 = arith.addi %add3A_443, %iota3A : vector<16xi32>
            %masked_sort3A = arith.constant dense<true> : vector<16xi1>
            %masked_sort3A_445, %masked_sort3A_446, %masked_sort3A_447 = tpu.sort %get3A_124, %add3A_444 masked %masked_sort3A {descending = true} : (vector<16xf32>, vector<16xi32>, vector<16xi1>) -> (vector<16xi1>, vector<16xf32>, vector<16xi32>)
            %max3A_448 = arith.maximumf %cond3A_295#0, %masked_sort3A_446 : vector<16xf32>
            %ge3A = arith.cmpf oge, %cond3A_295#0, %masked_sort3A_446 : vector<16xf32>
            %select_n3A_449 = arith.select %ge3A, %cond3A_295#1, %masked_sort3A_447 : vector<16xi1>, vector<16xi32>
            %masked_sort3A_450 = arith.constant dense<true> : vector<16xi1>
            %masked_sort3A_451, %masked_sort3A_452, %masked_sort3A_453 = tpu.sort %max3A_448, %select_n3A_449 masked %masked_sort3A_450 : (vector<16xf32>, vector<16xi32>, vector<16xi1>) -> (vector<16xi1>, vector<16xf32>, vector<16xi32>)
            %reduce_min3A = arith.constant true
            %reduce_min3A_454 = vector.broadcast %reduce_min3A : i1 to vector<16xi1>
            %reduce_min3A_455 = tpu.scan <min>, %masked_sort3A_452 masked %reduce_min3A_454 : vector<16xf32>, vector<16xi1> -> vector<16xf32>
            %reduce_min3A_456 = vector.extract %reduce_min3A_455[15] : f32 from vector<16xf32>
            scf.yield %masked_sort3A_452, %masked_sort3A_453, %reduce_min3A_456 : vector<16xf32>, vector<16xi32>, f32
          } else {
            scf.yield %cond3A_295#0, %cond3A_295#1, %cond3A_295#2 : vector<16xf32>, vector<16xi32>, f32
          }
          %reduce_max3A_305 = arith.constant true
          %reduce_max3A_306 = vector.broadcast %reduce_max3A_305 : i1 to vector<16xi1>
          %reduce_max3A_307 = tpu.scan <max>, %get3A_128 masked %reduce_max3A_306 : vector<16xf32>, vector<16xi1> -> vector<16xf32>
          %reduce_max3A_308 = vector.extract %reduce_max3A_307[15] : f32 from vector<16xf32>
          %gt3A_309 = arith.cmpf ogt, %reduce_max3A_308, %cond3A_304#2 : f32
          %convert_element_type3A_310 = arith.extui %gt3A_309 : i1 to i32
          %cond3A_311 = arith.constant 0 : i32
          %cond3A_312 = arith.cmpi ne, %convert_element_type3A_310, %cond3A_311 : i32
          %cond3A_313:3 = scf.if %cond3A_312 -> (vector<16xf32>, vector<16xi32>, f32) {
            %add3A_440 = arith.addi %add3A_73, %mul3A_85 : i32
            %add3A_441 = arith.constant 160 : i32
            %add3A_442 = arith.addi %add3A_440, %add3A_441 : i32
            %add3A_443 = vector.broadcast %add3A_442 : i32 to vector<16xi32>
            %add3A_444 = arith.addi %add3A_443, %iota3A : vector<16xi32>
            %masked_sort3A = arith.constant dense<true> : vector<16xi1>
            %masked_sort3A_445, %masked_sort3A_446, %masked_sort3A_447 = tpu.sort %get3A_128, %add3A_444 masked %masked_sort3A {descending = true} : (vector<16xf32>, vector<16xi32>, vector<16xi1>) -> (vector<16xi1>, vector<16xf32>, vector<16xi32>)
            %max3A_448 = arith.maximumf %cond3A_304#0, %masked_sort3A_446 : vector<16xf32>
            %ge3A = arith.cmpf oge, %cond3A_304#0, %masked_sort3A_446 : vector<16xf32>
            %select_n3A_449 = arith.select %ge3A, %cond3A_304#1, %masked_sort3A_447 : vector<16xi1>, vector<16xi32>
            %masked_sort3A_450 = arith.constant dense<true> : vector<16xi1>
            %masked_sort3A_451, %masked_sort3A_452, %masked_sort3A_453 = tpu.sort %max3A_448, %select_n3A_449 masked %masked_sort3A_450 : (vector<16xf32>, vector<16xi32>, vector<16xi1>) -> (vector<16xi1>, vector<16xf32>, vector<16xi32>)
            %reduce_min3A = arith.constant true
            %reduce_min3A_454 = vector.broadcast %reduce_min3A : i1 to vector<16xi1>
            %reduce_min3A_455 = tpu.scan <min>, %masked_sort3A_452 masked %reduce_min3A_454 : vector<16xf32>, vector<16xi1> -> vector<16xf32>
            %reduce_min3A_456 = vector.extract %reduce_min3A_455[15] : f32 from vector<16xf32>
            scf.yield %masked_sort3A_452, %masked_sort3A_453, %reduce_min3A_456 : vector<16xf32>, vector<16xi32>, f32
          } else {
            scf.yield %cond3A_304#0, %cond3A_304#1, %cond3A_304#2 : vector<16xf32>, vector<16xi32>, f32
          }
          %reduce_max3A_314 = arith.constant true
          %reduce_max3A_315 = vector.broadcast %reduce_max3A_314 : i1 to vector<16xi1>
          %reduce_max3A_316 = tpu.scan <max>, %get3A_132 masked %reduce_max3A_315 : vector<16xf32>, vector<16xi1> -> vector<16xf32>
          %reduce_max3A_317 = vector.extract %reduce_max3A_316[15] : f32 from vector<16xf32>
          %gt3A_318 = arith.cmpf ogt, %reduce_max3A_317, %cond3A_313#2 : f32
          %convert_element_type3A_319 = arith.extui %gt3A_318 : i1 to i32
          %cond3A_320 = arith.constant 0 : i32
          %cond3A_321 = arith.cmpi ne, %convert_element_type3A_319, %cond3A_320 : i32
          %cond3A_322:3 = scf.if %cond3A_321 -> (vector<16xf32>, vector<16xi32>, f32) {
            %add3A_440 = arith.addi %add3A_73, %mul3A_85 : i32
            %add3A_441 = arith.constant 176 : i32
            %add3A_442 = arith.addi %add3A_440, %add3A_441 : i32
            %add3A_443 = vector.broadcast %add3A_442 : i32 to vector<16xi32>
            %add3A_444 = arith.addi %add3A_443, %iota3A : vector<16xi32>
            %masked_sort3A = arith.constant dense<true> : vector<16xi1>
            %masked_sort3A_445, %masked_sort3A_446, %masked_sort3A_447 = tpu.sort %get3A_132, %add3A_444 masked %masked_sort3A {descending = true} : (vector<16xf32>, vector<16xi32>, vector<16xi1>) -> (vector<16xi1>, vector<16xf32>, vector<16xi32>)
            %max3A_448 = arith.maximumf %cond3A_313#0, %masked_sort3A_446 : vector<16xf32>
            %ge3A = arith.cmpf oge, %cond3A_313#0, %masked_sort3A_446 : vector<16xf32>
            %select_n3A_449 = arith.select %ge3A, %cond3A_313#1, %masked_sort3A_447 : vector<16xi1>, vector<16xi32>
            %masked_sort3A_450 = arith.constant dense<true> : vector<16xi1>
            %masked_sort3A_451, %masked_sort3A_452, %masked_sort3A_453 = tpu.sort %max3A_448, %select_n3A_449 masked %masked_sort3A_450 : (vector<16xf32>, vector<16xi32>, vector<16xi1>) -> (vector<16xi1>, vector<16xf32>, vector<16xi32>)
            %reduce_min3A = arith.constant true
            %reduce_min3A_454 = vector.broadcast %reduce_min3A : i1 to vector<16xi1>
            %reduce_min3A_455 = tpu.scan <min>, %masked_sort3A_452 masked %reduce_min3A_454 : vector<16xf32>, vector<16xi1> -> vector<16xf32>
            %reduce_min3A_456 = vector.extract %reduce_min3A_455[15] : f32 from vector<16xf32>
            scf.yield %masked_sort3A_452, %masked_sort3A_453, %reduce_min3A_456 : vector<16xf32>, vector<16xi32>, f32
          } else {
            scf.yield %cond3A_313#0, %cond3A_313#1, %cond3A_313#2 : vector<16xf32>, vector<16xi32>, f32
          }
          %reduce_max3A_323 = arith.constant true
          %reduce_max3A_324 = vector.broadcast %reduce_max3A_323 : i1 to vector<16xi1>
          %reduce_max3A_325 = tpu.scan <max>, %get3A_136 masked %reduce_max3A_324 : vector<16xf32>, vector<16xi1> -> vector<16xf32>
          %reduce_max3A_326 = vector.extract %reduce_max3A_325[15] : f32 from vector<16xf32>
          %gt3A_327 = arith.cmpf ogt, %reduce_max3A_326, %cond3A_322#2 : f32
          %convert_element_type3A_328 = arith.extui %gt3A_327 : i1 to i32
          %cond3A_329 = arith.constant 0 : i32
          %cond3A_330 = arith.cmpi ne, %convert_element_type3A_328, %cond3A_329 : i32
          %cond3A_331:3 = scf.if %cond3A_330 -> (vector<16xf32>, vector<16xi32>, f32) {
            %add3A_440 = arith.addi %add3A_73, %mul3A_85 : i32
            %add3A_441 = arith.constant 192 : i32
            %add3A_442 = arith.addi %add3A_440, %add3A_441 : i32
            %add3A_443 = vector.broadcast %add3A_442 : i32 to vector<16xi32>
            %add3A_444 = arith.addi %add3A_443, %iota3A : vector<16xi32>
            %masked_sort3A = arith.constant dense<true> : vector<16xi1>
            %masked_sort3A_445, %masked_sort3A_446, %masked_sort3A_447 = tpu.sort %get3A_136, %add3A_444 masked %masked_sort3A {descending = true} : (vector<16xf32>, vector<16xi32>, vector<16xi1>) -> (vector<16xi1>, vector<16xf32>, vector<16xi32>)
            %max3A_448 = arith.maximumf %cond3A_322#0, %masked_sort3A_446 : vector<16xf32>
            %ge3A = arith.cmpf oge, %cond3A_322#0, %masked_sort3A_446 : vector<16xf32>
            %select_n3A_449 = arith.select %ge3A, %cond3A_322#1, %masked_sort3A_447 : vector<16xi1>, vector<16xi32>
            %masked_sort3A_450 = arith.constant dense<true> : vector<16xi1>
            %masked_sort3A_451, %masked_sort3A_452, %masked_sort3A_453 = tpu.sort %max3A_448, %select_n3A_449 masked %masked_sort3A_450 : (vector<16xf32>, vector<16xi32>, vector<16xi1>) -> (vector<16xi1>, vector<16xf32>, vector<16xi32>)
            %reduce_min3A = arith.constant true
            %reduce_min3A_454 = vector.broadcast %reduce_min3A : i1 to vector<16xi1>
            %reduce_min3A_455 = tpu.scan <min>, %masked_sort3A_452 masked %reduce_min3A_454 : vector<16xf32>, vector<16xi1> -> vector<16xf32>
            %reduce_min3A_456 = vector.extract %reduce_min3A_455[15] : f32 from vector<16xf32>
            scf.yield %masked_sort3A_452, %masked_sort3A_453, %reduce_min3A_456 : vector<16xf32>, vector<16xi32>, f32
          } else {
            scf.yield %cond3A_322#0, %cond3A_322#1, %cond3A_322#2 : vector<16xf32>, vector<16xi32>, f32
          }
          %reduce_max3A_332 = arith.constant true
          %reduce_max3A_333 = vector.broadcast %reduce_max3A_332 : i1 to vector<16xi1>
          %reduce_max3A_334 = tpu.scan <max>, %get3A_140 masked %reduce_max3A_333 : vector<16xf32>, vector<16xi1> -> vector<16xf32>
          %reduce_max3A_335 = vector.extract %reduce_max3A_334[15] : f32 from vector<16xf32>
          %gt3A_336 = arith.cmpf ogt, %reduce_max3A_335, %cond3A_331#2 : f32
          %convert_element_type3A_337 = arith.extui %gt3A_336 : i1 to i32
          %cond3A_338 = arith.constant 0 : i32
          %cond3A_339 = arith.cmpi ne, %convert_element_type3A_337, %cond3A_338 : i32
          %cond3A_340:3 = scf.if %cond3A_339 -> (vector<16xf32>, vector<16xi32>, f32) {
            %add3A_440 = arith.addi %add3A_73, %mul3A_85 : i32
            %add3A_441 = arith.constant 208 : i32
            %add3A_442 = arith.addi %add3A_440, %add3A_441 : i32
            %add3A_443 = vector.broadcast %add3A_442 : i32 to vector<16xi32>
            %add3A_444 = arith.addi %add3A_443, %iota3A : vector<16xi32>
            %masked_sort3A = arith.constant dense<true> : vector<16xi1>
            %masked_sort3A_445, %masked_sort3A_446, %masked_sort3A_447 = tpu.sort %get3A_140, %add3A_444 masked %masked_sort3A {descending = true} : (vector<16xf32>, vector<16xi32>, vector<16xi1>) -> (vector<16xi1>, vector<16xf32>, vector<16xi32>)
            %max3A_448 = arith.maximumf %cond3A_331#0, %masked_sort3A_446 : vector<16xf32>
            %ge3A = arith.cmpf oge, %cond3A_331#0, %masked_sort3A_446 : vector<16xf32>
            %select_n3A_449 = arith.select %ge3A, %cond3A_331#1, %masked_sort3A_447 : vector<16xi1>, vector<16xi32>
            %masked_sort3A_450 = arith.constant dense<true> : vector<16xi1>
            %masked_sort3A_451, %masked_sort3A_452, %masked_sort3A_453 = tpu.sort %max3A_448, %select_n3A_449 masked %masked_sort3A_450 : (vector<16xf32>, vector<16xi32>, vector<16xi1>) -> (vector<16xi1>, vector<16xf32>, vector<16xi32>)
            %reduce_min3A = arith.constant true
            %reduce_min3A_454 = vector.broadcast %reduce_min3A : i1 to vector<16xi1>
            %reduce_min3A_455 = tpu.scan <min>, %masked_sort3A_452 masked %reduce_min3A_454 : vector<16xf32>, vector<16xi1> -> vector<16xf32>
            %reduce_min3A_456 = vector.extract %reduce_min3A_455[15] : f32 from vector<16xf32>
            scf.yield %masked_sort3A_452, %masked_sort3A_453, %reduce_min3A_456 : vector<16xf32>, vector<16xi32>, f32
          } else {
            scf.yield %cond3A_331#0, %cond3A_331#1, %cond3A_331#2 : vector<16xf32>, vector<16xi32>, f32
          }
          %reduce_max3A_341 = arith.constant true
          %reduce_max3A_342 = vector.broadcast %reduce_max3A_341 : i1 to vector<16xi1>
          %reduce_max3A_343 = tpu.scan <max>, %get3A_144 masked %reduce_max3A_342 : vector<16xf32>, vector<16xi1> -> vector<16xf32>
          %reduce_max3A_344 = vector.extract %reduce_max3A_343[15] : f32 from vector<16xf32>
          %gt3A_345 = arith.cmpf ogt, %reduce_max3A_344, %cond3A_340#2 : f32
          %convert_element_type3A_346 = arith.extui %gt3A_345 : i1 to i32
          %cond3A_347 = arith.constant 0 : i32
          %cond3A_348 = arith.cmpi ne, %convert_element_type3A_346, %cond3A_347 : i32
          %cond3A_349:3 = scf.if %cond3A_348 -> (vector<16xf32>, vector<16xi32>, f32) {
            %add3A_440 = arith.addi %add3A_73, %mul3A_85 : i32
            %add3A_441 = arith.constant 224 : i32
            %add3A_442 = arith.addi %add3A_440, %add3A_441 : i32
            %add3A_443 = vector.broadcast %add3A_442 : i32 to vector<16xi32>
            %add3A_444 = arith.addi %add3A_443, %iota3A : vector<16xi32>
            %masked_sort3A = arith.constant dense<true> : vector<16xi1>
            %masked_sort3A_445, %masked_sort3A_446, %masked_sort3A_447 = tpu.sort %get3A_144, %add3A_444 masked %masked_sort3A {descending = true} : (vector<16xf32>, vector<16xi32>, vector<16xi1>) -> (vector<16xi1>, vector<16xf32>, vector<16xi32>)
            %max3A_448 = arith.maximumf %cond3A_340#0, %masked_sort3A_446 : vector<16xf32>
            %ge3A = arith.cmpf oge, %cond3A_340#0, %masked_sort3A_446 : vector<16xf32>
            %select_n3A_449 = arith.select %ge3A, %cond3A_340#1, %masked_sort3A_447 : vector<16xi1>, vector<16xi32>
            %masked_sort3A_450 = arith.constant dense<true> : vector<16xi1>
            %masked_sort3A_451, %masked_sort3A_452, %masked_sort3A_453 = tpu.sort %max3A_448, %select_n3A_449 masked %masked_sort3A_450 : (vector<16xf32>, vector<16xi32>, vector<16xi1>) -> (vector<16xi1>, vector<16xf32>, vector<16xi32>)
            %reduce_min3A = arith.constant true
            %reduce_min3A_454 = vector.broadcast %reduce_min3A : i1 to vector<16xi1>
            %reduce_min3A_455 = tpu.scan <min>, %masked_sort3A_452 masked %reduce_min3A_454 : vector<16xf32>, vector<16xi1> -> vector<16xf32>
            %reduce_min3A_456 = vector.extract %reduce_min3A_455[15] : f32 from vector<16xf32>
            scf.yield %masked_sort3A_452, %masked_sort3A_453, %reduce_min3A_456 : vector<16xf32>, vector<16xi32>, f32
          } else {
            scf.yield %cond3A_340#0, %cond3A_340#1, %cond3A_340#2 : vector<16xf32>, vector<16xi32>, f32
          }
          %reduce_max3A_350 = arith.constant true
          %reduce_max3A_351 = vector.broadcast %reduce_max3A_350 : i1 to vector<16xi1>
          %reduce_max3A_352 = tpu.scan <max>, %get3A_148 masked %reduce_max3A_351 : vector<16xf32>, vector<16xi1> -> vector<16xf32>
          %reduce_max3A_353 = vector.extract %reduce_max3A_352[15] : f32 from vector<16xf32>
          %gt3A_354 = arith.cmpf ogt, %reduce_max3A_353, %cond3A_349#2 : f32
          %convert_element_type3A_355 = arith.extui %gt3A_354 : i1 to i32
          %cond3A_356 = arith.constant 0 : i32
          %cond3A_357 = arith.cmpi ne, %convert_element_type3A_355, %cond3A_356 : i32
          %cond3A_358:3 = scf.if %cond3A_357 -> (vector<16xf32>, vector<16xi32>, f32) {
            %add3A_440 = arith.addi %add3A_73, %mul3A_85 : i32
            %add3A_441 = arith.constant 240 : i32
            %add3A_442 = arith.addi %add3A_440, %add3A_441 : i32
            %add3A_443 = vector.broadcast %add3A_442 : i32 to vector<16xi32>
            %add3A_444 = arith.addi %add3A_443, %iota3A : vector<16xi32>
            %masked_sort3A = arith.constant dense<true> : vector<16xi1>
            %masked_sort3A_445, %masked_sort3A_446, %masked_sort3A_447 = tpu.sort %get3A_148, %add3A_444 masked %masked_sort3A {descending = true} : (vector<16xf32>, vector<16xi32>, vector<16xi1>) -> (vector<16xi1>, vector<16xf32>, vector<16xi32>)
            %max3A_448 = arith.maximumf %cond3A_349#0, %masked_sort3A_446 : vector<16xf32>
            %ge3A = arith.cmpf oge, %cond3A_349#0, %masked_sort3A_446 : vector<16xf32>
            %select_n3A_449 = arith.select %ge3A, %cond3A_349#1, %masked_sort3A_447 : vector<16xi1>, vector<16xi32>
            %masked_sort3A_450 = arith.constant dense<true> : vector<16xi1>
            %masked_sort3A_451, %masked_sort3A_452, %masked_sort3A_453 = tpu.sort %max3A_448, %select_n3A_449 masked %masked_sort3A_450 : (vector<16xf32>, vector<16xi32>, vector<16xi1>) -> (vector<16xi1>, vector<16xf32>, vector<16xi32>)
            %reduce_min3A = arith.constant true
            %reduce_min3A_454 = vector.broadcast %reduce_min3A : i1 to vector<16xi1>
            %reduce_min3A_455 = tpu.scan <min>, %masked_sort3A_452 masked %reduce_min3A_454 : vector<16xf32>, vector<16xi1> -> vector<16xf32>
            %reduce_min3A_456 = vector.extract %reduce_min3A_455[15] : f32 from vector<16xf32>
            scf.yield %masked_sort3A_452, %masked_sort3A_453, %reduce_min3A_456 : vector<16xf32>, vector<16xi32>, f32
          } else {
            scf.yield %cond3A_349#0, %cond3A_349#1, %cond3A_349#2 : vector<16xf32>, vector<16xi32>, f32
          }
          %reduce_max3A_359 = arith.constant true
          %reduce_max3A_360 = vector.broadcast %reduce_max3A_359 : i1 to vector<16xi1>
          %reduce_max3A_361 = tpu.scan <max>, %get3A_152 masked %reduce_max3A_360 : vector<16xf32>, vector<16xi1> -> vector<16xf32>
          %reduce_max3A_362 = vector.extract %reduce_max3A_361[15] : f32 from vector<16xf32>
          %gt3A_363 = arith.cmpf ogt, %reduce_max3A_362, %cond3A_358#2 : f32
          %convert_element_type3A_364 = arith.extui %gt3A_363 : i1 to i32
          %cond3A_365 = arith.constant 0 : i32
          %cond3A_366 = arith.cmpi ne, %convert_element_type3A_364, %cond3A_365 : i32
          %cond3A_367:3 = scf.if %cond3A_366 -> (vector<16xf32>, vector<16xi32>, f32) {
            %add3A_440 = arith.addi %add3A_73, %mul3A_85 : i32
            %add3A_441 = arith.constant 256 : i32
            %add3A_442 = arith.addi %add3A_440, %add3A_441 : i32
            %add3A_443 = vector.broadcast %add3A_442 : i32 to vector<16xi32>
            %add3A_444 = arith.addi %add3A_443, %iota3A : vector<16xi32>
            %masked_sort3A = arith.constant dense<true> : vector<16xi1>
            %masked_sort3A_445, %masked_sort3A_446, %masked_sort3A_447 = tpu.sort %get3A_152, %add3A_444 masked %masked_sort3A {descending = true} : (vector<16xf32>, vector<16xi32>, vector<16xi1>) -> (vector<16xi1>, vector<16xf32>, vector<16xi32>)
            %max3A_448 = arith.maximumf %cond3A_358#0, %masked_sort3A_446 : vector<16xf32>
            %ge3A = arith.cmpf oge, %cond3A_358#0, %masked_sort3A_446 : vector<16xf32>
            %select_n3A_449 = arith.select %ge3A, %cond3A_358#1, %masked_sort3A_447 : vector<16xi1>, vector<16xi32>
            %masked_sort3A_450 = arith.constant dense<true> : vector<16xi1>
            %masked_sort3A_451, %masked_sort3A_452, %masked_sort3A_453 = tpu.sort %max3A_448, %select_n3A_449 masked %masked_sort3A_450 : (vector<16xf32>, vector<16xi32>, vector<16xi1>) -> (vector<16xi1>, vector<16xf32>, vector<16xi32>)
            %reduce_min3A = arith.constant true
            %reduce_min3A_454 = vector.broadcast %reduce_min3A : i1 to vector<16xi1>
            %reduce_min3A_455 = tpu.scan <min>, %masked_sort3A_452 masked %reduce_min3A_454 : vector<16xf32>, vector<16xi1> -> vector<16xf32>
            %reduce_min3A_456 = vector.extract %reduce_min3A_455[15] : f32 from vector<16xf32>
            scf.yield %masked_sort3A_452, %masked_sort3A_453, %reduce_min3A_456 : vector<16xf32>, vector<16xi32>, f32
          } else {
            scf.yield %cond3A_358#0, %cond3A_358#1, %cond3A_358#2 : vector<16xf32>, vector<16xi32>, f32
          }
          %reduce_max3A_368 = arith.constant true
          %reduce_max3A_369 = vector.broadcast %reduce_max3A_368 : i1 to vector<16xi1>
          %reduce_max3A_370 = tpu.scan <max>, %get3A_156 masked %reduce_max3A_369 : vector<16xf32>, vector<16xi1> -> vector<16xf32>
          %reduce_max3A_371 = vector.extract %reduce_max3A_370[15] : f32 from vector<16xf32>
          %gt3A_372 = arith.cmpf ogt, %reduce_max3A_371, %cond3A_367#2 : f32
          %convert_element_type3A_373 = arith.extui %gt3A_372 : i1 to i32
          %cond3A_374 = arith.constant 0 : i32
          %cond3A_375 = arith.cmpi ne, %convert_element_type3A_373, %cond3A_374 : i32
          %cond3A_376:3 = scf.if %cond3A_375 -> (vector<16xf32>, vector<16xi32>, f32) {
            %add3A_440 = arith.addi %add3A_73, %mul3A_85 : i32
            %add3A_441 = arith.constant 272 : i32
            %add3A_442 = arith.addi %add3A_440, %add3A_441 : i32
            %add3A_443 = vector.broadcast %add3A_442 : i32 to vector<16xi32>
            %add3A_444 = arith.addi %add3A_443, %iota3A : vector<16xi32>
            %masked_sort3A = arith.constant dense<true> : vector<16xi1>
            %masked_sort3A_445, %masked_sort3A_446, %masked_sort3A_447 = tpu.sort %get3A_156, %add3A_444 masked %masked_sort3A {descending = true} : (vector<16xf32>, vector<16xi32>, vector<16xi1>) -> (vector<16xi1>, vector<16xf32>, vector<16xi32>)
            %max3A_448 = arith.maximumf %cond3A_367#0, %masked_sort3A_446 : vector<16xf32>
            %ge3A = arith.cmpf oge, %cond3A_367#0, %masked_sort3A_446 : vector<16xf32>
            %select_n3A_449 = arith.select %ge3A, %cond3A_367#1, %masked_sort3A_447 : vector<16xi1>, vector<16xi32>
            %masked_sort3A_450 = arith.constant dense<true> : vector<16xi1>
            %masked_sort3A_451, %masked_sort3A_452, %masked_sort3A_453 = tpu.sort %max3A_448, %select_n3A_449 masked %masked_sort3A_450 : (vector<16xf32>, vector<16xi32>, vector<16xi1>) -> (vector<16xi1>, vector<16xf32>, vector<16xi32>)
            %reduce_min3A = arith.constant true
            %reduce_min3A_454 = vector.broadcast %reduce_min3A : i1 to vector<16xi1>
            %reduce_min3A_455 = tpu.scan <min>, %masked_sort3A_452 masked %reduce_min3A_454 : vector<16xf32>, vector<16xi1> -> vector<16xf32>
            %reduce_min3A_456 = vector.extract %reduce_min3A_455[15] : f32 from vector<16xf32>
            scf.yield %masked_sort3A_452, %masked_sort3A_453, %reduce_min3A_456 : vector<16xf32>, vector<16xi32>, f32
          } else {
            scf.yield %cond3A_367#0, %cond3A_367#1, %cond3A_367#2 : vector<16xf32>, vector<16xi32>, f32
          }
          %reduce_max3A_377 = arith.constant true
          %reduce_max3A_378 = vector.broadcast %reduce_max3A_377 : i1 to vector<16xi1>
          %reduce_max3A_379 = tpu.scan <max>, %get3A_160 masked %reduce_max3A_378 : vector<16xf32>, vector<16xi1> -> vector<16xf32>
          %reduce_max3A_380 = vector.extract %reduce_max3A_379[15] : f32 from vector<16xf32>
          %gt3A_381 = arith.cmpf ogt, %reduce_max3A_380, %cond3A_376#2 : f32
          %convert_element_type3A_382 = arith.extui %gt3A_381 : i1 to i32
          %cond3A_383 = arith.constant 0 : i32
          %cond3A_384 = arith.cmpi ne, %convert_element_type3A_382, %cond3A_383 : i32
          %cond3A_385:3 = scf.if %cond3A_384 -> (vector<16xf32>, vector<16xi32>, f32) {
            %add3A_440 = arith.addi %add3A_73, %mul3A_85 : i32
            %add3A_441 = arith.constant 288 : i32
            %add3A_442 = arith.addi %add3A_440, %add3A_441 : i32
            %add3A_443 = vector.broadcast %add3A_442 : i32 to vector<16xi32>
            %add3A_444 = arith.addi %add3A_443, %iota3A : vector<16xi32>
            %masked_sort3A = arith.constant dense<true> : vector<16xi1>
            %masked_sort3A_445, %masked_sort3A_446, %masked_sort3A_447 = tpu.sort %get3A_160, %add3A_444 masked %masked_sort3A {descending = true} : (vector<16xf32>, vector<16xi32>, vector<16xi1>) -> (vector<16xi1>, vector<16xf32>, vector<16xi32>)
            %max3A_448 = arith.maximumf %cond3A_376#0, %masked_sort3A_446 : vector<16xf32>
            %ge3A = arith.cmpf oge, %cond3A_376#0, %masked_sort3A_446 : vector<16xf32>
            %select_n3A_449 = arith.select %ge3A, %cond3A_376#1, %masked_sort3A_447 : vector<16xi1>, vector<16xi32>
            %masked_sort3A_450 = arith.constant dense<true> : vector<16xi1>
            %masked_sort3A_451, %masked_sort3A_452, %masked_sort3A_453 = tpu.sort %max3A_448, %select_n3A_449 masked %masked_sort3A_450 : (vector<16xf32>, vector<16xi32>, vector<16xi1>) -> (vector<16xi1>, vector<16xf32>, vector<16xi32>)
            %reduce_min3A = arith.constant true
            %reduce_min3A_454 = vector.broadcast %reduce_min3A : i1 to vector<16xi1>
            %reduce_min3A_455 = tpu.scan <min>, %masked_sort3A_452 masked %reduce_min3A_454 : vector<16xf32>, vector<16xi1> -> vector<16xf32>
            %reduce_min3A_456 = vector.extract %reduce_min3A_455[15] : f32 from vector<16xf32>
            scf.yield %masked_sort3A_452, %masked_sort3A_453, %reduce_min3A_456 : vector<16xf32>, vector<16xi32>, f32
          } else {
            scf.yield %cond3A_376#0, %cond3A_376#1, %cond3A_376#2 : vector<16xf32>, vector<16xi32>, f32
          }
          %reduce_max3A_386 = arith.constant true
          %reduce_max3A_387 = vector.broadcast %reduce_max3A_386 : i1 to vector<16xi1>
          %reduce_max3A_388 = tpu.scan <max>, %get3A_164 masked %reduce_max3A_387 : vector<16xf32>, vector<16xi1> -> vector<16xf32>
          %reduce_max3A_389 = vector.extract %reduce_max3A_388[15] : f32 from vector<16xf32>
          %gt3A_390 = arith.cmpf ogt, %reduce_max3A_389, %cond3A_385#2 : f32
          %convert_element_type3A_391 = arith.extui %gt3A_390 : i1 to i32
          %cond3A_392 = arith.constant 0 : i32
          %cond3A_393 = arith.cmpi ne, %convert_element_type3A_391, %cond3A_392 : i32
          %cond3A_394:3 = scf.if %cond3A_393 -> (vector<16xf32>, vector<16xi32>, f32) {
            %add3A_440 = arith.addi %add3A_73, %mul3A_85 : i32
            %add3A_441 = arith.constant 304 : i32
            %add3A_442 = arith.addi %add3A_440, %add3A_441 : i32
            %add3A_443 = vector.broadcast %add3A_442 : i32 to vector<16xi32>
            %add3A_444 = arith.addi %add3A_443, %iota3A : vector<16xi32>
            %masked_sort3A = arith.constant dense<true> : vector<16xi1>
            %masked_sort3A_445, %masked_sort3A_446, %masked_sort3A_447 = tpu.sort %get3A_164, %add3A_444 masked %masked_sort3A {descending = true} : (vector<16xf32>, vector<16xi32>, vector<16xi1>) -> (vector<16xi1>, vector<16xf32>, vector<16xi32>)
            %max3A_448 = arith.maximumf %cond3A_385#0, %masked_sort3A_446 : vector<16xf32>
            %ge3A = arith.cmpf oge, %cond3A_385#0, %masked_sort3A_446 : vector<16xf32>
            %select_n3A_449 = arith.select %ge3A, %cond3A_385#1, %masked_sort3A_447 : vector<16xi1>, vector<16xi32>
            %masked_sort3A_450 = arith.constant dense<true> : vector<16xi1>
            %masked_sort3A_451, %masked_sort3A_452, %masked_sort3A_453 = tpu.sort %max3A_448, %select_n3A_449 masked %masked_sort3A_450 : (vector<16xf32>, vector<16xi32>, vector<16xi1>) -> (vector<16xi1>, vector<16xf32>, vector<16xi32>)
            %reduce_min3A = arith.constant true
            %reduce_min3A_454 = vector.broadcast %reduce_min3A : i1 to vector<16xi1>
            %reduce_min3A_455 = tpu.scan <min>, %masked_sort3A_452 masked %reduce_min3A_454 : vector<16xf32>, vector<16xi1> -> vector<16xf32>
            %reduce_min3A_456 = vector.extract %reduce_min3A_455[15] : f32 from vector<16xf32>
            scf.yield %masked_sort3A_452, %masked_sort3A_453, %reduce_min3A_456 : vector<16xf32>, vector<16xi32>, f32
          } else {
            scf.yield %cond3A_385#0, %cond3A_385#1, %cond3A_385#2 : vector<16xf32>, vector<16xi32>, f32
          }
          %reduce_max3A_395 = arith.constant true
          %reduce_max3A_396 = vector.broadcast %reduce_max3A_395 : i1 to vector<16xi1>
          %reduce_max3A_397 = tpu.scan <max>, %get3A_168 masked %reduce_max3A_396 : vector<16xf32>, vector<16xi1> -> vector<16xf32>
          %reduce_max3A_398 = vector.extract %reduce_max3A_397[15] : f32 from vector<16xf32>
          %gt3A_399 = arith.cmpf ogt, %reduce_max3A_398, %cond3A_394#2 : f32
          %convert_element_type3A_400 = arith.extui %gt3A_399 : i1 to i32
          %cond3A_401 = arith.constant 0 : i32
          %cond3A_402 = arith.cmpi ne, %convert_element_type3A_400, %cond3A_401 : i32
          %cond3A_403:3 = scf.if %cond3A_402 -> (vector<16xf32>, vector<16xi32>, f32) {
            %add3A_440 = arith.addi %add3A_73, %mul3A_85 : i32
            %add3A_441 = arith.constant 320 : i32
            %add3A_442 = arith.addi %add3A_440, %add3A_441 : i32
            %add3A_443 = vector.broadcast %add3A_442 : i32 to vector<16xi32>
            %add3A_444 = arith.addi %add3A_443, %iota3A : vector<16xi32>
            %masked_sort3A = arith.constant dense<true> : vector<16xi1>
            %masked_sort3A_445, %masked_sort3A_446, %masked_sort3A_447 = tpu.sort %get3A_168, %add3A_444 masked %masked_sort3A {descending = true} : (vector<16xf32>, vector<16xi32>, vector<16xi1>) -> (vector<16xi1>, vector<16xf32>, vector<16xi32>)
            %max3A_448 = arith.maximumf %cond3A_394#0, %masked_sort3A_446 : vector<16xf32>
            %ge3A = arith.cmpf oge, %cond3A_394#0, %masked_sort3A_446 : vector<16xf32>
            %select_n3A_449 = arith.select %ge3A, %cond3A_394#1, %masked_sort3A_447 : vector<16xi1>, vector<16xi32>
            %masked_sort3A_450 = arith.constant dense<true> : vector<16xi1>
            %masked_sort3A_451, %masked_sort3A_452, %masked_sort3A_453 = tpu.sort %max3A_448, %select_n3A_449 masked %masked_sort3A_450 : (vector<16xf32>, vector<16xi32>, vector<16xi1>) -> (vector<16xi1>, vector<16xf32>, vector<16xi32>)
            %reduce_min3A = arith.constant true
            %reduce_min3A_454 = vector.broadcast %reduce_min3A : i1 to vector<16xi1>
            %reduce_min3A_455 = tpu.scan <min>, %masked_sort3A_452 masked %reduce_min3A_454 : vector<16xf32>, vector<16xi1> -> vector<16xf32>
            %reduce_min3A_456 = vector.extract %reduce_min3A_455[15] : f32 from vector<16xf32>
            scf.yield %masked_sort3A_452, %masked_sort3A_453, %reduce_min3A_456 : vector<16xf32>, vector<16xi32>, f32
          } else {
            scf.yield %cond3A_394#0, %cond3A_394#1, %cond3A_394#2 : vector<16xf32>, vector<16xi32>, f32
          }
          %reduce_max3A_404 = arith.constant true
          %reduce_max3A_405 = vector.broadcast %reduce_max3A_404 : i1 to vector<16xi1>
          %reduce_max3A_406 = tpu.scan <max>, %get3A_172 masked %reduce_max3A_405 : vector<16xf32>, vector<16xi1> -> vector<16xf32>
          %reduce_max3A_407 = vector.extract %reduce_max3A_406[15] : f32 from vector<16xf32>
          %gt3A_408 = arith.cmpf ogt, %reduce_max3A_407, %cond3A_403#2 : f32
          %convert_element_type3A_409 = arith.extui %gt3A_408 : i1 to i32
          %cond3A_410 = arith.constant 0 : i32
          %cond3A_411 = arith.cmpi ne, %convert_element_type3A_409, %cond3A_410 : i32
          %cond3A_412:3 = scf.if %cond3A_411 -> (vector<16xf32>, vector<16xi32>, f32) {
            %add3A_440 = arith.addi %add3A_73, %mul3A_85 : i32
            %add3A_441 = arith.constant 336 : i32
            %add3A_442 = arith.addi %add3A_440, %add3A_441 : i32
            %add3A_443 = vector.broadcast %add3A_442 : i32 to vector<16xi32>
            %add3A_444 = arith.addi %add3A_443, %iota3A : vector<16xi32>
            %masked_sort3A = arith.constant dense<true> : vector<16xi1>
            %masked_sort3A_445, %masked_sort3A_446, %masked_sort3A_447 = tpu.sort %get3A_172, %add3A_444 masked %masked_sort3A {descending = true} : (vector<16xf32>, vector<16xi32>, vector<16xi1>) -> (vector<16xi1>, vector<16xf32>, vector<16xi32>)
            %max3A_448 = arith.maximumf %cond3A_403#0, %masked_sort3A_446 : vector<16xf32>
            %ge3A = arith.cmpf oge, %cond3A_403#0, %masked_sort3A_446 : vector<16xf32>
            %select_n3A_449 = arith.select %ge3A, %cond3A_403#1, %masked_sort3A_447 : vector<16xi1>, vector<16xi32>
            %masked_sort3A_450 = arith.constant dense<true> : vector<16xi1>
            %masked_sort3A_451, %masked_sort3A_452, %masked_sort3A_453 = tpu.sort %max3A_448, %select_n3A_449 masked %masked_sort3A_450 : (vector<16xf32>, vector<16xi32>, vector<16xi1>) -> (vector<16xi1>, vector<16xf32>, vector<16xi32>)
            %reduce_min3A = arith.constant true
            %reduce_min3A_454 = vector.broadcast %reduce_min3A : i1 to vector<16xi1>
            %reduce_min3A_455 = tpu.scan <min>, %masked_sort3A_452 masked %reduce_min3A_454 : vector<16xf32>, vector<16xi1> -> vector<16xf32>
            %reduce_min3A_456 = vector.extract %reduce_min3A_455[15] : f32 from vector<16xf32>
            scf.yield %masked_sort3A_452, %masked_sort3A_453, %reduce_min3A_456 : vector<16xf32>, vector<16xi32>, f32
          } else {
            scf.yield %cond3A_403#0, %cond3A_403#1, %cond3A_403#2 : vector<16xf32>, vector<16xi32>, f32
          }
          %reduce_max3A_413 = arith.constant true
          %reduce_max3A_414 = vector.broadcast %reduce_max3A_413 : i1 to vector<16xi1>
          %reduce_max3A_415 = tpu.scan <max>, %get3A_176 masked %reduce_max3A_414 : vector<16xf32>, vector<16xi1> -> vector<16xf32>
          %reduce_max3A_416 = vector.extract %reduce_max3A_415[15] : f32 from vector<16xf32>
          %gt3A_417 = arith.cmpf ogt, %reduce_max3A_416, %cond3A_412#2 : f32
          %convert_element_type3A_418 = arith.extui %gt3A_417 : i1 to i32
          %cond3A_419 = arith.constant 0 : i32
          %cond3A_420 = arith.cmpi ne, %convert_element_type3A_418, %cond3A_419 : i32
          %cond3A_421:3 = scf.if %cond3A_420 -> (vector<16xf32>, vector<16xi32>, f32) {
            %add3A_440 = arith.addi %add3A_73, %mul3A_85 : i32
            %add3A_441 = arith.constant 352 : i32
            %add3A_442 = arith.addi %add3A_440, %add3A_441 : i32
            %add3A_443 = vector.broadcast %add3A_442 : i32 to vector<16xi32>
            %add3A_444 = arith.addi %add3A_443, %iota3A : vector<16xi32>
            %masked_sort3A = arith.constant dense<true> : vector<16xi1>
            %masked_sort3A_445, %masked_sort3A_446, %masked_sort3A_447 = tpu.sort %get3A_176, %add3A_444 masked %masked_sort3A {descending = true} : (vector<16xf32>, vector<16xi32>, vector<16xi1>) -> (vector<16xi1>, vector<16xf32>, vector<16xi32>)
            %max3A_448 = arith.maximumf %cond3A_412#0, %masked_sort3A_446 : vector<16xf32>
            %ge3A = arith.cmpf oge, %cond3A_412#0, %masked_sort3A_446 : vector<16xf32>
            %select_n3A_449 = arith.select %ge3A, %cond3A_412#1, %masked_sort3A_447 : vector<16xi1>, vector<16xi32>
            %masked_sort3A_450 = arith.constant dense<true> : vector<16xi1>
            %masked_sort3A_451, %masked_sort3A_452, %masked_sort3A_453 = tpu.sort %max3A_448, %select_n3A_449 masked %masked_sort3A_450 : (vector<16xf32>, vector<16xi32>, vector<16xi1>) -> (vector<16xi1>, vector<16xf32>, vector<16xi32>)
            %reduce_min3A = arith.constant true
            %reduce_min3A_454 = vector.broadcast %reduce_min3A : i1 to vector<16xi1>
            %reduce_min3A_455 = tpu.scan <min>, %masked_sort3A_452 masked %reduce_min3A_454 : vector<16xf32>, vector<16xi1> -> vector<16xf32>
            %reduce_min3A_456 = vector.extract %reduce_min3A_455[15] : f32 from vector<16xf32>
            scf.yield %masked_sort3A_452, %masked_sort3A_453, %reduce_min3A_456 : vector<16xf32>, vector<16xi32>, f32
          } else {
            scf.yield %cond3A_412#0, %cond3A_412#1, %cond3A_412#2 : vector<16xf32>, vector<16xi32>, f32
          }
          %reduce_max3A_422 = arith.constant true
          %reduce_max3A_423 = vector.broadcast %reduce_max3A_422 : i1 to vector<16xi1>
          %reduce_max3A_424 = tpu.scan <max>, %get3A_180 masked %reduce_max3A_423 : vector<16xf32>, vector<16xi1> -> vector<16xf32>
          %reduce_max3A_425 = vector.extract %reduce_max3A_424[15] : f32 from vector<16xf32>
          %gt3A_426 = arith.cmpf ogt, %reduce_max3A_425, %cond3A_421#2 : f32
          %convert_element_type3A_427 = arith.extui %gt3A_426 : i1 to i32
          %cond3A_428 = arith.constant 0 : i32
          %cond3A_429 = arith.cmpi ne, %convert_element_type3A_427, %cond3A_428 : i32
          %cond3A_430:3 = scf.if %cond3A_429 -> (vector<16xf32>, vector<16xi32>, f32) {
            %add3A_440 = arith.addi %add3A_73, %mul3A_85 : i32
            %add3A_441 = arith.constant 368 : i32
            %add3A_442 = arith.addi %add3A_440, %add3A_441 : i32
            %add3A_443 = vector.broadcast %add3A_442 : i32 to vector<16xi32>
            %add3A_444 = arith.addi %add3A_443, %iota3A : vector<16xi32>
            %masked_sort3A = arith.constant dense<true> : vector<16xi1>
            %masked_sort3A_445, %masked_sort3A_446, %masked_sort3A_447 = tpu.sort %get3A_180, %add3A_444 masked %masked_sort3A {descending = true} : (vector<16xf32>, vector<16xi32>, vector<16xi1>) -> (vector<16xi1>, vector<16xf32>, vector<16xi32>)
            %max3A_448 = arith.maximumf %cond3A_421#0, %masked_sort3A_446 : vector<16xf32>
            %ge3A = arith.cmpf oge, %cond3A_421#0, %masked_sort3A_446 : vector<16xf32>
            %select_n3A_449 = arith.select %ge3A, %cond3A_421#1, %masked_sort3A_447 : vector<16xi1>, vector<16xi32>
            %masked_sort3A_450 = arith.constant dense<true> : vector<16xi1>
            %masked_sort3A_451, %masked_sort3A_452, %masked_sort3A_453 = tpu.sort %max3A_448, %select_n3A_449 masked %masked_sort3A_450 : (vector<16xf32>, vector<16xi32>, vector<16xi1>) -> (vector<16xi1>, vector<16xf32>, vector<16xi32>)
            %reduce_min3A = arith.constant true
            %reduce_min3A_454 = vector.broadcast %reduce_min3A : i1 to vector<16xi1>
            %reduce_min3A_455 = tpu.scan <min>, %masked_sort3A_452 masked %reduce_min3A_454 : vector<16xf32>, vector<16xi1> -> vector<16xf32>
            %reduce_min3A_456 = vector.extract %reduce_min3A_455[15] : f32 from vector<16xf32>
            scf.yield %masked_sort3A_452, %masked_sort3A_453, %reduce_min3A_456 : vector<16xf32>, vector<16xi32>, f32
          } else {
            scf.yield %cond3A_421#0, %cond3A_421#1, %cond3A_421#2 : vector<16xf32>, vector<16xi32>, f32
          }
          %reduce_max3A_431 = arith.constant true
          %reduce_max3A_432 = vector.broadcast %reduce_max3A_431 : i1 to vector<16xi1>
          %reduce_max3A_433 = tpu.scan <max>, %get3A_184 masked %reduce_max3A_432 : vector<16xf32>, vector<16xi1> -> vector<16xf32>
          %reduce_max3A_434 = vector.extract %reduce_max3A_433[15] : f32 from vector<16xf32>
          %gt3A_435 = arith.cmpf ogt, %reduce_max3A_434, %cond3A_430#2 : f32
          %convert_element_type3A_436 = arith.extui %gt3A_435 : i1 to i32
          %cond3A_437 = arith.constant 0 : i32
          %cond3A_438 = arith.cmpi ne, %convert_element_type3A_436, %cond3A_437 : i32
          %cond3A_439:3 = scf.if %cond3A_438 -> (vector<16xf32>, vector<16xi32>, f32) {
            %add3A_440 = arith.addi %add3A_73, %mul3A_85 : i32
            %add3A_441 = arith.constant 384 : i32
            %add3A_442 = arith.addi %add3A_440, %add3A_441 : i32
            %add3A_443 = vector.broadcast %add3A_442 : i32 to vector<16xi32>
            %add3A_444 = arith.addi %add3A_443, %iota3A : vector<16xi32>
            %masked_sort3A = arith.constant dense<true> : vector<16xi1>
            %masked_sort3A_445, %masked_sort3A_446, %masked_sort3A_447 = tpu.sort %get3A_184, %add3A_444 masked %masked_sort3A {descending = true} : (vector<16xf32>, vector<16xi32>, vector<16xi1>) -> (vector<16xi1>, vector<16xf32>, vector<16xi32>)
            %max3A_448 = arith.maximumf %cond3A_430#0, %masked_sort3A_446 : vector<16xf32>
            %ge3A = arith.cmpf oge, %cond3A_430#0, %masked_sort3A_446 : vector<16xf32>
            %select_n3A_449 = arith.select %ge3A, %cond3A_430#1, %masked_sort3A_447 : vector<16xi1>, vector<16xi32>
            %masked_sort3A_450 = arith.constant dense<true> : vector<16xi1>
            %masked_sort3A_451, %masked_sort3A_452, %masked_sort3A_453 = tpu.sort %max3A_448, %select_n3A_449 masked %masked_sort3A_450 : (vector<16xf32>, vector<16xi32>, vector<16xi1>) -> (vector<16xi1>, vector<16xf32>, vector<16xi32>)
            %reduce_min3A = arith.constant true
            %reduce_min3A_454 = vector.broadcast %reduce_min3A : i1 to vector<16xi1>
            %reduce_min3A_455 = tpu.scan <min>, %masked_sort3A_452 masked %reduce_min3A_454 : vector<16xf32>, vector<16xi1> -> vector<16xf32>
            %reduce_min3A_456 = vector.extract %reduce_min3A_455[15] : f32 from vector<16xf32>
            scf.yield %masked_sort3A_452, %masked_sort3A_453, %reduce_min3A_456 : vector<16xf32>, vector<16xi32>, f32
          } else {
            scf.yield %cond3A_430#0, %cond3A_430#1, %cond3A_430#2 : vector<16xf32>, vector<16xi32>, f32
          }
          scf.yield %cond3A_439#0, %cond3A_439#1, %cond3A_439#2 : vector<16xf32>, vector<16xi32>, f32
        } else {
          scf.yield %scan3A_81, %scan3A_82, %scan3A_83 : vector<16xf32>, vector<16xi32>, f32
        }
        scf.yield %cond3A_214#0, %cond3A_214#1, %cond3A_214#2 : vector<16xf32>, vector<16xi32>, f32
      }
      %scan3A_79 = arith.constant 128 : i32
      scf.yield %scan3A_78#0, %scan3A_78#1, %scan3A_78#2 : vector<16xf32>, vector<16xi32>, f32
    }
    %scan3A_25 = arith.constant 5 : i32
    %swap3A = arith.constant 0 : index
    %swap3A_26 = tpu.vector_load %arg7[%swap3A] {strides = array<i32>} : memref<16xf32, #tpu.memory_space<vmem>>, vector<16xf32>,
    tpu.vector_store %arg7[%swap3A], %scan3A_24#0 {strides = array<i32>} : memref<16xf32, #tpu.memory_space<vmem>>, vector<16xf32>,
    %swap3A_27 = arith.constant 0 : index
    %swap3A_28 = tpu.vector_load %arg8[%swap3A_27] {strides = array<i32>} : memref<16xi32, #tpu.memory_space<vmem>>, vector<16xi32>,
    tpu.vector_store %arg8[%swap3A_27], %scan3A_24#1 {strides = array<i32>} : memref<16xi32, #tpu.memory_space<vmem>>, vector<16xi32>,
    "tpu.region"() ({
      %run_scoped3A = tpu.sem_alloc : memref<!tpu.dma_semaphore, #tpu.memory_space<semaphore_mem>>
      %dma_start3A_29 = arith.constant 0 : i32
      %dma_start3A_30 = tpu.memref_slice %arg3[%add3A, %dma_start3A_29] : memref<32x16xf32, #tpu.memory_space<hbm>> -> memref<1x16xf32, #tpu.memory_space<hbm>>
      %dma_start3A_31 = tpu.memref_squeeze %dma_start3A_30 : memref<1x16xf32, #tpu.memory_space<hbm>> -> memref<16xf32, #tpu.memory_space<hbm>>
      %dma_start3A_32 = arith.constant 0 : i32
      %dma_start3A_33 = tpu.memref_slice %arg3[%add3A, %dma_start3A_32] : memref<32x16xf32, #tpu.memory_space<hbm>> -> memref<1x16xf32, #tpu.memory_space<hbm>>
      %dma_start3A_34 = tpu.memref_squeeze %dma_start3A_33 : memref<1x16xf32, #tpu.memory_space<hbm>> -> memref<16xf32, #tpu.memory_space<hbm>>
      tpu.enqueue_dma source(%arg7 : memref<16xf32, #tpu.memory_space<vmem>>) target(%dma_start3A_34 : memref<16xf32, #tpu.memory_space<hbm>>) target_semaphore(%run_scoped3A : memref<!tpu.dma_semaphore, #tpu.memory_space<semaphore_mem>>)
      %dma_wait3A = arith.constant 0 : i32
      %dma_wait3A_35 = tpu.memref_slice %arg3[%add3A, %dma_wait3A] : memref<32x16xf32, #tpu.memory_space<hbm>> -> memref<1x16xf32, #tpu.memory_space<hbm>>
      %dma_wait3A_36 = tpu.memref_squeeze %dma_wait3A_35 : memref<1x16xf32, #tpu.memory_space<hbm>> -> memref<16xf32, #tpu.memory_space<hbm>>
      %dma_wait3A_37 = arith.constant 0 : i32
      %dma_wait3A_38 = tpu.memref_slice %arg3[%add3A, %dma_wait3A_37] : memref<32x16xf32, #tpu.memory_space<hbm>> -> memref<1x16xf32, #tpu.memory_space<hbm>>
      %dma_wait3A_39 = tpu.memref_squeeze %dma_wait3A_38 : memref<1x16xf32, #tpu.memory_space<hbm>> -> memref<16xf32, #tpu.memory_space<hbm>>
      tpu.wait_dma2 semaphore(%run_scoped3A : memref<!tpu.dma_semaphore, #tpu.memory_space<semaphore_mem>>) src(%arg7 : memref<16xf32, #tpu.memory_space<vmem>>) dst(%dma_wait3A_39 : memref<16xf32, #tpu.memory_space<hbm>>)
      tpu.yield
    }) : () -> ()
    "tpu.region"() ({
      %run_scoped3A = tpu.sem_alloc : memref<!tpu.dma_semaphore, #tpu.memory_space<semaphore_mem>>
      %dma_start3A_29 = arith.constant 0 : i32
      %dma_start3A_30 = tpu.memref_slice %arg4[%add3A, %dma_start3A_29] : memref<32x16xi32, #tpu.memory_space<hbm>> -> memref<1x16xi32, #tpu.memory_space<hbm>>
      %dma_start3A_31 = tpu.memref_squeeze %dma_start3A_30 : memref<1x16xi32, #tpu.memory_space<hbm>> -> memref<16xi32, #tpu.memory_space<hbm>>
      %dma_start3A_32 = arith.constant 0 : i32
      %dma_start3A_33 = tpu.memref_slice %arg4[%add3A, %dma_start3A_32] : memref<32x16xi32, #tpu.memory_space<hbm>> -> memref<1x16xi32, #tpu.memory_space<hbm>>
      %dma_start3A_34 = tpu.memref_squeeze %dma_start3A_33 : memref<1x16xi32, #tpu.memory_space<hbm>> -> memref<16xi32, #tpu.memory_space<hbm>>
      tpu.enqueue_dma source(%arg8 : memref<16xi32, #tpu.memory_space<vmem>>) target(%dma_start3A_34 : memref<16xi32, #tpu.memory_space<hbm>>) target_semaphore(%run_scoped3A : memref<!tpu.dma_semaphore, #tpu.memory_space<semaphore_mem>>)
      %dma_wait3A = arith.constant 0 : i32
      %dma_wait3A_35 = tpu.memref_slice %arg4[%add3A, %dma_wait3A] : memref<32x16xi32, #tpu.memory_space<hbm>> -> memref<1x16xi32, #tpu.memory_space<hbm>>
      %dma_wait3A_36 = tpu.memref_squeeze %dma_wait3A_35 : memref<1x16xi32, #tpu.memory_space<hbm>> -> memref<16xi32, #tpu.memory_space<hbm>>
      %dma_wait3A_37 = arith.constant 0 : i32
      %dma_wait3A_38 = tpu.memref_slice %arg4[%add3A, %dma_wait3A_37] : memref<32x16xi32, #tpu.memory_space<hbm>> -> memref<1x16xi32, #tpu.memory_space<hbm>>
      %dma_wait3A_39 = tpu.memref_squeeze %dma_wait3A_38 : memref<1x16xi32, #tpu.memory_space<hbm>> -> memref<16xi32, #tpu.memory_space<hbm>>
      tpu.wait_dma2 semaphore(%run_scoped3A : memref<!tpu.dma_semaphore, #tpu.memory_space<semaphore_mem>>) src(%arg8 : memref<16xi32, #tpu.memory_space<vmem>>) dst(%dma_wait3A_39 : memref<16xi32, #tpu.memory_space<hbm>>)
      tpu.yield
    }) : () -> ()
    return
  }
}

#map = affine_map<(d0, d1) -> (0, 0)>
#map1 = affine_map<(d0, d1) -> (0)>
module attributes {stable_mosaic.version = 14 : i64} {
  func.func @_finalize_body(%arg0: i32, %arg1: i32, %arg2: memref<32x16xf32, #tpu.memory_space<hbm>>, %arg3: memref<32x16xi32, #tpu.memory_space<hbm>>, %arg4: memref<16xf32, #tpu.memory_space<hbm>>, %arg5: memref<16xi32, #tpu.memory_space<hbm>>, %arg6: memref<20x16xi32, #tpu.memory_space<hbm>>, %arg7: memref<20x16xf32, #tpu.memory_space<hbm>>, %arg8: memref<32x1024xf32, #tpu.memory_space<hbm>>, %arg9: memref<20x16xi32, #tpu.memory_space<hbm>>, %arg10: memref<20x16xf32, #tpu.memory_space<hbm>>, %arg11: memref<16xf32, #tpu.memory_space<hbm>>, %arg12: memref<32x1024xf32, #tpu.memory_space<hbm>>, %arg13: memref<32x16xf32, #tpu.memory_space<vmem>>, %arg14: memref<32x16xi32, #tpu.memory_space<vmem>>, %arg15: memref<16xf32, #tpu.memory_space<vmem>>, %arg16: memref<16xi32, #tpu.memory_space<vmem>>, %arg17: memref<20x16xi32, #tpu.memory_space<vmem>>, %arg18: memref<20x16xf32, #tpu.memory_space<vmem>>, %arg19: memref<20x16xi32, #tpu.memory_space<vmem>>, %arg20: memref<20x16xf32, #tpu.memory_space<vmem>>, %arg21: memref<16xf32, #tpu.memory_space<vmem>>, %arg22: memref<32xi32, #tpu.memory_space<vmem>>, %arg23: memref<32x1024xf32, #tpu.memory_space<vmem>>, %arg24: memref<!tpu.dma_semaphore, #tpu.memory_space<semaphore_mem>>) attributes {dimension_semantics = [#tpu.dimension_semantics<core_parallel>, #tpu.dimension_semantics<subcore_parallel>], iteration_bounds = array<i64: 2, 16>, scalar_prefetch = 0 : i64, scratch_operands = 12 : i64, tpu.core_type = #tpu.core_type<sc_vector_subcore>, window_params = [{transform_indices = #map}, {transform_indices = #map}, {transform_indices = #map1}, {transform_indices = #map1}, {transform_indices = #map}, {transform_indices = #map}, {transform_indices = #map}, {transform_indices = #map}, {transform_indices = #map}, {transform_indices = #map1}, {transform_indices = #map}]} {
    %eq3A = arith.constant 0 : i32
    %eq3A_0 = arith.cmpi eq, %arg0, %eq3A : i32
    %eq3A_1 = arith.constant 0 : i32
    %eq3A_2 = arith.cmpi eq, %arg1, %eq3A_1 : i32
    %and3A = arith.andi %eq3A_0, %eq3A_2 : i1
    %convert_element_type3A = arith.extui %and3A : i1 to i32
    %cond3A = arith.constant 0 : i32
    %cond3A_3 = arith.cmpi ne, %convert_element_type3A, %cond3A : i32
    scf.if %cond3A_3 {
      "tpu.region"() ({
        %run_scoped3A = tpu.sem_alloc : memref<!tpu.dma_semaphore, #tpu.memory_space<semaphore_mem>>
        tpu.enqueue_dma source(%arg2 : memref<32x16xf32, #tpu.memory_space<hbm>>) target(%arg13 : memref<32x16xf32, #tpu.memory_space<vmem>>) target_semaphore(%run_scoped3A : memref<!tpu.dma_semaphore, #tpu.memory_space<semaphore_mem>>)
        tpu.wait_dma2 semaphore(%run_scoped3A : memref<!tpu.dma_semaphore, #tpu.memory_space<semaphore_mem>>) src(%arg2 : memref<32x16xf32, #tpu.memory_space<hbm>>) dst(%arg13 : memref<32x16xf32, #tpu.memory_space<vmem>>)
        tpu.yield
      }) : () -> ()
      "tpu.region"() ({
        %run_scoped3A = tpu.sem_alloc : memref<!tpu.dma_semaphore, #tpu.memory_space<semaphore_mem>>
        tpu.enqueue_dma source(%arg3 : memref<32x16xi32, #tpu.memory_space<hbm>>) target(%arg14 : memref<32x16xi32, #tpu.memory_space<vmem>>) target_semaphore(%run_scoped3A : memref<!tpu.dma_semaphore, #tpu.memory_space<semaphore_mem>>)
        tpu.wait_dma2 semaphore(%run_scoped3A : memref<!tpu.dma_semaphore, #tpu.memory_space<semaphore_mem>>) src(%arg3 : memref<32x16xi32, #tpu.memory_space<hbm>>) dst(%arg14 : memref<32x16xi32, #tpu.memory_space<vmem>>)
        tpu.yield
      }) : () -> ()
      "tpu.region"() ({
        %run_scoped3A = tpu.sem_alloc : memref<!tpu.dma_semaphore, #tpu.memory_space<semaphore_mem>>
        tpu.enqueue_dma source(%arg4 : memref<16xf32, #tpu.memory_space<hbm>>) target(%arg15 : memref<16xf32, #tpu.memory_space<vmem>>) target_semaphore(%run_scoped3A : memref<!tpu.dma_semaphore, #tpu.memory_space<semaphore_mem>>)
        tpu.wait_dma2 semaphore(%run_scoped3A : memref<!tpu.dma_semaphore, #tpu.memory_space<semaphore_mem>>) src(%arg4 : memref<16xf32, #tpu.memory_space<hbm>>) dst(%arg15 : memref<16xf32, #tpu.memory_space<vmem>>)
        tpu.yield
      }) : () -> ()
      "tpu.region"() ({
        %run_scoped3A = tpu.sem_alloc : memref<!tpu.dma_semaphore, #tpu.memory_space<semaphore_mem>>
        tpu.enqueue_dma source(%arg5 : memref<16xi32, #tpu.memory_space<hbm>>) target(%arg16 : memref<16xi32, #tpu.memory_space<vmem>>) target_semaphore(%run_scoped3A : memref<!tpu.dma_semaphore, #tpu.memory_space<semaphore_mem>>)
        tpu.wait_dma2 semaphore(%run_scoped3A : memref<!tpu.dma_semaphore, #tpu.memory_space<semaphore_mem>>) src(%arg5 : memref<16xi32, #tpu.memory_space<hbm>>) dst(%arg16 : memref<16xi32, #tpu.memory_space<vmem>>)
        tpu.yield
      }) : () -> ()
      "tpu.region"() ({
        %run_scoped3A = tpu.sem_alloc : memref<!tpu.dma_semaphore, #tpu.memory_space<semaphore_mem>>
        tpu.enqueue_dma source(%arg6 : memref<20x16xi32, #tpu.memory_space<hbm>>) target(%arg17 : memref<20x16xi32, #tpu.memory_space<vmem>>) target_semaphore(%run_scoped3A : memref<!tpu.dma_semaphore, #tpu.memory_space<semaphore_mem>>)
        tpu.wait_dma2 semaphore(%run_scoped3A : memref<!tpu.dma_semaphore, #tpu.memory_space<semaphore_mem>>) src(%arg6 : memref<20x16xi32, #tpu.memory_space<hbm>>) dst(%arg17 : memref<20x16xi32, #tpu.memory_space<vmem>>)
        tpu.yield
      }) : () -> ()
      "tpu.region"() ({
        %run_scoped3A = tpu.sem_alloc : memref<!tpu.dma_semaphore, #tpu.memory_space<semaphore_mem>>
        tpu.enqueue_dma source(%arg7 : memref<20x16xf32, #tpu.memory_space<hbm>>) target(%arg18 : memref<20x16xf32, #tpu.memory_space<vmem>>) target_semaphore(%run_scoped3A : memref<!tpu.dma_semaphore, #tpu.memory_space<semaphore_mem>>)
        tpu.wait_dma2 semaphore(%run_scoped3A : memref<!tpu.dma_semaphore, #tpu.memory_space<semaphore_mem>>) src(%arg7 : memref<20x16xf32, #tpu.memory_space<hbm>>) dst(%arg18 : memref<20x16xf32, #tpu.memory_space<vmem>>)
        tpu.yield
      }) : () -> ()
      %get3A = arith.constant 0 : i32
      %get3A_4 = arith.index_cast %get3A : i32 to index
      %get3A_5 = arith.constant 0 : index
      %get3A_6 = tpu.vector_load %arg13[%get3A_4, %get3A_5] {strides = array<i32>} : memref<32x16xf32, #tpu.memory_space<vmem>>, vector<16xf32>,
      %get3A_7 = arith.constant 0 : i32
      %get3A_8 = arith.index_cast %get3A_7 : i32 to index
      %get3A_9 = arith.constant 0 : index
      %get3A_10 = tpu.vector_load %arg14[%get3A_8, %get3A_9] {strides = array<i32>} : memref<32x16xi32, #tpu.memory_space<vmem>>, vector<16xi32>,
      %or3A = arith.constant 0 : i32
      %or3A_11 = vector.broadcast %or3A : i32 to vector<16xi32>
      %or3A_12 = arith.ori %get3A_10, %or3A_11 : vector<16xi32>
      %get3A_13 = arith.constant 1 : i32
      %get3A_14 = arith.index_cast %get3A_13 : i32 to index
      %get3A_15 = arith.constant 0 : index
      %get3A_16 = tpu.vector_load %arg13[%get3A_14, %get3A_15] {strides = array<i32>} : memref<32x16xf32, #tpu.memory_space<vmem>>, vector<16xf32>,
      %get3A_17 = arith.constant 1 : i32
      %get3A_18 = arith.index_cast %get3A_17 : i32 to index
      %get3A_19 = arith.constant 0 : index
      %get3A_20 = tpu.vector_load %arg14[%get3A_18, %get3A_19] {strides = array<i32>} : memref<32x16xi32, #tpu.memory_space<vmem>>, vector<16xi32>,
      %or3A_21 = arith.constant 1048576 : i32
      %or3A_22 = vector.broadcast %or3A_21 : i32 to vector<16xi32>
      %or3A_23 = arith.ori %get3A_20, %or3A_22 : vector<16xi32>
      %get3A_24 = arith.constant 2 : i32
      %get3A_25 = arith.index_cast %get3A_24 : i32 to index
      %get3A_26 = arith.constant 0 : index
      %get3A_27 = tpu.vector_load %arg13[%get3A_25, %get3A_26] {strides = array<i32>} : memref<32x16xf32, #tpu.memory_space<vmem>>, vector<16xf32>,
      %get3A_28 = arith.constant 2 : i32
      %get3A_29 = arith.index_cast %get3A_28 : i32 to index
      %get3A_30 = arith.constant 0 : index
      %get3A_31 = tpu.vector_load %arg14[%get3A_29, %get3A_30] {strides = array<i32>} : memref<32x16xi32, #tpu.memory_space<vmem>>, vector<16xi32>,
      %or3A_32 = arith.constant 2097152 : i32
      %or3A_33 = vector.broadcast %or3A_32 : i32 to vector<16xi32>
      %or3A_34 = arith.ori %get3A_31, %or3A_33 : vector<16xi32>
      %get3A_35 = arith.constant 3 : i32
      %get3A_36 = arith.index_cast %get3A_35 : i32 to index
      %get3A_37 = arith.constant 0 : index
      %get3A_38 = tpu.vector_load %arg13[%get3A_36, %get3A_37] {strides = array<i32>} : memref<32x16xf32, #tpu.memory_space<vmem>>, vector<16xf32>,
      %get3A_39 = arith.constant 3 : i32
      %get3A_40 = arith.index_cast %get3A_39 : i32 to index
      %get3A_41 = arith.constant 0 : index
      %get3A_42 = tpu.vector_load %arg14[%get3A_40, %get3A_41] {strides = array<i32>} : memref<32x16xi32, #tpu.memory_space<vmem>>, vector<16xi32>,
      %or3A_43 = arith.constant 3145728 : i32
      %or3A_44 = vector.broadcast %or3A_43 : i32 to vector<16xi32>
      %or3A_45 = arith.ori %get3A_42, %or3A_44 : vector<16xi32>
      %get3A_46 = arith.constant 4 : i32
      %get3A_47 = arith.index_cast %get3A_46 : i32 to index
      %get3A_48 = arith.constant 0 : index
      %get3A_49 = tpu.vector_load %arg13[%get3A_47, %get3A_48] {strides = array<i32>} : memref<32x16xf32, #tpu.memory_space<vmem>>, vector<16xf32>,
      %get3A_50 = arith.constant 4 : i32
      %get3A_51 = arith.index_cast %get3A_50 : i32 to index
      %get3A_52 = arith.constant 0 : index
      %get3A_53 = tpu.vector_load %arg14[%get3A_51, %get3A_52] {strides = array<i32>} : memref<32x16xi32, #tpu.memory_space<vmem>>, vector<16xi32>,
      %or3A_54 = arith.constant 4194304 : i32
      %or3A_55 = vector.broadcast %or3A_54 : i32 to vector<16xi32>
      %or3A_56 = arith.ori %get3A_53, %or3A_55 : vector<16xi32>
      %get3A_57 = arith.constant 5 : i32
      %get3A_58 = arith.index_cast %get3A_57 : i32 to index
      %get3A_59 = arith.constant 0 : index
      %get3A_60 = tpu.vector_load %arg13[%get3A_58, %get3A_59] {strides = array<i32>} : memref<32x16xf32, #tpu.memory_space<vmem>>, vector<16xf32>,
      %get3A_61 = arith.constant 5 : i32
      %get3A_62 = arith.index_cast %get3A_61 : i32 to index
      %get3A_63 = arith.constant 0 : index
      %get3A_64 = tpu.vector_load %arg14[%get3A_62, %get3A_63] {strides = array<i32>} : memref<32x16xi32, #tpu.memory_space<vmem>>, vector<16xi32>,
      %or3A_65 = arith.constant 5242880 : i32
      %or3A_66 = vector.broadcast %or3A_65 : i32 to vector<16xi32>
      %or3A_67 = arith.ori %get3A_64, %or3A_66 : vector<16xi32>
      %get3A_68 = arith.constant 6 : i32
      %get3A_69 = arith.index_cast %get3A_68 : i32 to index
      %get3A_70 = arith.constant 0 : index
      %get3A_71 = tpu.vector_load %arg13[%get3A_69, %get3A_70] {strides = array<i32>} : memref<32x16xf32, #tpu.memory_space<vmem>>, vector<16xf32>,
      %get3A_72 = arith.constant 6 : i32
      %get3A_73 = arith.index_cast %get3A_72 : i32 to index
      %get3A_74 = arith.constant 0 : index
      %get3A_75 = tpu.vector_load %arg14[%get3A_73, %get3A_74] {strides = array<i32>} : memref<32x16xi32, #tpu.memory_space<vmem>>, vector<16xi32>,
      %or3A_76 = arith.constant 6291456 : i32
      %or3A_77 = vector.broadcast %or3A_76 : i32 to vector<16xi32>
      %or3A_78 = arith.ori %get3A_75, %or3A_77 : vector<16xi32>
      %get3A_79 = arith.constant 7 : i32
      %get3A_80 = arith.index_cast %get3A_79 : i32 to index
      %get3A_81 = arith.constant 0 : index
      %get3A_82 = tpu.vector_load %arg13[%get3A_80, %get3A_81] {strides = array<i32>} : memref<32x16xf32, #tpu.memory_space<vmem>>, vector<16xf32>,
      %get3A_83 = arith.constant 7 : i32
      %get3A_84 = arith.index_cast %get3A_83 : i32 to index
      %get3A_85 = arith.constant 0 : index
      %get3A_86 = tpu.vector_load %arg14[%get3A_84, %get3A_85] {strides = array<i32>} : memref<32x16xi32, #tpu.memory_space<vmem>>, vector<16xi32>,
      %or3A_87 = arith.constant 7340032 : i32
      %or3A_88 = vector.broadcast %or3A_87 : i32 to vector<16xi32>
      %or3A_89 = arith.ori %get3A_86, %or3A_88 : vector<16xi32>
      %get3A_90 = arith.constant 8 : i32
      %get3A_91 = arith.index_cast %get3A_90 : i32 to index
      %get3A_92 = arith.constant 0 : index
      %get3A_93 = tpu.vector_load %arg13[%get3A_91, %get3A_92] {strides = array<i32>} : memref<32x16xf32, #tpu.memory_space<vmem>>, vector<16xf32>,
      %get3A_94 = arith.constant 8 : i32
      %get3A_95 = arith.index_cast %get3A_94 : i32 to index
      %get3A_96 = arith.constant 0 : index
      %get3A_97 = tpu.vector_load %arg14[%get3A_95, %get3A_96] {strides = array<i32>} : memref<32x16xi32, #tpu.memory_space<vmem>>, vector<16xi32>,
      %or3A_98 = arith.constant 8388608 : i32
      %or3A_99 = vector.broadcast %or3A_98 : i32 to vector<16xi32>
      %or3A_100 = arith.ori %get3A_97, %or3A_99 : vector<16xi32>
      %get3A_101 = arith.constant 9 : i32
      %get3A_102 = arith.index_cast %get3A_101 : i32 to index
      %get3A_103 = arith.constant 0 : index
      %get3A_104 = tpu.vector_load %arg13[%get3A_102, %get3A_103] {strides = array<i32>} : memref<32x16xf32, #tpu.memory_space<vmem>>, vector<16xf32>,
      %get3A_105 = arith.constant 9 : i32
      %get3A_106 = arith.index_cast %get3A_105 : i32 to index
      %get3A_107 = arith.constant 0 : index
      %get3A_108 = tpu.vector_load %arg14[%get3A_106, %get3A_107] {strides = array<i32>} : memref<32x16xi32, #tpu.memory_space<vmem>>, vector<16xi32>,
      %or3A_109 = arith.constant 9437184 : i32
      %or3A_110 = vector.broadcast %or3A_109 : i32 to vector<16xi32>
      %or3A_111 = arith.ori %get3A_108, %or3A_110 : vector<16xi32>
      %get3A_112 = arith.constant 10 : i32
      %get3A_113 = arith.index_cast %get3A_112 : i32 to index
      %get3A_114 = arith.constant 0 : index
      %get3A_115 = tpu.vector_load %arg13[%get3A_113, %get3A_114] {strides = array<i32>} : memref<32x16xf32, #tpu.memory_space<vmem>>, vector<16xf32>,
      %get3A_116 = arith.constant 10 : i32
      %get3A_117 = arith.index_cast %get3A_116 : i32 to index
      %get3A_118 = arith.constant 0 : index
      %get3A_119 = tpu.vector_load %arg14[%get3A_117, %get3A_118] {strides = array<i32>} : memref<32x16xi32, #tpu.memory_space<vmem>>, vector<16xi32>,
      %or3A_120 = arith.constant 10485760 : i32
      %or3A_121 = vector.broadcast %or3A_120 : i32 to vector<16xi32>
      %or3A_122 = arith.ori %get3A_119, %or3A_121 : vector<16xi32>
      %get3A_123 = arith.constant 11 : i32
      %get3A_124 = arith.index_cast %get3A_123 : i32 to index
      %get3A_125 = arith.constant 0 : index
      %get3A_126 = tpu.vector_load %arg13[%get3A_124, %get3A_125] {strides = array<i32>} : memref<32x16xf32, #tpu.memory_space<vmem>>, vector<16xf32>,
      %get3A_127 = arith.constant 11 : i32
      %get3A_128 = arith.index_cast %get3A_127 : i32 to index
      %get3A_129 = arith.constant 0 : index
      %get3A_130 = tpu.vector_load %arg14[%get3A_128, %get3A_129] {strides = array<i32>} : memref<32x16xi32, #tpu.memory_space<vmem>>, vector<16xi32>,
      %or3A_131 = arith.constant 11534336 : i32
      %or3A_132 = vector.broadcast %or3A_131 : i32 to vector<16xi32>
      %or3A_133 = arith.ori %get3A_130, %or3A_132 : vector<16xi32>
      %get3A_134 = arith.constant 12 : i32
      %get3A_135 = arith.index_cast %get3A_134 : i32 to index
      %get3A_136 = arith.constant 0 : index
      %get3A_137 = tpu.vector_load %arg13[%get3A_135, %get3A_136] {strides = array<i32>} : memref<32x16xf32, #tpu.memory_space<vmem>>, vector<16xf32>,
      %get3A_138 = arith.constant 12 : i32
      %get3A_139 = arith.index_cast %get3A_138 : i32 to index
      %get3A_140 = arith.constant 0 : index
      %get3A_141 = tpu.vector_load %arg14[%get3A_139, %get3A_140] {strides = array<i32>} : memref<32x16xi32, #tpu.memory_space<vmem>>, vector<16xi32>,
      %or3A_142 = arith.constant 12582912 : i32
      %or3A_143 = vector.broadcast %or3A_142 : i32 to vector<16xi32>
      %or3A_144 = arith.ori %get3A_141, %or3A_143 : vector<16xi32>
      %get3A_145 = arith.constant 13 : i32
      %get3A_146 = arith.index_cast %get3A_145 : i32 to index
      %get3A_147 = arith.constant 0 : index
      %get3A_148 = tpu.vector_load %arg13[%get3A_146, %get3A_147] {strides = array<i32>} : memref<32x16xf32, #tpu.memory_space<vmem>>, vector<16xf32>,
      %get3A_149 = arith.constant 13 : i32
      %get3A_150 = arith.index_cast %get3A_149 : i32 to index
      %get3A_151 = arith.constant 0 : index
      %get3A_152 = tpu.vector_load %arg14[%get3A_150, %get3A_151] {strides = array<i32>} : memref<32x16xi32, #tpu.memory_space<vmem>>, vector<16xi32>,
      %or3A_153 = arith.constant 13631488 : i32
      %or3A_154 = vector.broadcast %or3A_153 : i32 to vector<16xi32>
      %or3A_155 = arith.ori %get3A_152, %or3A_154 : vector<16xi32>
      %get3A_156 = arith.constant 14 : i32
      %get3A_157 = arith.index_cast %get3A_156 : i32 to index
      %get3A_158 = arith.constant 0 : index
      %get3A_159 = tpu.vector_load %arg13[%get3A_157, %get3A_158] {strides = array<i32>} : memref<32x16xf32, #tpu.memory_space<vmem>>, vector<16xf32>,
      %get3A_160 = arith.constant 14 : i32
      %get3A_161 = arith.index_cast %get3A_160 : i32 to index
      %get3A_162 = arith.constant 0 : index
      %get3A_163 = tpu.vector_load %arg14[%get3A_161, %get3A_162] {strides = array<i32>} : memref<32x16xi32, #tpu.memory_space<vmem>>, vector<16xi32>,
      %or3A_164 = arith.constant 14680064 : i32
      %or3A_165 = vector.broadcast %or3A_164 : i32 to vector<16xi32>
      %or3A_166 = arith.ori %get3A_163, %or3A_165 : vector<16xi32>
      %get3A_167 = arith.constant 15 : i32
      %get3A_168 = arith.index_cast %get3A_167 : i32 to index
      %get3A_169 = arith.constant 0 : index
      %get3A_170 = tpu.vector_load %arg13[%get3A_168, %get3A_169] {strides = array<i32>} : memref<32x16xf32, #tpu.memory_space<vmem>>, vector<16xf32>,
      %get3A_171 = arith.constant 15 : i32
      %get3A_172 = arith.index_cast %get3A_171 : i32 to index
      %get3A_173 = arith.constant 0 : index
      %get3A_174 = tpu.vector_load %arg14[%get3A_172, %get3A_173] {strides = array<i32>} : memref<32x16xi32, #tpu.memory_space<vmem>>, vector<16xi32>,
      %or3A_175 = arith.constant 15728640 : i32
      %or3A_176 = vector.broadcast %or3A_175 : i32 to vector<16xi32>
      %or3A_177 = arith.ori %get3A_174, %or3A_176 : vector<16xi32>
      %get3A_178 = arith.constant 16 : i32
      %get3A_179 = arith.index_cast %get3A_178 : i32 to index
      %get3A_180 = arith.constant 0 : index
      %get3A_181 = tpu.vector_load %arg13[%get3A_179, %get3A_180] {strides = array<i32>} : memref<32x16xf32, #tpu.memory_space<vmem>>, vector<16xf32>,
      %get3A_182 = arith.constant 16 : i32
      %get3A_183 = arith.index_cast %get3A_182 : i32 to index
      %get3A_184 = arith.constant 0 : index
      %get3A_185 = tpu.vector_load %arg14[%get3A_183, %get3A_184] {strides = array<i32>} : memref<32x16xi32, #tpu.memory_space<vmem>>, vector<16xi32>,
      %or3A_186 = arith.constant 16777216 : i32
      %or3A_187 = vector.broadcast %or3A_186 : i32 to vector<16xi32>
      %or3A_188 = arith.ori %get3A_185, %or3A_187 : vector<16xi32>
      %get3A_189 = arith.constant 17 : i32
      %get3A_190 = arith.index_cast %get3A_189 : i32 to index
      %get3A_191 = arith.constant 0 : index
      %get3A_192 = tpu.vector_load %arg13[%get3A_190, %get3A_191] {strides = array<i32>} : memref<32x16xf32, #tpu.memory_space<vmem>>, vector<16xf32>,
      %get3A_193 = arith.constant 17 : i32
      %get3A_194 = arith.index_cast %get3A_193 : i32 to index
      %get3A_195 = arith.constant 0 : index
      %get3A_196 = tpu.vector_load %arg14[%get3A_194, %get3A_195] {strides = array<i32>} : memref<32x16xi32, #tpu.memory_space<vmem>>, vector<16xi32>,
      %or3A_197 = arith.constant 17825792 : i32
      %or3A_198 = vector.broadcast %or3A_197 : i32 to vector<16xi32>
      %or3A_199 = arith.ori %get3A_196, %or3A_198 : vector<16xi32>
      %get3A_200 = arith.constant 18 : i32
      %get3A_201 = arith.index_cast %get3A_200 : i32 to index
      %get3A_202 = arith.constant 0 : index
      %get3A_203 = tpu.vector_load %arg13[%get3A_201, %get3A_202] {strides = array<i32>} : memref<32x16xf32, #tpu.memory_space<vmem>>, vector<16xf32>,
      %get3A_204 = arith.constant 18 : i32
      %get3A_205 = arith.index_cast %get3A_204 : i32 to index
      %get3A_206 = arith.constant 0 : index
      %get3A_207 = tpu.vector_load %arg14[%get3A_205, %get3A_206] {strides = array<i32>} : memref<32x16xi32, #tpu.memory_space<vmem>>, vector<16xi32>,
      %or3A_208 = arith.constant 18874368 : i32
      %or3A_209 = vector.broadcast %or3A_208 : i32 to vector<16xi32>
      %or3A_210 = arith.ori %get3A_207, %or3A_209 : vector<16xi32>
      %get3A_211 = arith.constant 19 : i32
      %get3A_212 = arith.index_cast %get3A_211 : i32 to index
      %get3A_213 = arith.constant 0 : index
      %get3A_214 = tpu.vector_load %arg13[%get3A_212, %get3A_213] {strides = array<i32>} : memref<32x16xf32, #tpu.memory_space<vmem>>, vector<16xf32>,
      %get3A_215 = arith.constant 19 : i32
      %get3A_216 = arith.index_cast %get3A_215 : i32 to index
      %get3A_217 = arith.constant 0 : index
      %get3A_218 = tpu.vector_load %arg14[%get3A_216, %get3A_217] {strides = array<i32>} : memref<32x16xi32, #tpu.memory_space<vmem>>, vector<16xi32>,
      %or3A_219 = arith.constant 19922944 : i32
      %or3A_220 = vector.broadcast %or3A_219 : i32 to vector<16xi32>
      %or3A_221 = arith.ori %get3A_218, %or3A_220 : vector<16xi32>
      %get3A_222 = arith.constant 20 : i32
      %get3A_223 = arith.index_cast %get3A_222 : i32 to index
      %get3A_224 = arith.constant 0 : index
      %get3A_225 = tpu.vector_load %arg13[%get3A_223, %get3A_224] {strides = array<i32>} : memref<32x16xf32, #tpu.memory_space<vmem>>, vector<16xf32>,
      %get3A_226 = arith.constant 20 : i32
      %get3A_227 = arith.index_cast %get3A_226 : i32 to index
      %get3A_228 = arith.constant 0 : index
      %get3A_229 = tpu.vector_load %arg14[%get3A_227, %get3A_228] {strides = array<i32>} : memref<32x16xi32, #tpu.memory_space<vmem>>, vector<16xi32>,
      %or3A_230 = arith.constant 20971520 : i32
      %or3A_231 = vector.broadcast %or3A_230 : i32 to vector<16xi32>
      %or3A_232 = arith.ori %get3A_229, %or3A_231 : vector<16xi32>
      %get3A_233 = arith.constant 21 : i32
      %get3A_234 = arith.index_cast %get3A_233 : i32 to index
      %get3A_235 = arith.constant 0 : index
      %get3A_236 = tpu.vector_load %arg13[%get3A_234, %get3A_235] {strides = array<i32>} : memref<32x16xf32, #tpu.memory_space<vmem>>, vector<16xf32>,
      %get3A_237 = arith.constant 21 : i32
      %get3A_238 = arith.index_cast %get3A_237 : i32 to index
      %get3A_239 = arith.constant 0 : index
      %get3A_240 = tpu.vector_load %arg14[%get3A_238, %get3A_239] {strides = array<i32>} : memref<32x16xi32, #tpu.memory_space<vmem>>, vector<16xi32>,
      %or3A_241 = arith.constant 22020096 : i32
      %or3A_242 = vector.broadcast %or3A_241 : i32 to vector<16xi32>
      %or3A_243 = arith.ori %get3A_240, %or3A_242 : vector<16xi32>
      %get3A_244 = arith.constant 22 : i32
      %get3A_245 = arith.index_cast %get3A_244 : i32 to index
      %get3A_246 = arith.constant 0 : index
      %get3A_247 = tpu.vector_load %arg13[%get3A_245, %get3A_246] {strides = array<i32>} : memref<32x16xf32, #tpu.memory_space<vmem>>, vector<16xf32>,
      %get3A_248 = arith.constant 22 : i32
      %get3A_249 = arith.index_cast %get3A_248 : i32 to index
      %get3A_250 = arith.constant 0 : index
      %get3A_251 = tpu.vector_load %arg14[%get3A_249, %get3A_250] {strides = array<i32>} : memref<32x16xi32, #tpu.memory_space<vmem>>, vector<16xi32>,
      %or3A_252 = arith.constant 23068672 : i32
      %or3A_253 = vector.broadcast %or3A_252 : i32 to vector<16xi32>
      %or3A_254 = arith.ori %get3A_251, %or3A_253 : vector<16xi32>
      %get3A_255 = arith.constant 23 : i32
      %get3A_256 = arith.index_cast %get3A_255 : i32 to index
      %get3A_257 = arith.constant 0 : index
      %get3A_258 = tpu.vector_load %arg13[%get3A_256, %get3A_257] {strides = array<i32>} : memref<32x16xf32, #tpu.memory_space<vmem>>, vector<16xf32>,
      %get3A_259 = arith.constant 23 : i32
      %get3A_260 = arith.index_cast %get3A_259 : i32 to index
      %get3A_261 = arith.constant 0 : index
      %get3A_262 = tpu.vector_load %arg14[%get3A_260, %get3A_261] {strides = array<i32>} : memref<32x16xi32, #tpu.memory_space<vmem>>, vector<16xi32>,
      %or3A_263 = arith.constant 24117248 : i32
      %or3A_264 = vector.broadcast %or3A_263 : i32 to vector<16xi32>
      %or3A_265 = arith.ori %get3A_262, %or3A_264 : vector<16xi32>
      %get3A_266 = arith.constant 24 : i32
      %get3A_267 = arith.index_cast %get3A_266 : i32 to index
      %get3A_268 = arith.constant 0 : index
      %get3A_269 = tpu.vector_load %arg13[%get3A_267, %get3A_268] {strides = array<i32>} : memref<32x16xf32, #tpu.memory_space<vmem>>, vector<16xf32>,
      %get3A_270 = arith.constant 24 : i32
      %get3A_271 = arith.index_cast %get3A_270 : i32 to index
      %get3A_272 = arith.constant 0 : index
      %get3A_273 = tpu.vector_load %arg14[%get3A_271, %get3A_272] {strides = array<i32>} : memref<32x16xi32, #tpu.memory_space<vmem>>, vector<16xi32>,
      %or3A_274 = arith.constant 25165824 : i32
      %or3A_275 = vector.broadcast %or3A_274 : i32 to vector<16xi32>
      %or3A_276 = arith.ori %get3A_273, %or3A_275 : vector<16xi32>
      %get3A_277 = arith.constant 25 : i32
      %get3A_278 = arith.index_cast %get3A_277 : i32 to index
      %get3A_279 = arith.constant 0 : index
      %get3A_280 = tpu.vector_load %arg13[%get3A_278, %get3A_279] {strides = array<i32>} : memref<32x16xf32, #tpu.memory_space<vmem>>, vector<16xf32>,
      %get3A_281 = arith.constant 25 : i32
      %get3A_282 = arith.index_cast %get3A_281 : i32 to index
      %get3A_283 = arith.constant 0 : index
      %get3A_284 = tpu.vector_load %arg14[%get3A_282, %get3A_283] {strides = array<i32>} : memref<32x16xi32, #tpu.memory_space<vmem>>, vector<16xi32>,
      %or3A_285 = arith.constant 26214400 : i32
      %or3A_286 = vector.broadcast %or3A_285 : i32 to vector<16xi32>
      %or3A_287 = arith.ori %get3A_284, %or3A_286 : vector<16xi32>
      %get3A_288 = arith.constant 26 : i32
      %get3A_289 = arith.index_cast %get3A_288 : i32 to index
      %get3A_290 = arith.constant 0 : index
      %get3A_291 = tpu.vector_load %arg13[%get3A_289, %get3A_290] {strides = array<i32>} : memref<32x16xf32, #tpu.memory_space<vmem>>, vector<16xf32>,
      %get3A_292 = arith.constant 26 : i32
      %get3A_293 = arith.index_cast %get3A_292 : i32 to index
      %get3A_294 = arith.constant 0 : index
      %get3A_295 = tpu.vector_load %arg14[%get3A_293, %get3A_294] {strides = array<i32>} : memref<32x16xi32, #tpu.memory_space<vmem>>, vector<16xi32>,
      %or3A_296 = arith.constant 27262976 : i32
      %or3A_297 = vector.broadcast %or3A_296 : i32 to vector<16xi32>
      %or3A_298 = arith.ori %get3A_295, %or3A_297 : vector<16xi32>
      %get3A_299 = arith.constant 27 : i32
      %get3A_300 = arith.index_cast %get3A_299 : i32 to index
      %get3A_301 = arith.constant 0 : index
      %get3A_302 = tpu.vector_load %arg13[%get3A_300, %get3A_301] {strides = array<i32>} : memref<32x16xf32, #tpu.memory_space<vmem>>, vector<16xf32>,
      %get3A_303 = arith.constant 27 : i32
      %get3A_304 = arith.index_cast %get3A_303 : i32 to index
      %get3A_305 = arith.constant 0 : index
      %get3A_306 = tpu.vector_load %arg14[%get3A_304, %get3A_305] {strides = array<i32>} : memref<32x16xi32, #tpu.memory_space<vmem>>, vector<16xi32>,
      %or3A_307 = arith.constant 28311552 : i32
      %or3A_308 = vector.broadcast %or3A_307 : i32 to vector<16xi32>
      %or3A_309 = arith.ori %get3A_306, %or3A_308 : vector<16xi32>
      %get3A_310 = arith.constant 28 : i32
      %get3A_311 = arith.index_cast %get3A_310 : i32 to index
      %get3A_312 = arith.constant 0 : index
      %get3A_313 = tpu.vector_load %arg13[%get3A_311, %get3A_312] {strides = array<i32>} : memref<32x16xf32, #tpu.memory_space<vmem>>, vector<16xf32>,
      %get3A_314 = arith.constant 28 : i32
      %get3A_315 = arith.index_cast %get3A_314 : i32 to index
      %get3A_316 = arith.constant 0 : index
      %get3A_317 = tpu.vector_load %arg14[%get3A_315, %get3A_316] {strides = array<i32>} : memref<32x16xi32, #tpu.memory_space<vmem>>, vector<16xi32>,
      %or3A_318 = arith.constant 29360128 : i32
      %or3A_319 = vector.broadcast %or3A_318 : i32 to vector<16xi32>
      %or3A_320 = arith.ori %get3A_317, %or3A_319 : vector<16xi32>
      %get3A_321 = arith.constant 29 : i32
      %get3A_322 = arith.index_cast %get3A_321 : i32 to index
      %get3A_323 = arith.constant 0 : index
      %get3A_324 = tpu.vector_load %arg13[%get3A_322, %get3A_323] {strides = array<i32>} : memref<32x16xf32, #tpu.memory_space<vmem>>, vector<16xf32>,
      %get3A_325 = arith.constant 29 : i32
      %get3A_326 = arith.index_cast %get3A_325 : i32 to index
      %get3A_327 = arith.constant 0 : index
      %get3A_328 = tpu.vector_load %arg14[%get3A_326, %get3A_327] {strides = array<i32>} : memref<32x16xi32, #tpu.memory_space<vmem>>, vector<16xi32>,
      %or3A_329 = arith.constant 30408704 : i32
      %or3A_330 = vector.broadcast %or3A_329 : i32 to vector<16xi32>
      %or3A_331 = arith.ori %get3A_328, %or3A_330 : vector<16xi32>
      %get3A_332 = arith.constant 30 : i32
      %get3A_333 = arith.index_cast %get3A_332 : i32 to index
      %get3A_334 = arith.constant 0 : index
      %get3A_335 = tpu.vector_load %arg13[%get3A_333, %get3A_334] {strides = array<i32>} : memref<32x16xf32, #tpu.memory_space<vmem>>, vector<16xf32>,
      %get3A_336 = arith.constant 30 : i32
      %get3A_337 = arith.index_cast %get3A_336 : i32 to index
      %get3A_338 = arith.constant 0 : index
      %get3A_339 = tpu.vector_load %arg14[%get3A_337, %get3A_338] {strides = array<i32>} : memref<32x16xi32, #tpu.memory_space<vmem>>, vector<16xi32>,
      %or3A_340 = arith.constant 31457280 : i32
      %or3A_341 = vector.broadcast %or3A_340 : i32 to vector<16xi32>
      %or3A_342 = arith.ori %get3A_339, %or3A_341 : vector<16xi32>
      %get3A_343 = arith.constant 31 : i32
      %get3A_344 = arith.index_cast %get3A_343 : i32 to index
      %get3A_345 = arith.constant 0 : index
      %get3A_346 = tpu.vector_load %arg13[%get3A_344, %get3A_345] {strides = array<i32>} : memref<32x16xf32, #tpu.memory_space<vmem>>, vector<16xf32>,
      %get3A_347 = arith.constant 31 : i32
      %get3A_348 = arith.index_cast %get3A_347 : i32 to index
      %get3A_349 = arith.constant 0 : index
      %get3A_350 = tpu.vector_load %arg14[%get3A_348, %get3A_349] {strides = array<i32>} : memref<32x16xi32, #tpu.memory_space<vmem>>, vector<16xi32>,
      %or3A_351 = arith.constant 32505856 : i32
      %or3A_352 = vector.broadcast %or3A_351 : i32 to vector<16xi32>
      %or3A_353 = arith.ori %get3A_350, %or3A_352 : vector<16xi32>
      %rev3A = arith.constant 15 : i32
      %rev3A_354 = vector.broadcast %rev3A : i32 to vector<16xi32>
      %rev3A_355 = tpu.iota {dimensions = array<i32: 0>} : vector<16xi32>
      %rev3A_356 = arith.subi %rev3A_354, %rev3A_355 : vector<16xi32>
      %rev3A_357 = tpu.dynamic_gather %get3A_16[%rev3A_356] in [0] : vector<16xf32>, vector<16xi32> -> vector<16xf32>
      %rev3A_358 = arith.constant 15 : i32
      %rev3A_359 = vector.broadcast %rev3A_358 : i32 to vector<16xi32>
      %rev3A_360 = tpu.iota {dimensions = array<i32: 0>} : vector<16xi32>
      %rev3A_361 = arith.subi %rev3A_359, %rev3A_360 : vector<16xi32>
      %rev3A_362 = tpu.dynamic_gather %or3A_23[%rev3A_361] in [0] : vector<16xi32>, vector<16xi32> -> vector<16xi32>
      %max3A = arith.maximumf %get3A_6, %rev3A_357 : vector<16xf32>
      %gt3A = arith.cmpf ogt, %get3A_6, %rev3A_357 : vector<16xf32>
      %eq3A_363 = arith.cmpf oeq, %get3A_6, %rev3A_357 : vector<16xf32>
      %lt3A = arith.cmpi slt, %or3A_12, %rev3A_362 : vector<16xi32>
      %and3A_364 = arith.andi %eq3A_363, %lt3A : vector<16xi1>
      %or3A_365 = arith.ori %gt3A, %and3A_364 : vector<16xi1>
      %select_n3A = arith.select %or3A_365, %or3A_12, %rev3A_362 : vector<16xi1>, vector<16xi32>
      %masked_sort3A = arith.constant dense<true> : vector<16xi1>
      %masked_sort3A_366, %masked_sort3A_367, %masked_sort3A_368 = tpu.sort %max3A, %select_n3A masked %masked_sort3A : (vector<16xf32>, vector<16xi32>, vector<16xi1>) -> (vector<16xi1>, vector<16xf32>, vector<16xi32>)
      %rev3A_369 = arith.constant 15 : i32
      %rev3A_370 = vector.broadcast %rev3A_369 : i32 to vector<16xi32>
      %rev3A_371 = tpu.iota {dimensions = array<i32: 0>} : vector<16xi32>
      %rev3A_372 = arith.subi %rev3A_370, %rev3A_371 : vector<16xi32>
      %rev3A_373 = tpu.dynamic_gather %get3A_38[%rev3A_372] in [0] : vector<16xf32>, vector<16xi32> -> vector<16xf32>
      %rev3A_374 = arith.constant 15 : i32
      %rev3A_375 = vector.broadcast %rev3A_374 : i32 to vector<16xi32>
      %rev3A_376 = tpu.iota {dimensions = array<i32: 0>} : vector<16xi32>
      %rev3A_377 = arith.subi %rev3A_375, %rev3A_376 : vector<16xi32>
      %rev3A_378 = tpu.dynamic_gather %or3A_45[%rev3A_377] in [0] : vector<16xi32>, vector<16xi32> -> vector<16xi32>
      %max3A_379 = arith.maximumf %get3A_27, %rev3A_373 : vector<16xf32>
      %gt3A_380 = arith.cmpf ogt, %get3A_27, %rev3A_373 : vector<16xf32>
      %eq3A_381 = arith.cmpf oeq, %get3A_27, %rev3A_373 : vector<16xf32>
      %lt3A_382 = arith.cmpi slt, %or3A_34, %rev3A_378 : vector<16xi32>
      %and3A_383 = arith.andi %eq3A_381, %lt3A_382 : vector<16xi1>
      %or3A_384 = arith.ori %gt3A_380, %and3A_383 : vector<16xi1>
      %select_n3A_385 = arith.select %or3A_384, %or3A_34, %rev3A_378 : vector<16xi1>, vector<16xi32>
      %masked_sort3A_386 = arith.constant dense<true> : vector<16xi1>
      %masked_sort3A_387, %masked_sort3A_388, %masked_sort3A_389 = tpu.sort %max3A_379, %select_n3A_385 masked %masked_sort3A_386 : (vector<16xf32>, vector<16xi32>, vector<16xi1>) -> (vector<16xi1>, vector<16xf32>, vector<16xi32>)
      %rev3A_390 = arith.constant 15 : i32
      %rev3A_391 = vector.broadcast %rev3A_390 : i32 to vector<16xi32>
      %rev3A_392 = tpu.iota {dimensions = array<i32: 0>} : vector<16xi32>
      %rev3A_393 = arith.subi %rev3A_391, %rev3A_392 : vector<16xi32>
      %rev3A_394 = tpu.dynamic_gather %get3A_60[%rev3A_393] in [0] : vector<16xf32>, vector<16xi32> -> vector<16xf32>
      %rev3A_395 = arith.constant 15 : i32
      %rev3A_396 = vector.broadcast %rev3A_395 : i32 to vector<16xi32>
      %rev3A_397 = tpu.iota {dimensions = array<i32: 0>} : vector<16xi32>
      %rev3A_398 = arith.subi %rev3A_396, %rev3A_397 : vector<16xi32>
      %rev3A_399 = tpu.dynamic_gather %or3A_67[%rev3A_398] in [0] : vector<16xi32>, vector<16xi32> -> vector<16xi32>
      %max3A_400 = arith.maximumf %get3A_49, %rev3A_394 : vector<16xf32>
      %gt3A_401 = arith.cmpf ogt, %get3A_49, %rev3A_394 : vector<16xf32>
      %eq3A_402 = arith.cmpf oeq, %get3A_49, %rev3A_394 : vector<16xf32>
      %lt3A_403 = arith.cmpi slt, %or3A_56, %rev3A_399 : vector<16xi32>
      %and3A_404 = arith.andi %eq3A_402, %lt3A_403 : vector<16xi1>
      %or3A_405 = arith.ori %gt3A_401, %and3A_404 : vector<16xi1>
      %select_n3A_406 = arith.select %or3A_405, %or3A_56, %rev3A_399 : vector<16xi1>, vector<16xi32>
      %masked_sort3A_407 = arith.constant dense<true> : vector<16xi1>
      %masked_sort3A_408, %masked_sort3A_409, %masked_sort3A_410 = tpu.sort %max3A_400, %select_n3A_406 masked %masked_sort3A_407 : (vector<16xf32>, vector<16xi32>, vector<16xi1>) -> (vector<16xi1>, vector<16xf32>, vector<16xi32>)
      %rev3A_411 = arith.constant 15 : i32
      %rev3A_412 = vector.broadcast %rev3A_411 : i32 to vector<16xi32>
      %rev3A_413 = tpu.iota {dimensions = array<i32: 0>} : vector<16xi32>
      %rev3A_414 = arith.subi %rev3A_412, %rev3A_413 : vector<16xi32>
      %rev3A_415 = tpu.dynamic_gather %get3A_82[%rev3A_414] in [0] : vector<16xf32>, vector<16xi32> -> vector<16xf32>
      %rev3A_416 = arith.constant 15 : i32
      %rev3A_417 = vector.broadcast %rev3A_416 : i32 to vector<16xi32>
      %rev3A_418 = tpu.iota {dimensions = array<i32: 0>} : vector<16xi32>
      %rev3A_419 = arith.subi %rev3A_417, %rev3A_418 : vector<16xi32>
      %rev3A_420 = tpu.dynamic_gather %or3A_89[%rev3A_419] in [0] : vector<16xi32>, vector<16xi32> -> vector<16xi32>
      %max3A_421 = arith.maximumf %get3A_71, %rev3A_415 : vector<16xf32>
      %gt3A_422 = arith.cmpf ogt, %get3A_71, %rev3A_415 : vector<16xf32>
      %eq3A_423 = arith.cmpf oeq, %get3A_71, %rev3A_415 : vector<16xf32>
      %lt3A_424 = arith.cmpi slt, %or3A_78, %rev3A_420 : vector<16xi32>
      %and3A_425 = arith.andi %eq3A_423, %lt3A_424 : vector<16xi1>
      %or3A_426 = arith.ori %gt3A_422, %and3A_425 : vector<16xi1>
      %select_n3A_427 = arith.select %or3A_426, %or3A_78, %rev3A_420 : vector<16xi1>, vector<16xi32>
      %masked_sort3A_428 = arith.constant dense<true> : vector<16xi1>
      %masked_sort3A_429, %masked_sort3A_430, %masked_sort3A_431 = tpu.sort %max3A_421, %select_n3A_427 masked %masked_sort3A_428 : (vector<16xf32>, vector<16xi32>, vector<16xi1>) -> (vector<16xi1>, vector<16xf32>, vector<16xi32>)
      %rev3A_432 = arith.constant 15 : i32
      %rev3A_433 = vector.broadcast %rev3A_432 : i32 to vector<16xi32>
      %rev3A_434 = tpu.iota {dimensions = array<i32: 0>} : vector<16xi32>
      %rev3A_435 = arith.subi %rev3A_433, %rev3A_434 : vector<16xi32>
      %rev3A_436 = tpu.dynamic_gather %get3A_104[%rev3A_435] in [0] : vector<16xf32>, vector<16xi32> -> vector<16xf32>
      %rev3A_437 = arith.constant 15 : i32
      %rev3A_438 = vector.broadcast %rev3A_437 : i32 to vector<16xi32>
      %rev3A_439 = tpu.iota {dimensions = array<i32: 0>} : vector<16xi32>
      %rev3A_440 = arith.subi %rev3A_438, %rev3A_439 : vector<16xi32>
      %rev3A_441 = tpu.dynamic_gather %or3A_111[%rev3A_440] in [0] : vector<16xi32>, vector<16xi32> -> vector<16xi32>
      %max3A_442 = arith.maximumf %get3A_93, %rev3A_436 : vector<16xf32>
      %gt3A_443 = arith.cmpf ogt, %get3A_93, %rev3A_436 : vector<16xf32>
      %eq3A_444 = arith.cmpf oeq, %get3A_93, %rev3A_436 : vector<16xf32>
      %lt3A_445 = arith.cmpi slt, %or3A_100, %rev3A_441 : vector<16xi32>
      %and3A_446 = arith.andi %eq3A_444, %lt3A_445 : vector<16xi1>
      %or3A_447 = arith.ori %gt3A_443, %and3A_446 : vector<16xi1>
      %select_n3A_448 = arith.select %or3A_447, %or3A_100, %rev3A_441 : vector<16xi1>, vector<16xi32>
      %masked_sort3A_449 = arith.constant dense<true> : vector<16xi1>
      %masked_sort3A_450, %masked_sort3A_451, %masked_sort3A_452 = tpu.sort %max3A_442, %select_n3A_448 masked %masked_sort3A_449 : (vector<16xf32>, vector<16xi32>, vector<16xi1>) -> (vector<16xi1>, vector<16xf32>, vector<16xi32>)
      %rev3A_453 = arith.constant 15 : i32
      %rev3A_454 = vector.broadcast %rev3A_453 : i32 to vector<16xi32>
      %rev3A_455 = tpu.iota {dimensions = array<i32: 0>} : vector<16xi32>
      %rev3A_456 = arith.subi %rev3A_454, %rev3A_455 : vector<16xi32>
      %rev3A_457 = tpu.dynamic_gather %get3A_126[%rev3A_456] in [0] : vector<16xf32>, vector<16xi32> -> vector<16xf32>
      %rev3A_458 = arith.constant 15 : i32
      %rev3A_459 = vector.broadcast %rev3A_458 : i32 to vector<16xi32>
      %rev3A_460 = tpu.iota {dimensions = array<i32: 0>} : vector<16xi32>
      %rev3A_461 = arith.subi %rev3A_459, %rev3A_460 : vector<16xi32>
      %rev3A_462 = tpu.dynamic_gather %or3A_133[%rev3A_461] in [0] : vector<16xi32>, vector<16xi32> -> vector<16xi32>
      %max3A_463 = arith.maximumf %get3A_115, %rev3A_457 : vector<16xf32>
      %gt3A_464 = arith.cmpf ogt, %get3A_115, %rev3A_457 : vector<16xf32>
      %eq3A_465 = arith.cmpf oeq, %get3A_115, %rev3A_457 : vector<16xf32>
      %lt3A_466 = arith.cmpi slt, %or3A_122, %rev3A_462 : vector<16xi32>
      %and3A_467 = arith.andi %eq3A_465, %lt3A_466 : vector<16xi1>
      %or3A_468 = arith.ori %gt3A_464, %and3A_467 : vector<16xi1>
      %select_n3A_469 = arith.select %or3A_468, %or3A_122, %rev3A_462 : vector<16xi1>, vector<16xi32>
      %masked_sort3A_470 = arith.constant dense<true> : vector<16xi1>
      %masked_sort3A_471, %masked_sort3A_472, %masked_sort3A_473 = tpu.sort %max3A_463, %select_n3A_469 masked %masked_sort3A_470 : (vector<16xf32>, vector<16xi32>, vector<16xi1>) -> (vector<16xi1>, vector<16xf32>, vector<16xi32>)
      %rev3A_474 = arith.constant 15 : i32
      %rev3A_475 = vector.broadcast %rev3A_474 : i32 to vector<16xi32>
      %rev3A_476 = tpu.iota {dimensions = array<i32: 0>} : vector<16xi32>
      %rev3A_477 = arith.subi %rev3A_475, %rev3A_476 : vector<16xi32>
      %rev3A_478 = tpu.dynamic_gather %get3A_148[%rev3A_477] in [0] : vector<16xf32>, vector<16xi32> -> vector<16xf32>
      %rev3A_479 = arith.constant 15 : i32
      %rev3A_480 = vector.broadcast %rev3A_479 : i32 to vector<16xi32>
      %rev3A_481 = tpu.iota {dimensions = array<i32: 0>} : vector<16xi32>
      %rev3A_482 = arith.subi %rev3A_480, %rev3A_481 : vector<16xi32>
      %rev3A_483 = tpu.dynamic_gather %or3A_155[%rev3A_482] in [0] : vector<16xi32>, vector<16xi32> -> vector<16xi32>
      %max3A_484 = arith.maximumf %get3A_137, %rev3A_478 : vector<16xf32>
      %gt3A_485 = arith.cmpf ogt, %get3A_137, %rev3A_478 : vector<16xf32>
      %eq3A_486 = arith.cmpf oeq, %get3A_137, %rev3A_478 : vector<16xf32>
      %lt3A_487 = arith.cmpi slt, %or3A_144, %rev3A_483 : vector<16xi32>
      %and3A_488 = arith.andi %eq3A_486, %lt3A_487 : vector<16xi1>
      %or3A_489 = arith.ori %gt3A_485, %and3A_488 : vector<16xi1>
      %select_n3A_490 = arith.select %or3A_489, %or3A_144, %rev3A_483 : vector<16xi1>, vector<16xi32>
      %masked_sort3A_491 = arith.constant dense<true> : vector<16xi1>
      %masked_sort3A_492, %masked_sort3A_493, %masked_sort3A_494 = tpu.sort %max3A_484, %select_n3A_490 masked %masked_sort3A_491 : (vector<16xf32>, vector<16xi32>, vector<16xi1>) -> (vector<16xi1>, vector<16xf32>, vector<16xi32>)
      %rev3A_495 = arith.constant 15 : i32
      %rev3A_496 = vector.broadcast %rev3A_495 : i32 to vector<16xi32>
      %rev3A_497 = tpu.iota {dimensions = array<i32: 0>} : vector<16xi32>
      %rev3A_498 = arith.subi %rev3A_496, %rev3A_497 : vector<16xi32>
      %rev3A_499 = tpu.dynamic_gather %get3A_170[%rev3A_498] in [0] : vector<16xf32>, vector<16xi32> -> vector<16xf32>
      %rev3A_500 = arith.constant 15 : i32
      %rev3A_501 = vector.broadcast %rev3A_500 : i32 to vector<16xi32>
      %rev3A_502 = tpu.iota {dimensions = array<i32: 0>} : vector<16xi32>
      %rev3A_503 = arith.subi %rev3A_501, %rev3A_502 : vector<16xi32>
      %rev3A_504 = tpu.dynamic_gather %or3A_177[%rev3A_503] in [0] : vector<16xi32>, vector<16xi32> -> vector<16xi32>
      %max3A_505 = arith.maximumf %get3A_159, %rev3A_499 : vector<16xf32>
      %gt3A_506 = arith.cmpf ogt, %get3A_159, %rev3A_499 : vector<16xf32>
      %eq3A_507 = arith.cmpf oeq, %get3A_159, %rev3A_499 : vector<16xf32>
      %lt3A_508 = arith.cmpi slt, %or3A_166, %rev3A_504 : vector<16xi32>
      %and3A_509 = arith.andi %eq3A_507, %lt3A_508 : vector<16xi1>
      %or3A_510 = arith.ori %gt3A_506, %and3A_509 : vector<16xi1>
      %select_n3A_511 = arith.select %or3A_510, %or3A_166, %rev3A_504 : vector<16xi1>, vector<16xi32>
      %masked_sort3A_512 = arith.constant dense<true> : vector<16xi1>
      %masked_sort3A_513, %masked_sort3A_514, %masked_sort3A_515 = tpu.sort %max3A_505, %select_n3A_511 masked %masked_sort3A_512 : (vector<16xf32>, vector<16xi32>, vector<16xi1>) -> (vector<16xi1>, vector<16xf32>, vector<16xi32>)
      %rev3A_516 = arith.constant 15 : i32
      %rev3A_517 = vector.broadcast %rev3A_516 : i32 to vector<16xi32>
      %rev3A_518 = tpu.iota {dimensions = array<i32: 0>} : vector<16xi32>
      %rev3A_519 = arith.subi %rev3A_517, %rev3A_518 : vector<16xi32>
      %rev3A_520 = tpu.dynamic_gather %get3A_192[%rev3A_519] in [0] : vector<16xf32>, vector<16xi32> -> vector<16xf32>
      %rev3A_521 = arith.constant 15 : i32
      %rev3A_522 = vector.broadcast %rev3A_521 : i32 to vector<16xi32>
      %rev3A_523 = tpu.iota {dimensions = array<i32: 0>} : vector<16xi32>
      %rev3A_524 = arith.subi %rev3A_522, %rev3A_523 : vector<16xi32>
      %rev3A_525 = tpu.dynamic_gather %or3A_199[%rev3A_524] in [0] : vector<16xi32>, vector<16xi32> -> vector<16xi32>
      %max3A_526 = arith.maximumf %get3A_181, %rev3A_520 : vector<16xf32>
      %gt3A_527 = arith.cmpf ogt, %get3A_181, %rev3A_520 : vector<16xf32>
      %eq3A_528 = arith.cmpf oeq, %get3A_181, %rev3A_520 : vector<16xf32>
      %lt3A_529 = arith.cmpi slt, %or3A_188, %rev3A_525 : vector<16xi32>
      %and3A_530 = arith.andi %eq3A_528, %lt3A_529 : vector<16xi1>
      %or3A_531 = arith.ori %gt3A_527, %and3A_530 : vector<16xi1>
      %select_n3A_532 = arith.select %or3A_531, %or3A_188, %rev3A_525 : vector<16xi1>, vector<16xi32>
      %masked_sort3A_533 = arith.constant dense<true> : vector<16xi1>
      %masked_sort3A_534, %masked_sort3A_535, %masked_sort3A_536 = tpu.sort %max3A_526, %select_n3A_532 masked %masked_sort3A_533 : (vector<16xf32>, vector<16xi32>, vector<16xi1>) -> (vector<16xi1>, vector<16xf32>, vector<16xi32>)
      %rev3A_537 = arith.constant 15 : i32
      %rev3A_538 = vector.broadcast %rev3A_537 : i32 to vector<16xi32>
      %rev3A_539 = tpu.iota {dimensions = array<i32: 0>} : vector<16xi32>
      %rev3A_540 = arith.subi %rev3A_538, %rev3A_539 : vector<16xi32>
      %rev3A_541 = tpu.dynamic_gather %get3A_214[%rev3A_540] in [0] : vector<16xf32>, vector<16xi32> -> vector<16xf32>
      %rev3A_542 = arith.constant 15 : i32
      %rev3A_543 = vector.broadcast %rev3A_542 : i32 to vector<16xi32>
      %rev3A_544 = tpu.iota {dimensions = array<i32: 0>} : vector<16xi32>
      %rev3A_545 = arith.subi %rev3A_543, %rev3A_544 : vector<16xi32>
      %rev3A_546 = tpu.dynamic_gather %or3A_221[%rev3A_545] in [0] : vector<16xi32>, vector<16xi32> -> vector<16xi32>
      %max3A_547 = arith.maximumf %get3A_203, %rev3A_541 : vector<16xf32>
      %gt3A_548 = arith.cmpf ogt, %get3A_203, %rev3A_541 : vector<16xf32>
      %eq3A_549 = arith.cmpf oeq, %get3A_203, %rev3A_541 : vector<16xf32>
      %lt3A_550 = arith.cmpi slt, %or3A_210, %rev3A_546 : vector<16xi32>
      %and3A_551 = arith.andi %eq3A_549, %lt3A_550 : vector<16xi1>
      %or3A_552 = arith.ori %gt3A_548, %and3A_551 : vector<16xi1>
      %select_n3A_553 = arith.select %or3A_552, %or3A_210, %rev3A_546 : vector<16xi1>, vector<16xi32>
      %masked_sort3A_554 = arith.constant dense<true> : vector<16xi1>
      %masked_sort3A_555, %masked_sort3A_556, %masked_sort3A_557 = tpu.sort %max3A_547, %select_n3A_553 masked %masked_sort3A_554 : (vector<16xf32>, vector<16xi32>, vector<16xi1>) -> (vector<16xi1>, vector<16xf32>, vector<16xi32>)
      %rev3A_558 = arith.constant 15 : i32
      %rev3A_559 = vector.broadcast %rev3A_558 : i32 to vector<16xi32>
      %rev3A_560 = tpu.iota {dimensions = array<i32: 0>} : vector<16xi32>
      %rev3A_561 = arith.subi %rev3A_559, %rev3A_560 : vector<16xi32>
      %rev3A_562 = tpu.dynamic_gather %get3A_236[%rev3A_561] in [0] : vector<16xf32>, vector<16xi32> -> vector<16xf32>
      %rev3A_563 = arith.constant 15 : i32
      %rev3A_564 = vector.broadcast %rev3A_563 : i32 to vector<16xi32>
      %rev3A_565 = tpu.iota {dimensions = array<i32: 0>} : vector<16xi32>
      %rev3A_566 = arith.subi %rev3A_564, %rev3A_565 : vector<16xi32>
      %rev3A_567 = tpu.dynamic_gather %or3A_243[%rev3A_566] in [0] : vector<16xi32>, vector<16xi32> -> vector<16xi32>
      %max3A_568 = arith.maximumf %get3A_225, %rev3A_562 : vector<16xf32>
      %gt3A_569 = arith.cmpf ogt, %get3A_225, %rev3A_562 : vector<16xf32>
      %eq3A_570 = arith.cmpf oeq, %get3A_225, %rev3A_562 : vector<16xf32>
      %lt3A_571 = arith.cmpi slt, %or3A_232, %rev3A_567 : vector<16xi32>
      %and3A_572 = arith.andi %eq3A_570, %lt3A_571 : vector<16xi1>
      %or3A_573 = arith.ori %gt3A_569, %and3A_572 : vector<16xi1>
      %select_n3A_574 = arith.select %or3A_573, %or3A_232, %rev3A_567 : vector<16xi1>, vector<16xi32>
      %masked_sort3A_575 = arith.constant dense<true> : vector<16xi1>
      %masked_sort3A_576, %masked_sort3A_577, %masked_sort3A_578 = tpu.sort %max3A_568, %select_n3A_574 masked %masked_sort3A_575 : (vector<16xf32>, vector<16xi32>, vector<16xi1>) -> (vector<16xi1>, vector<16xf32>, vector<16xi32>)
      %rev3A_579 = arith.constant 15 : i32
      %rev3A_580 = vector.broadcast %rev3A_579 : i32 to vector<16xi32>
      %rev3A_581 = tpu.iota {dimensions = array<i32: 0>} : vector<16xi32>
      %rev3A_582 = arith.subi %rev3A_580, %rev3A_581 : vector<16xi32>
      %rev3A_583 = tpu.dynamic_gather %get3A_258[%rev3A_582] in [0] : vector<16xf32>, vector<16xi32> -> vector<16xf32>
      %rev3A_584 = arith.constant 15 : i32
      %rev3A_585 = vector.broadcast %rev3A_584 : i32 to vector<16xi32>
      %rev3A_586 = tpu.iota {dimensions = array<i32: 0>} : vector<16xi32>
      %rev3A_587 = arith.subi %rev3A_585, %rev3A_586 : vector<16xi32>
      %rev3A_588 = tpu.dynamic_gather %or3A_265[%rev3A_587] in [0] : vector<16xi32>, vector<16xi32> -> vector<16xi32>
      %max3A_589 = arith.maximumf %get3A_247, %rev3A_583 : vector<16xf32>
      %gt3A_590 = arith.cmpf ogt, %get3A_247, %rev3A_583 : vector<16xf32>
      %eq3A_591 = arith.cmpf oeq, %get3A_247, %rev3A_583 : vector<16xf32>
      %lt3A_592 = arith.cmpi slt, %or3A_254, %rev3A_588 : vector<16xi32>
      %and3A_593 = arith.andi %eq3A_591, %lt3A_592 : vector<16xi1>
      %or3A_594 = arith.ori %gt3A_590, %and3A_593 : vector<16xi1>
      %select_n3A_595 = arith.select %or3A_594, %or3A_254, %rev3A_588 : vector<16xi1>, vector<16xi32>
      %masked_sort3A_596 = arith.constant dense<true> : vector<16xi1>
      %masked_sort3A_597, %masked_sort3A_598, %masked_sort3A_599 = tpu.sort %max3A_589, %select_n3A_595 masked %masked_sort3A_596 : (vector<16xf32>, vector<16xi32>, vector<16xi1>) -> (vector<16xi1>, vector<16xf32>, vector<16xi32>)
      %rev3A_600 = arith.constant 15 : i32
      %rev3A_601 = vector.broadcast %rev3A_600 : i32 to vector<16xi32>
      %rev3A_602 = tpu.iota {dimensions = array<i32: 0>} : vector<16xi32>
      %rev3A_603 = arith.subi %rev3A_601, %rev3A_602 : vector<16xi32>
      %rev3A_604 = tpu.dynamic_gather %get3A_280[%rev3A_603] in [0] : vector<16xf32>, vector<16xi32> -> vector<16xf32>
      %rev3A_605 = arith.constant 15 : i32
      %rev3A_606 = vector.broadcast %rev3A_605 : i32 to vector<16xi32>
      %rev3A_607 = tpu.iota {dimensions = array<i32: 0>} : vector<16xi32>
      %rev3A_608 = arith.subi %rev3A_606, %rev3A_607 : vector<16xi32>
      %rev3A_609 = tpu.dynamic_gather %or3A_287[%rev3A_608] in [0] : vector<16xi32>, vector<16xi32> -> vector<16xi32>
      %max3A_610 = arith.maximumf %get3A_269, %rev3A_604 : vector<16xf32>
      %gt3A_611 = arith.cmpf ogt, %get3A_269, %rev3A_604 : vector<16xf32>
      %eq3A_612 = arith.cmpf oeq, %get3A_269, %rev3A_604 : vector<16xf32>
      %lt3A_613 = arith.cmpi slt, %or3A_276, %rev3A_609 : vector<16xi32>
      %and3A_614 = arith.andi %eq3A_612, %lt3A_613 : vector<16xi1>
      %or3A_615 = arith.ori %gt3A_611, %and3A_614 : vector<16xi1>
      %select_n3A_616 = arith.select %or3A_615, %or3A_276, %rev3A_609 : vector<16xi1>, vector<16xi32>
      %masked_sort3A_617 = arith.constant dense<true> : vector<16xi1>
      %masked_sort3A_618, %masked_sort3A_619, %masked_sort3A_620 = tpu.sort %max3A_610, %select_n3A_616 masked %masked_sort3A_617 : (vector<16xf32>, vector<16xi32>, vector<16xi1>) -> (vector<16xi1>, vector<16xf32>, vector<16xi32>)
      %rev3A_621 = arith.constant 15 : i32
      %rev3A_622 = vector.broadcast %rev3A_621 : i32 to vector<16xi32>
      %rev3A_623 = tpu.iota {dimensions = array<i32: 0>} : vector<16xi32>
      %rev3A_624 = arith.subi %rev3A_622, %rev3A_623 : vector<16xi32>
      %rev3A_625 = tpu.dynamic_gather %get3A_302[%rev3A_624] in [0] : vector<16xf32>, vector<16xi32> -> vector<16xf32>
      %rev3A_626 = arith.constant 15 : i32
      %rev3A_627 = vector.broadcast %rev3A_626 : i32 to vector<16xi32>
      %rev3A_628 = tpu.iota {dimensions = array<i32: 0>} : vector<16xi32>
      %rev3A_629 = arith.subi %rev3A_627, %rev3A_628 : vector<16xi32>
      %rev3A_630 = tpu.dynamic_gather %or3A_309[%rev3A_629] in [0] : vector<16xi32>, vector<16xi32> -> vector<16xi32>
      %max3A_631 = arith.maximumf %get3A_291, %rev3A_625 : vector<16xf32>
      %gt3A_632 = arith.cmpf ogt, %get3A_291, %rev3A_625 : vector<16xf32>
      %eq3A_633 = arith.cmpf oeq, %get3A_291, %rev3A_625 : vector<16xf32>
      %lt3A_634 = arith.cmpi slt, %or3A_298, %rev3A_630 : vector<16xi32>
      %and3A_635 = arith.andi %eq3A_633, %lt3A_634 : vector<16xi1>
      %or3A_636 = arith.ori %gt3A_632, %and3A_635 : vector<16xi1>
      %select_n3A_637 = arith.select %or3A_636, %or3A_298, %rev3A_630 : vector<16xi1>, vector<16xi32>
      %masked_sort3A_638 = arith.constant dense<true> : vector<16xi1>
      %masked_sort3A_639, %masked_sort3A_640, %masked_sort3A_641 = tpu.sort %max3A_631, %select_n3A_637 masked %masked_sort3A_638 : (vector<16xf32>, vector<16xi32>, vector<16xi1>) -> (vector<16xi1>, vector<16xf32>, vector<16xi32>)
      %rev3A_642 = arith.constant 15 : i32
      %rev3A_643 = vector.broadcast %rev3A_642 : i32 to vector<16xi32>
      %rev3A_644 = tpu.iota {dimensions = array<i32: 0>} : vector<16xi32>
      %rev3A_645 = arith.subi %rev3A_643, %rev3A_644 : vector<16xi32>
      %rev3A_646 = tpu.dynamic_gather %get3A_324[%rev3A_645] in [0] : vector<16xf32>, vector<16xi32> -> vector<16xf32>
      %rev3A_647 = arith.constant 15 : i32
      %rev3A_648 = vector.broadcast %rev3A_647 : i32 to vector<16xi32>
      %rev3A_649 = tpu.iota {dimensions = array<i32: 0>} : vector<16xi32>
      %rev3A_650 = arith.subi %rev3A_648, %rev3A_649 : vector<16xi32>
      %rev3A_651 = tpu.dynamic_gather %or3A_331[%rev3A_650] in [0] : vector<16xi32>, vector<16xi32> -> vector<16xi32>
      %max3A_652 = arith.maximumf %get3A_313, %rev3A_646 : vector<16xf32>
      %gt3A_653 = arith.cmpf ogt, %get3A_313, %rev3A_646 : vector<16xf32>
      %eq3A_654 = arith.cmpf oeq, %get3A_313, %rev3A_646 : vector<16xf32>
      %lt3A_655 = arith.cmpi slt, %or3A_320, %rev3A_651 : vector<16xi32>
      %and3A_656 = arith.andi %eq3A_654, %lt3A_655 : vector<16xi1>
      %or3A_657 = arith.ori %gt3A_653, %and3A_656 : vector<16xi1>
      %select_n3A_658 = arith.select %or3A_657, %or3A_320, %rev3A_651 : vector<16xi1>, vector<16xi32>
      %masked_sort3A_659 = arith.constant dense<true> : vector<16xi1>
      %masked_sort3A_660, %masked_sort3A_661, %masked_sort3A_662 = tpu.sort %max3A_652, %select_n3A_658 masked %masked_sort3A_659 : (vector<16xf32>, vector<16xi32>, vector<16xi1>) -> (vector<16xi1>, vector<16xf32>, vector<16xi32>)
      %rev3A_663 = arith.constant 15 : i32
      %rev3A_664 = vector.broadcast %rev3A_663 : i32 to vector<16xi32>
      %rev3A_665 = tpu.iota {dimensions = array<i32: 0>} : vector<16xi32>
      %rev3A_666 = arith.subi %rev3A_664, %rev3A_665 : vector<16xi32>
      %rev3A_667 = tpu.dynamic_gather %get3A_346[%rev3A_666] in [0] : vector<16xf32>, vector<16xi32> -> vector<16xf32>
      %rev3A_668 = arith.constant 15 : i32
      %rev3A_669 = vector.broadcast %rev3A_668 : i32 to vector<16xi32>
      %rev3A_670 = tpu.iota {dimensions = array<i32: 0>} : vector<16xi32>
      %rev3A_671 = arith.subi %rev3A_669, %rev3A_670 : vector<16xi32>
      %rev3A_672 = tpu.dynamic_gather %or3A_353[%rev3A_671] in [0] : vector<16xi32>, vector<16xi32> -> vector<16xi32>
      %max3A_673 = arith.maximumf %get3A_335, %rev3A_667 : vector<16xf32>
      %gt3A_674 = arith.cmpf ogt, %get3A_335, %rev3A_667 : vector<16xf32>
      %eq3A_675 = arith.cmpf oeq, %get3A_335, %rev3A_667 : vector<16xf32>
      %lt3A_676 = arith.cmpi slt, %or3A_342, %rev3A_672 : vector<16xi32>
      %and3A_677 = arith.andi %eq3A_675, %lt3A_676 : vector<16xi1>
      %or3A_678 = arith.ori %gt3A_674, %and3A_677 : vector<16xi1>
      %select_n3A_679 = arith.select %or3A_678, %or3A_342, %rev3A_672 : vector<16xi1>, vector<16xi32>
      %masked_sort3A_680 = arith.constant dense<true> : vector<16xi1>
      %masked_sort3A_681, %masked_sort3A_682, %masked_sort3A_683 = tpu.sort %max3A_673, %select_n3A_679 masked %masked_sort3A_680 : (vector<16xf32>, vector<16xi32>, vector<16xi1>) -> (vector<16xi1>, vector<16xf32>, vector<16xi32>)
      %rev3A_684 = arith.constant 15 : i32
      %rev3A_685 = vector.broadcast %rev3A_684 : i32 to vector<16xi32>
      %rev3A_686 = tpu.iota {dimensions = array<i32: 0>} : vector<16xi32>
      %rev3A_687 = arith.subi %rev3A_685, %rev3A_686 : vector<16xi32>
      %rev3A_688 = tpu.dynamic_gather %masked_sort3A_388[%rev3A_687] in [0] : vector<16xf32>, vector<16xi32> -> vector<16xf32>
      %rev3A_689 = arith.constant 15 : i32
      %rev3A_690 = vector.broadcast %rev3A_689 : i32 to vector<16xi32>
      %rev3A_691 = tpu.iota {dimensions = array<i32: 0>} : vector<16xi32>
      %rev3A_692 = arith.subi %rev3A_690, %rev3A_691 : vector<16xi32>
      %rev3A_693 = tpu.dynamic_gather %masked_sort3A_389[%rev3A_692] in [0] : vector<16xi32>, vector<16xi32> -> vector<16xi32>
      %max3A_694 = arith.maximumf %masked_sort3A_367, %rev3A_688 : vector<16xf32>
      %gt3A_695 = arith.cmpf ogt, %masked_sort3A_367, %rev3A_688 : vector<16xf32>
      %eq3A_696 = arith.cmpf oeq, %masked_sort3A_367, %rev3A_688 : vector<16xf32>
      %lt3A_697 = arith.cmpi slt, %masked_sort3A_368, %rev3A_693 : vector<16xi32>
      %and3A_698 = arith.andi %eq3A_696, %lt3A_697 : vector<16xi1>
      %or3A_699 = arith.ori %gt3A_695, %and3A_698 : vector<16xi1>
      %select_n3A_700 = arith.select %or3A_699, %masked_sort3A_368, %rev3A_693 : vector<16xi1>, vector<16xi32>
      %masked_sort3A_701 = arith.constant dense<true> : vector<16xi1>
      %masked_sort3A_702, %masked_sort3A_703, %masked_sort3A_704 = tpu.sort %max3A_694, %select_n3A_700 masked %masked_sort3A_701 : (vector<16xf32>, vector<16xi32>, vector<16xi1>) -> (vector<16xi1>, vector<16xf32>, vector<16xi32>)
      %rev3A_705 = arith.constant 15 : i32
      %rev3A_706 = vector.broadcast %rev3A_705 : i32 to vector<16xi32>
      %rev3A_707 = tpu.iota {dimensions = array<i32: 0>} : vector<16xi32>
      %rev3A_708 = arith.subi %rev3A_706, %rev3A_707 : vector<16xi32>
      %rev3A_709 = tpu.dynamic_gather %masked_sort3A_430[%rev3A_708] in [0] : vector<16xf32>, vector<16xi32> -> vector<16xf32>
      %rev3A_710 = arith.constant 15 : i32
      %rev3A_711 = vector.broadcast %rev3A_710 : i32 to vector<16xi32>
      %rev3A_712 = tpu.iota {dimensions = array<i32: 0>} : vector<16xi32>
      %rev3A_713 = arith.subi %rev3A_711, %rev3A_712 : vector<16xi32>
      %rev3A_714 = tpu.dynamic_gather %masked_sort3A_431[%rev3A_713] in [0] : vector<16xi32>, vector<16xi32> -> vector<16xi32>
      %max3A_715 = arith.maximumf %masked_sort3A_409, %rev3A_709 : vector<16xf32>
      %gt3A_716 = arith.cmpf ogt, %masked_sort3A_409, %rev3A_709 : vector<16xf32>
      %eq3A_717 = arith.cmpf oeq, %masked_sort3A_409, %rev3A_709 : vector<16xf32>
      %lt3A_718 = arith.cmpi slt, %masked_sort3A_410, %rev3A_714 : vector<16xi32>
      %and3A_719 = arith.andi %eq3A_717, %lt3A_718 : vector<16xi1>
      %or3A_720 = arith.ori %gt3A_716, %and3A_719 : vector<16xi1>
      %select_n3A_721 = arith.select %or3A_720, %masked_sort3A_410, %rev3A_714 : vector<16xi1>, vector<16xi32>
      %masked_sort3A_722 = arith.constant dense<true> : vector<16xi1>
      %masked_sort3A_723, %masked_sort3A_724, %masked_sort3A_725 = tpu.sort %max3A_715, %select_n3A_721 masked %masked_sort3A_722 : (vector<16xf32>, vector<16xi32>, vector<16xi1>) -> (vector<16xi1>, vector<16xf32>, vector<16xi32>)
      %rev3A_726 = arith.constant 15 : i32
      %rev3A_727 = vector.broadcast %rev3A_726 : i32 to vector<16xi32>
      %rev3A_728 = tpu.iota {dimensions = array<i32: 0>} : vector<16xi32>
      %rev3A_729 = arith.subi %rev3A_727, %rev3A_728 : vector<16xi32>
      %rev3A_730 = tpu.dynamic_gather %masked_sort3A_472[%rev3A_729] in [0] : vector<16xf32>, vector<16xi32> -> vector<16xf32>
      %rev3A_731 = arith.constant 15 : i32
      %rev3A_732 = vector.broadcast %rev3A_731 : i32 to vector<16xi32>
      %rev3A_733 = tpu.iota {dimensions = array<i32: 0>} : vector<16xi32>
      %rev3A_734 = arith.subi %rev3A_732, %rev3A_733 : vector<16xi32>
      %rev3A_735 = tpu.dynamic_gather %masked_sort3A_473[%rev3A_734] in [0] : vector<16xi32>, vector<16xi32> -> vector<16xi32>
      %max3A_736 = arith.maximumf %masked_sort3A_451, %rev3A_730 : vector<16xf32>
      %gt3A_737 = arith.cmpf ogt, %masked_sort3A_451, %rev3A_730 : vector<16xf32>
      %eq3A_738 = arith.cmpf oeq, %masked_sort3A_451, %rev3A_730 : vector<16xf32>
      %lt3A_739 = arith.cmpi slt, %masked_sort3A_452, %rev3A_735 : vector<16xi32>
      %and3A_740 = arith.andi %eq3A_738, %lt3A_739 : vector<16xi1>
      %or3A_741 = arith.ori %gt3A_737, %and3A_740 : vector<16xi1>
      %select_n3A_742 = arith.select %or3A_741, %masked_sort3A_452, %rev3A_735 : vector<16xi1>, vector<16xi32>
      %masked_sort3A_743 = arith.constant dense<true> : vector<16xi1>
      %masked_sort3A_744, %masked_sort3A_745, %masked_sort3A_746 = tpu.sort %max3A_736, %select_n3A_742 masked %masked_sort3A_743 : (vector<16xf32>, vector<16xi32>, vector<16xi1>) -> (vector<16xi1>, vector<16xf32>, vector<16xi32>)
      %rev3A_747 = arith.constant 15 : i32
      %rev3A_748 = vector.broadcast %rev3A_747 : i32 to vector<16xi32>
      %rev3A_749 = tpu.iota {dimensions = array<i32: 0>} : vector<16xi32>
      %rev3A_750 = arith.subi %rev3A_748, %rev3A_749 : vector<16xi32>
      %rev3A_751 = tpu.dynamic_gather %masked_sort3A_514[%rev3A_750] in [0] : vector<16xf32>, vector<16xi32> -> vector<16xf32>
      %rev3A_752 = arith.constant 15 : i32
      %rev3A_753 = vector.broadcast %rev3A_752 : i32 to vector<16xi32>
      %rev3A_754 = tpu.iota {dimensions = array<i32: 0>} : vector<16xi32>
      %rev3A_755 = arith.subi %rev3A_753, %rev3A_754 : vector<16xi32>
      %rev3A_756 = tpu.dynamic_gather %masked_sort3A_515[%rev3A_755] in [0] : vector<16xi32>, vector<16xi32> -> vector<16xi32>
      %max3A_757 = arith.maximumf %masked_sort3A_493, %rev3A_751 : vector<16xf32>
      %gt3A_758 = arith.cmpf ogt, %masked_sort3A_493, %rev3A_751 : vector<16xf32>
      %eq3A_759 = arith.cmpf oeq, %masked_sort3A_493, %rev3A_751 : vector<16xf32>
      %lt3A_760 = arith.cmpi slt, %masked_sort3A_494, %rev3A_756 : vector<16xi32>
      %and3A_761 = arith.andi %eq3A_759, %lt3A_760 : vector<16xi1>
      %or3A_762 = arith.ori %gt3A_758, %and3A_761 : vector<16xi1>
      %select_n3A_763 = arith.select %or3A_762, %masked_sort3A_494, %rev3A_756 : vector<16xi1>, vector<16xi32>
      %masked_sort3A_764 = arith.constant dense<true> : vector<16xi1>
      %masked_sort3A_765, %masked_sort3A_766, %masked_sort3A_767 = tpu.sort %max3A_757, %select_n3A_763 masked %masked_sort3A_764 : (vector<16xf32>, vector<16xi32>, vector<16xi1>) -> (vector<16xi1>, vector<16xf32>, vector<16xi32>)
      %rev3A_768 = arith.constant 15 : i32
      %rev3A_769 = vector.broadcast %rev3A_768 : i32 to vector<16xi32>
      %rev3A_770 = tpu.iota {dimensions = array<i32: 0>} : vector<16xi32>
      %rev3A_771 = arith.subi %rev3A_769, %rev3A_770 : vector<16xi32>
      %rev3A_772 = tpu.dynamic_gather %masked_sort3A_556[%rev3A_771] in [0] : vector<16xf32>, vector<16xi32> -> vector<16xf32>
      %rev3A_773 = arith.constant 15 : i32
      %rev3A_774 = vector.broadcast %rev3A_773 : i32 to vector<16xi32>
      %rev3A_775 = tpu.iota {dimensions = array<i32: 0>} : vector<16xi32>
      %rev3A_776 = arith.subi %rev3A_774, %rev3A_775 : vector<16xi32>
      %rev3A_777 = tpu.dynamic_gather %masked_sort3A_557[%rev3A_776] in [0] : vector<16xi32>, vector<16xi32> -> vector<16xi32>
      %max3A_778 = arith.maximumf %masked_sort3A_535, %rev3A_772 : vector<16xf32>
      %gt3A_779 = arith.cmpf ogt, %masked_sort3A_535, %rev3A_772 : vector<16xf32>
      %eq3A_780 = arith.cmpf oeq, %masked_sort3A_535, %rev3A_772 : vector<16xf32>
      %lt3A_781 = arith.cmpi slt, %masked_sort3A_536, %rev3A_777 : vector<16xi32>
      %and3A_782 = arith.andi %eq3A_780, %lt3A_781 : vector<16xi1>
      %or3A_783 = arith.ori %gt3A_779, %and3A_782 : vector<16xi1>
      %select_n3A_784 = arith.select %or3A_783, %masked_sort3A_536, %rev3A_777 : vector<16xi1>, vector<16xi32>
      %masked_sort3A_785 = arith.constant dense<true> : vector<16xi1>
      %masked_sort3A_786, %masked_sort3A_787, %masked_sort3A_788 = tpu.sort %max3A_778, %select_n3A_784 masked %masked_sort3A_785 : (vector<16xf32>, vector<16xi32>, vector<16xi1>) -> (vector<16xi1>, vector<16xf32>, vector<16xi32>)
      %rev3A_789 = arith.constant 15 : i32
      %rev3A_790 = vector.broadcast %rev3A_789 : i32 to vector<16xi32>
      %rev3A_791 = tpu.iota {dimensions = array<i32: 0>} : vector<16xi32>
      %rev3A_792 = arith.subi %rev3A_790, %rev3A_791 : vector<16xi32>
      %rev3A_793 = tpu.dynamic_gather %masked_sort3A_598[%rev3A_792] in [0] : vector<16xf32>, vector<16xi32> -> vector<16xf32>
      %rev3A_794 = arith.constant 15 : i32
      %rev3A_795 = vector.broadcast %rev3A_794 : i32 to vector<16xi32>
      %rev3A_796 = tpu.iota {dimensions = array<i32: 0>} : vector<16xi32>
      %rev3A_797 = arith.subi %rev3A_795, %rev3A_796 : vector<16xi32>
      %rev3A_798 = tpu.dynamic_gather %masked_sort3A_599[%rev3A_797] in [0] : vector<16xi32>, vector<16xi32> -> vector<16xi32>
      %max3A_799 = arith.maximumf %masked_sort3A_577, %rev3A_793 : vector<16xf32>
      %gt3A_800 = arith.cmpf ogt, %masked_sort3A_577, %rev3A_793 : vector<16xf32>
      %eq3A_801 = arith.cmpf oeq, %masked_sort3A_577, %rev3A_793 : vector<16xf32>
      %lt3A_802 = arith.cmpi slt, %masked_sort3A_578, %rev3A_798 : vector<16xi32>
      %and3A_803 = arith.andi %eq3A_801, %lt3A_802 : vector<16xi1>
      %or3A_804 = arith.ori %gt3A_800, %and3A_803 : vector<16xi1>
      %select_n3A_805 = arith.select %or3A_804, %masked_sort3A_578, %rev3A_798 : vector<16xi1>, vector<16xi32>
      %masked_sort3A_806 = arith.constant dense<true> : vector<16xi1>
      %masked_sort3A_807, %masked_sort3A_808, %masked_sort3A_809 = tpu.sort %max3A_799, %select_n3A_805 masked %masked_sort3A_806 : (vector<16xf32>, vector<16xi32>, vector<16xi1>) -> (vector<16xi1>, vector<16xf32>, vector<16xi32>)
      %rev3A_810 = arith.constant 15 : i32
      %rev3A_811 = vector.broadcast %rev3A_810 : i32 to vector<16xi32>
      %rev3A_812 = tpu.iota {dimensions = array<i32: 0>} : vector<16xi32>
      %rev3A_813 = arith.subi %rev3A_811, %rev3A_812 : vector<16xi32>
      %rev3A_814 = tpu.dynamic_gather %masked_sort3A_640[%rev3A_813] in [0] : vector<16xf32>, vector<16xi32> -> vector<16xf32>
      %rev3A_815 = arith.constant 15 : i32
      %rev3A_816 = vector.broadcast %rev3A_815 : i32 to vector<16xi32>
      %rev3A_817 = tpu.iota {dimensions = array<i32: 0>} : vector<16xi32>
      %rev3A_818 = arith.subi %rev3A_816, %rev3A_817 : vector<16xi32>
      %rev3A_819 = tpu.dynamic_gather %masked_sort3A_641[%rev3A_818] in [0] : vector<16xi32>, vector<16xi32> -> vector<16xi32>
      %max3A_820 = arith.maximumf %masked_sort3A_619, %rev3A_814 : vector<16xf32>
      %gt3A_821 = arith.cmpf ogt, %masked_sort3A_619, %rev3A_814 : vector<16xf32>
      %eq3A_822 = arith.cmpf oeq, %masked_sort3A_619, %rev3A_814 : vector<16xf32>
      %lt3A_823 = arith.cmpi slt, %masked_sort3A_620, %rev3A_819 : vector<16xi32>
      %and3A_824 = arith.andi %eq3A_822, %lt3A_823 : vector<16xi1>
      %or3A_825 = arith.ori %gt3A_821, %and3A_824 : vector<16xi1>
      %select_n3A_826 = arith.select %or3A_825, %masked_sort3A_620, %rev3A_819 : vector<16xi1>, vector<16xi32>
      %masked_sort3A_827 = arith.constant dense<true> : vector<16xi1>
      %masked_sort3A_828, %masked_sort3A_829, %masked_sort3A_830 = tpu.sort %max3A_820, %select_n3A_826 masked %masked_sort3A_827 : (vector<16xf32>, vector<16xi32>, vector<16xi1>) -> (vector<16xi1>, vector<16xf32>, vector<16xi32>)
      %rev3A_831 = arith.constant 15 : i32
      %rev3A_832 = vector.broadcast %rev3A_831 : i32 to vector<16xi32>
      %rev3A_833 = tpu.iota {dimensions = array<i32: 0>} : vector<16xi32>
      %rev3A_834 = arith.subi %rev3A_832, %rev3A_833 : vector<16xi32>
      %rev3A_835 = tpu.dynamic_gather %masked_sort3A_682[%rev3A_834] in [0] : vector<16xf32>, vector<16xi32> -> vector<16xf32>
      %rev3A_836 = arith.constant 15 : i32
      %rev3A_837 = vector.broadcast %rev3A_836 : i32 to vector<16xi32>
      %rev3A_838 = tpu.iota {dimensions = array<i32: 0>} : vector<16xi32>
      %rev3A_839 = arith.subi %rev3A_837, %rev3A_838 : vector<16xi32>
      %rev3A_840 = tpu.dynamic_gather %masked_sort3A_683[%rev3A_839] in [0] : vector<16xi32>, vector<16xi32> -> vector<16xi32>
      %max3A_841 = arith.maximumf %masked_sort3A_661, %rev3A_835 : vector<16xf32>
      %gt3A_842 = arith.cmpf ogt, %masked_sort3A_661, %rev3A_835 : vector<16xf32>
      %eq3A_843 = arith.cmpf oeq, %masked_sort3A_661, %rev3A_835 : vector<16xf32>
      %lt3A_844 = arith.cmpi slt, %masked_sort3A_662, %rev3A_840 : vector<16xi32>
      %and3A_845 = arith.andi %eq3A_843, %lt3A_844 : vector<16xi1>
      %or3A_846 = arith.ori %gt3A_842, %and3A_845 : vector<16xi1>
      %select_n3A_847 = arith.select %or3A_846, %masked_sort3A_662, %rev3A_840 : vector<16xi1>, vector<16xi32>
      %masked_sort3A_848 = arith.constant dense<true> : vector<16xi1>
      %masked_sort3A_849, %masked_sort3A_850, %masked_sort3A_851 = tpu.sort %max3A_841, %select_n3A_847 masked %masked_sort3A_848 : (vector<16xf32>, vector<16xi32>, vector<16xi1>) -> (vector<16xi1>, vector<16xf32>, vector<16xi32>)
      %rev3A_852 = arith.constant 15 : i32
      %rev3A_853 = vector.broadcast %rev3A_852 : i32 to vector<16xi32>
      %rev3A_854 = tpu.iota {dimensions = array<i32: 0>} : vector<16xi32>
      %rev3A_855 = arith.subi %rev3A_853, %rev3A_854 : vector<16xi32>
      %rev3A_856 = tpu.dynamic_gather %masked_sort3A_724[%rev3A_855] in [0] : vector<16xf32>, vector<16xi32> -> vector<16xf32>
      %rev3A_857 = arith.constant 15 : i32
      %rev3A_858 = vector.broadcast %rev3A_857 : i32 to vector<16xi32>
      %rev3A_859 = tpu.iota {dimensions = array<i32: 0>} : vector<16xi32>
      %rev3A_860 = arith.subi %rev3A_858, %rev3A_859 : vector<16xi32>
      %rev3A_861 = tpu.dynamic_gather %masked_sort3A_725[%rev3A_860] in [0] : vector<16xi32>, vector<16xi32> -> vector<16xi32>
      %max3A_862 = arith.maximumf %masked_sort3A_703, %rev3A_856 : vector<16xf32>
      %gt3A_863 = arith.cmpf ogt, %masked_sort3A_703, %rev3A_856 : vector<16xf32>
      %eq3A_864 = arith.cmpf oeq, %masked_sort3A_703, %rev3A_856 : vector<16xf32>
      %lt3A_865 = arith.cmpi slt, %masked_sort3A_704, %rev3A_861 : vector<16xi32>
      %and3A_866 = arith.andi %eq3A_864, %lt3A_865 : vector<16xi1>
      %or3A_867 = arith.ori %gt3A_863, %and3A_866 : vector<16xi1>
      %select_n3A_868 = arith.select %or3A_867, %masked_sort3A_704, %rev3A_861 : vector<16xi1>, vector<16xi32>
      %masked_sort3A_869 = arith.constant dense<true> : vector<16xi1>
      %masked_sort3A_870, %masked_sort3A_871, %masked_sort3A_872 = tpu.sort %max3A_862, %select_n3A_868 masked %masked_sort3A_869 : (vector<16xf32>, vector<16xi32>, vector<16xi1>) -> (vector<16xi1>, vector<16xf32>, vector<16xi32>)
      %rev3A_873 = arith.constant 15 : i32
      %rev3A_874 = vector.broadcast %rev3A_873 : i32 to vector<16xi32>
      %rev3A_875 = tpu.iota {dimensions = array<i32: 0>} : vector<16xi32>
      %rev3A_876 = arith.subi %rev3A_874, %rev3A_875 : vector<16xi32>
      %rev3A_877 = tpu.dynamic_gather %masked_sort3A_766[%rev3A_876] in [0] : vector<16xf32>, vector<16xi32> -> vector<16xf32>
      %rev3A_878 = arith.constant 15 : i32
      %rev3A_879 = vector.broadcast %rev3A_878 : i32 to vector<16xi32>
      %rev3A_880 = tpu.iota {dimensions = array<i32: 0>} : vector<16xi32>
      %rev3A_881 = arith.subi %rev3A_879, %rev3A_880 : vector<16xi32>
      %rev3A_882 = tpu.dynamic_gather %masked_sort3A_767[%rev3A_881] in [0] : vector<16xi32>, vector<16xi32> -> vector<16xi32>
      %max3A_883 = arith.maximumf %masked_sort3A_745, %rev3A_877 : vector<16xf32>
      %gt3A_884 = arith.cmpf ogt, %masked_sort3A_745, %rev3A_877 : vector<16xf32>
      %eq3A_885 = arith.cmpf oeq, %masked_sort3A_745, %rev3A_877 : vector<16xf32>
      %lt3A_886 = arith.cmpi slt, %masked_sort3A_746, %rev3A_882 : vector<16xi32>
      %and3A_887 = arith.andi %eq3A_885, %lt3A_886 : vector<16xi1>
      %or3A_888 = arith.ori %gt3A_884, %and3A_887 : vector<16xi1>
      %select_n3A_889 = arith.select %or3A_888, %masked_sort3A_746, %rev3A_882 : vector<16xi1>, vector<16xi32>
      %masked_sort3A_890 = arith.constant dense<true> : vector<16xi1>
      %masked_sort3A_891, %masked_sort3A_892, %masked_sort3A_893 = tpu.sort %max3A_883, %select_n3A_889 masked %masked_sort3A_890 : (vector<16xf32>, vector<16xi32>, vector<16xi1>) -> (vector<16xi1>, vector<16xf32>, vector<16xi32>)
      %rev3A_894 = arith.constant 15 : i32
      %rev3A_895 = vector.broadcast %rev3A_894 : i32 to vector<16xi32>
      %rev3A_896 = tpu.iota {dimensions = array<i32: 0>} : vector<16xi32>
      %rev3A_897 = arith.subi %rev3A_895, %rev3A_896 : vector<16xi32>
      %rev3A_898 = tpu.dynamic_gather %masked_sort3A_808[%rev3A_897] in [0] : vector<16xf32>, vector<16xi32> -> vector<16xf32>
      %rev3A_899 = arith.constant 15 : i32
      %rev3A_900 = vector.broadcast %rev3A_899 : i32 to vector<16xi32>
      %rev3A_901 = tpu.iota {dimensions = array<i32: 0>} : vector<16xi32>
      %rev3A_902 = arith.subi %rev3A_900, %rev3A_901 : vector<16xi32>
      %rev3A_903 = tpu.dynamic_gather %masked_sort3A_809[%rev3A_902] in [0] : vector<16xi32>, vector<16xi32> -> vector<16xi32>
      %max3A_904 = arith.maximumf %masked_sort3A_787, %rev3A_898 : vector<16xf32>
      %gt3A_905 = arith.cmpf ogt, %masked_sort3A_787, %rev3A_898 : vector<16xf32>
      %eq3A_906 = arith.cmpf oeq, %masked_sort3A_787, %rev3A_898 : vector<16xf32>
      %lt3A_907 = arith.cmpi slt, %masked_sort3A_788, %rev3A_903 : vector<16xi32>
      %and3A_908 = arith.andi %eq3A_906, %lt3A_907 : vector<16xi1>
      %or3A_909 = arith.ori %gt3A_905, %and3A_908 : vector<16xi1>
      %select_n3A_910 = arith.select %or3A_909, %masked_sort3A_788, %rev3A_903 : vector<16xi1>, vector<16xi32>
      %masked_sort3A_911 = arith.constant dense<true> : vector<16xi1>
      %masked_sort3A_912, %masked_sort3A_913, %masked_sort3A_914 = tpu.sort %max3A_904, %select_n3A_910 masked %masked_sort3A_911 : (vector<16xf32>, vector<16xi32>, vector<16xi1>) -> (vector<16xi1>, vector<16xf32>, vector<16xi32>)
      %rev3A_915 = arith.constant 15 : i32
      %rev3A_916 = vector.broadcast %rev3A_915 : i32 to vector<16xi32>
      %rev3A_917 = tpu.iota {dimensions = array<i32: 0>} : vector<16xi32>
      %rev3A_918 = arith.subi %rev3A_916, %rev3A_917 : vector<16xi32>
      %rev3A_919 = tpu.dynamic_gather %masked_sort3A_850[%rev3A_918] in [0] : vector<16xf32>, vector<16xi32> -> vector<16xf32>
      %rev3A_920 = arith.constant 15 : i32
      %rev3A_921 = vector.broadcast %rev3A_920 : i32 to vector<16xi32>
      %rev3A_922 = tpu.iota {dimensions = array<i32: 0>} : vector<16xi32>
      %rev3A_923 = arith.subi %rev3A_921, %rev3A_922 : vector<16xi32>
      %rev3A_924 = tpu.dynamic_gather %masked_sort3A_851[%rev3A_923] in [0] : vector<16xi32>, vector<16xi32> -> vector<16xi32>
      %max3A_925 = arith.maximumf %masked_sort3A_829, %rev3A_919 : vector<16xf32>
      %gt3A_926 = arith.cmpf ogt, %masked_sort3A_829, %rev3A_919 : vector<16xf32>
      %eq3A_927 = arith.cmpf oeq, %masked_sort3A_829, %rev3A_919 : vector<16xf32>
      %lt3A_928 = arith.cmpi slt, %masked_sort3A_830, %rev3A_924 : vector<16xi32>
      %and3A_929 = arith.andi %eq3A_927, %lt3A_928 : vector<16xi1>
      %or3A_930 = arith.ori %gt3A_926, %and3A_929 : vector<16xi1>
      %select_n3A_931 = arith.select %or3A_930, %masked_sort3A_830, %rev3A_924 : vector<16xi1>, vector<16xi32>
      %masked_sort3A_932 = arith.constant dense<true> : vector<16xi1>
      %masked_sort3A_933, %masked_sort3A_934, %masked_sort3A_935 = tpu.sort %max3A_925, %select_n3A_931 masked %masked_sort3A_932 : (vector<16xf32>, vector<16xi32>, vector<16xi1>) -> (vector<16xi1>, vector<16xf32>, vector<16xi32>)
      %rev3A_936 = arith.constant 15 : i32
      %rev3A_937 = vector.broadcast %rev3A_936 : i32 to vector<16xi32>
      %rev3A_938 = tpu.iota {dimensions = array<i32: 0>} : vector<16xi32>
      %rev3A_939 = arith.subi %rev3A_937, %rev3A_938 : vector<16xi32>
      %rev3A_940 = tpu.dynamic_gather %masked_sort3A_892[%rev3A_939] in [0] : vector<16xf32>, vector<16xi32> -> vector<16xf32>
      %rev3A_941 = arith.constant 15 : i32
      %rev3A_942 = vector.broadcast %rev3A_941 : i32 to vector<16xi32>
      %rev3A_943 = tpu.iota {dimensions = array<i32: 0>} : vector<16xi32>
      %rev3A_944 = arith.subi %rev3A_942, %rev3A_943 : vector<16xi32>
      %rev3A_945 = tpu.dynamic_gather %masked_sort3A_893[%rev3A_944] in [0] : vector<16xi32>, vector<16xi32> -> vector<16xi32>
      %max3A_946 = arith.maximumf %masked_sort3A_871, %rev3A_940 : vector<16xf32>
      %gt3A_947 = arith.cmpf ogt, %masked_sort3A_871, %rev3A_940 : vector<16xf32>
      %eq3A_948 = arith.cmpf oeq, %masked_sort3A_871, %rev3A_940 : vector<16xf32>
      %lt3A_949 = arith.cmpi slt, %masked_sort3A_872, %rev3A_945 : vector<16xi32>
      %and3A_950 = arith.andi %eq3A_948, %lt3A_949 : vector<16xi1>
      %or3A_951 = arith.ori %gt3A_947, %and3A_950 : vector<16xi1>
      %select_n3A_952 = arith.select %or3A_951, %masked_sort3A_872, %rev3A_945 : vector<16xi1>, vector<16xi32>
      %masked_sort3A_953 = arith.constant dense<true> : vector<16xi1>
      %masked_sort3A_954, %masked_sort3A_955, %masked_sort3A_956 = tpu.sort %max3A_946, %select_n3A_952 masked %masked_sort3A_953 : (vector<16xf32>, vector<16xi32>, vector<16xi1>) -> (vector<16xi1>, vector<16xf32>, vector<16xi32>)
      %rev3A_957 = arith.constant 15 : i32
      %rev3A_958 = vector.broadcast %rev3A_957 : i32 to vector<16xi32>
      %rev3A_959 = tpu.iota {dimensions = array<i32: 0>} : vector<16xi32>
      %rev3A_960 = arith.subi %rev3A_958, %rev3A_959 : vector<16xi32>
      %rev3A_961 = tpu.dynamic_gather %masked_sort3A_934[%rev3A_960] in [0] : vector<16xf32>, vector<16xi32> -> vector<16xf32>
      %rev3A_962 = arith.constant 15 : i32
      %rev3A_963 = vector.broadcast %rev3A_962 : i32 to vector<16xi32>
      %rev3A_964 = tpu.iota {dimensions = array<i32: 0>} : vector<16xi32>
      %rev3A_965 = arith.subi %rev3A_963, %rev3A_964 : vector<16xi32>
      %rev3A_966 = tpu.dynamic_gather %masked_sort3A_935[%rev3A_965] in [0] : vector<16xi32>, vector<16xi32> -> vector<16xi32>
      %max3A_967 = arith.maximumf %masked_sort3A_913, %rev3A_961 : vector<16xf32>
      %gt3A_968 = arith.cmpf ogt, %masked_sort3A_913, %rev3A_961 : vector<16xf32>
      %eq3A_969 = arith.cmpf oeq, %masked_sort3A_913, %rev3A_961 : vector<16xf32>
      %lt3A_970 = arith.cmpi slt, %masked_sort3A_914, %rev3A_966 : vector<16xi32>
      %and3A_971 = arith.andi %eq3A_969, %lt3A_970 : vector<16xi1>
      %or3A_972 = arith.ori %gt3A_968, %and3A_971 : vector<16xi1>
      %select_n3A_973 = arith.select %or3A_972, %masked_sort3A_914, %rev3A_966 : vector<16xi1>, vector<16xi32>
      %masked_sort3A_974 = arith.constant dense<true> : vector<16xi1>
      %masked_sort3A_975, %masked_sort3A_976, %masked_sort3A_977 = tpu.sort %max3A_967, %select_n3A_973 masked %masked_sort3A_974 : (vector<16xf32>, vector<16xi32>, vector<16xi1>) -> (vector<16xi1>, vector<16xf32>, vector<16xi32>)
      %rev3A_978 = arith.constant 15 : i32
      %rev3A_979 = vector.broadcast %rev3A_978 : i32 to vector<16xi32>
      %rev3A_980 = tpu.iota {dimensions = array<i32: 0>} : vector<16xi32>
      %rev3A_981 = arith.subi %rev3A_979, %rev3A_980 : vector<16xi32>
      %rev3A_982 = tpu.dynamic_gather %masked_sort3A_976[%rev3A_981] in [0] : vector<16xf32>, vector<16xi32> -> vector<16xf32>
      %rev3A_983 = arith.constant 15 : i32
      %rev3A_984 = vector.broadcast %rev3A_983 : i32 to vector<16xi32>
      %rev3A_985 = tpu.iota {dimensions = array<i32: 0>} : vector<16xi32>
      %rev3A_986 = arith.subi %rev3A_984, %rev3A_985 : vector<16xi32>
      %rev3A_987 = tpu.dynamic_gather %masked_sort3A_977[%rev3A_986] in [0] : vector<16xi32>, vector<16xi32> -> vector<16xi32>
      %max3A_988 = arith.maximumf %masked_sort3A_955, %rev3A_982 : vector<16xf32>
      %gt3A_989 = arith.cmpf ogt, %masked_sort3A_955, %rev3A_982 : vector<16xf32>
      %eq3A_990 = arith.cmpf oeq, %masked_sort3A_955, %rev3A_982 : vector<16xf32>
      %lt3A_991 = arith.cmpi slt, %masked_sort3A_956, %rev3A_987 : vector<16xi32>
      %and3A_992 = arith.andi %eq3A_990, %lt3A_991 : vector<16xi1>
      %or3A_993 = arith.ori %gt3A_989, %and3A_992 : vector<16xi1>
      %select_n3A_994 = arith.select %or3A_993, %masked_sort3A_956, %rev3A_987 : vector<16xi1>, vector<16xi32>
      %masked_sort3A_995 = arith.constant dense<true> : vector<16xi1>
      %masked_sort3A_996, %masked_sort3A_997, %masked_sort3A_998 = tpu.sort %max3A_988, %select_n3A_994 masked %masked_sort3A_995 : (vector<16xf32>, vector<16xi32>, vector<16xi1>) -> (vector<16xi1>, vector<16xf32>, vector<16xi32>)
      %bitcast3A = vector.bitcast %masked_sort3A_997 : vector<16xf32> to vector<16xi32>
      %masked_sort3A_999 = arith.constant dense<true> : vector<16xi1>
      %masked_sort3A_1000 = arith.constant -2147483648 : i32
      %masked_sort3A_1001 = vector.broadcast %masked_sort3A_1000 : i32 to vector<16xi32>
      %masked_sort3A_1002 = arith.xori %masked_sort3A_998, %masked_sort3A_1001 : vector<16xi32>
      %masked_sort3A_1003, %masked_sort3A_1004, %masked_sort3A_1005 = tpu.sort %masked_sort3A_1002, %bitcast3A masked %masked_sort3A_999 : (vector<16xi32>, vector<16xi32>, vector<16xi1>) -> (vector<16xi1>, vector<16xi32>, vector<16xi32>)
      %masked_sort3A_1006 = arith.xori %masked_sort3A_1004, %masked_sort3A_1001 : vector<16xi32>
      %bitcast3A_1007 = vector.bitcast %masked_sort3A_1005 : vector<16xi32> to vector<16xf32>
      %masked_sort3A_1008 = arith.constant dense<true> : vector<16xi1>
      %masked_sort3A_1009, %masked_sort3A_1010, %masked_sort3A_1011 = tpu.sort %bitcast3A_1007, %masked_sort3A_1006 masked %masked_sort3A_1008 {descending = true} : (vector<16xf32>, vector<16xi32>, vector<16xi1>) -> (vector<16xi1>, vector<16xf32>, vector<16xi32>)
      %shift_right_logical3A = arith.constant 20 : i32
      %shift_right_logical3A_1012 = vector.broadcast %shift_right_logical3A : i32 to vector<16xi32>
      %shift_right_logical3A_1013 = arith.shrui %masked_sort3A_1011, %shift_right_logical3A_1012 : vector<16xi32>
      %shift_right_logical3A_1014 = arith.constant 1 : i32
      %shift_right_logical3A_1015 = vector.broadcast %shift_right_logical3A_1014 : i32 to vector<16xi32>
      %shift_right_logical3A_1016 = arith.shrui %shift_right_logical3A_1013, %shift_right_logical3A_1015 : vector<16xi32>
      %and3A_1017 = arith.constant 1048575 : i32
      %and3A_1018 = vector.broadcast %and3A_1017 : i32 to vector<16xi32>
      %and3A_1019 = arith.andi %masked_sort3A_1011, %and3A_1018 : vector<16xi32>
      %swap3A = arith.constant 0 : index
      %swap3A_1020 = tpu.vector_load %arg21[%swap3A] {strides = array<i32>} : memref<16xf32, #tpu.memory_space<vmem>>, vector<16xf32>,
      tpu.vector_store %arg21[%swap3A], %masked_sort3A_1010 {strides = array<i32>} : memref<16xf32, #tpu.memory_space<vmem>>, vector<16xf32>,
      "tpu.region"() ({
        %run_scoped3A = tpu.sem_alloc : memref<!tpu.dma_semaphore, #tpu.memory_space<semaphore_mem>>
        tpu.enqueue_dma source(%arg21 : memref<16xf32, #tpu.memory_space<vmem>>) target(%arg11 : memref<16xf32, #tpu.memory_space<hbm>>) target_semaphore(%run_scoped3A : memref<!tpu.dma_semaphore, #tpu.memory_space<semaphore_mem>>)
        tpu.wait_dma2 semaphore(%run_scoped3A : memref<!tpu.dma_semaphore, #tpu.memory_space<semaphore_mem>>) src(%arg21 : memref<16xf32, #tpu.memory_space<vmem>>) dst(%arg11 : memref<16xf32, #tpu.memory_space<hbm>>)
        tpu.yield
      }) : () -> ()
      %gather3A = tpu.vector_load_idx %arg15[%shift_right_logical3A_1016] : memref<16xf32, #tpu.memory_space<vmem>>[vector<16xi32>], vector<16xf32>,
      %sub3A = arith.subf %masked_sort3A_1010, %gather3A : vector<16xf32>
      %get3A_1021 = arith.constant 0 : index
      %get3A_1022 = tpu.vector_load %arg16[%get3A_1021] {strides = array<i32>} : memref<16xi32, #tpu.memory_space<vmem>>, vector<16xi32>,
      %broadcast_in_dim3A = arith.constant 0 : i32
      %broadcast_in_dim3A_1023 = vector.broadcast %broadcast_in_dim3A : i32 to vector<16xi32>
      %lt3A_1024 = arith.cmpi slt, %broadcast_in_dim3A_1023, %get3A_1022 : vector<16xi32>
      %eq3A_1025 = arith.cmpi eq, %broadcast_in_dim3A_1023, %get3A_1022 : vector<16xi32>
      %get3A_1026 = arith.constant 0 : i32
      %get3A_1027 = arith.index_cast %get3A_1026 : i32 to index
      %get3A_1028 = arith.constant 0 : index
      %get3A_1029 = tpu.vector_load %arg17[%get3A_1027, %get3A_1028] {strides = array<i32>} : memref<20x16xi32, #tpu.memory_space<vmem>>, vector<16xi32>,
      %gather3A_1030 = tpu.vector_load_idx %arg17[%broadcast_in_dim3A_1023, %shift_right_logical3A_1016] : memref<20x16xi32, #tpu.memory_space<vmem>>[vector<16xi32>, vector<16xi32>], vector<16xi32>,
      %select_n3A_1031 = arith.select %lt3A_1024, %gather3A_1030, %get3A_1029 : vector<16xi1>, vector<16xi32>
      %select_n3A_1032 = arith.select %eq3A_1025, %and3A_1019, %select_n3A_1031 : vector<16xi1>, vector<16xi32>
      %swap3A_1033 = arith.constant 0 : i32
      %swap3A_1034 = arith.index_cast %swap3A_1033 : i32 to index
      %swap3A_1035 = arith.constant 0 : index
      %swap3A_1036 = tpu.vector_load %arg19[%swap3A_1034, %swap3A_1035] {strides = array<i32>} : memref<20x16xi32, #tpu.memory_space<vmem>>, vector<16xi32>,
      tpu.vector_store %arg19[%swap3A_1034, %swap3A_1035], %select_n3A_1032 {strides = array<i32>} : memref<20x16xi32, #tpu.memory_space<vmem>>, vector<16xi32>,
      %get3A_1037 = arith.constant 0 : i32
      %get3A_1038 = arith.index_cast %get3A_1037 : i32 to index
      %get3A_1039 = arith.constant 0 : index
      %get3A_1040 = tpu.vector_load %arg18[%get3A_1038, %get3A_1039] {strides = array<i32>} : memref<20x16xf32, #tpu.memory_space<vmem>>, vector<16xf32>,
      %gather3A_1041 = tpu.vector_load_idx %arg18[%broadcast_in_dim3A_1023, %shift_right_logical3A_1016] : memref<20x16xf32, #tpu.memory_space<vmem>>[vector<16xi32>, vector<16xi32>], vector<16xf32>,
      %select_n3A_1042 = arith.select %lt3A_1024, %gather3A_1041, %get3A_1040 : vector<16xi1>, vector<16xf32>
      %select_n3A_1043 = arith.select %eq3A_1025, %sub3A, %select_n3A_1042 : vector<16xi1>, vector<16xf32>
      %swap3A_1044 = arith.constant 0 : i32
      %swap3A_1045 = arith.index_cast %swap3A_1044 : i32 to index
      %swap3A_1046 = arith.constant 0 : index
      %swap3A_1047 = tpu.vector_load %arg20[%swap3A_1045, %swap3A_1046] {strides = array<i32>} : memref<20x16xf32, #tpu.memory_space<vmem>>, vector<16xf32>,
      tpu.vector_store %arg20[%swap3A_1045, %swap3A_1046], %select_n3A_1043 {strides = array<i32>} : memref<20x16xf32, #tpu.memory_space<vmem>>, vector<16xf32>,
      %broadcast_in_dim3A_1048 = arith.constant 1 : i32
      %broadcast_in_dim3A_1049 = vector.broadcast %broadcast_in_dim3A_1048 : i32 to vector<16xi32>
      %lt3A_1050 = arith.cmpi slt, %broadcast_in_dim3A_1049, %get3A_1022 : vector<16xi32>
      %eq3A_1051 = arith.cmpi eq, %broadcast_in_dim3A_1049, %get3A_1022 : vector<16xi32>
      %get3A_1052 = arith.constant 1 : i32
      %get3A_1053 = arith.index_cast %get3A_1052 : i32 to index
      %get3A_1054 = arith.constant 0 : index
      %get3A_1055 = tpu.vector_load %arg17[%get3A_1053, %get3A_1054] {strides = array<i32>} : memref<20x16xi32, #tpu.memory_space<vmem>>, vector<16xi32>,
      %gather3A_1056 = tpu.vector_load_idx %arg17[%broadcast_in_dim3A_1049, %shift_right_logical3A_1016] : memref<20x16xi32, #tpu.memory_space<vmem>>[vector<16xi32>, vector<16xi32>], vector<16xi32>,
      %select_n3A_1057 = arith.select %lt3A_1050, %gather3A_1056, %get3A_1055 : vector<16xi1>, vector<16xi32>
      %select_n3A_1058 = arith.select %eq3A_1051, %and3A_1019, %select_n3A_1057 : vector<16xi1>, vector<16xi32>
      %swap3A_1059 = arith.constant 1 : i32
      %swap3A_1060 = arith.index_cast %swap3A_1059 : i32 to index
      %swap3A_1061 = arith.constant 0 : index
      %swap3A_1062 = tpu.vector_load %arg19[%swap3A_1060, %swap3A_1061] {strides = array<i32>} : memref<20x16xi32, #tpu.memory_space<vmem>>, vector<16xi32>,
      tpu.vector_store %arg19[%swap3A_1060, %swap3A_1061], %select_n3A_1058 {strides = array<i32>} : memref<20x16xi32, #tpu.memory_space<vmem>>, vector<16xi32>,
      %get3A_1063 = arith.constant 1 : i32
      %get3A_1064 = arith.index_cast %get3A_1063 : i32 to index
      %get3A_1065 = arith.constant 0 : index
      %get3A_1066 = tpu.vector_load %arg18[%get3A_1064, %get3A_1065] {strides = array<i32>} : memref<20x16xf32, #tpu.memory_space<vmem>>, vector<16xf32>,
      %gather3A_1067 = tpu.vector_load_idx %arg18[%broadcast_in_dim3A_1049, %shift_right_logical3A_1016] : memref<20x16xf32, #tpu.memory_space<vmem>>[vector<16xi32>, vector<16xi32>], vector<16xf32>,
      %select_n3A_1068 = arith.select %lt3A_1050, %gather3A_1067, %get3A_1066 : vector<16xi1>, vector<16xf32>
      %select_n3A_1069 = arith.select %eq3A_1051, %sub3A, %select_n3A_1068 : vector<16xi1>, vector<16xf32>
      %swap3A_1070 = arith.constant 1 : i32
      %swap3A_1071 = arith.index_cast %swap3A_1070 : i32 to index
      %swap3A_1072 = arith.constant 0 : index
      %swap3A_1073 = tpu.vector_load %arg20[%swap3A_1071, %swap3A_1072] {strides = array<i32>} : memref<20x16xf32, #tpu.memory_space<vmem>>, vector<16xf32>,
      tpu.vector_store %arg20[%swap3A_1071, %swap3A_1072], %select_n3A_1069 {strides = array<i32>} : memref<20x16xf32, #tpu.memory_space<vmem>>, vector<16xf32>,
      %broadcast_in_dim3A_1074 = arith.constant 2 : i32
      %broadcast_in_dim3A_1075 = vector.broadcast %broadcast_in_dim3A_1074 : i32 to vector<16xi32>
      %lt3A_1076 = arith.cmpi slt, %broadcast_in_dim3A_1075, %get3A_1022 : vector<16xi32>
      %eq3A_1077 = arith.cmpi eq, %broadcast_in_dim3A_1075, %get3A_1022 : vector<16xi32>
      %get3A_1078 = arith.constant 2 : i32
      %get3A_1079 = arith.index_cast %get3A_1078 : i32 to index
      %get3A_1080 = arith.constant 0 : index
      %get3A_1081 = tpu.vector_load %arg17[%get3A_1079, %get3A_1080] {strides = array<i32>} : memref<20x16xi32, #tpu.memory_space<vmem>>, vector<16xi32>,
      %gather3A_1082 = tpu.vector_load_idx %arg17[%broadcast_in_dim3A_1075, %shift_right_logical3A_1016] : memref<20x16xi32, #tpu.memory_space<vmem>>[vector<16xi32>, vector<16xi32>], vector<16xi32>,
      %select_n3A_1083 = arith.select %lt3A_1076, %gather3A_1082, %get3A_1081 : vector<16xi1>, vector<16xi32>
      %select_n3A_1084 = arith.select %eq3A_1077, %and3A_1019, %select_n3A_1083 : vector<16xi1>, vector<16xi32>
      %swap3A_1085 = arith.constant 2 : i32
      %swap3A_1086 = arith.index_cast %swap3A_1085 : i32 to index
      %swap3A_1087 = arith.constant 0 : index
      %swap3A_1088 = tpu.vector_load %arg19[%swap3A_1086, %swap3A_1087] {strides = array<i32>} : memref<20x16xi32, #tpu.memory_space<vmem>>, vector<16xi32>,
      tpu.vector_store %arg19[%swap3A_1086, %swap3A_1087], %select_n3A_1084 {strides = array<i32>} : memref<20x16xi32, #tpu.memory_space<vmem>>, vector<16xi32>,
      %get3A_1089 = arith.constant 2 : i32
      %get3A_1090 = arith.index_cast %get3A_1089 : i32 to index
      %get3A_1091 = arith.constant 0 : index
      %get3A_1092 = tpu.vector_load %arg18[%get3A_1090, %get3A_1091] {strides = array<i32>} : memref<20x16xf32, #tpu.memory_space<vmem>>, vector<16xf32>,
      %gather3A_1093 = tpu.vector_load_idx %arg18[%broadcast_in_dim3A_1075, %shift_right_logical3A_1016] : memref<20x16xf32, #tpu.memory_space<vmem>>[vector<16xi32>, vector<16xi32>], vector<16xf32>,
      %select_n3A_1094 = arith.select %lt3A_1076, %gather3A_1093, %get3A_1092 : vector<16xi1>, vector<16xf32>
      %select_n3A_1095 = arith.select %eq3A_1077, %sub3A, %select_n3A_1094 : vector<16xi1>, vector<16xf32>
      %swap3A_1096 = arith.constant 2 : i32
      %swap3A_1097 = arith.index_cast %swap3A_1096 : i32 to index
      %swap3A_1098 = arith.constant 0 : index
      %swap3A_1099 = tpu.vector_load %arg20[%swap3A_1097, %swap3A_1098] {strides = array<i32>} : memref<20x16xf32, #tpu.memory_space<vmem>>, vector<16xf32>,
      tpu.vector_store %arg20[%swap3A_1097, %swap3A_1098], %select_n3A_1095 {strides = array<i32>} : memref<20x16xf32, #tpu.memory_space<vmem>>, vector<16xf32>,
      %broadcast_in_dim3A_1100 = arith.constant 3 : i32
      %broadcast_in_dim3A_1101 = vector.broadcast %broadcast_in_dim3A_1100 : i32 to vector<16xi32>
      %lt3A_1102 = arith.cmpi slt, %broadcast_in_dim3A_1101, %get3A_1022 : vector<16xi32>
      %eq3A_1103 = arith.cmpi eq, %broadcast_in_dim3A_1101, %get3A_1022 : vector<16xi32>
      %get3A_1104 = arith.constant 3 : i32
      %get3A_1105 = arith.index_cast %get3A_1104 : i32 to index
      %get3A_1106 = arith.constant 0 : index
      %get3A_1107 = tpu.vector_load %arg17[%get3A_1105, %get3A_1106] {strides = array<i32>} : memref<20x16xi32, #tpu.memory_space<vmem>>, vector<16xi32>,
      %gather3A_1108 = tpu.vector_load_idx %arg17[%broadcast_in_dim3A_1101, %shift_right_logical3A_1016] : memref<20x16xi32, #tpu.memory_space<vmem>>[vector<16xi32>, vector<16xi32>], vector<16xi32>,
      %select_n3A_1109 = arith.select %lt3A_1102, %gather3A_1108, %get3A_1107 : vector<16xi1>, vector<16xi32>
      %select_n3A_1110 = arith.select %eq3A_1103, %and3A_1019, %select_n3A_1109 : vector<16xi1>, vector<16xi32>
      %swap3A_1111 = arith.constant 3 : i32
      %swap3A_1112 = arith.index_cast %swap3A_1111 : i32 to index
      %swap3A_1113 = arith.constant 0 : index
      %swap3A_1114 = tpu.vector_load %arg19[%swap3A_1112, %swap3A_1113] {strides = array<i32>} : memref<20x16xi32, #tpu.memory_space<vmem>>, vector<16xi32>,
      tpu.vector_store %arg19[%swap3A_1112, %swap3A_1113], %select_n3A_1110 {strides = array<i32>} : memref<20x16xi32, #tpu.memory_space<vmem>>, vector<16xi32>,
      %get3A_1115 = arith.constant 3 : i32
      %get3A_1116 = arith.index_cast %get3A_1115 : i32 to index
      %get3A_1117 = arith.constant 0 : index
      %get3A_1118 = tpu.vector_load %arg18[%get3A_1116, %get3A_1117] {strides = array<i32>} : memref<20x16xf32, #tpu.memory_space<vmem>>, vector<16xf32>,
      %gather3A_1119 = tpu.vector_load_idx %arg18[%broadcast_in_dim3A_1101, %shift_right_logical3A_1016] : memref<20x16xf32, #tpu.memory_space<vmem>>[vector<16xi32>, vector<16xi32>], vector<16xf32>,
      %select_n3A_1120 = arith.select %lt3A_1102, %gather3A_1119, %get3A_1118 : vector<16xi1>, vector<16xf32>
      %select_n3A_1121 = arith.select %eq3A_1103, %sub3A, %select_n3A_1120 : vector<16xi1>, vector<16xf32>
      %swap3A_1122 = arith.constant 3 : i32
      %swap3A_1123 = arith.index_cast %swap3A_1122 : i32 to index
      %swap3A_1124 = arith.constant 0 : index
      %swap3A_1125 = tpu.vector_load %arg20[%swap3A_1123, %swap3A_1124] {strides = array<i32>} : memref<20x16xf32, #tpu.memory_space<vmem>>, vector<16xf32>,
      tpu.vector_store %arg20[%swap3A_1123, %swap3A_1124], %select_n3A_1121 {strides = array<i32>} : memref<20x16xf32, #tpu.memory_space<vmem>>, vector<16xf32>,
      %broadcast_in_dim3A_1126 = arith.constant 4 : i32
      %broadcast_in_dim3A_1127 = vector.broadcast %broadcast_in_dim3A_1126 : i32 to vector<16xi32>
      %lt3A_1128 = arith.cmpi slt, %broadcast_in_dim3A_1127, %get3A_1022 : vector<16xi32>
      %eq3A_1129 = arith.cmpi eq, %broadcast_in_dim3A_1127, %get3A_1022 : vector<16xi32>
      %get3A_1130 = arith.constant 4 : i32
      %get3A_1131 = arith.index_cast %get3A_1130 : i32 to index
      %get3A_1132 = arith.constant 0 : index
      %get3A_1133 = tpu.vector_load %arg17[%get3A_1131, %get3A_1132] {strides = array<i32>} : memref<20x16xi32, #tpu.memory_space<vmem>>, vector<16xi32>,
      %gather3A_1134 = tpu.vector_load_idx %arg17[%broadcast_in_dim3A_1127, %shift_right_logical3A_1016] : memref<20x16xi32, #tpu.memory_space<vmem>>[vector<16xi32>, vector<16xi32>], vector<16xi32>,
      %select_n3A_1135 = arith.select %lt3A_1128, %gather3A_1134, %get3A_1133 : vector<16xi1>, vector<16xi32>
      %select_n3A_1136 = arith.select %eq3A_1129, %and3A_1019, %select_n3A_1135 : vector<16xi1>, vector<16xi32>
      %swap3A_1137 = arith.constant 4 : i32
      %swap3A_1138 = arith.index_cast %swap3A_1137 : i32 to index
      %swap3A_1139 = arith.constant 0 : index
      %swap3A_1140 = tpu.vector_load %arg19[%swap3A_1138, %swap3A_1139] {strides = array<i32>} : memref<20x16xi32, #tpu.memory_space<vmem>>, vector<16xi32>,
      tpu.vector_store %arg19[%swap3A_1138, %swap3A_1139], %select_n3A_1136 {strides = array<i32>} : memref<20x16xi32, #tpu.memory_space<vmem>>, vector<16xi32>,
      %get3A_1141 = arith.constant 4 : i32
      %get3A_1142 = arith.index_cast %get3A_1141 : i32 to index
      %get3A_1143 = arith.constant 0 : index
      %get3A_1144 = tpu.vector_load %arg18[%get3A_1142, %get3A_1143] {strides = array<i32>} : memref<20x16xf32, #tpu.memory_space<vmem>>, vector<16xf32>,
      %gather3A_1145 = tpu.vector_load_idx %arg18[%broadcast_in_dim3A_1127, %shift_right_logical3A_1016] : memref<20x16xf32, #tpu.memory_space<vmem>>[vector<16xi32>, vector<16xi32>], vector<16xf32>,
      %select_n3A_1146 = arith.select %lt3A_1128, %gather3A_1145, %get3A_1144 : vector<16xi1>, vector<16xf32>
      %select_n3A_1147 = arith.select %eq3A_1129, %sub3A, %select_n3A_1146 : vector<16xi1>, vector<16xf32>
      %swap3A_1148 = arith.constant 4 : i32
      %swap3A_1149 = arith.index_cast %swap3A_1148 : i32 to index
      %swap3A_1150 = arith.constant 0 : index
      %swap3A_1151 = tpu.vector_load %arg20[%swap3A_1149, %swap3A_1150] {strides = array<i32>} : memref<20x16xf32, #tpu.memory_space<vmem>>, vector<16xf32>,
      tpu.vector_store %arg20[%swap3A_1149, %swap3A_1150], %select_n3A_1147 {strides = array<i32>} : memref<20x16xf32, #tpu.memory_space<vmem>>, vector<16xf32>,
      %broadcast_in_dim3A_1152 = arith.constant 5 : i32
      %broadcast_in_dim3A_1153 = vector.broadcast %broadcast_in_dim3A_1152 : i32 to vector<16xi32>
      %lt3A_1154 = arith.cmpi slt, %broadcast_in_dim3A_1153, %get3A_1022 : vector<16xi32>
      %eq3A_1155 = arith.cmpi eq, %broadcast_in_dim3A_1153, %get3A_1022 : vector<16xi32>
      %get3A_1156 = arith.constant 5 : i32
      %get3A_1157 = arith.index_cast %get3A_1156 : i32 to index
      %get3A_1158 = arith.constant 0 : index
      %get3A_1159 = tpu.vector_load %arg17[%get3A_1157, %get3A_1158] {strides = array<i32>} : memref<20x16xi32, #tpu.memory_space<vmem>>, vector<16xi32>,
      %gather3A_1160 = tpu.vector_load_idx %arg17[%broadcast_in_dim3A_1153, %shift_right_logical3A_1016] : memref<20x16xi32, #tpu.memory_space<vmem>>[vector<16xi32>, vector<16xi32>], vector<16xi32>,
      %select_n3A_1161 = arith.select %lt3A_1154, %gather3A_1160, %get3A_1159 : vector<16xi1>, vector<16xi32>
      %select_n3A_1162 = arith.select %eq3A_1155, %and3A_1019, %select_n3A_1161 : vector<16xi1>, vector<16xi32>
      %swap3A_1163 = arith.constant 5 : i32
      %swap3A_1164 = arith.index_cast %swap3A_1163 : i32 to index
      %swap3A_1165 = arith.constant 0 : index
      %swap3A_1166 = tpu.vector_load %arg19[%swap3A_1164, %swap3A_1165] {strides = array<i32>} : memref<20x16xi32, #tpu.memory_space<vmem>>, vector<16xi32>,
      tpu.vector_store %arg19[%swap3A_1164, %swap3A_1165], %select_n3A_1162 {strides = array<i32>} : memref<20x16xi32, #tpu.memory_space<vmem>>, vector<16xi32>,
      %get3A_1167 = arith.constant 5 : i32
      %get3A_1168 = arith.index_cast %get3A_1167 : i32 to index
      %get3A_1169 = arith.constant 0 : index
      %get3A_1170 = tpu.vector_load %arg18[%get3A_1168, %get3A_1169] {strides = array<i32>} : memref<20x16xf32, #tpu.memory_space<vmem>>, vector<16xf32>,
      %gather3A_1171 = tpu.vector_load_idx %arg18[%broadcast_in_dim3A_1153, %shift_right_logical3A_1016] : memref<20x16xf32, #tpu.memory_space<vmem>>[vector<16xi32>, vector<16xi32>], vector<16xf32>,
      %select_n3A_1172 = arith.select %lt3A_1154, %gather3A_1171, %get3A_1170 : vector<16xi1>, vector<16xf32>
      %select_n3A_1173 = arith.select %eq3A_1155, %sub3A, %select_n3A_1172 : vector<16xi1>, vector<16xf32>
      %swap3A_1174 = arith.constant 5 : i32
      %swap3A_1175 = arith.index_cast %swap3A_1174 : i32 to index
      %swap3A_1176 = arith.constant 0 : index
      %swap3A_1177 = tpu.vector_load %arg20[%swap3A_1175, %swap3A_1176] {strides = array<i32>} : memref<20x16xf32, #tpu.memory_space<vmem>>, vector<16xf32>,
      tpu.vector_store %arg20[%swap3A_1175, %swap3A_1176], %select_n3A_1173 {strides = array<i32>} : memref<20x16xf32, #tpu.memory_space<vmem>>, vector<16xf32>,
      %broadcast_in_dim3A_1178 = arith.constant 6 : i32
      %broadcast_in_dim3A_1179 = vector.broadcast %broadcast_in_dim3A_1178 : i32 to vector<16xi32>
      %lt3A_1180 = arith.cmpi slt, %broadcast_in_dim3A_1179, %get3A_1022 : vector<16xi32>
      %eq3A_1181 = arith.cmpi eq, %broadcast_in_dim3A_1179, %get3A_1022 : vector<16xi32>
      %get3A_1182 = arith.constant 6 : i32
      %get3A_1183 = arith.index_cast %get3A_1182 : i32 to index
      %get3A_1184 = arith.constant 0 : index
      %get3A_1185 = tpu.vector_load %arg17[%get3A_1183, %get3A_1184] {strides = array<i32>} : memref<20x16xi32, #tpu.memory_space<vmem>>, vector<16xi32>,
      %gather3A_1186 = tpu.vector_load_idx %arg17[%broadcast_in_dim3A_1179, %shift_right_logical3A_1016] : memref<20x16xi32, #tpu.memory_space<vmem>>[vector<16xi32>, vector<16xi32>], vector<16xi32>,
      %select_n3A_1187 = arith.select %lt3A_1180, %gather3A_1186, %get3A_1185 : vector<16xi1>, vector<16xi32>
      %select_n3A_1188 = arith.select %eq3A_1181, %and3A_1019, %select_n3A_1187 : vector<16xi1>, vector<16xi32>
      %swap3A_1189 = arith.constant 6 : i32
      %swap3A_1190 = arith.index_cast %swap3A_1189 : i32 to index
      %swap3A_1191 = arith.constant 0 : index
      %swap3A_1192 = tpu.vector_load %arg19[%swap3A_1190, %swap3A_1191] {strides = array<i32>} : memref<20x16xi32, #tpu.memory_space<vmem>>, vector<16xi32>,
      tpu.vector_store %arg19[%swap3A_1190, %swap3A_1191], %select_n3A_1188 {strides = array<i32>} : memref<20x16xi32, #tpu.memory_space<vmem>>, vector<16xi32>,
      %get3A_1193 = arith.constant 6 : i32
      %get3A_1194 = arith.index_cast %get3A_1193 : i32 to index
      %get3A_1195 = arith.constant 0 : index
      %get3A_1196 = tpu.vector_load %arg18[%get3A_1194, %get3A_1195] {strides = array<i32>} : memref<20x16xf32, #tpu.memory_space<vmem>>, vector<16xf32>,
      %gather3A_1197 = tpu.vector_load_idx %arg18[%broadcast_in_dim3A_1179, %shift_right_logical3A_1016] : memref<20x16xf32, #tpu.memory_space<vmem>>[vector<16xi32>, vector<16xi32>], vector<16xf32>,
      %select_n3A_1198 = arith.select %lt3A_1180, %gather3A_1197, %get3A_1196 : vector<16xi1>, vector<16xf32>
      %select_n3A_1199 = arith.select %eq3A_1181, %sub3A, %select_n3A_1198 : vector<16xi1>, vector<16xf32>
      %swap3A_1200 = arith.constant 6 : i32
      %swap3A_1201 = arith.index_cast %swap3A_1200 : i32 to index
      %swap3A_1202 = arith.constant 0 : index
      %swap3A_1203 = tpu.vector_load %arg20[%swap3A_1201, %swap3A_1202] {strides = array<i32>} : memref<20x16xf32, #tpu.memory_space<vmem>>, vector<16xf32>,
      tpu.vector_store %arg20[%swap3A_1201, %swap3A_1202], %select_n3A_1199 {strides = array<i32>} : memref<20x16xf32, #tpu.memory_space<vmem>>, vector<16xf32>,
      %broadcast_in_dim3A_1204 = arith.constant 7 : i32
      %broadcast_in_dim3A_1205 = vector.broadcast %broadcast_in_dim3A_1204 : i32 to vector<16xi32>
      %lt3A_1206 = arith.cmpi slt, %broadcast_in_dim3A_1205, %get3A_1022 : vector<16xi32>
      %eq3A_1207 = arith.cmpi eq, %broadcast_in_dim3A_1205, %get3A_1022 : vector<16xi32>
      %get3A_1208 = arith.constant 7 : i32
      %get3A_1209 = arith.index_cast %get3A_1208 : i32 to index
      %get3A_1210 = arith.constant 0 : index
      %get3A_1211 = tpu.vector_load %arg17[%get3A_1209, %get3A_1210] {strides = array<i32>} : memref<20x16xi32, #tpu.memory_space<vmem>>, vector<16xi32>,
      %gather3A_1212 = tpu.vector_load_idx %arg17[%broadcast_in_dim3A_1205, %shift_right_logical3A_1016] : memref<20x16xi32, #tpu.memory_space<vmem>>[vector<16xi32>, vector<16xi32>], vector<16xi32>,
      %select_n3A_1213 = arith.select %lt3A_1206, %gather3A_1212, %get3A_1211 : vector<16xi1>, vector<16xi32>
      %select_n3A_1214 = arith.select %eq3A_1207, %and3A_1019, %select_n3A_1213 : vector<16xi1>, vector<16xi32>
      %swap3A_1215 = arith.constant 7 : i32
      %swap3A_1216 = arith.index_cast %swap3A_1215 : i32 to index
      %swap3A_1217 = arith.constant 0 : index
      %swap3A_1218 = tpu.vector_load %arg19[%swap3A_1216, %swap3A_1217] {strides = array<i32>} : memref<20x16xi32, #tpu.memory_space<vmem>>, vector<16xi32>,
      tpu.vector_store %arg19[%swap3A_1216, %swap3A_1217], %select_n3A_1214 {strides = array<i32>} : memref<20x16xi32, #tpu.memory_space<vmem>>, vector<16xi32>,
      %get3A_1219 = arith.constant 7 : i32
      %get3A_1220 = arith.index_cast %get3A_1219 : i32 to index
      %get3A_1221 = arith.constant 0 : index
      %get3A_1222 = tpu.vector_load %arg18[%get3A_1220, %get3A_1221] {strides = array<i32>} : memref<20x16xf32, #tpu.memory_space<vmem>>, vector<16xf32>,
      %gather3A_1223 = tpu.vector_load_idx %arg18[%broadcast_in_dim3A_1205, %shift_right_logical3A_1016] : memref<20x16xf32, #tpu.memory_space<vmem>>[vector<16xi32>, vector<16xi32>], vector<16xf32>,
      %select_n3A_1224 = arith.select %lt3A_1206, %gather3A_1223, %get3A_1222 : vector<16xi1>, vector<16xf32>
      %select_n3A_1225 = arith.select %eq3A_1207, %sub3A, %select_n3A_1224 : vector<16xi1>, vector<16xf32>
      %swap3A_1226 = arith.constant 7 : i32
      %swap3A_1227 = arith.index_cast %swap3A_1226 : i32 to index
      %swap3A_1228 = arith.constant 0 : index
      %swap3A_1229 = tpu.vector_load %arg20[%swap3A_1227, %swap3A_1228] {strides = array<i32>} : memref<20x16xf32, #tpu.memory_space<vmem>>, vector<16xf32>,
      tpu.vector_store %arg20[%swap3A_1227, %swap3A_1228], %select_n3A_1225 {strides = array<i32>} : memref<20x16xf32, #tpu.memory_space<vmem>>, vector<16xf32>,
      %broadcast_in_dim3A_1230 = arith.constant 8 : i32
      %broadcast_in_dim3A_1231 = vector.broadcast %broadcast_in_dim3A_1230 : i32 to vector<16xi32>
      %lt3A_1232 = arith.cmpi slt, %broadcast_in_dim3A_1231, %get3A_1022 : vector<16xi32>
      %eq3A_1233 = arith.cmpi eq, %broadcast_in_dim3A_1231, %get3A_1022 : vector<16xi32>
      %get3A_1234 = arith.constant 8 : i32
      %get3A_1235 = arith.index_cast %get3A_1234 : i32 to index
      %get3A_1236 = arith.constant 0 : index
      %get3A_1237 = tpu.vector_load %arg17[%get3A_1235, %get3A_1236] {strides = array<i32>} : memref<20x16xi32, #tpu.memory_space<vmem>>, vector<16xi32>,
      %gather3A_1238 = tpu.vector_load_idx %arg17[%broadcast_in_dim3A_1231, %shift_right_logical3A_1016] : memref<20x16xi32, #tpu.memory_space<vmem>>[vector<16xi32>, vector<16xi32>], vector<16xi32>,
      %select_n3A_1239 = arith.select %lt3A_1232, %gather3A_1238, %get3A_1237 : vector<16xi1>, vector<16xi32>
      %select_n3A_1240 = arith.select %eq3A_1233, %and3A_1019, %select_n3A_1239 : vector<16xi1>, vector<16xi32>
      %swap3A_1241 = arith.constant 8 : i32
      %swap3A_1242 = arith.index_cast %swap3A_1241 : i32 to index
      %swap3A_1243 = arith.constant 0 : index
      %swap3A_1244 = tpu.vector_load %arg19[%swap3A_1242, %swap3A_1243] {strides = array<i32>} : memref<20x16xi32, #tpu.memory_space<vmem>>, vector<16xi32>,
      tpu.vector_store %arg19[%swap3A_1242, %swap3A_1243], %select_n3A_1240 {strides = array<i32>} : memref<20x16xi32, #tpu.memory_space<vmem>>, vector<16xi32>,
      %get3A_1245 = arith.constant 8 : i32
      %get3A_1246 = arith.index_cast %get3A_1245 : i32 to index
      %get3A_1247 = arith.constant 0 : index
      %get3A_1248 = tpu.vector_load %arg18[%get3A_1246, %get3A_1247] {strides = array<i32>} : memref<20x16xf32, #tpu.memory_space<vmem>>, vector<16xf32>,
      %gather3A_1249 = tpu.vector_load_idx %arg18[%broadcast_in_dim3A_1231, %shift_right_logical3A_1016] : memref<20x16xf32, #tpu.memory_space<vmem>>[vector<16xi32>, vector<16xi32>], vector<16xf32>,
      %select_n3A_1250 = arith.select %lt3A_1232, %gather3A_1249, %get3A_1248 : vector<16xi1>, vector<16xf32>
      %select_n3A_1251 = arith.select %eq3A_1233, %sub3A, %select_n3A_1250 : vector<16xi1>, vector<16xf32>
      %swap3A_1252 = arith.constant 8 : i32
      %swap3A_1253 = arith.index_cast %swap3A_1252 : i32 to index
      %swap3A_1254 = arith.constant 0 : index
      %swap3A_1255 = tpu.vector_load %arg20[%swap3A_1253, %swap3A_1254] {strides = array<i32>} : memref<20x16xf32, #tpu.memory_space<vmem>>, vector<16xf32>,
      tpu.vector_store %arg20[%swap3A_1253, %swap3A_1254], %select_n3A_1251 {strides = array<i32>} : memref<20x16xf32, #tpu.memory_space<vmem>>, vector<16xf32>,
      %broadcast_in_dim3A_1256 = arith.constant 9 : i32
      %broadcast_in_dim3A_1257 = vector.broadcast %broadcast_in_dim3A_1256 : i32 to vector<16xi32>
      %lt3A_1258 = arith.cmpi slt, %broadcast_in_dim3A_1257, %get3A_1022 : vector<16xi32>
      %eq3A_1259 = arith.cmpi eq, %broadcast_in_dim3A_1257, %get3A_1022 : vector<16xi32>
      %get3A_1260 = arith.constant 9 : i32
      %get3A_1261 = arith.index_cast %get3A_1260 : i32 to index
      %get3A_1262 = arith.constant 0 : index
      %get3A_1263 = tpu.vector_load %arg17[%get3A_1261, %get3A_1262] {strides = array<i32>} : memref<20x16xi32, #tpu.memory_space<vmem>>, vector<16xi32>,
      %gather3A_1264 = tpu.vector_load_idx %arg17[%broadcast_in_dim3A_1257, %shift_right_logical3A_1016] : memref<20x16xi32, #tpu.memory_space<vmem>>[vector<16xi32>, vector<16xi32>], vector<16xi32>,
      %select_n3A_1265 = arith.select %lt3A_1258, %gather3A_1264, %get3A_1263 : vector<16xi1>, vector<16xi32>
      %select_n3A_1266 = arith.select %eq3A_1259, %and3A_1019, %select_n3A_1265 : vector<16xi1>, vector<16xi32>
      %swap3A_1267 = arith.constant 9 : i32
      %swap3A_1268 = arith.index_cast %swap3A_1267 : i32 to index
      %swap3A_1269 = arith.constant 0 : index
      %swap3A_1270 = tpu.vector_load %arg19[%swap3A_1268, %swap3A_1269] {strides = array<i32>} : memref<20x16xi32, #tpu.memory_space<vmem>>, vector<16xi32>,
      tpu.vector_store %arg19[%swap3A_1268, %swap3A_1269], %select_n3A_1266 {strides = array<i32>} : memref<20x16xi32, #tpu.memory_space<vmem>>, vector<16xi32>,
      %get3A_1271 = arith.constant 9 : i32
      %get3A_1272 = arith.index_cast %get3A_1271 : i32 to index
      %get3A_1273 = arith.constant 0 : index
      %get3A_1274 = tpu.vector_load %arg18[%get3A_1272, %get3A_1273] {strides = array<i32>} : memref<20x16xf32, #tpu.memory_space<vmem>>, vector<16xf32>,
      %gather3A_1275 = tpu.vector_load_idx %arg18[%broadcast_in_dim3A_1257, %shift_right_logical3A_1016] : memref<20x16xf32, #tpu.memory_space<vmem>>[vector<16xi32>, vector<16xi32>], vector<16xf32>,
      %select_n3A_1276 = arith.select %lt3A_1258, %gather3A_1275, %get3A_1274 : vector<16xi1>, vector<16xf32>
      %select_n3A_1277 = arith.select %eq3A_1259, %sub3A, %select_n3A_1276 : vector<16xi1>, vector<16xf32>
      %swap3A_1278 = arith.constant 9 : i32
      %swap3A_1279 = arith.index_cast %swap3A_1278 : i32 to index
      %swap3A_1280 = arith.constant 0 : index
      %swap3A_1281 = tpu.vector_load %arg20[%swap3A_1279, %swap3A_1280] {strides = array<i32>} : memref<20x16xf32, #tpu.memory_space<vmem>>, vector<16xf32>,
      tpu.vector_store %arg20[%swap3A_1279, %swap3A_1280], %select_n3A_1277 {strides = array<i32>} : memref<20x16xf32, #tpu.memory_space<vmem>>, vector<16xf32>,
      %broadcast_in_dim3A_1282 = arith.constant 10 : i32
      %broadcast_in_dim3A_1283 = vector.broadcast %broadcast_in_dim3A_1282 : i32 to vector<16xi32>
      %lt3A_1284 = arith.cmpi slt, %broadcast_in_dim3A_1283, %get3A_1022 : vector<16xi32>
      %eq3A_1285 = arith.cmpi eq, %broadcast_in_dim3A_1283, %get3A_1022 : vector<16xi32>
      %get3A_1286 = arith.constant 10 : i32
      %get3A_1287 = arith.index_cast %get3A_1286 : i32 to index
      %get3A_1288 = arith.constant 0 : index
      %get3A_1289 = tpu.vector_load %arg17[%get3A_1287, %get3A_1288] {strides = array<i32>} : memref<20x16xi32, #tpu.memory_space<vmem>>, vector<16xi32>,
      %gather3A_1290 = tpu.vector_load_idx %arg17[%broadcast_in_dim3A_1283, %shift_right_logical3A_1016] : memref<20x16xi32, #tpu.memory_space<vmem>>[vector<16xi32>, vector<16xi32>], vector<16xi32>,
      %select_n3A_1291 = arith.select %lt3A_1284, %gather3A_1290, %get3A_1289 : vector<16xi1>, vector<16xi32>
      %select_n3A_1292 = arith.select %eq3A_1285, %and3A_1019, %select_n3A_1291 : vector<16xi1>, vector<16xi32>
      %swap3A_1293 = arith.constant 10 : i32
      %swap3A_1294 = arith.index_cast %swap3A_1293 : i32 to index
      %swap3A_1295 = arith.constant 0 : index
      %swap3A_1296 = tpu.vector_load %arg19[%swap3A_1294, %swap3A_1295] {strides = array<i32>} : memref<20x16xi32, #tpu.memory_space<vmem>>, vector<16xi32>,
      tpu.vector_store %arg19[%swap3A_1294, %swap3A_1295], %select_n3A_1292 {strides = array<i32>} : memref<20x16xi32, #tpu.memory_space<vmem>>, vector<16xi32>,
      %get3A_1297 = arith.constant 10 : i32
      %get3A_1298 = arith.index_cast %get3A_1297 : i32 to index
      %get3A_1299 = arith.constant 0 : index
      %get3A_1300 = tpu.vector_load %arg18[%get3A_1298, %get3A_1299] {strides = array<i32>} : memref<20x16xf32, #tpu.memory_space<vmem>>, vector<16xf32>,
      %gather3A_1301 = tpu.vector_load_idx %arg18[%broadcast_in_dim3A_1283, %shift_right_logical3A_1016] : memref<20x16xf32, #tpu.memory_space<vmem>>[vector<16xi32>, vector<16xi32>], vector<16xf32>,
      %select_n3A_1302 = arith.select %lt3A_1284, %gather3A_1301, %get3A_1300 : vector<16xi1>, vector<16xf32>
      %select_n3A_1303 = arith.select %eq3A_1285, %sub3A, %select_n3A_1302 : vector<16xi1>, vector<16xf32>
      %swap3A_1304 = arith.constant 10 : i32
      %swap3A_1305 = arith.index_cast %swap3A_1304 : i32 to index
      %swap3A_1306 = arith.constant 0 : index
      %swap3A_1307 = tpu.vector_load %arg20[%swap3A_1305, %swap3A_1306] {strides = array<i32>} : memref<20x16xf32, #tpu.memory_space<vmem>>, vector<16xf32>,
      tpu.vector_store %arg20[%swap3A_1305, %swap3A_1306], %select_n3A_1303 {strides = array<i32>} : memref<20x16xf32, #tpu.memory_space<vmem>>, vector<16xf32>,
      %broadcast_in_dim3A_1308 = arith.constant 11 : i32
      %broadcast_in_dim3A_1309 = vector.broadcast %broadcast_in_dim3A_1308 : i32 to vector<16xi32>
      %lt3A_1310 = arith.cmpi slt, %broadcast_in_dim3A_1309, %get3A_1022 : vector<16xi32>
      %eq3A_1311 = arith.cmpi eq, %broadcast_in_dim3A_1309, %get3A_1022 : vector<16xi32>
      %get3A_1312 = arith.constant 11 : i32
      %get3A_1313 = arith.index_cast %get3A_1312 : i32 to index
      %get3A_1314 = arith.constant 0 : index
      %get3A_1315 = tpu.vector_load %arg17[%get3A_1313, %get3A_1314] {strides = array<i32>} : memref<20x16xi32, #tpu.memory_space<vmem>>, vector<16xi32>,
      %gather3A_1316 = tpu.vector_load_idx %arg17[%broadcast_in_dim3A_1309, %shift_right_logical3A_1016] : memref<20x16xi32, #tpu.memory_space<vmem>>[vector<16xi32>, vector<16xi32>], vector<16xi32>,
      %select_n3A_1317 = arith.select %lt3A_1310, %gather3A_1316, %get3A_1315 : vector<16xi1>, vector<16xi32>
      %select_n3A_1318 = arith.select %eq3A_1311, %and3A_1019, %select_n3A_1317 : vector<16xi1>, vector<16xi32>
      %swap3A_1319 = arith.constant 11 : i32
      %swap3A_1320 = arith.index_cast %swap3A_1319 : i32 to index
      %swap3A_1321 = arith.constant 0 : index
      %swap3A_1322 = tpu.vector_load %arg19[%swap3A_1320, %swap3A_1321] {strides = array<i32>} : memref<20x16xi32, #tpu.memory_space<vmem>>, vector<16xi32>,
      tpu.vector_store %arg19[%swap3A_1320, %swap3A_1321], %select_n3A_1318 {strides = array<i32>} : memref<20x16xi32, #tpu.memory_space<vmem>>, vector<16xi32>,
      %get3A_1323 = arith.constant 11 : i32
      %get3A_1324 = arith.index_cast %get3A_1323 : i32 to index
      %get3A_1325 = arith.constant 0 : index
      %get3A_1326 = tpu.vector_load %arg18[%get3A_1324, %get3A_1325] {strides = array<i32>} : memref<20x16xf32, #tpu.memory_space<vmem>>, vector<16xf32>,
      %gather3A_1327 = tpu.vector_load_idx %arg18[%broadcast_in_dim3A_1309, %shift_right_logical3A_1016] : memref<20x16xf32, #tpu.memory_space<vmem>>[vector<16xi32>, vector<16xi32>], vector<16xf32>,
      %select_n3A_1328 = arith.select %lt3A_1310, %gather3A_1327, %get3A_1326 : vector<16xi1>, vector<16xf32>
      %select_n3A_1329 = arith.select %eq3A_1311, %sub3A, %select_n3A_1328 : vector<16xi1>, vector<16xf32>
      %swap3A_1330 = arith.constant 11 : i32
      %swap3A_1331 = arith.index_cast %swap3A_1330 : i32 to index
      %swap3A_1332 = arith.constant 0 : index
      %swap3A_1333 = tpu.vector_load %arg20[%swap3A_1331, %swap3A_1332] {strides = array<i32>} : memref<20x16xf32, #tpu.memory_space<vmem>>, vector<16xf32>,
      tpu.vector_store %arg20[%swap3A_1331, %swap3A_1332], %select_n3A_1329 {strides = array<i32>} : memref<20x16xf32, #tpu.memory_space<vmem>>, vector<16xf32>,
      %broadcast_in_dim3A_1334 = arith.constant 12 : i32
      %broadcast_in_dim3A_1335 = vector.broadcast %broadcast_in_dim3A_1334 : i32 to vector<16xi32>
      %lt3A_1336 = arith.cmpi slt, %broadcast_in_dim3A_1335, %get3A_1022 : vector<16xi32>
      %eq3A_1337 = arith.cmpi eq, %broadcast_in_dim3A_1335, %get3A_1022 : vector<16xi32>
      %get3A_1338 = arith.constant 12 : i32
      %get3A_1339 = arith.index_cast %get3A_1338 : i32 to index
      %get3A_1340 = arith.constant 0 : index
      %get3A_1341 = tpu.vector_load %arg17[%get3A_1339, %get3A_1340] {strides = array<i32>} : memref<20x16xi32, #tpu.memory_space<vmem>>, vector<16xi32>,
      %gather3A_1342 = tpu.vector_load_idx %arg17[%broadcast_in_dim3A_1335, %shift_right_logical3A_1016] : memref<20x16xi32, #tpu.memory_space<vmem>>[vector<16xi32>, vector<16xi32>], vector<16xi32>,
      %select_n3A_1343 = arith.select %lt3A_1336, %gather3A_1342, %get3A_1341 : vector<16xi1>, vector<16xi32>
      %select_n3A_1344 = arith.select %eq3A_1337, %and3A_1019, %select_n3A_1343 : vector<16xi1>, vector<16xi32>
      %swap3A_1345 = arith.constant 12 : i32
      %swap3A_1346 = arith.index_cast %swap3A_1345 : i32 to index
      %swap3A_1347 = arith.constant 0 : index
      %swap3A_1348 = tpu.vector_load %arg19[%swap3A_1346, %swap3A_1347] {strides = array<i32>} : memref<20x16xi32, #tpu.memory_space<vmem>>, vector<16xi32>,
      tpu.vector_store %arg19[%swap3A_1346, %swap3A_1347], %select_n3A_1344 {strides = array<i32>} : memref<20x16xi32, #tpu.memory_space<vmem>>, vector<16xi32>,
      %get3A_1349 = arith.constant 12 : i32
      %get3A_1350 = arith.index_cast %get3A_1349 : i32 to index
      %get3A_1351 = arith.constant 0 : index
      %get3A_1352 = tpu.vector_load %arg18[%get3A_1350, %get3A_1351] {strides = array<i32>} : memref<20x16xf32, #tpu.memory_space<vmem>>, vector<16xf32>,
      %gather3A_1353 = tpu.vector_load_idx %arg18[%broadcast_in_dim3A_1335, %shift_right_logical3A_1016] : memref<20x16xf32, #tpu.memory_space<vmem>>[vector<16xi32>, vector<16xi32>], vector<16xf32>,
      %select_n3A_1354 = arith.select %lt3A_1336, %gather3A_1353, %get3A_1352 : vector<16xi1>, vector<16xf32>
      %select_n3A_1355 = arith.select %eq3A_1337, %sub3A, %select_n3A_1354 : vector<16xi1>, vector<16xf32>
      %swap3A_1356 = arith.constant 12 : i32
      %swap3A_1357 = arith.index_cast %swap3A_1356 : i32 to index
      %swap3A_1358 = arith.constant 0 : index
      %swap3A_1359 = tpu.vector_load %arg20[%swap3A_1357, %swap3A_1358] {strides = array<i32>} : memref<20x16xf32, #tpu.memory_space<vmem>>, vector<16xf32>,
      tpu.vector_store %arg20[%swap3A_1357, %swap3A_1358], %select_n3A_1355 {strides = array<i32>} : memref<20x16xf32, #tpu.memory_space<vmem>>, vector<16xf32>,
      %broadcast_in_dim3A_1360 = arith.constant 13 : i32
      %broadcast_in_dim3A_1361 = vector.broadcast %broadcast_in_dim3A_1360 : i32 to vector<16xi32>
      %lt3A_1362 = arith.cmpi slt, %broadcast_in_dim3A_1361, %get3A_1022 : vector<16xi32>
      %eq3A_1363 = arith.cmpi eq, %broadcast_in_dim3A_1361, %get3A_1022 : vector<16xi32>
      %get3A_1364 = arith.constant 13 : i32
      %get3A_1365 = arith.index_cast %get3A_1364 : i32 to index
      %get3A_1366 = arith.constant 0 : index
      %get3A_1367 = tpu.vector_load %arg17[%get3A_1365, %get3A_1366] {strides = array<i32>} : memref<20x16xi32, #tpu.memory_space<vmem>>, vector<16xi32>,
      %gather3A_1368 = tpu.vector_load_idx %arg17[%broadcast_in_dim3A_1361, %shift_right_logical3A_1016] : memref<20x16xi32, #tpu.memory_space<vmem>>[vector<16xi32>, vector<16xi32>], vector<16xi32>,
      %select_n3A_1369 = arith.select %lt3A_1362, %gather3A_1368, %get3A_1367 : vector<16xi1>, vector<16xi32>
      %select_n3A_1370 = arith.select %eq3A_1363, %and3A_1019, %select_n3A_1369 : vector<16xi1>, vector<16xi32>
      %swap3A_1371 = arith.constant 13 : i32
      %swap3A_1372 = arith.index_cast %swap3A_1371 : i32 to index
      %swap3A_1373 = arith.constant 0 : index
      %swap3A_1374 = tpu.vector_load %arg19[%swap3A_1372, %swap3A_1373] {strides = array<i32>} : memref<20x16xi32, #tpu.memory_space<vmem>>, vector<16xi32>,
      tpu.vector_store %arg19[%swap3A_1372, %swap3A_1373], %select_n3A_1370 {strides = array<i32>} : memref<20x16xi32, #tpu.memory_space<vmem>>, vector<16xi32>,
      %get3A_1375 = arith.constant 13 : i32
      %get3A_1376 = arith.index_cast %get3A_1375 : i32 to index
      %get3A_1377 = arith.constant 0 : index
      %get3A_1378 = tpu.vector_load %arg18[%get3A_1376, %get3A_1377] {strides = array<i32>} : memref<20x16xf32, #tpu.memory_space<vmem>>, vector<16xf32>,
      %gather3A_1379 = tpu.vector_load_idx %arg18[%broadcast_in_dim3A_1361, %shift_right_logical3A_1016] : memref<20x16xf32, #tpu.memory_space<vmem>>[vector<16xi32>, vector<16xi32>], vector<16xf32>,
      %select_n3A_1380 = arith.select %lt3A_1362, %gather3A_1379, %get3A_1378 : vector<16xi1>, vector<16xf32>
      %select_n3A_1381 = arith.select %eq3A_1363, %sub3A, %select_n3A_1380 : vector<16xi1>, vector<16xf32>
      %swap3A_1382 = arith.constant 13 : i32
      %swap3A_1383 = arith.index_cast %swap3A_1382 : i32 to index
      %swap3A_1384 = arith.constant 0 : index
      %swap3A_1385 = tpu.vector_load %arg20[%swap3A_1383, %swap3A_1384] {strides = array<i32>} : memref<20x16xf32, #tpu.memory_space<vmem>>, vector<16xf32>,
      tpu.vector_store %arg20[%swap3A_1383, %swap3A_1384], %select_n3A_1381 {strides = array<i32>} : memref<20x16xf32, #tpu.memory_space<vmem>>, vector<16xf32>,
      %broadcast_in_dim3A_1386 = arith.constant 14 : i32
      %broadcast_in_dim3A_1387 = vector.broadcast %broadcast_in_dim3A_1386 : i32 to vector<16xi32>
      %lt3A_1388 = arith.cmpi slt, %broadcast_in_dim3A_1387, %get3A_1022 : vector<16xi32>
      %eq3A_1389 = arith.cmpi eq, %broadcast_in_dim3A_1387, %get3A_1022 : vector<16xi32>
      %get3A_1390 = arith.constant 14 : i32
      %get3A_1391 = arith.index_cast %get3A_1390 : i32 to index
      %get3A_1392 = arith.constant 0 : index
      %get3A_1393 = tpu.vector_load %arg17[%get3A_1391, %get3A_1392] {strides = array<i32>} : memref<20x16xi32, #tpu.memory_space<vmem>>, vector<16xi32>,
      %gather3A_1394 = tpu.vector_load_idx %arg17[%broadcast_in_dim3A_1387, %shift_right_logical3A_1016] : memref<20x16xi32, #tpu.memory_space<vmem>>[vector<16xi32>, vector<16xi32>], vector<16xi32>,
      %select_n3A_1395 = arith.select %lt3A_1388, %gather3A_1394, %get3A_1393 : vector<16xi1>, vector<16xi32>
      %select_n3A_1396 = arith.select %eq3A_1389, %and3A_1019, %select_n3A_1395 : vector<16xi1>, vector<16xi32>
      %swap3A_1397 = arith.constant 14 : i32
      %swap3A_1398 = arith.index_cast %swap3A_1397 : i32 to index
      %swap3A_1399 = arith.constant 0 : index
      %swap3A_1400 = tpu.vector_load %arg19[%swap3A_1398, %swap3A_1399] {strides = array<i32>} : memref<20x16xi32, #tpu.memory_space<vmem>>, vector<16xi32>,
      tpu.vector_store %arg19[%swap3A_1398, %swap3A_1399], %select_n3A_1396 {strides = array<i32>} : memref<20x16xi32, #tpu.memory_space<vmem>>, vector<16xi32>,
      %get3A_1401 = arith.constant 14 : i32
      %get3A_1402 = arith.index_cast %get3A_1401 : i32 to index
      %get3A_1403 = arith.constant 0 : index
      %get3A_1404 = tpu.vector_load %arg18[%get3A_1402, %get3A_1403] {strides = array<i32>} : memref<20x16xf32, #tpu.memory_space<vmem>>, vector<16xf32>,
      %gather3A_1405 = tpu.vector_load_idx %arg18[%broadcast_in_dim3A_1387, %shift_right_logical3A_1016] : memref<20x16xf32, #tpu.memory_space<vmem>>[vector<16xi32>, vector<16xi32>], vector<16xf32>,
      %select_n3A_1406 = arith.select %lt3A_1388, %gather3A_1405, %get3A_1404 : vector<16xi1>, vector<16xf32>
      %select_n3A_1407 = arith.select %eq3A_1389, %sub3A, %select_n3A_1406 : vector<16xi1>, vector<16xf32>
      %swap3A_1408 = arith.constant 14 : i32
      %swap3A_1409 = arith.index_cast %swap3A_1408 : i32 to index
      %swap3A_1410 = arith.constant 0 : index
      %swap3A_1411 = tpu.vector_load %arg20[%swap3A_1409, %swap3A_1410] {strides = array<i32>} : memref<20x16xf32, #tpu.memory_space<vmem>>, vector<16xf32>,
      tpu.vector_store %arg20[%swap3A_1409, %swap3A_1410], %select_n3A_1407 {strides = array<i32>} : memref<20x16xf32, #tpu.memory_space<vmem>>, vector<16xf32>,
      %broadcast_in_dim3A_1412 = arith.constant 15 : i32
      %broadcast_in_dim3A_1413 = vector.broadcast %broadcast_in_dim3A_1412 : i32 to vector<16xi32>
      %lt3A_1414 = arith.cmpi slt, %broadcast_in_dim3A_1413, %get3A_1022 : vector<16xi32>
      %eq3A_1415 = arith.cmpi eq, %broadcast_in_dim3A_1413, %get3A_1022 : vector<16xi32>
      %get3A_1416 = arith.constant 15 : i32
      %get3A_1417 = arith.index_cast %get3A_1416 : i32 to index
      %get3A_1418 = arith.constant 0 : index
      %get3A_1419 = tpu.vector_load %arg17[%get3A_1417, %get3A_1418] {strides = array<i32>} : memref<20x16xi32, #tpu.memory_space<vmem>>, vector<16xi32>,
      %gather3A_1420 = tpu.vector_load_idx %arg17[%broadcast_in_dim3A_1413, %shift_right_logical3A_1016] : memref<20x16xi32, #tpu.memory_space<vmem>>[vector<16xi32>, vector<16xi32>], vector<16xi32>,
      %select_n3A_1421 = arith.select %lt3A_1414, %gather3A_1420, %get3A_1419 : vector<16xi1>, vector<16xi32>
      %select_n3A_1422 = arith.select %eq3A_1415, %and3A_1019, %select_n3A_1421 : vector<16xi1>, vector<16xi32>
      %swap3A_1423 = arith.constant 15 : i32
      %swap3A_1424 = arith.index_cast %swap3A_1423 : i32 to index
      %swap3A_1425 = arith.constant 0 : index
      %swap3A_1426 = tpu.vector_load %arg19[%swap3A_1424, %swap3A_1425] {strides = array<i32>} : memref<20x16xi32, #tpu.memory_space<vmem>>, vector<16xi32>,
      tpu.vector_store %arg19[%swap3A_1424, %swap3A_1425], %select_n3A_1422 {strides = array<i32>} : memref<20x16xi32, #tpu.memory_space<vmem>>, vector<16xi32>,
      %get3A_1427 = arith.constant 15 : i32
      %get3A_1428 = arith.index_cast %get3A_1427 : i32 to index
      %get3A_1429 = arith.constant 0 : index
      %get3A_1430 = tpu.vector_load %arg18[%get3A_1428, %get3A_1429] {strides = array<i32>} : memref<20x16xf32, #tpu.memory_space<vmem>>, vector<16xf32>,
      %gather3A_1431 = tpu.vector_load_idx %arg18[%broadcast_in_dim3A_1413, %shift_right_logical3A_1016] : memref<20x16xf32, #tpu.memory_space<vmem>>[vector<16xi32>, vector<16xi32>], vector<16xf32>,
      %select_n3A_1432 = arith.select %lt3A_1414, %gather3A_1431, %get3A_1430 : vector<16xi1>, vector<16xf32>
      %select_n3A_1433 = arith.select %eq3A_1415, %sub3A, %select_n3A_1432 : vector<16xi1>, vector<16xf32>
      %swap3A_1434 = arith.constant 15 : i32
      %swap3A_1435 = arith.index_cast %swap3A_1434 : i32 to index
      %swap3A_1436 = arith.constant 0 : index
      %swap3A_1437 = tpu.vector_load %arg20[%swap3A_1435, %swap3A_1436] {strides = array<i32>} : memref<20x16xf32, #tpu.memory_space<vmem>>, vector<16xf32>,
      tpu.vector_store %arg20[%swap3A_1435, %swap3A_1436], %select_n3A_1433 {strides = array<i32>} : memref<20x16xf32, #tpu.memory_space<vmem>>, vector<16xf32>,
      %broadcast_in_dim3A_1438 = arith.constant 16 : i32
      %broadcast_in_dim3A_1439 = vector.broadcast %broadcast_in_dim3A_1438 : i32 to vector<16xi32>
      %lt3A_1440 = arith.cmpi slt, %broadcast_in_dim3A_1439, %get3A_1022 : vector<16xi32>
      %eq3A_1441 = arith.cmpi eq, %broadcast_in_dim3A_1439, %get3A_1022 : vector<16xi32>
      %get3A_1442 = arith.constant 16 : i32
      %get3A_1443 = arith.index_cast %get3A_1442 : i32 to index
      %get3A_1444 = arith.constant 0 : index
      %get3A_1445 = tpu.vector_load %arg17[%get3A_1443, %get3A_1444] {strides = array<i32>} : memref<20x16xi32, #tpu.memory_space<vmem>>, vector<16xi32>,
      %gather3A_1446 = tpu.vector_load_idx %arg17[%broadcast_in_dim3A_1439, %shift_right_logical3A_1016] : memref<20x16xi32, #tpu.memory_space<vmem>>[vector<16xi32>, vector<16xi32>], vector<16xi32>,
      %select_n3A_1447 = arith.select %lt3A_1440, %gather3A_1446, %get3A_1445 : vector<16xi1>, vector<16xi32>
      %select_n3A_1448 = arith.select %eq3A_1441, %and3A_1019, %select_n3A_1447 : vector<16xi1>, vector<16xi32>
      %swap3A_1449 = arith.constant 16 : i32
      %swap3A_1450 = arith.index_cast %swap3A_1449 : i32 to index
      %swap3A_1451 = arith.constant 0 : index
      %swap3A_1452 = tpu.vector_load %arg19[%swap3A_1450, %swap3A_1451] {strides = array<i32>} : memref<20x16xi32, #tpu.memory_space<vmem>>, vector<16xi32>,
      tpu.vector_store %arg19[%swap3A_1450, %swap3A_1451], %select_n3A_1448 {strides = array<i32>} : memref<20x16xi32, #tpu.memory_space<vmem>>, vector<16xi32>,
      %get3A_1453 = arith.constant 16 : i32
      %get3A_1454 = arith.index_cast %get3A_1453 : i32 to index
      %get3A_1455 = arith.constant 0 : index
      %get3A_1456 = tpu.vector_load %arg18[%get3A_1454, %get3A_1455] {strides = array<i32>} : memref<20x16xf32, #tpu.memory_space<vmem>>, vector<16xf32>,
      %gather3A_1457 = tpu.vector_load_idx %arg18[%broadcast_in_dim3A_1439, %shift_right_logical3A_1016] : memref<20x16xf32, #tpu.memory_space<vmem>>[vector<16xi32>, vector<16xi32>], vector<16xf32>,
      %select_n3A_1458 = arith.select %lt3A_1440, %gather3A_1457, %get3A_1456 : vector<16xi1>, vector<16xf32>
      %select_n3A_1459 = arith.select %eq3A_1441, %sub3A, %select_n3A_1458 : vector<16xi1>, vector<16xf32>
      %swap3A_1460 = arith.constant 16 : i32
      %swap3A_1461 = arith.index_cast %swap3A_1460 : i32 to index
      %swap3A_1462 = arith.constant 0 : index
      %swap3A_1463 = tpu.vector_load %arg20[%swap3A_1461, %swap3A_1462] {strides = array<i32>} : memref<20x16xf32, #tpu.memory_space<vmem>>, vector<16xf32>,
      tpu.vector_store %arg20[%swap3A_1461, %swap3A_1462], %select_n3A_1459 {strides = array<i32>} : memref<20x16xf32, #tpu.memory_space<vmem>>, vector<16xf32>,
      %broadcast_in_dim3A_1464 = arith.constant 17 : i32
      %broadcast_in_dim3A_1465 = vector.broadcast %broadcast_in_dim3A_1464 : i32 to vector<16xi32>
      %lt3A_1466 = arith.cmpi slt, %broadcast_in_dim3A_1465, %get3A_1022 : vector<16xi32>
      %eq3A_1467 = arith.cmpi eq, %broadcast_in_dim3A_1465, %get3A_1022 : vector<16xi32>
      %get3A_1468 = arith.constant 17 : i32
      %get3A_1469 = arith.index_cast %get3A_1468 : i32 to index
      %get3A_1470 = arith.constant 0 : index
      %get3A_1471 = tpu.vector_load %arg17[%get3A_1469, %get3A_1470] {strides = array<i32>} : memref<20x16xi32, #tpu.memory_space<vmem>>, vector<16xi32>,
      %gather3A_1472 = tpu.vector_load_idx %arg17[%broadcast_in_dim3A_1465, %shift_right_logical3A_1016] : memref<20x16xi32, #tpu.memory_space<vmem>>[vector<16xi32>, vector<16xi32>], vector<16xi32>,
      %select_n3A_1473 = arith.select %lt3A_1466, %gather3A_1472, %get3A_1471 : vector<16xi1>, vector<16xi32>
      %select_n3A_1474 = arith.select %eq3A_1467, %and3A_1019, %select_n3A_1473 : vector<16xi1>, vector<16xi32>
      %swap3A_1475 = arith.constant 17 : i32
      %swap3A_1476 = arith.index_cast %swap3A_1475 : i32 to index
      %swap3A_1477 = arith.constant 0 : index
      %swap3A_1478 = tpu.vector_load %arg19[%swap3A_1476, %swap3A_1477] {strides = array<i32>} : memref<20x16xi32, #tpu.memory_space<vmem>>, vector<16xi32>,
      tpu.vector_store %arg19[%swap3A_1476, %swap3A_1477], %select_n3A_1474 {strides = array<i32>} : memref<20x16xi32, #tpu.memory_space<vmem>>, vector<16xi32>,
      %get3A_1479 = arith.constant 17 : i32
      %get3A_1480 = arith.index_cast %get3A_1479 : i32 to index
      %get3A_1481 = arith.constant 0 : index
      %get3A_1482 = tpu.vector_load %arg18[%get3A_1480, %get3A_1481] {strides = array<i32>} : memref<20x16xf32, #tpu.memory_space<vmem>>, vector<16xf32>,
      %gather3A_1483 = tpu.vector_load_idx %arg18[%broadcast_in_dim3A_1465, %shift_right_logical3A_1016] : memref<20x16xf32, #tpu.memory_space<vmem>>[vector<16xi32>, vector<16xi32>], vector<16xf32>,
      %select_n3A_1484 = arith.select %lt3A_1466, %gather3A_1483, %get3A_1482 : vector<16xi1>, vector<16xf32>
      %select_n3A_1485 = arith.select %eq3A_1467, %sub3A, %select_n3A_1484 : vector<16xi1>, vector<16xf32>
      %swap3A_1486 = arith.constant 17 : i32
      %swap3A_1487 = arith.index_cast %swap3A_1486 : i32 to index
      %swap3A_1488 = arith.constant 0 : index
      %swap3A_1489 = tpu.vector_load %arg20[%swap3A_1487, %swap3A_1488] {strides = array<i32>} : memref<20x16xf32, #tpu.memory_space<vmem>>, vector<16xf32>,
      tpu.vector_store %arg20[%swap3A_1487, %swap3A_1488], %select_n3A_1485 {strides = array<i32>} : memref<20x16xf32, #tpu.memory_space<vmem>>, vector<16xf32>,
      %broadcast_in_dim3A_1490 = arith.constant 18 : i32
      %broadcast_in_dim3A_1491 = vector.broadcast %broadcast_in_dim3A_1490 : i32 to vector<16xi32>
      %lt3A_1492 = arith.cmpi slt, %broadcast_in_dim3A_1491, %get3A_1022 : vector<16xi32>
      %eq3A_1493 = arith.cmpi eq, %broadcast_in_dim3A_1491, %get3A_1022 : vector<16xi32>
      %get3A_1494 = arith.constant 18 : i32
      %get3A_1495 = arith.index_cast %get3A_1494 : i32 to index
      %get3A_1496 = arith.constant 0 : index
      %get3A_1497 = tpu.vector_load %arg17[%get3A_1495, %get3A_1496] {strides = array<i32>} : memref<20x16xi32, #tpu.memory_space<vmem>>, vector<16xi32>,
      %gather3A_1498 = tpu.vector_load_idx %arg17[%broadcast_in_dim3A_1491, %shift_right_logical3A_1016] : memref<20x16xi32, #tpu.memory_space<vmem>>[vector<16xi32>, vector<16xi32>], vector<16xi32>,
      %select_n3A_1499 = arith.select %lt3A_1492, %gather3A_1498, %get3A_1497 : vector<16xi1>, vector<16xi32>
      %select_n3A_1500 = arith.select %eq3A_1493, %and3A_1019, %select_n3A_1499 : vector<16xi1>, vector<16xi32>
      %swap3A_1501 = arith.constant 18 : i32
      %swap3A_1502 = arith.index_cast %swap3A_1501 : i32 to index
      %swap3A_1503 = arith.constant 0 : index
      %swap3A_1504 = tpu.vector_load %arg19[%swap3A_1502, %swap3A_1503] {strides = array<i32>} : memref<20x16xi32, #tpu.memory_space<vmem>>, vector<16xi32>,
      tpu.vector_store %arg19[%swap3A_1502, %swap3A_1503], %select_n3A_1500 {strides = array<i32>} : memref<20x16xi32, #tpu.memory_space<vmem>>, vector<16xi32>,
      %get3A_1505 = arith.constant 18 : i32
      %get3A_1506 = arith.index_cast %get3A_1505 : i32 to index
      %get3A_1507 = arith.constant 0 : index
      %get3A_1508 = tpu.vector_load %arg18[%get3A_1506, %get3A_1507] {strides = array<i32>} : memref<20x16xf32, #tpu.memory_space<vmem>>, vector<16xf32>,
      %gather3A_1509 = tpu.vector_load_idx %arg18[%broadcast_in_dim3A_1491, %shift_right_logical3A_1016] : memref<20x16xf32, #tpu.memory_space<vmem>>[vector<16xi32>, vector<16xi32>], vector<16xf32>,
      %select_n3A_1510 = arith.select %lt3A_1492, %gather3A_1509, %get3A_1508 : vector<16xi1>, vector<16xf32>
      %select_n3A_1511 = arith.select %eq3A_1493, %sub3A, %select_n3A_1510 : vector<16xi1>, vector<16xf32>
      %swap3A_1512 = arith.constant 18 : i32
      %swap3A_1513 = arith.index_cast %swap3A_1512 : i32 to index
      %swap3A_1514 = arith.constant 0 : index
      %swap3A_1515 = tpu.vector_load %arg20[%swap3A_1513, %swap3A_1514] {strides = array<i32>} : memref<20x16xf32, #tpu.memory_space<vmem>>, vector<16xf32>,
      tpu.vector_store %arg20[%swap3A_1513, %swap3A_1514], %select_n3A_1511 {strides = array<i32>} : memref<20x16xf32, #tpu.memory_space<vmem>>, vector<16xf32>,
      %broadcast_in_dim3A_1516 = arith.constant 19 : i32
      %broadcast_in_dim3A_1517 = vector.broadcast %broadcast_in_dim3A_1516 : i32 to vector<16xi32>
      %lt3A_1518 = arith.cmpi slt, %broadcast_in_dim3A_1517, %get3A_1022 : vector<16xi32>
      %eq3A_1519 = arith.cmpi eq, %broadcast_in_dim3A_1517, %get3A_1022 : vector<16xi32>
      %get3A_1520 = arith.constant 19 : i32
      %get3A_1521 = arith.index_cast %get3A_1520 : i32 to index
      %get3A_1522 = arith.constant 0 : index
      %get3A_1523 = tpu.vector_load %arg17[%get3A_1521, %get3A_1522] {strides = array<i32>} : memref<20x16xi32, #tpu.memory_space<vmem>>, vector<16xi32>,
      %gather3A_1524 = tpu.vector_load_idx %arg17[%broadcast_in_dim3A_1517, %shift_right_logical3A_1016] : memref<20x16xi32, #tpu.memory_space<vmem>>[vector<16xi32>, vector<16xi32>], vector<16xi32>,
      %select_n3A_1525 = arith.select %lt3A_1518, %gather3A_1524, %get3A_1523 : vector<16xi1>, vector<16xi32>
      %select_n3A_1526 = arith.select %eq3A_1519, %and3A_1019, %select_n3A_1525 : vector<16xi1>, vector<16xi32>
      %swap3A_1527 = arith.constant 19 : i32
      %swap3A_1528 = arith.index_cast %swap3A_1527 : i32 to index
      %swap3A_1529 = arith.constant 0 : index
      %swap3A_1530 = tpu.vector_load %arg19[%swap3A_1528, %swap3A_1529] {strides = array<i32>} : memref<20x16xi32, #tpu.memory_space<vmem>>, vector<16xi32>,
      tpu.vector_store %arg19[%swap3A_1528, %swap3A_1529], %select_n3A_1526 {strides = array<i32>} : memref<20x16xi32, #tpu.memory_space<vmem>>, vector<16xi32>,
      %get3A_1531 = arith.constant 19 : i32
      %get3A_1532 = arith.index_cast %get3A_1531 : i32 to index
      %get3A_1533 = arith.constant 0 : index
      %get3A_1534 = tpu.vector_load %arg18[%get3A_1532, %get3A_1533] {strides = array<i32>} : memref<20x16xf32, #tpu.memory_space<vmem>>, vector<16xf32>,
      %gather3A_1535 = tpu.vector_load_idx %arg18[%broadcast_in_dim3A_1517, %shift_right_logical3A_1016] : memref<20x16xf32, #tpu.memory_space<vmem>>[vector<16xi32>, vector<16xi32>], vector<16xf32>,
      %select_n3A_1536 = arith.select %lt3A_1518, %gather3A_1535, %get3A_1534 : vector<16xi1>, vector<16xf32>
      %select_n3A_1537 = arith.select %eq3A_1519, %sub3A, %select_n3A_1536 : vector<16xi1>, vector<16xf32>
      %swap3A_1538 = arith.constant 19 : i32
      %swap3A_1539 = arith.index_cast %swap3A_1538 : i32 to index
      %swap3A_1540 = arith.constant 0 : index
      %swap3A_1541 = tpu.vector_load %arg20[%swap3A_1539, %swap3A_1540] {strides = array<i32>} : memref<20x16xf32, #tpu.memory_space<vmem>>, vector<16xf32>,
      tpu.vector_store %arg20[%swap3A_1539, %swap3A_1540], %select_n3A_1537 {strides = array<i32>} : memref<20x16xf32, #tpu.memory_space<vmem>>, vector<16xf32>,
      "tpu.region"() ({
        %run_scoped3A = tpu.sem_alloc : memref<!tpu.dma_semaphore, #tpu.memory_space<semaphore_mem>>
        tpu.enqueue_dma source(%arg19 : memref<20x16xi32, #tpu.memory_space<vmem>>) target(%arg9 : memref<20x16xi32, #tpu.memory_space<hbm>>) target_semaphore(%run_scoped3A : memref<!tpu.dma_semaphore, #tpu.memory_space<semaphore_mem>>)
        tpu.wait_dma2 semaphore(%run_scoped3A : memref<!tpu.dma_semaphore, #tpu.memory_space<semaphore_mem>>) src(%arg19 : memref<20x16xi32, #tpu.memory_space<vmem>>) dst(%arg9 : memref<20x16xi32, #tpu.memory_space<hbm>>)
        tpu.yield
      }) : () -> ()
      "tpu.region"() ({
        %run_scoped3A = tpu.sem_alloc : memref<!tpu.dma_semaphore, #tpu.memory_space<semaphore_mem>>
        tpu.enqueue_dma source(%arg20 : memref<20x16xf32, #tpu.memory_space<vmem>>) target(%arg10 : memref<20x16xf32, #tpu.memory_space<hbm>>) target_semaphore(%run_scoped3A : memref<!tpu.dma_semaphore, #tpu.memory_space<semaphore_mem>>)
        tpu.wait_dma2 semaphore(%run_scoped3A : memref<!tpu.dma_semaphore, #tpu.memory_space<semaphore_mem>>) src(%arg20 : memref<20x16xf32, #tpu.memory_space<vmem>>) dst(%arg10 : memref<20x16xf32, #tpu.memory_space<hbm>>)
        tpu.yield
      }) : () -> ()
      %swap3A_1542 = arith.constant 0 : index
      %swap3A_1543 = tpu.vector_load %arg22[%swap3A_1542] {strides = array<i32>} : memref<32xi32, #tpu.memory_space<vmem>>, vector<16xi32>,
      tpu.vector_store %arg22[%swap3A_1542], %shift_right_logical3A_1016 {strides = array<i32>} : memref<32xi32, #tpu.memory_space<vmem>>, vector<16xi32>,
      %add3A = arith.constant 16 : i32
      %add3A_1544 = vector.broadcast %add3A : i32 to vector<16xi32>
      %add3A_1545 = arith.addi %shift_right_logical3A_1016, %add3A_1544 : vector<16xi32>
      %swap3A_1546 = arith.constant 16 : index
      %swap3A_1547 = tpu.vector_load %arg22[%swap3A_1546] {strides = array<i32>} : memref<32xi32, #tpu.memory_space<vmem>>, vector<16xi32>,
      tpu.vector_store %arg22[%swap3A_1546], %add3A_1545 {strides = array<i32>} : memref<32xi32, #tpu.memory_space<vmem>>, vector<16xi32>,
      %dma_start3A = arith.constant 0 : i32
      %dma_start3A_1548 = arith.constant 0 : i32
      %dma_start3A_1549 = tpu.memref_slice %arg8[%dma_start3A, %dma_start3A_1548] : memref<32x1024xf32, #tpu.memory_space<hbm>> -> memref<32x1024xf32, #tpu.memory_space<hbm>>
      tpu.enqueue_indirect_dma source(%dma_start3A_1549 : memref<32x1024xf32, #tpu.memory_space<hbm>>) target(%arg23 : memref<32x1024xf32, #tpu.memory_space<vmem>>) offsets(%arg22 : memref<32xi32, #tpu.memory_space<vmem>>) semaphore(%arg24 : memref<!tpu.dma_semaphore, #tpu.memory_space<semaphore_mem>>)
      %dma_wait3A = arith.constant 0 : i32
      %dma_wait3A_1550 = arith.constant 0 : i32
      %dma_wait3A_1551 = tpu.memref_slice %arg8[%dma_wait3A, %dma_wait3A_1550] : memref<32x1024xf32, #tpu.memory_space<hbm>> -> memref<32x1024xf32, #tpu.memory_space<hbm>>
      tpu.wait_indirect_dma semaphore(%arg24 : memref<!tpu.dma_semaphore, #tpu.memory_space<semaphore_mem>>) src(%dma_wait3A_1551 : memref<32x1024xf32, #tpu.memory_space<hbm>>) dst(%arg23 : memref<32x1024xf32, #tpu.memory_space<vmem>>)
      "tpu.region"() ({
        %run_scoped3A = tpu.sem_alloc : memref<!tpu.dma_semaphore, #tpu.memory_space<semaphore_mem>>
        tpu.enqueue_dma source(%arg23 : memref<32x1024xf32, #tpu.memory_space<vmem>>) target(%arg12 : memref<32x1024xf32, #tpu.memory_space<hbm>>) target_semaphore(%run_scoped3A : memref<!tpu.dma_semaphore, #tpu.memory_space<semaphore_mem>>)
        tpu.wait_dma2 semaphore(%run_scoped3A : memref<!tpu.dma_semaphore, #tpu.memory_space<semaphore_mem>>) src(%arg23 : memref<32x1024xf32, #tpu.memory_space<vmem>>) dst(%arg12 : memref<32x1024xf32, #tpu.memory_space<hbm>>)
        tpu.yield
      }) : () -> ()
    } else {
    }
    return
  }
}

</mosaic_0001>

<sc_bundles>
// kernel: kernel.4.cloned.1.call-start
scs
__scs_entry_jumppad:
0x0: {  	(pc) =	sbr.rel $0x88, $3  }
0x1: {  	(tag) =	ssettag $0x0;
	lr =	simm.s32 $0x1  }
0x2: {  	[smem:$0x3F9B] =	sst lr;
	_ =	strace $0xD0000000  }
0x3: {  	_ = 	snop  }
0x4: {  	_ = 	snop  }
0x5: {  	_ = 	snop  }
0x6: {  	_ = 	snop  }
0x7: {  	_ = 	snop  }
__scs_overlays_trampoline_lowered:
0x8: {  	[smem:$0x3FAA] =	sst s0  }
0x9: {  	[smem:$0x3FAB] =	sst s1  }
0xa: {  	[smem:$0x3FAC] =	sst s2  }
0xb: {  	[smem:$0x3FAD] =	sst s3  }
0xc: {  	[smem:$0x3FAE] =	sst s4  }
0xd: {  	[smem:$0x3FAF] =	sst s5  }
0xe: {  	[smem:$0x3FB0] =	sst s6  }
0xf: {  	[smem:$0x3FB1] =	sst s7  }
0x10: {  	[smem:$0x3FB2] =	sst s8  }
0x11: {  	[smem:$0x3FB3] =	sst s9;
	s0 =	simm.s32 @!p0 $0x0  }
0x12: {  	s1 =	sld [smem:$0x3F99];
	s0 =	simm.s32 @p0 $0x1  }
0x13: {  	[smem:$0x3FB4] =	sst s0;
	s0 =	simm.s32 @!p1 $0x0  }
0x14: {  	s2 =	sld [smem:$0x3F98];
	s0 =	simm.s32 @p1 $0x1  }
0x15: {  	[smem:$0x3FB5] =	sst s0;
	s0 =	simm.s32 @!p2 $0x0  }
0x16: {  	s3 =	sld [smem:$0x3FDB];
	s0 =	simm.s32 @p2 $0x1  }
0x17: {  	s4 =	simm.s32 $0x1BF5;
	[smem:$0x3FB7] =	sst s0  }
0x18: {  	s0 =	sld [smem:$0x3F9A];
	_ =	swait.ge [sflag:s4], $0x0  }
0x19: {  	s7 =	sld [smem:$0x3F9B]  }
0x1a: {  	s8 =	sadd.s32 $0xFFFFE003, lr  }
0x1b: {  	s9 =	sadd.s32 $0xFFFFFEF7, lr;
	s5 =	simm.s32 $0xFFFFFFFF;
	p2 =	slt.u32 s8, $0xFFFFF086  }
0x1c: {  	p1 =	slt.u32 s9, $0xF7A;
	s5 =	simm.s32 @!p2 $0x0  }
0x1d: {  	s5 =	simm.s32 @p1 $0x1;
	p0 =	seq.s32 s7, s2  }
0x1e: {  	s7 =	smul.u32 @!p0 $0xF7A, s2;
	p2 =	seq.s32 @!p0 s5, $0x0  }
0x1f: {  	s9 =	smul.u32 $0xF7A, s1;
	s8 =	simm.s32 @!p0 $0x1BF5;
	p2 =	por !p2, p0  }
0x20: {  	[sflag:s8] =	ssyncset.s32 @!p0 $0xFFFFF086;
	s6 =	sadd.s32 @!p0 s3, s7;
	s7 =	simm.s32 @!p0 $0x108  }
0x21: {  	s3 =	sadd.s32 s3, s9;
	s6 =	sadd.s32 @!p0 $0x88, s6;
	s7 =	simm.s32 @p2 $0x1082  }
0x22: {  	[simem:s7], [sflag:s8] =	dma.local @!p0 [hbm:s6], $0xF7A  }
0x23: {  	s9 =	sor.u32 $0xD0000000, s2;
	s6 =	simm.s32 $0x108;
	_ =	swait.ge @!p0 [sflag:s8], $0x0  }
0x24: {  	s3 =	sadd.s32 $0x88, s3;
	s6 =	simm.s32 @!p1 $0x1082;
	[sflag:s4] =	ssyncset.s32 $0xFFFFF086  }
0x25: {  	[simem:s6], [sflag:s4] =	dma.local [hbm:s3], $0xF7A  }
0x26: {  	[smem:$0x3F9B] =	sst s1;
	(tag) =	ssettag s2;
	_ =	strace s9  }
0x27: {  	s1 =	sld [smem:$0x3FAB]  }
0x28: {  	s2 =	sld [smem:$0x3FAC]  }
0x29: {  	s4 =	sld [smem:$0x3FAE]  }
0x2a: {  	p0 =	seq.s32 s5, $0x0;
	s5 =	sld [smem:$0x3FAF]  }
0x2b: {  	s6 =	sld [smem:$0x3FB0]  }
0x2c: {  	s7 =	sld [smem:$0x3FB1]  }
0x2d: {  	s3 =	simm.s32 $0x108;
	s8 =	sld [smem:$0x3FB2]  }
0x2e: {  	s3 =	simm.s32 @!p0 $0x1082;
	s9 =	sld [smem:$0x3FB3]  }
0x2f: {  	lr =	sadd.s32 s0, s3;
	s0 =	sld [smem:$0x3FAA]  }
0x30: {  	s3 =	sld [smem:$0x3FAD]  }
0x31: {  	[smem:$0x3FB6] =	sst s10  }
0x32: {  	s10 =	sld [smem:$0x3FB4];
	_ =	sdelay $0x3  }
0x33: {  	p0 =	seq.s32 s10, $0x1;
	s10 =	sld [smem:$0x3FB6];
	_ =	sdelay $0x3  }
0x34: {  	[smem:$0x3FB6] =	sst s10  }
0x35: {  	s10 =	sld [smem:$0x3FB5];
	_ =	sdelay $0x3  }
0x36: {  	p1 =	seq.s32 s10, $0x1;
	s10 =	sld [smem:$0x3FB6];
	_ =	sdelay $0x3  }
0x37: {  	[smem:$0x3FB6] =	sst s10  }
0x38: {  	s10 =	sld [smem:$0x3FB7]  }
0x39: {  	_ = 	snop;
	(pc) =	sbr.ind lr, $3  }
0x3a: {  	_ = 	snop  }
0x3b: {  	_ = 	snop  }
0x3c: {  	p2 =	seq.s32 s10, $0x1;
	s10 =	sld [smem:$0x3FB6]  }
0x3d: {  	_ =	shalt  }
0x3e: {  	_ =	shalt  }
0x3f: {  	_ =	shalt  }
0x40: {  	_ =	shalt  }
0x41: {  	_ =	shalt  }
0x42: {  	_ =	shalt  }
0x43: {  	_ =	shalt  }
0x44: {  	_ =	shalt  }
0x45: {  	_ =	shalt  }
0x46: {  	_ =	shalt  }
0x47: {  	_ =	shalt  }
0x48: {  	_ =	shalt  }
0x49: {  	_ =	shalt  }
0x4a: {  	_ =	shalt  }
0x4b: {  	_ =	shalt  }
0x4c: {  	_ =	shalt  }
0x4d: {  	_ =	shalt  }
0x4e: {  	_ =	shalt  }
0x4f: {  	_ =	shalt  }
0x50: {  	_ =	shalt  }
0x51: {  	_ =	shalt  }
0x52: {  	_ =	shalt  }
0x53: {  	_ =	shalt  }
0x54: {  	_ =	shalt  }
0x55: {  	_ =	shalt  }
0x56: {  	_ =	shalt  }
0x57: {  	_ =	shalt  }
0x58: {  	_ =	shalt  }
0x59: {  	_ =	shalt  }
0x5a: {  	_ =	shalt  }
0x5b: {  	_ =	shalt  }
0x5c: {  	_ =	shalt  }
0x5d: {  	_ =	shalt  }
0x5e: {  	_ =	shalt  }
0x5f: {  	_ =	shalt  }
0x60: {  	_ =	shalt  }
0x61: {  	_ =	shalt  }
0x62: {  	_ =	shalt  }
0x63: {  	_ =	shalt  }
0x64: {  	_ =	shalt  }
0x65: {  	_ =	shalt  }
0x66: {  	_ =	shalt  }
0x67: {  	_ =	shalt  }
0x68: {  	_ =	shalt  }
0x69: {  	_ =	shalt  }
0x6a: {  	_ =	shalt  }
0x6b: {  	_ =	shalt  }
0x6c: {  	_ =	shalt  }
0x6d: {  	_ =	shalt  }
0x6e: {  	_ =	shalt  }
0x6f: {  	_ =	shalt  }
0x70: {  	_ =	shalt  }
0x71: {  	_ =	shalt  }
0x72: {  	_ =	shalt  }
0x73: {  	_ =	shalt  }
0x74: {  	_ =	shalt  }
0x75: {  	_ =	shalt  }
0x76: {  	_ =	shalt  }
0x77: {  	_ =	shalt  }
0x78: {  	_ =	shalt  }
0x79: {  	_ =	shalt  }
0x7a: {  	_ =	shalt  }
0x7b: {  	_ =	shalt  }
0x7c: {  	_ =	shalt  }
0x7d: {  	_ =	shalt  }
0x7e: {  	_ =	shalt  }
0x7f: {  	_ =	shalt  }
0x80: {  	_ =	shalt  }
0x81: {  	_ =	shalt  }
0x82: {  	_ =	shalt  }
0x83: {  	_ =	shalt  }
0x84: {  	_ =	shalt  }
0x85: {  	_ =	shalt  }
0x86: {  	_ =	shalt  }
0x87: {  	_ =	shalt  }
.Lfunc_end0:
.L_simem_size_0:
called_computation.1_lowered:
.L_overlay_start_0:
0x88: {  	s2 =	sld [smem:$0x3FD9]  }
0x89: {  	s3 =	sld [smem:$0x3FFE];
	_ =	sdelay $0x1  }
0x8a: {  	s1 =	srdreg.scid  }
0x8b: {  	s0 =	sand.u32 $0x1, s1  }
0x8c: {  	s16 =	sshll.u32 s0, $0xA;
	s2 =	sadd.s32 s3, s2  }
0x8d: {  	s2 =	sadd.s32 s2, s16  }
0x8e: {  	[smem:$0x3FC2] =	sst s2  }
0x8f: {  	_ = 	snop  }
0x90: {  	(tm) =	ssettm $0x1  }
0x91: {  	s17 =	sld [smem:$0x3FFB];
	_ =	sdelay $0x3  }
0x92: {  	_ =	strace s17  }
0x93: {  	s2 =	sld [smem:$0x3FFC];
	_ =	sdelay $0x3  }
0x94: {  	_ =	strace s2  }
0x95: {  	s2 =	sld [smem:$0x3FFD];
	_ =	sdelay $0x3  }
0x96: {  	_ =	strace s2  }
0x97: {  	_ =	strace $0x8FFFFFFF  }
0x98: {  	s18 =	sld [smem:$0x3FDB];
	_ =	sdelay $0x1  }
0x99: {  	s19 =	simm.s32 $_scs_section_size  }
0x9a: {  	s4 =	simm.s32 $_size__tile_overlayer_lowered;
	s5 =	simm.s32 $_tile_overlayer_lowered  }
0x9b: {  	s22 =	simm.s32 $0x1BFF;
	s21 =	sshll.u32 s5, $0x1;
	s2 =	sadd.s32 s19, s18  }
0x9c: {  	s6 =	simm.s32 $0x0;
	s20 =	sshll.u32 s4, $0x1;
	s4 =	sadd.s32 s21, s2  }
0x9d: {  	[timem:s6], [sflag:s22] =	dma.local [hbm:s4], s20  }
0x9e: {  	_ =	swait.ge [sflag:s22], s20  }
0x9f: {  	s3 =	ssub.s32 $0x0, s20;
	[sflag:s22] =	ssyncset.done $0x0  }
0xa0: {  	[sflag:s22] =	ssyncadd.s32 s3;
	_ =	sdelay $0x1  }
0xa1: {  	s23 =	simm.s32 $0x1B8B  }
0xa2: {  	_ =	swait.ge [sflag:s23], $0x1  }
0xa3: {  	[sflag:s23] =	ssyncset.done $0x0  }
0xa4: {  	s25 =	simm.s32 $0x1B8E;
	s24 =	sld [smem:$0x3FFE];
	[sflag:s23] =	ssyncadd.s32 $0xFFFFFFFF  }
0xa5: {  	s26 =	simm.s32 $execute0_lowered;
	[smem:$0x3FD2] =	sst s25  }
0xa6: {  	s4 =	sshll.u32 s26, $0x1;
	_ =	strace $0x80000049;
	[dreg:$0x1] =	wrdreg $0xFFFFFFFF  }
0xa7: {  	s28 =	simm.s32 $_size_execute0_lowered;
	s2 =	sadd.s32 s2, s4;
	[dreg:$0x0] =	wrdreg $0x0  }
0xa8: {  	s4 =	sshll.u32 s28, $0x1;
	[dreg:$0x2] =	wrdreg s2  }
0xa9: {  	[dreg:$0x3] =	wrdreg s4  }
0xaa: {  	[dreg:$0x4] =	wrdreg $0xC0  }
0xab: {  	_ =	task [dreg:s6], $0x5FFFF  }
0xac: {  	[dreg:$0x1] =	wrdreg $0xFFFFFFFF  }
0xad: {  	[dreg:$0x0] =	wrdreg $0x60  }
0xae: {  	[dreg:$0x2] =	wrdreg s24  }
0xaf: {  	[dreg:$0x3] =	wrdreg $0x9  }
0xb0: {  	_ =	task.clear_ibuf [dreg:s6], $0x4FFFF;
	_ =	strace $0x90000049  }
0xb1: {  	s29 =	simm.s32 $0x9;
	_ =	strace $0x8000004B  }
0xb2: {  	_ =	swait.ge [sflag:s29], $0x1  }
0xb3: {  	[sflag:s29] =	ssyncadd.s32 $0xFFFFFFFF  }
0xb4: {  	_ =	strace $0x9000004B  }
0xb5: {  	_ =	sfence  }
0xb6: {  	s30 =	sld [smem:$0x0];
	_ =	sdelay $0x2  }
0xb7: {  	s31 =	sshll.u32 s1, $0xD;
	s1 =	sshrl.u32 s1, $0x2  }
0xb8: {  	s3 =	sand.u32 $0x4000, s31;
	s1 =	sadd.s32 s1, s30  }
0xb9: {  	s0 =	sor.u32 s3, s0;
	s1 =	sshll.u32 s1, $0x11  }
0xba: {  	s0 =	sor.u32 s1, s0  }
0xbb: {  	s0 =	sadd.s32 $0x8F2B, s0  }
0xbc: {  	[sflag:s0] =	ssyncadd.remote.s32 $0x1  }
0xbd: {  	_ =	sfence.sel $0xFFFF  }
0xbe: {  	[dreg:$0x0] =	wrdreg $0xFFFFFFFF;
	(pc) =	sbr.abs _section_cstart, $3  }
0xbf: {  	[dreg:$0x1] =	wrdreg $0xFFFFFFFF  }
0xc0: {  	_ =	task.clear_ibuf [dreg:s6], $0x2FFFF;
	_ =	strace $0x9FFFFFFF  }
0xc1: {  	(tm) =	ssettm $0x7FFFFFFF  }
tec
execute0_lowered:
.L_overlay_start_1:
0x0: {  	(tag) =	ssettag $0x1  }
0x1: {  	s4 =	rddreg [dreg:$0x0]  }
0x2: {  	s0 =	rddreg [dreg:$0x1]  }
0x3: {  	s3 =	srdreg.scid;
	s1 =	stileid.u32  }
0x4: {  	s2 =	simm.s32 $0x0;
	s11 =	simm.s32 $0x1;
	s12 =	simm.s32 $0xC800  }
0x5: {  	s13 =	simm.s32 $0x2;
	s14 =	simm.s32 $0x19000;
	s15 =	simm.s32 $0x3  }
0x6: {  	s16 =	simm.s32 $0x19080;
	s17 =	simm.s32 $0x0;
	s5 =	sand.u32 $0x1, s3  }
0x7: {  	s28 =	sshll.u32 s1, $0x1;
	[smem:$0x7FF] =	sst s2;
	s3 =	sadd.s32 $0x3DDE00, s4  }
0x8: {  	s6 =	sor.u32 s5, s28;
	s29 =	ssub.s32 $0x2, s5;
	p0 =	seq.s32 s5, $0x1  }
.Ltmp0:
0x9: {  	s5 =	simm.s32 $0x7D000;
	s7 =	sshll.u32 s6, $0x4;
	(pc) =	sbr.rel .LBB2_1-.Ltmp0, $4  }
0xa: {  	s30 =	sshrl.u32 s29, $0x1;
	s9 =	sadd.s32 s7, s4;
	s4 =	smul.u32 $0x7D000, s6  }
0xb: {  	_ =	strace $0x8000004A;
	s5 =	simm.s32 @!p0 $0x0;
	s10 =	ssub.s32 s29, s30  }
0xc: {  	s8 =	sadd.s32 $0x1800, s9;
	s9 =	sadd.s32 $0x1A00, s9;
	s31 =	sshrl.u32 s4, $0x3  }
0xd: {  	s10 =	smax.u32 s10, $0x1;
	s7 =	sadd.s32 $0x19000, s4;
	s6 =	sadd.s32 s3, s31  }
.LBB2_11:
0xe: {  	[tilespmem:$0x19000] =	vst v18  }
0xf: {  	[tilespmem:$0x19080] =	vst v17  }
0x10: {  	[hbm4b:s8+s2] =	stream.linear.scatter [tilespmem:s14], [sflag:$0x3], $0x80, $0x38;
	[tilespmem:$0x19100] =	vst v63  }
0x11: {  	s17 =	sadd.s32 $0x1, s17;
	_ =	swait.ge [sflag:s15], $0x80  }
0x12: {  	p0 =	sne.s32 s17, s10;
	[sflag:s15] =	ssyncset.done $0x0  }
.Ltmp1:
0x13: {  	[sflag:s15] =	ssyncadd.s32 $0xFFFFFF80;
	(pc) =	sbr.rel @!p0 .LBB2_12-.Ltmp1, $4  }
0x14: {  	[hbm4b:s9+s2] =	stream.linear.scatter [tilespmem:s16], [sflag:$0x3], $0x80, $0x38;
	[tilespmem:$0x19100] =	vst v63  }
0x15: {  	_ =	swait.ge [sflag:s15], $0x80  }
0x16: {  	[sflag:s15] =	ssyncset.done $0x0  }
0x17: {  	[sflag:s15] =	ssyncadd.s32 $0xFFFFFF80  }
.LBB2_1:
.Ltmp2:
0x18: {  	(pc) =	sbr.rel .LBB2_2-.Ltmp2, $3  }
0x19: {  	_ =	sdelay $0x1  }
0x1a: {  	[tilespmem:s2], [sflag:$0x1] =	stream.linear.gather [hbm4b:s6+s2], $0xC800, $0x38;
	[tilespmem:$0x19100] =	vst v63  }
0x1b: {  	v18 =	vimm.f32 $-Inf;
	v17 =	vimm.s32 $0x0;
	s18 =	simm.f32 $-Inf;
	s19 =	smov.u32 s5;
	s20 =	simm.s32 $0x0  }
.LBB2_10:
0x1c: {  	s20 =	sadd.s32 $0x1, s20  }
0x1d: {  	p0 =	sne.s32 s20, $0x5  }
.Ltmp3:
0x1e: {  	_ = 	snop;
	(pc) =	sbr.rel @!p0 .LBB2_11-.Ltmp3, $2  }
0x1f: {  	_ =	sdelay $0x2  }
0x20: {  	s19 =	sadd.s32 $0x19000, s19  }
.LBB2_2:
0x21: {  	s21 =	smul.u32 $0x19000, s20;
	_ =	sdelay $0x1  }
0x22: {  	s22 =	sadd.s32 s4, s21  }
.Ltmp4:
0x23: {  	_ =	swait.ge [sflag:s11], $0xC800;
	s22 =	sshrl.u32 s22, $0x3;
	(pc) =	sbr.rel .LBB2_3-.Ltmp4, $4  }
0x24: {  	[sflag:s11] =	ssyncset.done $0x0;
	s22 =	sadd.s32 s3, s22  }
0x25: {  	[sflag:s11] =	ssyncadd.s32 $0xFFFF3800;
	s23 =	sadd.s32 $0x1900, s22;
	s22 =	simm.s32 $0x0  }
0x26: {  	[tilespmem:s12], [sflag:$0x2] =	stream.linear.gather [hbm4b:s23+s22], $0xC800, $0x38;
	[tilespmem:$0x19100] =	vst v63  }
0x27: {  	s23 =	simm.s32 $0xC0  }
.LBB2_5:
0x28: {  	s22 =	sadd.s32 $0x190, s22  }
0x29: {  	p0 =	sne.s32 s22, $0xC800  }
.Ltmp5:
0x2a: {  	_ = 	snop;
	(pc) =	sbr.rel @!p0 .LBB2_6-.Ltmp5, $2  }
0x2b: {  	_ =	sdelay $0x2  }
0x2c: {  	s23 =	sadd.s32 $0x190, s23  }
.LBB2_3:
0x2d: {  	v26 =	vld [tilespmem:s23+$0xFFFFFF40]  }
0x2e: {  	v25 =	vld [tilespmem:s23+$0xFFFFFF50]  }
0x2f: {  	v24 =	vld [tilespmem:s23+$0xFFFFFF60]  }
0x30: {  	v23 =	vld [tilespmem:s23+$0xFFFFFF70]  }
0x31: {  	v22 =	vld [tilespmem:s23+$0xFFFFFF80]  }
0x32: {  	v21 =	vld [tilespmem:s23+$0xFFFFFF90]  }
0x33: {  	v20 =	vld [tilespmem:s23+$0xFFFFFFA0]  }
0x34: {  	v19 =	vld [tilespmem:s23+$0xFFFFFFB0]  }
0x35: {  	v15 =	vld [tilespmem:s23+$0xFFFFFFD0]  }
0x36: {  	v14 =	vld [tilespmem:s23+$0xFFFFFFE0]  }
0x37: {  	v13 =	vld [tilespmem:s23+$0xFFFFFFF0]  }
0x38: {  	v12 =	vld [tilespmem:s23+$0x0]  }
0x39: {  	v11 =	vld [tilespmem:s23+$0x10]  }
0x3a: {  	v10 =	vld [tilespmem:s23+$0x20]  }
0x3b: {  	v9 =	vld [tilespmem:s23+$0x30]  }
0x3c: {  	v7 =	vld [tilespmem:s23+$0x50]  }
0x3d: {  	v6 =	vld [tilespmem:s23+$0x60]  }
0x3e: {  	v5 =	vld [tilespmem:s23+$0x70]  }
0x3f: {  	v4 =	vld [tilespmem:s23+$0x80]  }
0x40: {  	v3 =	vld [tilespmem:s23+$0x90]  }
0x41: {  	v2 =	vld [tilespmem:s23+$0xA0]  }
0x42: {  	s24 =	sand.u32 $0xFFF0, s22;
	v1 =	vld [tilespmem:s23+$0xB0]  }
0x43: {  	v16 =	vld [tilespmem:s24+$0x80]  }
0x44: {  	v8 =	vld [tilespmem:s24+$0x100];
	_ =	sdelay $0x1  }
0x45: {  	v27 =	vmax.f32 v26, v25;
	v28 =	vmax.f32 v24, v23;
	v29 =	vmax.f32 v22, v21  }
0x46: {  	v30 =	vmax.f32 v20, v19;
	v32 =	vmax.f32 v14, v13;
	v33 =	vmax.f32 v12, v11  }
0x47: {  	v0 =	vld [tilespmem:s24+$0x180];
	v34 =	vmax.f32 v10, v9;
	v36 =	vmax.f32 v6, v5;
	v37 =	vmax.f32 v4, v3  }
0x48: {  	v38 =	vmax.f32 v2, v1;
	v31 =	vmax.f32 v16, v15;
	v35 =	vmax.f32 v8, v7  }
0x49: {  	v27 =	vmax.f32 v27, v28;
	v56 =	vmax.f32 v29, v30;
	v58 =	vmax.f32 v33, v34  }
0x4a: {  	v60 =	vmax.f32 v37, v38;
	v57 =	vmax.f32 v31, v32;
	v59 =	vmax.f32 v35, v36  }
0x4b: {  	v27 =	vmax.f32 v27, v56;
	v61 =	vmax.f32 v57, v58;
	v62 =	vmax.f32 v59, v60  }
0x4c: {  	v27 =	vmax.f32 v27, v61;
	v63 =	vmax.f32 v62, v0  }
0x4d: {  	v27 =	vmax.f32 v27, v63  }
0x4e: {  	(xrf0) =	vmax.scan.msk.f32 $0xffff, v27;
	_ =	sdelay $0x5  }
0x4f: {  	v27, _, _ =	vpop (xrf0)  }
0x50: {  	(v2sf) =	vpush v27, $0xF;
	_ =	sdelay $0xe  }
0x51: {  	s31 =	spop (v2sf)  }
0x52: {  	p0 =	sgt.f32 s31, s18  }
.Ltmp6:
0x53: {  	_ = 	snop;
	(pc) =	sbr.rel @!p0 .LBB2_5-.Ltmp6, $1  }
0x54: {  	_ =	sdelay $0x3  }
0x55: {  	(xrf0) =	vmax.scan.msk.f32 $0xffff, v26;
	_ =	sdelay $0x5  }
0x56: {  	v27, _, _ =	vpop (xrf0)  }
0x57: {  	(v2sf) =	vpush v27, $0xF;
	_ =	sdelay $0xe  }
0x58: {  	s24 =	spop (v2sf)  }
0x59: {  	p1 =	sgt.f32 s24, s18;
	_ =	sdelay $0x1  }
0x5a: {  	s24 =	sadd.s32 @p1 s22, s19;
	v27 =	vlaneseq.u32 @p1  }
0x5b: {  	v27 =	vor.u32 @p1 s24, v27  }
0x5c: {  	(xrf1) =	vsort.dscd.msk.f32 @p1 $0xffff, v26, v27;
	_ =	sdelay $0xd  }
0x5d: {  	v26, v27, _ =	vpop @p1 (xrf1)  }
0x5e: {  	vm0 =	vge.f32 @p1 v18, v26  }
0x5f: {  	v26 =	vmax.f32 @p1 v18, v26;
	v27 =	vsel @p1 vm0, v17, v27  }
0x60: {  	(xrf1) =	vsort.ascd.msk.f32 @p1 $0xffff, v26, v27;
	_ =	sdelay $0xd  }
0x61: {  	v26, v27, _ =	vpop @p1 (xrf1)  }
0x62: {  	(xrf0) =	vmin.scan.msk.f32 @p1 $0xffff, v26  }
0x63: {  	(xrf0) =	vmax.scan.msk.f32 $0xffff, v25;
	_ =	sdelay $0x4  }
0x64: {  	v28, _, _ =	vpop @p1 (xrf0)  }
0x65: {  	(v2sf) =	vpush @p1 v28, $0xF;
	v46, _, _ =	vpop (xrf0)  }
0x66: {  	(v2sf) =	vpush v46, $0xF;
	_ =	sdelay $0xd  }
0x67: {  	s24 =	spop @p1 (v2sf)  }
0x68: {  	s18 =	smov.u32 @p1 s24;
	s25 =	spop (v2sf)  }
0x69: {  	p0 =	sgt.f32 s25, s18;
	_ =	sdelay $0x1  }
0x6a: {  	s24 =	sadd.s32 @p0 s22, s19  }
0x6b: {  	v28 =	vlaneseq.u32 @p0;
	s24 =	sadd.s32 @p0 $0x10, s24  }
0x6c: {  	v28 =	vor.u32 @p0 s24, v28  }
0x6d: {  	(xrf1) =	vsort.dscd.msk.f32 @p0 $0xffff, v25, v28;
	_ =	sdelay $0xd  }
0x6e: {  	v18 =	vpsel p1, v26, v18;
	v25, v26, _ =	vpop @p0 (xrf1)  }
0x6f: {  	v17 =	vpsel p1, v27, v17;
	vm0 =	vge.f32 @p0 v18, v25  }
0x70: {  	v25 =	vmax.f32 @p0 v18, v25;
	v26 =	vsel @p0 vm0, v17, v26  }
0x71: {  	(xrf1) =	vsort.ascd.msk.f32 @p0 $0xffff, v25, v26;
	_ =	sdelay $0xd  }
0x72: {  	v25, v26, _ =	vpop @p0 (xrf1)  }
0x73: {  	(xrf0) =	vmin.scan.msk.f32 @p0 $0xffff, v25  }
0x74: {  	(xrf0) =	vmax.scan.msk.f32 $0xffff, v24;
	_ =	sdelay $0x4  }
0x75: {  	v27, _, _ =	vpop @p0 (xrf0)  }
0x76: {  	(v2sf) =	vpush @p0 v27, $0xF;
	v47, _, _ =	vpop (xrf0)  }
0x77: {  	(v2sf) =	vpush v47, $0xF;
	_ =	sdelay $0xd  }
0x78: {  	s24 =	spop @p0 (v2sf)  }
0x79: {  	s18 =	smov.u32 @p0 s24;
	s26 =	spop (v2sf)  }
0x7a: {  	p1 =	sgt.f32 s26, s18;
	_ =	sdelay $0x1  }
0x7b: {  	s24 =	sadd.s32 @p1 s22, s19  }
0x7c: {  	v27 =	vlaneseq.u32 @p1;
	s24 =	sadd.s32 @p1 $0x20, s24  }
0x7d: {  	v27 =	vor.u32 @p1 s24, v27  }
0x7e: {  	(xrf1) =	vsort.dscd.msk.f32 @p1 $0xffff, v24, v27;
	_ =	sdelay $0xd  }
0x7f: {  	v18 =	vpsel p0, v25, v18;
	v24, v25, _ =	vpop @p1 (xrf1)  }
0x80: {  	v17 =	vpsel p0, v26, v17;
	vm0 =	vge.f32 @p1 v18, v24  }
0x81: {  	v24 =	vmax.f32 @p1 v18, v24;
	v25 =	vsel @p1 vm0, v17, v25  }
0x82: {  	(xrf1) =	vsort.ascd.msk.f32 @p1 $0xffff, v24, v25;
	_ =	sdelay $0xd  }
0x83: {  	v24, v25, _ =	vpop @p1 (xrf1)  }
0x84: {  	(xrf0) =	vmin.scan.msk.f32 @p1 $0xffff, v24  }
0x85: {  	(xrf0) =	vmax.scan.msk.f32 $0xffff, v23;
	_ =	sdelay $0x4  }
0x86: {  	v26, _, _ =	vpop @p1 (xrf0)  }
0x87: {  	(v2sf) =	vpush @p1 v26, $0xF;
	v48, _, _ =	vpop (xrf0)  }
0x88: {  	(v2sf) =	vpush v48, $0xF;
	_ =	sdelay $0xd  }
0x89: {  	s24 =	spop @p1 (v2sf)  }
0x8a: {  	s18 =	smov.u32 @p1 s24;
	s28 =	spop (v2sf)  }
0x8b: {  	p0 =	sgt.f32 s28, s18;
	_ =	sdelay $0x1  }
0x8c: {  	s24 =	sadd.s32 @p0 s22, s19  }
0x8d: {  	v26 =	vlaneseq.u32 @p0;
	s24 =	sadd.s32 @p0 $0x30, s24  }
0x8e: {  	v26 =	vor.u32 @p0 s24, v26  }
0x8f: {  	(xrf1) =	vsort.dscd.msk.f32 @p0 $0xffff, v23, v26;
	_ =	sdelay $0xd  }
0x90: {  	v18 =	vpsel p1, v24, v18;
	v23, v24, _ =	vpop @p0 (xrf1)  }
0x91: {  	v17 =	vpsel p1, v25, v17;
	vm0 =	vge.f32 @p0 v18, v23  }
0x92: {  	v23 =	vmax.f32 @p0 v18, v23;
	v24 =	vsel @p0 vm0, v17, v24  }
0x93: {  	(xrf1) =	vsort.ascd.msk.f32 @p0 $0xffff, v23, v24;
	_ =	sdelay $0xd  }
0x94: {  	v23, v24, _ =	vpop @p0 (xrf1)  }
0x95: {  	(xrf0) =	vmin.scan.msk.f32 @p0 $0xffff, v23  }
0x96: {  	(xrf0) =	vmax.scan.msk.f32 $0xffff, v22;
	_ =	sdelay $0x4  }
0x97: {  	v25, _, _ =	vpop @p0 (xrf0)  }
0x98: {  	(v2sf) =	vpush @p0 v25, $0xF;
	v49, _, _ =	vpop (xrf0)  }
0x99: {  	(v2sf) =	vpush v49, $0xF;
	_ =	sdelay $0xd  }
0x9a: {  	s24 =	spop @p0 (v2sf)  }
0x9b: {  	s18 =	smov.u32 @p0 s24;
	s29 =	spop (v2sf)  }
0x9c: {  	p1 =	sgt.f32 s29, s18;
	_ =	sdelay $0x1  }
0x9d: {  	s24 =	sadd.s32 @p1 s22, s19  }
0x9e: {  	v25 =	vlaneseq.u32 @p1;
	s24 =	sadd.s32 @p1 $0x40, s24  }
0x9f: {  	v25 =	vor.u32 @p1 s24, v25  }
0xa0: {  	(xrf1) =	vsort.dscd.msk.f32 @p1 $0xffff, v22, v25;
	_ =	sdelay $0xd  }
0xa1: {  	v18 =	vpsel p0, v23, v18;
	v22, v23, _ =	vpop @p1 (xrf1)  }
0xa2: {  	v17 =	vpsel p0, v24, v17;
	vm0 =	vge.f32 @p1 v18, v22  }
0xa3: {  	v22 =	vmax.f32 @p1 v18, v22;
	v23 =	vsel @p1 vm0, v17, v23  }
0xa4: {  	(xrf1) =	vsort.ascd.msk.f32 @p1 $0xffff, v22, v23;
	_ =	sdelay $0xd  }
0xa5: {  	v22, v23, _ =	vpop @p1 (xrf1)  }
0xa6: {  	(xrf0) =	vmin.scan.msk.f32 @p1 $0xffff, v22  }
0xa7: {  	(xrf0) =	vmax.scan.msk.f32 $0xffff, v21;
	_ =	sdelay $0x4  }
0xa8: {  	v24, _, _ =	vpop @p1 (xrf0)  }
0xa9: {  	(v2sf) =	vpush @p1 v24, $0xF;
	v50, _, _ =	vpop (xrf0)  }
0xaa: {  	(v2sf) =	vpush v50, $0xF;
	_ =	sdelay $0xd  }
0xab: {  	s24 =	spop @p1 (v2sf)  }
0xac: {  	s18 =	smov.u32 @p1 s24;
	s30 =	spop (v2sf)  }
0xad: {  	p0 =	sgt.f32 s30, s18;
	_ =	sdelay $0x1  }
0xae: {  	s24 =	sadd.s32 @p0 s22, s19  }
0xaf: {  	v24 =	vlaneseq.u32 @p0;
	s24 =	sadd.s32 @p0 $0x50, s24  }
0xb0: {  	v24 =	vor.u32 @p0 s24, v24  }
0xb1: {  	(xrf1) =	vsort.dscd.msk.f32 @p0 $0xffff, v21, v24;
	_ =	sdelay $0xd  }
0xb2: {  	v18 =	vpsel p1, v22, v18;
	v21, v22, _ =	vpop @p0 (xrf1)  }
0xb3: {  	v17 =	vpsel p1, v23, v17;
	vm0 =	vge.f32 @p0 v18, v21  }
0xb4: {  	v21 =	vmax.f32 @p0 v18, v21;
	v22 =	vsel @p0 vm0, v17, v22  }
0xb5: {  	(xrf1) =	vsort.ascd.msk.f32 @p0 $0xffff, v21, v22;
	_ =	sdelay $0xd  }
0xb6: {  	v21, v22, _ =	vpop @p0 (xrf1)  }
0xb7: {  	(xrf0) =	vmin.scan.msk.f32 @p0 $0xffff, v21  }
0xb8: {  	(xrf0) =	vmax.scan.msk.f32 $0xffff, v20;
	_ =	sdelay $0x4  }
0xb9: {  	v23, _, _ =	vpop @p0 (xrf0)  }
0xba: {  	(v2sf) =	vpush @p0 v23, $0xF;
	v51, _, _ =	vpop (xrf0)  }
0xbb: {  	(v2sf) =	vpush v51, $0xF;
	_ =	sdelay $0xd  }
0xbc: {  	s24 =	spop @p0 (v2sf)  }
0xbd: {  	s18 =	smov.u32 @p0 s24;
	s31 =	spop (v2sf)  }
0xbe: {  	p1 =	sgt.f32 s31, s18;
	_ =	sdelay $0x1  }
0xbf: {  	s24 =	sadd.s32 @p1 s22, s19  }
0xc0: {  	v23 =	vlaneseq.u32 @p1;
	s24 =	sadd.s32 @p1 $0x60, s24  }
0xc1: {  	v23 =	vor.u32 @p1 s24, v23  }
0xc2: {  	(xrf1) =	vsort.dscd.msk.f32 @p1 $0xffff, v20, v23;
	_ =	sdelay $0xd  }
0xc3: {  	v18 =	vpsel p0, v21, v18;
	v20, v21, _ =	vpop @p1 (xrf1)  }
0xc4: {  	v17 =	vpsel p0, v22, v17;
	vm0 =	vge.f32 @p1 v18, v20  }
0xc5: {  	v20 =	vmax.f32 @p1 v18, v20;
	v21 =	vsel @p1 vm0, v17, v21  }
0xc6: {  	(xrf1) =	vsort.ascd.msk.f32 @p1 $0xffff, v20, v21;
	_ =	sdelay $0xd  }
0xc7: {  	v20, v21, _ =	vpop @p1 (xrf1)  }
0xc8: {  	(xrf0) =	vmin.scan.msk.f32 @p1 $0xffff, v20  }
0xc9: {  	(xrf0) =	vmax.scan.msk.f32 $0xffff, v19;
	_ =	sdelay $0x4  }
0xca: {  	v22, _, _ =	vpop @p1 (xrf0)  }
0xcb: {  	(v2sf) =	vpush @p1 v22, $0xF;
	v52, _, _ =	vpop (xrf0)  }
0xcc: {  	(v2sf) =	vpush v52, $0xF;
	_ =	sdelay $0xd  }
0xcd: {  	s24 =	spop @p1 (v2sf)  }
0xce: {  	s18 =	smov.u32 @p1 s24;
	s25 =	spop (v2sf)  }
0xcf: {  	p0 =	sgt.f32 s25, s18;
	_ =	sdelay $0x1  }
0xd0: {  	s24 =	sadd.s32 @p0 s22, s19  }
0xd1: {  	v22 =	vlaneseq.u32 @p0;
	s24 =	sadd.s32 @p0 $0x70, s24  }
0xd2: {  	v22 =	vor.u32 @p0 s24, v22  }
0xd3: {  	(xrf1) =	vsort.dscd.msk.f32 @p0 $0xffff, v19, v22;
	_ =	sdelay $0xd  }
0xd4: {  	v18 =	vpsel p1, v20, v18;
	v19, v20, _ =	vpop @p0 (xrf1)  }
0xd5: {  	v17 =	vpsel p1, v21, v17;
	vm0 =	vge.f32 @p0 v18, v19  }
0xd6: {  	v19 =	vmax.f32 @p0 v18, v19;
	v20 =	vsel @p0 vm0, v17, v20  }
0xd7: {  	(xrf1) =	vsort.ascd.msk.f32 @p0 $0xffff, v19, v20;
	_ =	sdelay $0xd  }
0xd8: {  	v19, v20, _ =	vpop @p0 (xrf1)  }
0xd9: {  	(xrf0) =	vmin.scan.msk.f32 @p0 $0xffff, v19  }
0xda: {  	(xrf0) =	vmax.scan.msk.f32 $0xffff, v16;
	_ =	sdelay $0x4  }
0xdb: {  	v21, _, _ =	vpop @p0 (xrf0)  }
0xdc: {  	(v2sf) =	vpush @p0 v21, $0xF;
	v53, _, _ =	vpop (xrf0)  }
0xdd: {  	(v2sf) =	vpush v53, $0xF;
	_ =	sdelay $0xd  }
0xde: {  	s24 =	spop @p0 (v2sf)  }
0xdf: {  	s18 =	smov.u32 @p0 s24;
	s26 =	spop (v2sf)  }
0xe0: {  	p1 =	sgt.f32 s26, s18;
	_ =	sdelay $0x1  }
0xe1: {  	s24 =	sadd.s32 @p1 s22, s19  }
0xe2: {  	v21 =	vlaneseq.u32 @p1;
	s24 =	sadd.s32 @p1 $0x80, s24  }
0xe3: {  	v21 =	vor.u32 @p1 s24, v21  }
0xe4: {  	(xrf1) =	vsort.dscd.msk.f32 @p1 $0xffff, v16, v21;
	_ =	sdelay $0xd  }
0xe5: {  	v16 =	vpsel p0, v19, v18;
	v18, v19, _ =	vpop @p1 (xrf1)  }
0xe6: {  	v17 =	vpsel p0, v20, v17;
	vm0 =	vge.f32 @p1 v16, v18  }
0xe7: {  	v18 =	vmax.f32 @p1 v16, v18;
	v19 =	vsel @p1 vm0, v17, v19  }
0xe8: {  	(xrf1) =	vsort.ascd.msk.f32 @p1 $0xffff, v18, v19;
	_ =	sdelay $0xd  }
0xe9: {  	v18, v19, _ =	vpop @p1 (xrf1)  }
0xea: {  	(xrf0) =	vmin.scan.msk.f32 @p1 $0xffff, v18  }
0xeb: {  	(xrf0) =	vmax.scan.msk.f32 $0xffff, v15;
	_ =	sdelay $0x4  }
0xec: {  	v20, _, _ =	vpop @p1 (xrf0)  }
0xed: {  	(v2sf) =	vpush @p1 v20, $0xF;
	v20, _, _ =	vpop (xrf0)  }
0xee: {  	(v2sf) =	vpush v20, $0xF;
	_ =	sdelay $0xd  }
0xef: {  	s24 =	spop @p1 (v2sf)  }
0xf0: {  	s18 =	smov.u32 @p1 s24;
	s28 =	spop (v2sf)  }
0xf1: {  	p0 =	sgt.f32 s28, s18;
	_ =	sdelay $0x1  }
0xf2: {  	s24 =	sadd.s32 @p0 s22, s19  }
0xf3: {  	v20 =	vlaneseq.u32 @p0;
	s24 =	sadd.s32 @p0 $0x90, s24  }
0xf4: {  	v20 =	vor.u32 @p0 s24, v20  }
0xf5: {  	(xrf1) =	vsort.dscd.msk.f32 @p0 $0xffff, v15, v20;
	_ =	sdelay $0xd  }
0xf6: {  	v15 =	vpsel p1, v18, v16;
	v16, v18, _ =	vpop @p0 (xrf1)  }
0xf7: {  	v17 =	vpsel p1, v19, v17;
	vm0 =	vge.f32 @p0 v15, v16  }
0xf8: {  	v16 =	vmax.f32 @p0 v15, v16;
	v18 =	vsel @p0 vm0, v17, v18  }
0xf9: {  	(xrf1) =	vsort.ascd.msk.f32 @p0 $0xffff, v16, v18;
	_ =	sdelay $0xd  }
0xfa: {  	v16, v18, _ =	vpop @p0 (xrf1)  }
0xfb: {  	(xrf0) =	vmin.scan.msk.f32 @p0 $0xffff, v16  }
0xfc: {  	(xrf0) =	vmax.scan.msk.f32 $0xffff, v14;
	_ =	sdelay $0x4  }
0xfd: {  	v19, _, _ =	vpop @p0 (xrf0)  }
0xfe: {  	(v2sf) =	vpush @p0 v19, $0xF;
	v19, _, _ =	vpop (xrf0)  }
0xff: {  	(v2sf) =	vpush v19, $0xF;
	_ =	sdelay $0xd  }
0x100: {  	s24 =	spop @p0 (v2sf)  }
0x101: {  	s18 =	smov.u32 @p0 s24;
	s29 =	spop (v2sf)  }
0x102: {  	p1 =	sgt.f32 s29, s18;
	_ =	sdelay $0x1  }
0x103: {  	s24 =	sadd.s32 @p1 s22, s19  }
0x104: {  	v19 =	vlaneseq.u32 @p1;
	s24 =	sadd.s32 @p1 $0xA0, s24  }
0x105: {  	v19 =	vor.u32 @p1 s24, v19  }
0x106: {  	(xrf1) =	vsort.dscd.msk.f32 @p1 $0xffff, v14, v19;
	_ =	sdelay $0xd  }
0x107: {  	v14 =	vpsel p0, v16, v15;
	v15, v16, _ =	vpop @p1 (xrf1)  }
0x108: {  	v17 =	vpsel p0, v18, v17;
	vm0 =	vge.f32 @p1 v14, v15  }
0x109: {  	v15 =	vmax.f32 @p1 v14, v15;
	v16 =	vsel @p1 vm0, v17, v16  }
0x10a: {  	(xrf1) =	vsort.ascd.msk.f32 @p1 $0xffff, v15, v16;
	_ =	sdelay $0xd  }
0x10b: {  	v15, v16, _ =	vpop @p1 (xrf1)  }
0x10c: {  	(xrf0) =	vmin.scan.msk.f32 @p1 $0xffff, v15  }
0x10d: {  	(xrf0) =	vmax.scan.msk.f32 $0xffff, v13;
	_ =	sdelay $0x4  }
0x10e: {  	v18, _, _ =	vpop @p1 (xrf0)  }
0x10f: {  	(v2sf) =	vpush @p1 v18, $0xF;
	v18, _, _ =	vpop (xrf0)  }
0x110: {  	(v2sf) =	vpush v18, $0xF;
	_ =	sdelay $0xd  }
0x111: {  	s24 =	spop @p1 (v2sf)  }
0x112: {  	s18 =	smov.u32 @p1 s24;
	s30 =	spop (v2sf)  }
0x113: {  	p0 =	sgt.f32 s30, s18;
	_ =	sdelay $0x1  }
0x114: {  	s24 =	sadd.s32 @p0 s22, s19  }
0x115: {  	v18 =	vlaneseq.u32 @p0;
	s24 =	sadd.s32 @p0 $0xB0, s24  }
0x116: {  	v18 =	vor.u32 @p0 s24, v18  }
0x117: {  	(xrf1) =	vsort.dscd.msk.f32 @p0 $0xffff, v13, v18;
	_ =	sdelay $0xd  }
0x118: {  	v13 =	vpsel p1, v15, v14;
	v14, v15, _ =	vpop @p0 (xrf1)  }
0x119: {  	v16 =	vpsel p1, v16, v17;
	vm0 =	vge.f32 @p0 v13, v14  }
0x11a: {  	v14 =	vmax.f32 @p0 v13, v14;
	v15 =	vsel @p0 vm0, v16, v15  }
0x11b: {  	(xrf1) =	vsort.ascd.msk.f32 @p0 $0xffff, v14, v15;
	_ =	sdelay $0xd  }
0x11c: {  	v14, v15, _ =	vpop @p0 (xrf1)  }
0x11d: {  	(xrf0) =	vmin.scan.msk.f32 @p0 $0xffff, v14  }
0x11e: {  	(xrf0) =	vmax.scan.msk.f32 $0xffff, v12;
	_ =	sdelay $0x4  }
0x11f: {  	v17, _, _ =	vpop @p0 (xrf0)  }
0x120: {  	(v2sf) =	vpush @p0 v17, $0xF;
	v17, _, _ =	vpop (xrf0)  }
0x121: {  	(v2sf) =	vpush v17, $0xF;
	_ =	sdelay $0xd  }
0x122: {  	s24 =	spop @p0 (v2sf)  }
0x123: {  	s18 =	smov.u32 @p0 s24;
	s31 =	spop (v2sf)  }
0x124: {  	p1 =	sgt.f32 s31, s18;
	_ =	sdelay $0x1  }
0x125: {  	s24 =	sadd.s32 @p1 s22, s19  }
0x126: {  	v17 =	vlaneseq.u32 @p1;
	s24 =	sadd.s32 @p1 $0xC0, s24  }
0x127: {  	v17 =	vor.u32 @p1 s24, v17  }
0x128: {  	(xrf1) =	vsort.dscd.msk.f32 @p1 $0xffff, v12, v17;
	_ =	sdelay $0xd  }
0x129: {  	v12 =	vpsel p0, v14, v13;
	v13, v14, _ =	vpop @p1 (xrf1)  }
0x12a: {  	v15 =	vpsel p0, v15, v16;
	vm0 =	vge.f32 @p1 v12, v13  }
0x12b: {  	v13 =	vmax.f32 @p1 v12, v13;
	v14 =	vsel @p1 vm0, v15, v14  }
0x12c: {  	(xrf1) =	vsort.ascd.msk.f32 @p1 $0xffff, v13, v14;
	_ =	sdelay $0xd  }
0x12d: {  	v13, v14, _ =	vpop @p1 (xrf1)  }
0x12e: {  	(xrf0) =	vmin.scan.msk.f32 @p1 $0xffff, v13  }
0x12f: {  	(xrf0) =	vmax.scan.msk.f32 $0xffff, v11;
	_ =	sdelay $0x4  }
0x130: {  	v16, _, _ =	vpop @p1 (xrf0)  }
0x131: {  	(v2sf) =	vpush @p1 v16, $0xF;
	v16, _, _ =	vpop (xrf0)  }
0x132: {  	(v2sf) =	vpush v16, $0xF;
	_ =	sdelay $0xd  }
0x133: {  	s24 =	spop @p1 (v2sf)  }
0x134: {  	s18 =	smov.u32 @p1 s24;
	s25 =	spop (v2sf)  }
0x135: {  	p0 =	sgt.f32 s25, s18;
	_ =	sdelay $0x1  }
0x136: {  	s24 =	sadd.s32 @p0 s22, s19  }
0x137: {  	v16 =	vlaneseq.u32 @p0;
	s24 =	sadd.s32 @p0 $0xD0, s24  }
0x138: {  	v16 =	vor.u32 @p0 s24, v16  }
0x139: {  	(xrf1) =	vsort.dscd.msk.f32 @p0 $0xffff, v11, v16;
	_ =	sdelay $0xd  }
0x13a: {  	v11 =	vpsel p1, v13, v12;
	v12, v13, _ =	vpop @p0 (xrf1)  }
0x13b: {  	v14 =	vpsel p1, v14, v15;
	vm0 =	vge.f32 @p0 v11, v12  }
0x13c: {  	v12 =	vmax.f32 @p0 v11, v12;
	v13 =	vsel @p0 vm0, v14, v13  }
0x13d: {  	(xrf1) =	vsort.ascd.msk.f32 @p0 $0xffff, v12, v13;
	_ =	sdelay $0xd  }
0x13e: {  	v12, v13, _ =	vpop @p0 (xrf1)  }
0x13f: {  	(xrf0) =	vmin.scan.msk.f32 @p0 $0xffff, v12  }
0x140: {  	(xrf0) =	vmax.scan.msk.f32 $0xffff, v10;
	_ =	sdelay $0x4  }
0x141: {  	v15, _, _ =	vpop @p0 (xrf0)  }
0x142: {  	(v2sf) =	vpush @p0 v15, $0xF;
	v15, _, _ =	vpop (xrf0)  }
0x143: {  	(v2sf) =	vpush v15, $0xF;
	_ =	sdelay $0xd  }
0x144: {  	s24 =	spop @p0 (v2sf)  }
0x145: {  	s18 =	smov.u32 @p0 s24;
	s26 =	spop (v2sf)  }
0x146: {  	p1 =	sgt.f32 s26, s18;
	_ =	sdelay $0x1  }
0x147: {  	s24 =	sadd.s32 @p1 s22, s19  }
0x148: {  	v15 =	vlaneseq.u32 @p1;
	s24 =	sadd.s32 @p1 $0xE0, s24  }
0x149: {  	v15 =	vor.u32 @p1 s24, v15  }
0x14a: {  	(xrf1) =	vsort.dscd.msk.f32 @p1 $0xffff, v10, v15;
	_ =	sdelay $0xd  }
0x14b: {  	v10 =	vpsel p0, v12, v11;
	v11, v12, _ =	vpop @p1 (xrf1)  }
0x14c: {  	v13 =	vpsel p0, v13, v14;
	vm0 =	vge.f32 @p1 v10, v11  }
0x14d: {  	v11 =	vmax.f32 @p1 v10, v11;
	v12 =	vsel @p1 vm0, v13, v12  }
0x14e: {  	(xrf1) =	vsort.ascd.msk.f32 @p1 $0xffff, v11, v12;
	_ =	sdelay $0xd  }
0x14f: {  	v11, v12, _ =	vpop @p1 (xrf1)  }
0x150: {  	(xrf0) =	vmin.scan.msk.f32 @p1 $0xffff, v11  }
0x151: {  	(xrf0) =	vmax.scan.msk.f32 $0xffff, v9;
	_ =	sdelay $0x4  }
0x152: {  	v14, _, _ =	vpop @p1 (xrf0)  }
0x153: {  	(v2sf) =	vpush @p1 v14, $0xF;
	v54, _, _ =	vpop (xrf0)  }
0x154: {  	(v2sf) =	vpush v54, $0xF;
	_ =	sdelay $0xd  }
0x155: {  	s24 =	spop @p1 (v2sf)  }
0x156: {  	s18 =	smov.u32 @p1 s24;
	s28 =	spop (v2sf)  }
0x157: {  	p0 =	sgt.f32 s28, s18;
	_ =	sdelay $0x1  }
0x158: {  	s24 =	sadd.s32 @p0 s22, s19  }
0x159: {  	v14 =	vlaneseq.u32 @p0;
	s24 =	sadd.s32 @p0 $0xF0, s24  }
0x15a: {  	v14 =	vor.u32 @p0 s24, v14  }
0x15b: {  	(xrf1) =	vsort.dscd.msk.f32 @p0 $0xffff, v9, v14;
	_ =	sdelay $0xd  }
0x15c: {  	v9 =	vpsel p1, v11, v10;
	v10, v11, _ =	vpop @p0 (xrf1)  }
0x15d: {  	v12 =	vpsel p1, v12, v13;
	vm0 =	vge.f32 @p0 v9, v10  }
0x15e: {  	v10 =	vmax.f32 @p0 v9, v10;
	v11 =	vsel @p0 vm0, v12, v11  }
0x15f: {  	(xrf1) =	vsort.ascd.msk.f32 @p0 $0xffff, v10, v11;
	_ =	sdelay $0xd  }
0x160: {  	v10, v11, _ =	vpop @p0 (xrf1)  }
0x161: {  	(xrf0) =	vmin.scan.msk.f32 @p0 $0xffff, v10  }
0x162: {  	(xrf0) =	vmax.scan.msk.f32 $0xffff, v8;
	_ =	sdelay $0x4  }
0x163: {  	v13, _, _ =	vpop @p0 (xrf0)  }
0x164: {  	(v2sf) =	vpush @p0 v13, $0xF;
	v55, _, _ =	vpop (xrf0)  }
0x165: {  	(v2sf) =	vpush v55, $0xF;
	_ =	sdelay $0xd  }
0x166: {  	s24 =	spop @p0 (v2sf)  }
0x167: {  	s18 =	smov.u32 @p0 s24;
	s29 =	spop (v2sf)  }
0x168: {  	p1 =	sgt.f32 s29, s18;
	_ =	sdelay $0x1  }
0x169: {  	s24 =	sadd.s32 @p1 s22, s19  }
0x16a: {  	v13 =	vlaneseq.u32 @p1;
	s24 =	sadd.s32 @p1 $0x100, s24  }
0x16b: {  	v13 =	vor.u32 @p1 s24, v13  }
0x16c: {  	(xrf1) =	vsort.dscd.msk.f32 @p1 $0xffff, v8, v13;
	_ =	sdelay $0xd  }
0x16d: {  	v8 =	vpsel p0, v10, v9;
	v9, v10, _ =	vpop @p1 (xrf1)  }
0x16e: {  	v11 =	vpsel p0, v11, v12;
	vm0 =	vge.f32 @p1 v8, v9  }
0x16f: {  	v9 =	vmax.f32 @p1 v8, v9;
	v10 =	vsel @p1 vm0, v11, v10  }
0x170: {  	(xrf1) =	vsort.ascd.msk.f32 @p1 $0xffff, v9, v10;
	_ =	sdelay $0xd  }
0x171: {  	v9, v10, _ =	vpop @p1 (xrf1)  }
0x172: {  	(xrf0) =	vmin.scan.msk.f32 @p1 $0xffff, v9  }
0x173: {  	(xrf0) =	vmax.scan.msk.f32 $0xffff, v7;
	_ =	sdelay $0x4  }
0x174: {  	v12, _, _ =	vpop @p1 (xrf0)  }
0x175: {  	(v2sf) =	vpush @p1 v12, $0xF;
	v56, _, _ =	vpop (xrf0)  }
0x176: {  	(v2sf) =	vpush v56, $0xF;
	_ =	sdelay $0xd  }
0x177: {  	s24 =	spop @p1 (v2sf)  }
0x178: {  	s18 =	smov.u32 @p1 s24;
	s30 =	spop (v2sf)  }
0x179: {  	p0 =	sgt.f32 s30, s18;
	_ =	sdelay $0x1  }
0x17a: {  	s24 =	sadd.s32 @p0 s22, s19  }
0x17b: {  	v12 =	vlaneseq.u32 @p0;
	s24 =	sadd.s32 @p0 $0x110, s24  }
0x17c: {  	v12 =	vor.u32 @p0 s24, v12  }
0x17d: {  	(xrf1) =	vsort.dscd.msk.f32 @p0 $0xffff, v7, v12;
	_ =	sdelay $0xd  }
0x17e: {  	v7 =	vpsel p1, v9, v8;
	v8, v9, _ =	vpop @p0 (xrf1)  }
0x17f: {  	v10 =	vpsel p1, v10, v11;
	vm0 =	vge.f32 @p0 v7, v8  }
0x180: {  	v8 =	vmax.f32 @p0 v7, v8;
	v9 =	vsel @p0 vm0, v10, v9  }
0x181: {  	(xrf1) =	vsort.ascd.msk.f32 @p0 $0xffff, v8, v9;
	_ =	sdelay $0xd  }
0x182: {  	v8, v9, _ =	vpop @p0 (xrf1)  }
0x183: {  	(xrf0) =	vmin.scan.msk.f32 @p0 $0xffff, v8  }
0x184: {  	(xrf0) =	vmax.scan.msk.f32 $0xffff, v6;
	_ =	sdelay $0x4  }
0x185: {  	v11, _, _ =	vpop @p0 (xrf0)  }
0x186: {  	(v2sf) =	vpush @p0 v11, $0xF;
	v57, _, _ =	vpop (xrf0)  }
0x187: {  	(v2sf) =	vpush v57, $0xF;
	_ =	sdelay $0xd  }
0x188: {  	s24 =	spop @p0 (v2sf)  }
0x189: {  	s18 =	smov.u32 @p0 s24;
	s31 =	spop (v2sf)  }
0x18a: {  	p1 =	sgt.f32 s31, s18;
	_ =	sdelay $0x1  }
0x18b: {  	s24 =	sadd.s32 @p1 s22, s19  }
0x18c: {  	v11 =	vlaneseq.u32 @p1;
	s24 =	sadd.s32 @p1 $0x120, s24  }
0x18d: {  	v11 =	vor.u32 @p1 s24, v11  }
0x18e: {  	(xrf1) =	vsort.dscd.msk.f32 @p1 $0xffff, v6, v11;
	_ =	sdelay $0xd  }
0x18f: {  	v6 =	vpsel p0, v8, v7;
	v7, v8, _ =	vpop @p1 (xrf1)  }
0x190: {  	v9 =	vpsel p0, v9, v10;
	vm0 =	vge.f32 @p1 v6, v7  }
0x191: {  	v7 =	vmax.f32 @p1 v6, v7;
	v8 =	vsel @p1 vm0, v9, v8  }
0x192: {  	(xrf1) =	vsort.ascd.msk.f32 @p1 $0xffff, v7, v8;
	_ =	sdelay $0xd  }
0x193: {  	v7, v8, _ =	vpop @p1 (xrf1)  }
0x194: {  	(xrf0) =	vmin.scan.msk.f32 @p1 $0xffff, v7  }
0x195: {  	(xrf0) =	vmax.scan.msk.f32 $0xffff, v5;
	_ =	sdelay $0x4  }
0x196: {  	v10, _, _ =	vpop @p1 (xrf0)  }
0x197: {  	(v2sf) =	vpush @p1 v10, $0xF;
	v58, _, _ =	vpop (xrf0)  }
0x198: {  	(v2sf) =	vpush v58, $0xF;
	_ =	sdelay $0xd  }
0x199: {  	s24 =	spop @p1 (v2sf)  }
0x19a: {  	s18 =	smov.u32 @p1 s24;
	s25 =	spop (v2sf)  }
0x19b: {  	p0 =	sgt.f32 s25, s18;
	_ =	sdelay $0x1  }
0x19c: {  	s24 =	sadd.s32 @p0 s22, s19  }
0x19d: {  	v10 =	vlaneseq.u32 @p0;
	s24 =	sadd.s32 @p0 $0x130, s24  }
0x19e: {  	v10 =	vor.u32 @p0 s24, v10  }
0x19f: {  	(xrf1) =	vsort.dscd.msk.f32 @p0 $0xffff, v5, v10;
	_ =	sdelay $0xd  }
0x1a0: {  	v5 =	vpsel p1, v7, v6;
	v6, v7, _ =	vpop @p0 (xrf1)  }
0x1a1: {  	v8 =	vpsel p1, v8, v9;
	vm0 =	vge.f32 @p0 v5, v6  }
0x1a2: {  	v6 =	vmax.f32 @p0 v5, v6;
	v7 =	vsel @p0 vm0, v8, v7  }
0x1a3: {  	(xrf1) =	vsort.ascd.msk.f32 @p0 $0xffff, v6, v7;
	_ =	sdelay $0xd  }
0x1a4: {  	v6, v7, _ =	vpop @p0 (xrf1)  }
0x1a5: {  	(xrf0) =	vmin.scan.msk.f32 @p0 $0xffff, v6  }
0x1a6: {  	(xrf0) =	vmax.scan.msk.f32 $0xffff, v4;
	_ =	sdelay $0x4  }
0x1a7: {  	v9, _, _ =	vpop @p0 (xrf0)  }
0x1a8: {  	(v2sf) =	vpush @p0 v9, $0xF;
	v59, _, _ =	vpop (xrf0)  }
0x1a9: {  	(v2sf) =	vpush v59, $0xF;
	_ =	sdelay $0xd  }
0x1aa: {  	s24 =	spop @p0 (v2sf)  }
0x1ab: {  	s18 =	smov.u32 @p0 s24;
	s26 =	spop (v2sf)  }
0x1ac: {  	p1 =	sgt.f32 s26, s18;
	_ =	sdelay $0x1  }
0x1ad: {  	s24 =	sadd.s32 @p1 s22, s19  }
0x1ae: {  	v9 =	vlaneseq.u32 @p1;
	s24 =	sadd.s32 @p1 $0x140, s24  }
0x1af: {  	v9 =	vor.u32 @p1 s24, v9  }
0x1b0: {  	(xrf1) =	vsort.dscd.msk.f32 @p1 $0xffff, v4, v9;
	_ =	sdelay $0xd  }
0x1b1: {  	v4 =	vpsel p0, v6, v5;
	v5, v6, _ =	vpop @p1 (xrf1)  }
0x1b2: {  	v7 =	vpsel p0, v7, v8;
	vm0 =	vge.f32 @p1 v4, v5  }
0x1b3: {  	v5 =	vmax.f32 @p1 v4, v5;
	v6 =	vsel @p1 vm0, v7, v6  }
0x1b4: {  	(xrf1) =	vsort.ascd.msk.f32 @p1 $0xffff, v5, v6;
	_ =	sdelay $0xd  }
0x1b5: {  	v5, v6, _ =	vpop @p1 (xrf1)  }
0x1b6: {  	(xrf0) =	vmin.scan.msk.f32 @p1 $0xffff, v5  }
0x1b7: {  	(xrf0) =	vmax.scan.msk.f32 $0xffff, v3;
	_ =	sdelay $0x4  }
0x1b8: {  	v8, _, _ =	vpop @p1 (xrf0)  }
0x1b9: {  	(v2sf) =	vpush @p1 v8, $0xF;
	v60, _, _ =	vpop (xrf0)  }
0x1ba: {  	(v2sf) =	vpush v60, $0xF;
	_ =	sdelay $0xd  }
0x1bb: {  	s24 =	spop @p1 (v2sf)  }
0x1bc: {  	s18 =	smov.u32 @p1 s24;
	s28 =	spop (v2sf)  }
0x1bd: {  	p0 =	sgt.f32 s28, s18;
	_ =	sdelay $0x1  }
0x1be: {  	s24 =	sadd.s32 @p0 s22, s19  }
0x1bf: {  	v8 =	vlaneseq.u32 @p0;
	s24 =	sadd.s32 @p0 $0x150, s24  }
0x1c0: {  	v8 =	vor.u32 @p0 s24, v8  }
0x1c1: {  	(xrf1) =	vsort.dscd.msk.f32 @p0 $0xffff, v3, v8;
	_ =	sdelay $0xd  }
0x1c2: {  	v3 =	vpsel p1, v5, v4;
	v4, v5, _ =	vpop @p0 (xrf1)  }
0x1c3: {  	v6 =	vpsel p1, v6, v7;
	vm0 =	vge.f32 @p0 v3, v4  }
0x1c4: {  	v4 =	vmax.f32 @p0 v3, v4;
	v5 =	vsel @p0 vm0, v6, v5  }
0x1c5: {  	(xrf1) =	vsort.ascd.msk.f32 @p0 $0xffff, v4, v5;
	_ =	sdelay $0xd  }
0x1c6: {  	v4, v5, _ =	vpop @p0 (xrf1)  }
0x1c7: {  	(xrf0) =	vmin.scan.msk.f32 @p0 $0xffff, v4  }
0x1c8: {  	(xrf0) =	vmax.scan.msk.f32 $0xffff, v2;
	_ =	sdelay $0x4  }
0x1c9: {  	v7, _, _ =	vpop @p0 (xrf0)  }
0x1ca: {  	(v2sf) =	vpush @p0 v7, $0xF;
	v61, _, _ =	vpop (xrf0)  }
0x1cb: {  	(v2sf) =	vpush v61, $0xF;
	_ =	sdelay $0xd  }
0x1cc: {  	s24 =	spop @p0 (v2sf)  }
0x1cd: {  	s18 =	smov.u32 @p0 s24;
	s29 =	spop (v2sf)  }
0x1ce: {  	p1 =	sgt.f32 s29, s18;
	_ =	sdelay $0x1  }
0x1cf: {  	s24 =	sadd.s32 @p1 s22, s19  }
0x1d0: {  	v7 =	vlaneseq.u32 @p1;
	s24 =	sadd.s32 @p1 $0x160, s24  }
0x1d1: {  	v7 =	vor.u32 @p1 s24, v7  }
0x1d2: {  	(xrf1) =	vsort.dscd.msk.f32 @p1 $0xffff, v2, v7;
	_ =	sdelay $0xd  }
0x1d3: {  	v2 =	vpsel p0, v4, v3;
	v3, v4, _ =	vpop @p1 (xrf1)  }
0x1d4: {  	v5 =	vpsel p0, v5, v6;
	vm0 =	vge.f32 @p1 v2, v3  }
0x1d5: {  	v3 =	vmax.f32 @p1 v2, v3;
	v4 =	vsel @p1 vm0, v5, v4  }
0x1d6: {  	(xrf1) =	vsort.ascd.msk.f32 @p1 $0xffff, v3, v4;
	_ =	sdelay $0xd  }
0x1d7: {  	v3, v4, _ =	vpop @p1 (xrf1)  }
0x1d8: {  	(xrf0) =	vmin.scan.msk.f32 @p1 $0xffff, v3  }
0x1d9: {  	(xrf0) =	vmax.scan.msk.f32 $0xffff, v1;
	_ =	sdelay $0x4  }
0x1da: {  	v6, _, _ =	vpop @p1 (xrf0)  }
0x1db: {  	(v2sf) =	vpush @p1 v6, $0xF;
	v62, _, _ =	vpop (xrf0)  }
0x1dc: {  	(v2sf) =	vpush v62, $0xF;
	_ =	sdelay $0xd  }
0x1dd: {  	s24 =	spop @p1 (v2sf)  }
0x1de: {  	s18 =	smov.u32 @p1 s24;
	s30 =	spop (v2sf)  }
0x1df: {  	p0 =	sgt.f32 s30, s18;
	_ =	sdelay $0x1  }
0x1e0: {  	s24 =	sadd.s32 @p0 s22, s19  }
0x1e1: {  	v6 =	vlaneseq.u32 @p0;
	s24 =	sadd.s32 @p0 $0x170, s24  }
0x1e2: {  	v6 =	vor.u32 @p0 s24, v6  }
0x1e3: {  	(xrf1) =	vsort.dscd.msk.f32 @p0 $0xffff, v1, v6;
	_ =	sdelay $0xd  }
0x1e4: {  	v1 =	vpsel p1, v3, v2;
	v2, v3, _ =	vpop @p0 (xrf1)  }
0x1e5: {  	v4 =	vpsel p1, v4, v5;
	vm0 =	vge.f32 @p0 v1, v2  }
0x1e6: {  	v2 =	vmax.f32 @p0 v1, v2;
	v3 =	vsel @p0 vm0, v4, v3  }
0x1e7: {  	(xrf1) =	vsort.ascd.msk.f32 @p0 $0xffff, v2, v3;
	_ =	sdelay $0xd  }
0x1e8: {  	v2, v3, _ =	vpop @p0 (xrf1)  }
0x1e9: {  	(xrf0) =	vmin.scan.msk.f32 @p0 $0xffff, v2  }
0x1ea: {  	(xrf0) =	vmax.scan.msk.f32 $0xffff, v0;
	_ =	sdelay $0x4  }
0x1eb: {  	v5, _, _ =	vpop @p0 (xrf0)  }
0x1ec: {  	(v2sf) =	vpush @p0 v5, $0xF;
	v63, _, _ =	vpop (xrf0)  }
0x1ed: {  	(v2sf) =	vpush v63, $0xF;
	_ =	sdelay $0xd  }
0x1ee: {  	s24 =	spop @p0 (v2sf)  }
0x1ef: {  	s18 =	smov.u32 @p0 s24;
	s31 =	spop (v2sf)  }
0x1f0: {  	p1 =	sgt.f32 s31, s18;
	_ =	sdelay $0x1  }
0x1f1: {  	s24 =	sadd.s32 @p1 s22, s19  }
0x1f2: {  	v5 =	vlaneseq.u32 @p1;
	s24 =	sadd.s32 @p1 $0x180, s24  }
0x1f3: {  	v5 =	vor.u32 @p1 s24, v5  }
0x1f4: {  	(xrf1) =	vsort.dscd.msk.f32 @p1 $0xffff, v0, v5;
	_ =	sdelay $0xd  }
0x1f5: {  	v0 =	vpsel p0, v2, v1;
	v1, v2, _ =	vpop @p1 (xrf1)  }
0x1f6: {  	v3 =	vpsel p0, v3, v4;
	vm0 =	vge.f32 @p1 v0, v1  }
0x1f7: {  	v1 =	vmax.f32 @p1 v0, v1;
	v2 =	vsel @p1 vm0, v3, v2  }
0x1f8: {  	(xrf1) =	vsort.ascd.msk.f32 @p1 $0xffff, v1, v2;
	_ =	sdelay $0xd  }
0x1f9: {  	v1, v2, _ =	vpop @p1 (xrf1)  }
0x1fa: {  	(xrf0) =	vmin.scan.msk.f32 @p1 $0xffff, v1;
	_ =	sdelay $0x5  }
0x1fb: {  	v4, _, _ =	vpop @p1 (xrf0)  }
0x1fc: {  	(v2sf) =	vpush @p1 v4, $0xF;
	_ =	sdelay $0xb  }
.Ltmp7:
0x1fd: {  	_ = 	snop;
	(pc) =	sbr.rel .LBB2_5-.Ltmp7, $3  }
0x1fe: {  	_ =	sdelay $0x1  }
0x1ff: {  	s24 =	spop @p1 (v2sf)  }
0x200: {  	v18 =	vpsel p1, v1, v0;
	v17 =	vpsel p1, v2, v3;
	s18 =	smov.u32 @p1 s24  }
.LBB2_6:
0x201: {  	p0 =	seq.s32 s20, $0x4  }
.Ltmp8:
0x202: {  	_ =	swait.ge [sflag:s13], $0xC800;
	s21 =	sadd.s32 @!p0 s21, s7;
	(pc) =	sbr.rel .LBB2_7-.Ltmp8, $4  }
0x203: {  	[sflag:s13] =	ssyncset.done $0x0;
	s21 =	sshrl.u32 @!p0 s21, $0x3  }
0x204: {  	s22 =	simm.s32 @!p0 $0x0;
	[sflag:s13] =	ssyncadd.s32 $0xFFFF3800;
	s21 =	sadd.s32 @!p0 s3, s21  }
0x205: {  	[tilespmem:s22], [sflag:$0x1] =	stream.linear.gather @!p0 [hbm4b:s21+s22], $0xC800, $0x38;
	[tilespmem:$0x19100] =	vst v63  }
0x206: {  	s21 =	simm.s32 $0x0;
	s22 =	simm.s32 $0xC8C0  }
.LBB2_9:
0x207: {  	s21 =	sadd.s32 $0x190, s21  }
0x208: {  	p0 =	sne.s32 s21, $0xC800  }
.Ltmp9:
0x209: {  	_ = 	snop;
	(pc) =	sbr.rel @!p0 .LBB2_10-.Ltmp9, $2  }
0x20a: {  	_ =	sdelay $0x2  }
0x20b: {  	s22 =	sadd.s32 $0x190, s22  }
.LBB2_7:
0x20c: {  	v26 =	vld [tilespmem:s22+$0xFFFFFF40]  }
0x20d: {  	v25 =	vld [tilespmem:s22+$0xFFFFFF50]  }
0x20e: {  	v24 =	vld [tilespmem:s22+$0xFFFFFF60]  }
0x20f: {  	v23 =	vld [tilespmem:s22+$0xFFFFFF70]  }
0x210: {  	v22 =	vld [tilespmem:s22+$0xFFFFFF80]  }
0x211: {  	v21 =	vld [tilespmem:s22+$0xFFFFFF90]  }
0x212: {  	v20 =	vld [tilespmem:s22+$0xFFFFFFA0]  }
0x213: {  	v19 =	vld [tilespmem:s22+$0xFFFFFFB0]  }
0x214: {  	v15 =	vld [tilespmem:s22+$0xFFFFFFD0]  }
0x215: {  	v14 =	vld [tilespmem:s22+$0xFFFFFFE0]  }
0x216: {  	v13 =	vld [tilespmem:s22+$0xFFFFFFF0]  }
0x217: {  	v12 =	vld [tilespmem:s22+$0x0]  }
0x218: {  	v11 =	vld [tilespmem:s22+$0x10]  }
0x219: {  	v10 =	vld [tilespmem:s22+$0x20]  }
0x21a: {  	v9 =	vld [tilespmem:s22+$0x30]  }
0x21b: {  	v7 =	vld [tilespmem:s22+$0x50]  }
0x21c: {  	v6 =	vld [tilespmem:s22+$0x60]  }
0x21d: {  	v5 =	vld [tilespmem:s22+$0x70]  }
0x21e: {  	v4 =	vld [tilespmem:s22+$0x80]  }
0x21f: {  	v3 =	vld [tilespmem:s22+$0x90]  }
0x220: {  	v2 =	vld [tilespmem:s22+$0xA0]  }
0x221: {  	s23 =	sand.u32 $0xFFF0, s21;
	v1 =	vld [tilespmem:s22+$0xB0]  }
0x222: {  	v16 =	vld [tilespmem:s23+$0xC880]  }
0x223: {  	v8 =	vld [tilespmem:s23+$0xC900];
	_ =	sdelay $0x1  }
0x224: {  	v27 =	vmax.f32 v26, v25;
	v28 =	vmax.f32 v24, v23;
	v29 =	vmax.f32 v22, v21  }
0x225: {  	v30 =	vmax.f32 v20, v19;
	v32 =	vmax.f32 v14, v13;
	v33 =	vmax.f32 v12, v11  }
0x226: {  	v0 =	vld [tilespmem:s23+$0xC980];
	v34 =	vmax.f32 v10, v9;
	v36 =	vmax.f32 v6, v5;
	v37 =	vmax.f32 v4, v3  }
0x227: {  	v38 =	vmax.f32 v2, v1;
	v31 =	vmax.f32 v16, v15;
	v35 =	vmax.f32 v8, v7  }
0x228: {  	v27 =	vmax.f32 v27, v28;
	v56 =	vmax.f32 v29, v30;
	v58 =	vmax.f32 v33, v34  }
0x229: {  	v60 =	vmax.f32 v37, v38;
	v57 =	vmax.f32 v31, v32;
	v59 =	vmax.f32 v35, v36  }
0x22a: {  	v27 =	vmax.f32 v27, v56;
	v61 =	vmax.f32 v57, v58;
	v62 =	vmax.f32 v59, v60  }
0x22b: {  	v27 =	vmax.f32 v27, v61;
	v63 =	vmax.f32 v62, v0  }
0x22c: {  	v27 =	vmax.f32 v27, v63  }
0x22d: {  	(xrf0) =	vmax.scan.msk.f32 $0xffff, v27;
	_ =	sdelay $0x5  }
0x22e: {  	v27, _, _ =	vpop (xrf0)  }
0x22f: {  	(v2sf) =	vpush v27, $0xF;
	_ =	sdelay $0xe  }
0x230: {  	s31 =	spop (v2sf)  }
0x231: {  	p0 =	sgt.f32 s31, s18  }
.Ltmp10:
0x232: {  	_ = 	snop;
	(pc) =	sbr.rel @!p0 .LBB2_9-.Ltmp10, $1  }
0x233: {  	_ =	sdelay $0x3  }
0x234: {  	(xrf0) =	vmax.scan.msk.f32 $0xffff, v26;
	_ =	sdelay $0x5  }
0x235: {  	v27, _, _ =	vpop (xrf0)  }
0x236: {  	(v2sf) =	vpush v27, $0xF;
	_ =	sdelay $0xe  }
0x237: {  	s23 =	spop (v2sf)  }
0x238: {  	p1 =	sgt.f32 s23, s18;
	_ =	sdelay $0x1  }
0x239: {  	s23 =	sadd.s32 @p1 s21, s19  }
0x23a: {  	v27 =	vlaneseq.u32 @p1;
	s23 =	sadd.s32 @p1 $0xC800, s23  }
0x23b: {  	v27 =	vor.u32 @p1 s23, v27  }
0x23c: {  	(xrf1) =	vsort.dscd.msk.f32 @p1 $0xffff, v26, v27;
	_ =	sdelay $0xd  }
0x23d: {  	v26, v27, _ =	vpop @p1 (xrf1)  }
0x23e: {  	vm0 =	vge.f32 @p1 v18, v26  }
0x23f: {  	v26 =	vmax.f32 @p1 v18, v26;
	v27 =	vsel @p1 vm0, v17, v27  }
0x240: {  	(xrf1) =	vsort.ascd.msk.f32 @p1 $0xffff, v26, v27;
	_ =	sdelay $0xd  }
0x241: {  	v26, v27, _ =	vpop @p1 (xrf1)  }
0x242: {  	(xrf0) =	vmin.scan.msk.f32 @p1 $0xffff, v26  }
0x243: {  	(xrf0) =	vmax.scan.msk.f32 $0xffff, v25;
	_ =	sdelay $0x4  }
0x244: {  	v28, _, _ =	vpop @p1 (xrf0)  }
0x245: {  	(v2sf) =	vpush @p1 v28, $0xF;
	v46, _, _ =	vpop (xrf0)  }
0x246: {  	(v2sf) =	vpush v46, $0xF;
	_ =	sdelay $0xd  }
0x247: {  	s23 =	spop @p1 (v2sf)  }
0x248: {  	s18 =	smov.u32 @p1 s23;
	s29 =	spop (v2sf)  }
0x249: {  	p0 =	sgt.f32 s29, s18;
	_ =	sdelay $0x1  }
0x24a: {  	s23 =	sadd.s32 @p0 s21, s19  }
0x24b: {  	v28 =	vlaneseq.u32 @p0;
	s23 =	sadd.s32 @p0 $0xC810, s23  }
0x24c: {  	v28 =	vor.u32 @p0 s23, v28  }
0x24d: {  	(xrf1) =	vsort.dscd.msk.f32 @p0 $0xffff, v25, v28;
	_ =	sdelay $0xd  }
0x24e: {  	v18 =	vpsel p1, v26, v18;
	v25, v26, _ =	vpop @p0 (xrf1)  }
0x24f: {  	v17 =	vpsel p1, v27, v17;
	vm0 =	vge.f32 @p0 v18, v25  }
0x250: {  	v25 =	vmax.f32 @p0 v18, v25;
	v26 =	vsel @p0 vm0, v17, v26  }
0x251: {  	(xrf1) =	vsort.ascd.msk.f32 @p0 $0xffff, v25, v26;
	_ =	sdelay $0xd  }
0x252: {  	v25, v26, _ =	vpop @p0 (xrf1)  }
0x253: {  	(xrf0) =	vmin.scan.msk.f32 @p0 $0xffff, v25  }
0x254: {  	(xrf0) =	vmax.scan.msk.f32 $0xffff, v24;
	_ =	sdelay $0x4  }
0x255: {  	v27, _, _ =	vpop @p0 (xrf0)  }
0x256: {  	(v2sf) =	vpush @p0 v27, $0xF;
	v47, _, _ =	vpop (xrf0)  }
0x257: {  	(v2sf) =	vpush v47, $0xF;
	_ =	sdelay $0xd  }
0x258: {  	s23 =	spop @p0 (v2sf)  }
0x259: {  	s18 =	smov.u32 @p0 s23;
	s30 =	spop (v2sf)  }
0x25a: {  	p1 =	sgt.f32 s30, s18;
	_ =	sdelay $0x1  }
0x25b: {  	s23 =	sadd.s32 @p1 s21, s19  }
0x25c: {  	v27 =	vlaneseq.u32 @p1;
	s23 =	sadd.s32 @p1 $0xC820, s23  }
0x25d: {  	v27 =	vor.u32 @p1 s23, v27  }
0x25e: {  	(xrf1) =	vsort.dscd.msk.f32 @p1 $0xffff, v24, v27;
	_ =	sdelay $0xd  }
0x25f: {  	v18 =	vpsel p0, v25, v18;
	v24, v25, _ =	vpop @p1 (xrf1)  }
0x260: {  	v17 =	vpsel p0, v26, v17;
	vm0 =	vge.f32 @p1 v18, v24  }
0x261: {  	v24 =	vmax.f32 @p1 v18, v24;
	v25 =	vsel @p1 vm0, v17, v25  }
0x262: {  	(xrf1) =	vsort.ascd.msk.f32 @p1 $0xffff, v24, v25;
	_ =	sdelay $0xd  }
0x263: {  	v24, v25, _ =	vpop @p1 (xrf1)  }
0x264: {  	(xrf0) =	vmin.scan.msk.f32 @p1 $0xffff, v24  }
0x265: {  	(xrf0) =	vmax.scan.msk.f32 $0xffff, v23;
	_ =	sdelay $0x4  }
0x266: {  	v26, _, _ =	vpop @p1 (xrf0)  }
0x267: {  	(v2sf) =	vpush @p1 v26, $0xF;
	v48, _, _ =	vpop (xrf0)  }
0x268: {  	(v2sf) =	vpush v48, $0xF;
	_ =	sdelay $0xd  }
0x269: {  	s23 =	spop @p1 (v2sf)  }
0x26a: {  	s18 =	smov.u32 @p1 s23;
	s31 =	spop (v2sf)  }
0x26b: {  	p0 =	sgt.f32 s31, s18;
	_ =	sdelay $0x1  }
0x26c: {  	s23 =	sadd.s32 @p0 s21, s19  }
0x26d: {  	v26 =	vlaneseq.u32 @p0;
	s23 =	sadd.s32 @p0 $0xC830, s23  }
0x26e: {  	v26 =	vor.u32 @p0 s23, v26  }
0x26f: {  	(xrf1) =	vsort.dscd.msk.f32 @p0 $0xffff, v23, v26;
	_ =	sdelay $0xd  }
0x270: {  	v18 =	vpsel p1, v24, v18;
	v23, v24, _ =	vpop @p0 (xrf1)  }
0x271: {  	v17 =	vpsel p1, v25, v17;
	vm0 =	vge.f32 @p0 v18, v23  }
0x272: {  	v23 =	vmax.f32 @p0 v18, v23;
	v24 =	vsel @p0 vm0, v17, v24  }
0x273: {  	(xrf1) =	vsort.ascd.msk.f32 @p0 $0xffff, v23, v24;
	_ =	sdelay $0xd  }
0x274: {  	v23, v24, _ =	vpop @p0 (xrf1)  }
0x275: {  	(xrf0) =	vmin.scan.msk.f32 @p0 $0xffff, v23  }
0x276: {  	(xrf0) =	vmax.scan.msk.f32 $0xffff, v22;
	_ =	sdelay $0x4  }
0x277: {  	v25, _, _ =	vpop @p0 (xrf0)  }
0x278: {  	(v2sf) =	vpush @p0 v25, $0xF;
	v49, _, _ =	vpop (xrf0)  }
0x279: {  	(v2sf) =	vpush v49, $0xF;
	_ =	sdelay $0xd  }
0x27a: {  	s23 =	spop @p0 (v2sf)  }
0x27b: {  	s18 =	smov.u32 @p0 s23;
	s24 =	spop (v2sf)  }
0x27c: {  	p1 =	sgt.f32 s24, s18;
	_ =	sdelay $0x1  }
0x27d: {  	s23 =	sadd.s32 @p1 s21, s19  }
0x27e: {  	v25 =	vlaneseq.u32 @p1;
	s23 =	sadd.s32 @p1 $0xC840, s23  }
0x27f: {  	v25 =	vor.u32 @p1 s23, v25  }
0x280: {  	(xrf1) =	vsort.dscd.msk.f32 @p1 $0xffff, v22, v25;
	_ =	sdelay $0xd  }
0x281: {  	v18 =	vpsel p0, v23, v18;
	v22, v23, _ =	vpop @p1 (xrf1)  }
0x282: {  	v17 =	vpsel p0, v24, v17;
	vm0 =	vge.f32 @p1 v18, v22  }
0x283: {  	v22 =	vmax.f32 @p1 v18, v22;
	v23 =	vsel @p1 vm0, v17, v23  }
0x284: {  	(xrf1) =	vsort.ascd.msk.f32 @p1 $0xffff, v22, v23;
	_ =	sdelay $0xd  }
0x285: {  	v22, v23, _ =	vpop @p1 (xrf1)  }
0x286: {  	(xrf0) =	vmin.scan.msk.f32 @p1 $0xffff, v22  }
0x287: {  	(xrf0) =	vmax.scan.msk.f32 $0xffff, v21;
	_ =	sdelay $0x4  }
0x288: {  	v24, _, _ =	vpop @p1 (xrf0)  }
0x289: {  	(v2sf) =	vpush @p1 v24, $0xF;
	v50, _, _ =	vpop (xrf0)  }
0x28a: {  	(v2sf) =	vpush v50, $0xF;
	_ =	sdelay $0xd  }
0x28b: {  	s23 =	spop @p1 (v2sf)  }
0x28c: {  	s18 =	smov.u32 @p1 s23;
	s25 =	spop (v2sf)  }
0x28d: {  	p0 =	sgt.f32 s25, s18;
	_ =	sdelay $0x1  }
0x28e: {  	s23 =	sadd.s32 @p0 s21, s19  }
0x28f: {  	v24 =	vlaneseq.u32 @p0;
	s23 =	sadd.s32 @p0 $0xC850, s23  }
0x290: {  	v24 =	vor.u32 @p0 s23, v24  }
0x291: {  	(xrf1) =	vsort.dscd.msk.f32 @p0 $0xffff, v21, v24;
	_ =	sdelay $0xd  }
0x292: {  	v18 =	vpsel p1, v22, v18;
	v21, v22, _ =	vpop @p0 (xrf1)  }
0x293: {  	v17 =	vpsel p1, v23, v17;
	vm0 =	vge.f32 @p0 v18, v21  }
0x294: {  	v21 =	vmax.f32 @p0 v18, v21;
	v22 =	vsel @p0 vm0, v17, v22  }
0x295: {  	(xrf1) =	vsort.ascd.msk.f32 @p0 $0xffff, v21, v22;
	_ =	sdelay $0xd  }
0x296: {  	v21, v22, _ =	vpop @p0 (xrf1)  }
0x297: {  	(xrf0) =	vmin.scan.msk.f32 @p0 $0xffff, v21  }
0x298: {  	(xrf0) =	vmax.scan.msk.f32 $0xffff, v20;
	_ =	sdelay $0x4  }
0x299: {  	v23, _, _ =	vpop @p0 (xrf0)  }
0x29a: {  	(v2sf) =	vpush @p0 v23, $0xF;
	v51, _, _ =	vpop (xrf0)  }
0x29b: {  	(v2sf) =	vpush v51, $0xF;
	_ =	sdelay $0xd  }
0x29c: {  	s23 =	spop @p0 (v2sf)  }
0x29d: {  	s18 =	smov.u32 @p0 s23;
	s26 =	spop (v2sf)  }
0x29e: {  	p1 =	sgt.f32 s26, s18;
	_ =	sdelay $0x1  }
0x29f: {  	s23 =	sadd.s32 @p1 s21, s19  }
0x2a0: {  	v23 =	vlaneseq.u32 @p1;
	s23 =	sadd.s32 @p1 $0xC860, s23  }
0x2a1: {  	v23 =	vor.u32 @p1 s23, v23  }
0x2a2: {  	(xrf1) =	vsort.dscd.msk.f32 @p1 $0xffff, v20, v23;
	_ =	sdelay $0xd  }
0x2a3: {  	v18 =	vpsel p0, v21, v18;
	v20, v21, _ =	vpop @p1 (xrf1)  }
0x2a4: {  	v17 =	vpsel p0, v22, v17;
	vm0 =	vge.f32 @p1 v18, v20  }
0x2a5: {  	v20 =	vmax.f32 @p1 v18, v20;
	v21 =	vsel @p1 vm0, v17, v21  }
0x2a6: {  	(xrf1) =	vsort.ascd.msk.f32 @p1 $0xffff, v20, v21;
	_ =	sdelay $0xd  }
0x2a7: {  	v20, v21, _ =	vpop @p1 (xrf1)  }
0x2a8: {  	(xrf0) =	vmin.scan.msk.f32 @p1 $0xffff, v20  }
0x2a9: {  	(xrf0) =	vmax.scan.msk.f32 $0xffff, v19;
	_ =	sdelay $0x4  }
0x2aa: {  	v22, _, _ =	vpop @p1 (xrf0)  }
0x2ab: {  	(v2sf) =	vpush @p1 v22, $0xF;
	v52, _, _ =	vpop (xrf0)  }
0x2ac: {  	(v2sf) =	vpush v52, $0xF;
	_ =	sdelay $0xd  }
0x2ad: {  	s23 =	spop @p1 (v2sf)  }
0x2ae: {  	s18 =	smov.u32 @p1 s23;
	s28 =	spop (v2sf)  }
0x2af: {  	p0 =	sgt.f32 s28, s18;
	_ =	sdelay $0x1  }
0x2b0: {  	s23 =	sadd.s32 @p0 s21, s19  }
0x2b1: {  	v22 =	vlaneseq.u32 @p0;
	s23 =	sadd.s32 @p0 $0xC870, s23  }
0x2b2: {  	v22 =	vor.u32 @p0 s23, v22  }
0x2b3: {  	(xrf1) =	vsort.dscd.msk.f32 @p0 $0xffff, v19, v22;
	_ =	sdelay $0xd  }
0x2b4: {  	v18 =	vpsel p1, v20, v18;
	v19, v20, _ =	vpop @p0 (xrf1)  }
0x2b5: {  	v17 =	vpsel p1, v21, v17;
	vm0 =	vge.f32 @p0 v18, v19  }
0x2b6: {  	v19 =	vmax.f32 @p0 v18, v19;
	v20 =	vsel @p0 vm0, v17, v20  }
0x2b7: {  	(xrf1) =	vsort.ascd.msk.f32 @p0 $0xffff, v19, v20;
	_ =	sdelay $0xd  }
0x2b8: {  	v19, v20, _ =	vpop @p0 (xrf1)  }
0x2b9: {  	(xrf0) =	vmin.scan.msk.f32 @p0 $0xffff, v19  }
0x2ba: {  	(xrf0) =	vmax.scan.msk.f32 $0xffff, v16;
	_ =	sdelay $0x4  }
0x2bb: {  	v21, _, _ =	vpop @p0 (xrf0)  }
0x2bc: {  	(v2sf) =	vpush @p0 v21, $0xF;
	v53, _, _ =	vpop (xrf0)  }
0x2bd: {  	(v2sf) =	vpush v53, $0xF;
	_ =	sdelay $0xd  }
0x2be: {  	s23 =	spop @p0 (v2sf)  }
0x2bf: {  	s18 =	smov.u32 @p0 s23;
	s29 =	spop (v2sf)  }
0x2c0: {  	p1 =	sgt.f32 s29, s18;
	_ =	sdelay $0x1  }
0x2c1: {  	s23 =	sadd.s32 @p1 s21, s19  }
0x2c2: {  	v21 =	vlaneseq.u32 @p1;
	s23 =	sadd.s32 @p1 $0xC880, s23  }
0x2c3: {  	v21 =	vor.u32 @p1 s23, v21  }
0x2c4: {  	(xrf1) =	vsort.dscd.msk.f32 @p1 $0xffff, v16, v21;
	_ =	sdelay $0xd  }
0x2c5: {  	v16 =	vpsel p0, v19, v18;
	v18, v19, _ =	vpop @p1 (xrf1)  }
0x2c6: {  	v17 =	vpsel p0, v20, v17;
	vm0 =	vge.f32 @p1 v16, v18  }
0x2c7: {  	v18 =	vmax.f32 @p1 v16, v18;
	v19 =	vsel @p1 vm0, v17, v19  }
0x2c8: {  	(xrf1) =	vsort.ascd.msk.f32 @p1 $0xffff, v18, v19;
	_ =	sdelay $0xd  }
0x2c9: {  	v18, v19, _ =	vpop @p1 (xrf1)  }
0x2ca: {  	(xrf0) =	vmin.scan.msk.f32 @p1 $0xffff, v18  }
0x2cb: {  	(xrf0) =	vmax.scan.msk.f32 $0xffff, v15;
	_ =	sdelay $0x4  }
0x2cc: {  	v20, _, _ =	vpop @p1 (xrf0)  }
0x2cd: {  	(v2sf) =	vpush @p1 v20, $0xF;
	v20, _, _ =	vpop (xrf0)  }
0x2ce: {  	(v2sf) =	vpush v20, $0xF;
	_ =	sdelay $0xd  }
0x2cf: {  	s23 =	spop @p1 (v2sf)  }
0x2d0: {  	s18 =	smov.u32 @p1 s23;
	s30 =	spop (v2sf)  }
0x2d1: {  	p0 =	sgt.f32 s30, s18;
	_ =	sdelay $0x1  }
0x2d2: {  	s23 =	sadd.s32 @p0 s21, s19  }
0x2d3: {  	v20 =	vlaneseq.u32 @p0;
	s23 =	sadd.s32 @p0 $0xC890, s23  }
0x2d4: {  	v20 =	vor.u32 @p0 s23, v20  }
0x2d5: {  	(xrf1) =	vsort.dscd.msk.f32 @p0 $0xffff, v15, v20;
	_ =	sdelay $0xd  }
0x2d6: {  	v15 =	vpsel p1, v18, v16;
	v16, v18, _ =	vpop @p0 (xrf1)  }
0x2d7: {  	v17 =	vpsel p1, v19, v17;
	vm0 =	vge.f32 @p0 v15, v16  }
0x2d8: {  	v16 =	vmax.f32 @p0 v15, v16;
	v18 =	vsel @p0 vm0, v17, v18  }
0x2d9: {  	(xrf1) =	vsort.ascd.msk.f32 @p0 $0xffff, v16, v18;
	_ =	sdelay $0xd  }
0x2da: {  	v16, v18, _ =	vpop @p0 (xrf1)  }
0x2db: {  	(xrf0) =	vmin.scan.msk.f32 @p0 $0xffff, v16  }
0x2dc: {  	(xrf0) =	vmax.scan.msk.f32 $0xffff, v14;
	_ =	sdelay $0x4  }
0x2dd: {  	v19, _, _ =	vpop @p0 (xrf0)  }
0x2de: {  	(v2sf) =	vpush @p0 v19, $0xF;
	v19, _, _ =	vpop (xrf0)  }
0x2df: {  	(v2sf) =	vpush v19, $0xF;
	_ =	sdelay $0xd  }
0x2e0: {  	s23 =	spop @p0 (v2sf)  }
0x2e1: {  	s18 =	smov.u32 @p0 s23;
	s31 =	spop (v2sf)  }
0x2e2: {  	p1 =	sgt.f32 s31, s18;
	_ =	sdelay $0x1  }
0x2e3: {  	s23 =	sadd.s32 @p1 s21, s19  }
0x2e4: {  	v19 =	vlaneseq.u32 @p1;
	s23 =	sadd.s32 @p1 $0xC8A0, s23  }
0x2e5: {  	v19 =	vor.u32 @p1 s23, v19  }
0x2e6: {  	(xrf1) =	vsort.dscd.msk.f32 @p1 $0xffff, v14, v19;
	_ =	sdelay $0xd  }
0x2e7: {  	v14 =	vpsel p0, v16, v15;
	v15, v16, _ =	vpop @p1 (xrf1)  }
0x2e8: {  	v17 =	vpsel p0, v18, v17;
	vm0 =	vge.f32 @p1 v14, v15  }
0x2e9: {  	v15 =	vmax.f32 @p1 v14, v15;
	v16 =	vsel @p1 vm0, v17, v16  }
0x2ea: {  	(xrf1) =	vsort.ascd.msk.f32 @p1 $0xffff, v15, v16;
	_ =	sdelay $0xd  }
0x2eb: {  	v15, v16, _ =	vpop @p1 (xrf1)  }
0x2ec: {  	(xrf0) =	vmin.scan.msk.f32 @p1 $0xffff, v15  }
0x2ed: {  	(xrf0) =	vmax.scan.msk.f32 $0xffff, v13;
	_ =	sdelay $0x4  }
0x2ee: {  	v18, _, _ =	vpop @p1 (xrf0)  }
0x2ef: {  	(v2sf) =	vpush @p1 v18, $0xF;
	v18, _, _ =	vpop (xrf0)  }
0x2f0: {  	(v2sf) =	vpush v18, $0xF;
	_ =	sdelay $0xd  }
0x2f1: {  	s23 =	spop @p1 (v2sf)  }
0x2f2: {  	s18 =	smov.u32 @p1 s23;
	s24 =	spop (v2sf)  }
0x2f3: {  	p0 =	sgt.f32 s24, s18;
	_ =	sdelay $0x1  }
0x2f4: {  	s23 =	sadd.s32 @p0 s21, s19  }
0x2f5: {  	v18 =	vlaneseq.u32 @p0;
	s23 =	sadd.s32 @p0 $0xC8B0, s23  }
0x2f6: {  	v18 =	vor.u32 @p0 s23, v18  }
0x2f7: {  	(xrf1) =	vsort.dscd.msk.f32 @p0 $0xffff, v13, v18;
	_ =	sdelay $0xd  }
0x2f8: {  	v13 =	vpsel p1, v15, v14;
	v14, v15, _ =	vpop @p0 (xrf1)  }
0x2f9: {  	v16 =	vpsel p1, v16, v17;
	vm0 =	vge.f32 @p0 v13, v14  }
0x2fa: {  	v14 =	vmax.f32 @p0 v13, v14;
	v15 =	vsel @p0 vm0, v16, v15  }
0x2fb: {  	(xrf1) =	vsort.ascd.msk.f32 @p0 $0xffff, v14, v15;
	_ =	sdelay $0xd  }
0x2fc: {  	v14, v15, _ =	vpop @p0 (xrf1)  }
0x2fd: {  	(xrf0) =	vmin.scan.msk.f32 @p0 $0xffff, v14  }
0x2fe: {  	(xrf0) =	vmax.scan.msk.f32 $0xffff, v12;
	_ =	sdelay $0x4  }
0x2ff: {  	v17, _, _ =	vpop @p0 (xrf0)  }
0x300: {  	(v2sf) =	vpush @p0 v17, $0xF;
	v17, _, _ =	vpop (xrf0)  }
0x301: {  	(v2sf) =	vpush v17, $0xF;
	_ =	sdelay $0xd  }
0x302: {  	s23 =	spop @p0 (v2sf)  }
0x303: {  	s18 =	smov.u32 @p0 s23;
	s25 =	spop (v2sf)  }
0x304: {  	p1 =	sgt.f32 s25, s18;
	_ =	sdelay $0x1  }
0x305: {  	s23 =	sadd.s32 @p1 s21, s19  }
0x306: {  	v17 =	vlaneseq.u32 @p1;
	s23 =	sadd.s32 @p1 $0xC8C0, s23  }
0x307: {  	v17 =	vor.u32 @p1 s23, v17  }
0x308: {  	(xrf1) =	vsort.dscd.msk.f32 @p1 $0xffff, v12, v17;
	_ =	sdelay $0xd  }
0x309: {  	v12 =	vpsel p0, v14, v13;
	v13, v14, _ =	vpop @p1 (xrf1)  }
0x30a: {  	v15 =	vpsel p0, v15, v16;
	vm0 =	vge.f32 @p1 v12, v13  }
0x30b: {  	v13 =	vmax.f32 @p1 v12, v13;
	v14 =	vsel @p1 vm0, v15, v14  }
0x30c: {  	(xrf1) =	vsort.ascd.msk.f32 @p1 $0xffff, v13, v14;
	_ =	sdelay $0xd  }
0x30d: {  	v13, v14, _ =	vpop @p1 (xrf1)  }
0x30e: {  	(xrf0) =	vmin.scan.msk.f32 @p1 $0xffff, v13  }
0x30f: {  	(xrf0) =	vmax.scan.msk.f32 $0xffff, v11;
	_ =	sdelay $0x4  }
0x310: {  	v16, _, _ =	vpop @p1 (xrf0)  }
0x311: {  	(v2sf) =	vpush @p1 v16, $0xF;
	v16, _, _ =	vpop (xrf0)  }
0x312: {  	(v2sf) =	vpush v16, $0xF;
	_ =	sdelay $0xd  }
0x313: {  	s23 =	spop @p1 (v2sf)  }
0x314: {  	s18 =	smov.u32 @p1 s23;
	s26 =	spop (v2sf)  }
0x315: {  	p0 =	sgt.f32 s26, s18;
	_ =	sdelay $0x1  }
0x316: {  	s23 =	sadd.s32 @p0 s21, s19  }
0x317: {  	v16 =	vlaneseq.u32 @p0;
	s23 =	sadd.s32 @p0 $0xC8D0, s23  }
0x318: {  	v16 =	vor.u32 @p0 s23, v16  }
0x319: {  	(xrf1) =	vsort.dscd.msk.f32 @p0 $0xffff, v11, v16;
	_ =	sdelay $0xd  }
0x31a: {  	v11 =	vpsel p1, v13, v12;
	v12, v13, _ =	vpop @p0 (xrf1)  }
0x31b: {  	v14 =	vpsel p1, v14, v15;
	vm0 =	vge.f32 @p0 v11, v12  }
0x31c: {  	v12 =	vmax.f32 @p0 v11, v12;
	v13 =	vsel @p0 vm0, v14, v13  }
0x31d: {  	(xrf1) =	vsort.ascd.msk.f32 @p0 $0xffff, v12, v13;
	_ =	sdelay $0xd  }
0x31e: {  	v12, v13, _ =	vpop @p0 (xrf1)  }
0x31f: {  	(xrf0) =	vmin.scan.msk.f32 @p0 $0xffff, v12  }
0x320: {  	(xrf0) =	vmax.scan.msk.f32 $0xffff, v10;
	_ =	sdelay $0x4  }
0x321: {  	v15, _, _ =	vpop @p0 (xrf0)  }
0x322: {  	(v2sf) =	vpush @p0 v15, $0xF;
	v15, _, _ =	vpop (xrf0)  }
0x323: {  	(v2sf) =	vpush v15, $0xF;
	_ =	sdelay $0xd  }
0x324: {  	s23 =	spop @p0 (v2sf)  }
0x325: {  	s18 =	smov.u32 @p0 s23;
	s28 =	spop (v2sf)  }
0x326: {  	p1 =	sgt.f32 s28, s18;
	_ =	sdelay $0x1  }
0x327: {  	s23 =	sadd.s32 @p1 s21, s19  }
0x328: {  	v15 =	vlaneseq.u32 @p1;
	s23 =	sadd.s32 @p1 $0xC8E0, s23  }
0x329: {  	v15 =	vor.u32 @p1 s23, v15  }
0x32a: {  	(xrf1) =	vsort.dscd.msk.f32 @p1 $0xffff, v10, v15;
	_ =	sdelay $0xd  }
0x32b: {  	v10 =	vpsel p0, v12, v11;
	v11, v12, _ =	vpop @p1 (xrf1)  }
0x32c: {  	v13 =	vpsel p0, v13, v14;
	vm0 =	vge.f32 @p1 v10, v11  }
0x32d: {  	v11 =	vmax.f32 @p1 v10, v11;
	v12 =	vsel @p1 vm0, v13, v12  }
0x32e: {  	(xrf1) =	vsort.ascd.msk.f32 @p1 $0xffff, v11, v12;
	_ =	sdelay $0xd  }
0x32f: {  	v11, v12, _ =	vpop @p1 (xrf1)  }
0x330: {  	(xrf0) =	vmin.scan.msk.f32 @p1 $0xffff, v11  }
0x331: {  	(xrf0) =	vmax.scan.msk.f32 $0xffff, v9;
	_ =	sdelay $0x4  }
0x332: {  	v14, _, _ =	vpop @p1 (xrf0)  }
0x333: {  	(v2sf) =	vpush @p1 v14, $0xF;
	v54, _, _ =	vpop (xrf0)  }
0x334: {  	(v2sf) =	vpush v54, $0xF;
	_ =	sdelay $0xd  }
0x335: {  	s23 =	spop @p1 (v2sf)  }
0x336: {  	s18 =	smov.u32 @p1 s23;
	s29 =	spop (v2sf)  }
0x337: {  	p0 =	sgt.f32 s29, s18;
	_ =	sdelay $0x1  }
0x338: {  	s23 =	sadd.s32 @p0 s21, s19  }
0x339: {  	v14 =	vlaneseq.u32 @p0;
	s23 =	sadd.s32 @p0 $0xC8F0, s23  }
0x33a: {  	v14 =	vor.u32 @p0 s23, v14  }
0x33b: {  	(xrf1) =	vsort.dscd.msk.f32 @p0 $0xffff, v9, v14;
	_ =	sdelay $0xd  }
0x33c: {  	v9 =	vpsel p1, v11, v10;
	v10, v11, _ =	vpop @p0 (xrf1)  }
0x33d: {  	v12 =	vpsel p1, v12, v13;
	vm0 =	vge.f32 @p0 v9, v10  }
0x33e: {  	v10 =	vmax.f32 @p0 v9, v10;
	v11 =	vsel @p0 vm0, v12, v11  }
0x33f: {  	(xrf1) =	vsort.ascd.msk.f32 @p0 $0xffff, v10, v11;
	_ =	sdelay $0xd  }
0x340: {  	v10, v11, _ =	vpop @p0 (xrf1)  }
0x341: {  	(xrf0) =	vmin.scan.msk.f32 @p0 $0xffff, v10  }
0x342: {  	(xrf0) =	vmax.scan.msk.f32 $0xffff, v8;
	_ =	sdelay $0x4  }
0x343: {  	v13, _, _ =	vpop @p0 (xrf0)  }
0x344: {  	(v2sf) =	vpush @p0 v13, $0xF;
	v55, _, _ =	vpop (xrf0)  }
0x345: {  	(v2sf) =	vpush v55, $0xF;
	_ =	sdelay $0xd  }
0x346: {  	s23 =	spop @p0 (v2sf)  }
0x347: {  	s18 =	smov.u32 @p0 s23;
	s30 =	spop (v2sf)  }
0x348: {  	p1 =	sgt.f32 s30, s18;
	_ =	sdelay $0x1  }
0x349: {  	s23 =	sadd.s32 @p1 s21, s19  }
0x34a: {  	v13 =	vlaneseq.u32 @p1;
	s23 =	sadd.s32 @p1 $0xC900, s23  }
0x34b: {  	v13 =	vor.u32 @p1 s23, v13  }
0x34c: {  	(xrf1) =	vsort.dscd.msk.f32 @p1 $0xffff, v8, v13;
	_ =	sdelay $0xd  }
0x34d: {  	v8 =	vpsel p0, v10, v9;
	v9, v10, _ =	vpop @p1 (xrf1)  }
0x34e: {  	v11 =	vpsel p0, v11, v12;
	vm0 =	vge.f32 @p1 v8, v9  }
0x34f: {  	v9 =	vmax.f32 @p1 v8, v9;
	v10 =	vsel @p1 vm0, v11, v10  }
0x350: {  	(xrf1) =	vsort.ascd.msk.f32 @p1 $0xffff, v9, v10;
	_ =	sdelay $0xd  }
0x351: {  	v9, v10, _ =	vpop @p1 (xrf1)  }
0x352: {  	(xrf0) =	vmin.scan.msk.f32 @p1 $0xffff, v9  }
0x353: {  	(xrf0) =	vmax.scan.msk.f32 $0xffff, v7;
	_ =	sdelay $0x4  }
0x354: {  	v12, _, _ =	vpop @p1 (xrf0)  }
0x355: {  	(v2sf) =	vpush @p1 v12, $0xF;
	v56, _, _ =	vpop (xrf0)  }
0x356: {  	(v2sf) =	vpush v56, $0xF;
	_ =	sdelay $0xd  }
0x357: {  	s23 =	spop @p1 (v2sf)  }
0x358: {  	s18 =	smov.u32 @p1 s23;
	s31 =	spop (v2sf)  }
0x359: {  	p0 =	sgt.f32 s31, s18;
	_ =	sdelay $0x1  }
0x35a: {  	s23 =	sadd.s32 @p0 s21, s19  }
0x35b: {  	v12 =	vlaneseq.u32 @p0;
	s23 =	sadd.s32 @p0 $0xC910, s23  }
0x35c: {  	v12 =	vor.u32 @p0 s23, v12  }
0x35d: {  	(xrf1) =	vsort.dscd.msk.f32 @p0 $0xffff, v7, v12;
	_ =	sdelay $0xd  }
0x35e: {  	v7 =	vpsel p1, v9, v8;
	v8, v9, _ =	vpop @p0 (xrf1)  }
0x35f: {  	v10 =	vpsel p1, v10, v11;
	vm0 =	vge.f32 @p0 v7, v8  }
0x360: {  	v8 =	vmax.f32 @p0 v7, v8;
	v9 =	vsel @p0 vm0, v10, v9  }
0x361: {  	(xrf1) =	vsort.ascd.msk.f32 @p0 $0xffff, v8, v9;
	_ =	sdelay $0xd  }
0x362: {  	v8, v9, _ =	vpop @p0 (xrf1)  }
0x363: {  	(xrf0) =	vmin.scan.msk.f32 @p0 $0xffff, v8  }
0x364: {  	(xrf0) =	vmax.scan.msk.f32 $0xffff, v6;
	_ =	sdelay $0x4  }
0x365: {  	v11, _, _ =	vpop @p0 (xrf0)  }
0x366: {  	(v2sf) =	vpush @p0 v11, $0xF;
	v57, _, _ =	vpop (xrf0)  }
0x367: {  	(v2sf) =	vpush v57, $0xF;
	_ =	sdelay $0xd  }
0x368: {  	s23 =	spop @p0 (v2sf)  }
0x369: {  	s18 =	smov.u32 @p0 s23;
	s24 =	spop (v2sf)  }
0x36a: {  	p1 =	sgt.f32 s24, s18;
	_ =	sdelay $0x1  }
0x36b: {  	s23 =	sadd.s32 @p1 s21, s19  }
0x36c: {  	v11 =	vlaneseq.u32 @p1;
	s23 =	sadd.s32 @p1 $0xC920, s23  }
0x36d: {  	v11 =	vor.u32 @p1 s23, v11  }
0x36e: {  	(xrf1) =	vsort.dscd.msk.f32 @p1 $0xffff, v6, v11;
	_ =	sdelay $0xd  }
0x36f: {  	v6 =	vpsel p0, v8, v7;
	v7, v8, _ =	vpop @p1 (xrf1)  }
0x370: {  	v9 =	vpsel p0, v9, v10;
	vm0 =	vge.f32 @p1 v6, v7  }
0x371: {  	v7 =	vmax.f32 @p1 v6, v7;
	v8 =	vsel @p1 vm0, v9, v8  }
0x372: {  	(xrf1) =	vsort.ascd.msk.f32 @p1 $0xffff, v7, v8;
	_ =	sdelay $0xd  }
0x373: {  	v7, v8, _ =	vpop @p1 (xrf1)  }
0x374: {  	(xrf0) =	vmin.scan.msk.f32 @p1 $0xffff, v7  }
0x375: {  	(xrf0) =	vmax.scan.msk.f32 $0xffff, v5;
	_ =	sdelay $0x4  }
0x376: {  	v10, _, _ =	vpop @p1 (xrf0)  }
0x377: {  	(v2sf) =	vpush @p1 v10, $0xF;
	v58, _, _ =	vpop (xrf0)  }
0x378: {  	(v2sf) =	vpush v58, $0xF;
	_ =	sdelay $0xd  }
0x379: {  	s23 =	spop @p1 (v2sf)  }
0x37a: {  	s18 =	smov.u32 @p1 s23;
	s25 =	spop (v2sf)  }
0x37b: {  	p0 =	sgt.f32 s25, s18;
	_ =	sdelay $0x1  }
0x37c: {  	s23 =	sadd.s32 @p0 s21, s19  }
0x37d: {  	v10 =	vlaneseq.u32 @p0;
	s23 =	sadd.s32 @p0 $0xC930, s23  }
0x37e: {  	v10 =	vor.u32 @p0 s23, v10  }
0x37f: {  	(xrf1) =	vsort.dscd.msk.f32 @p0 $0xffff, v5, v10;
	_ =	sdelay $0xd  }
0x380: {  	v5 =	vpsel p1, v7, v6;
	v6, v7, _ =	vpop @p0 (xrf1)  }
0x381: {  	v8 =	vpsel p1, v8, v9;
	vm0 =	vge.f32 @p0 v5, v6  }
0x382: {  	v6 =	vmax.f32 @p0 v5, v6;
	v7 =	vsel @p0 vm0, v8, v7  }
0x383: {  	(xrf1) =	vsort.ascd.msk.f32 @p0 $0xffff, v6, v7;
	_ =	sdelay $0xd  }
0x384: {  	v6, v7, _ =	vpop @p0 (xrf1)  }
0x385: {  	(xrf0) =	vmin.scan.msk.f32 @p0 $0xffff, v6  }
0x386: {  	(xrf0) =	vmax.scan.msk.f32 $0xffff, v4;
	_ =	sdelay $0x4  }
0x387: {  	v9, _, _ =	vpop @p0 (xrf0)  }
0x388: {  	(v2sf) =	vpush @p0 v9, $0xF;
	v59, _, _ =	vpop (xrf0)  }
0x389: {  	(v2sf) =	vpush v59, $0xF;
	_ =	sdelay $0xd  }
0x38a: {  	s23 =	spop @p0 (v2sf)  }
0x38b: {  	s18 =	smov.u32 @p0 s23;
	s26 =	spop (v2sf)  }
0x38c: {  	p1 =	sgt.f32 s26, s18;
	_ =	sdelay $0x1  }
0x38d: {  	s23 =	sadd.s32 @p1 s21, s19  }
0x38e: {  	v9 =	vlaneseq.u32 @p1;
	s23 =	sadd.s32 @p1 $0xC940, s23  }
0x38f: {  	v9 =	vor.u32 @p1 s23, v9  }
0x390: {  	(xrf1) =	vsort.dscd.msk.f32 @p1 $0xffff, v4, v9;
	_ =	sdelay $0xd  }
0x391: {  	v4 =	vpsel p0, v6, v5;
	v5, v6, _ =	vpop @p1 (xrf1)  }
0x392: {  	v7 =	vpsel p0, v7, v8;
	vm0 =	vge.f32 @p1 v4, v5  }
0x393: {  	v5 =	vmax.f32 @p1 v4, v5;
	v6 =	vsel @p1 vm0, v7, v6  }
0x394: {  	(xrf1) =	vsort.ascd.msk.f32 @p1 $0xffff, v5, v6;
	_ =	sdelay $0xd  }
0x395: {  	v5, v6, _ =	vpop @p1 (xrf1)  }
0x396: {  	(xrf0) =	vmin.scan.msk.f32 @p1 $0xffff, v5  }
0x397: {  	(xrf0) =	vmax.scan.msk.f32 $0xffff, v3;
	_ =	sdelay $0x4  }
0x398: {  	v8, _, _ =	vpop @p1 (xrf0)  }
0x399: {  	(v2sf) =	vpush @p1 v8, $0xF;
	v60, _, _ =	vpop (xrf0)  }
0x39a: {  	(v2sf) =	vpush v60, $0xF;
	_ =	sdelay $0xd  }
0x39b: {  	s23 =	spop @p1 (v2sf)  }
0x39c: {  	s18 =	smov.u32 @p1 s23;
	s28 =	spop (v2sf)  }
0x39d: {  	p0 =	sgt.f32 s28, s18;
	_ =	sdelay $0x1  }
0x39e: {  	s23 =	sadd.s32 @p0 s21, s19  }
0x39f: {  	v8 =	vlaneseq.u32 @p0;
	s23 =	sadd.s32 @p0 $0xC950, s23  }
0x3a0: {  	v8 =	vor.u32 @p0 s23, v8  }
0x3a1: {  	(xrf1) =	vsort.dscd.msk.f32 @p0 $0xffff, v3, v8;
	_ =	sdelay $0xd  }
0x3a2: {  	v3 =	vpsel p1, v5, v4;
	v4, v5, _ =	vpop @p0 (xrf1)  }
0x3a3: {  	v6 =	vpsel p1, v6, v7;
	vm0 =	vge.f32 @p0 v3, v4  }
0x3a4: {  	v4 =	vmax.f32 @p0 v3, v4;
	v5 =	vsel @p0 vm0, v6, v5  }
0x3a5: {  	(xrf1) =	vsort.ascd.msk.f32 @p0 $0xffff, v4, v5;
	_ =	sdelay $0xd  }
0x3a6: {  	v4, v5, _ =	vpop @p0 (xrf1)  }
0x3a7: {  	(xrf0) =	vmin.scan.msk.f32 @p0 $0xffff, v4  }
0x3a8: {  	(xrf0) =	vmax.scan.msk.f32 $0xffff, v2;
	_ =	sdelay $0x4  }
0x3a9: {  	v7, _, _ =	vpop @p0 (xrf0)  }
0x3aa: {  	(v2sf) =	vpush @p0 v7, $0xF;
	v61, _, _ =	vpop (xrf0)  }
0x3ab: {  	(v2sf) =	vpush v61, $0xF;
	_ =	sdelay $0xd  }
0x3ac: {  	s23 =	spop @p0 (v2sf)  }
0x3ad: {  	s18 =	smov.u32 @p0 s23;
	s29 =	spop (v2sf)  }
0x3ae: {  	p1 =	sgt.f32 s29, s18;
	_ =	sdelay $0x1  }
0x3af: {  	s23 =	sadd.s32 @p1 s21, s19  }
0x3b0: {  	v7 =	vlaneseq.u32 @p1;
	s23 =	sadd.s32 @p1 $0xC960, s23  }
0x3b1: {  	v7 =	vor.u32 @p1 s23, v7  }
0x3b2: {  	(xrf1) =	vsort.dscd.msk.f32 @p1 $0xffff, v2, v7;
	_ =	sdelay $0xd  }
0x3b3: {  	v2 =	vpsel p0, v4, v3;
	v3, v4, _ =	vpop @p1 (xrf1)  }
0x3b4: {  	v5 =	vpsel p0, v5, v6;
	vm0 =	vge.f32 @p1 v2, v3  }
0x3b5: {  	v3 =	vmax.f32 @p1 v2, v3;
	v4 =	vsel @p1 vm0, v5, v4  }
0x3b6: {  	(xrf1) =	vsort.ascd.msk.f32 @p1 $0xffff, v3, v4;
	_ =	sdelay $0xd  }
0x3b7: {  	v3, v4, _ =	vpop @p1 (xrf1)  }
0x3b8: {  	(xrf0) =	vmin.scan.msk.f32 @p1 $0xffff, v3  }
0x3b9: {  	(xrf0) =	vmax.scan.msk.f32 $0xffff, v1;
	_ =	sdelay $0x4  }
0x3ba: {  	v6, _, _ =	vpop @p1 (xrf0)  }
0x3bb: {  	(v2sf) =	vpush @p1 v6, $0xF;
	v62, _, _ =	vpop (xrf0)  }
0x3bc: {  	(v2sf) =	vpush v62, $0xF;
	_ =	sdelay $0xd  }
0x3bd: {  	s23 =	spop @p1 (v2sf)  }
0x3be: {  	s18 =	smov.u32 @p1 s23;
	s30 =	spop (v2sf)  }
0x3bf: {  	p0 =	sgt.f32 s30, s18;
	_ =	sdelay $0x1  }
0x3c0: {  	s23 =	sadd.s32 @p0 s21, s19  }
0x3c1: {  	v6 =	vlaneseq.u32 @p0;
	s23 =	sadd.s32 @p0 $0xC970, s23  }
0x3c2: {  	v6 =	vor.u32 @p0 s23, v6  }
0x3c3: {  	(xrf1) =	vsort.dscd.msk.f32 @p0 $0xffff, v1, v6;
	_ =	sdelay $0xd  }
0x3c4: {  	v1 =	vpsel p1, v3, v2;
	v2, v3, _ =	vpop @p0 (xrf1)  }
0x3c5: {  	v4 =	vpsel p1, v4, v5;
	vm0 =	vge.f32 @p0 v1, v2  }
0x3c6: {  	v2 =	vmax.f32 @p0 v1, v2;
	v3 =	vsel @p0 vm0, v4, v3  }
0x3c7: {  	(xrf1) =	vsort.ascd.msk.f32 @p0 $0xffff, v2, v3;
	_ =	sdelay $0xd  }
0x3c8: {  	v2, v3, _ =	vpop @p0 (xrf1)  }
0x3c9: {  	(xrf0) =	vmin.scan.msk.f32 @p0 $0xffff, v2  }
0x3ca: {  	(xrf0) =	vmax.scan.msk.f32 $0xffff, v0;
	_ =	sdelay $0x4  }
0x3cb: {  	v5, _, _ =	vpop @p0 (xrf0)  }
0x3cc: {  	(v2sf) =	vpush @p0 v5, $0xF;
	v63, _, _ =	vpop (xrf0)  }
0x3cd: {  	(v2sf) =	vpush v63, $0xF;
	_ =	sdelay $0xd  }
0x3ce: {  	s23 =	spop @p0 (v2sf)  }
0x3cf: {  	s18 =	smov.u32 @p0 s23;
	s31 =	spop (v2sf)  }
0x3d0: {  	p1 =	sgt.f32 s31, s18;
	_ =	sdelay $0x1  }
0x3d1: {  	s23 =	sadd.s32 @p1 s21, s19  }
0x3d2: {  	v5 =	vlaneseq.u32 @p1;
	s23 =	sadd.s32 @p1 $0xC980, s23  }
0x3d3: {  	v5 =	vor.u32 @p1 s23, v5  }
0x3d4: {  	(xrf1) =	vsort.dscd.msk.f32 @p1 $0xffff, v0, v5;
	_ =	sdelay $0xd  }
0x3d5: {  	v0 =	vpsel p0, v2, v1;
	v1, v2, _ =	vpop @p1 (xrf1)  }
0x3d6: {  	v3 =	vpsel p0, v3, v4;
	vm0 =	vge.f32 @p1 v0, v1  }
0x3d7: {  	v1 =	vmax.f32 @p1 v0, v1;
	v2 =	vsel @p1 vm0, v3, v2  }
0x3d8: {  	(xrf1) =	vsort.ascd.msk.f32 @p1 $0xffff, v1, v2;
	_ =	sdelay $0xd  }
0x3d9: {  	v1, v2, _ =	vpop @p1 (xrf1)  }
0x3da: {  	(xrf0) =	vmin.scan.msk.f32 @p1 $0xffff, v1;
	_ =	sdelay $0x5  }
0x3db: {  	v4, _, _ =	vpop @p1 (xrf0)  }
0x3dc: {  	(v2sf) =	vpush @p1 v4, $0xF;
	_ =	sdelay $0xb  }
.Ltmp11:
0x3dd: {  	_ = 	snop;
	(pc) =	sbr.rel .LBB2_9-.Ltmp11, $3  }
0x3de: {  	_ =	sdelay $0x1  }
0x3df: {  	s23 =	spop @p1 (v2sf)  }
0x3e0: {  	v18 =	vpsel p1, v1, v0;
	v17 =	vpsel p1, v2, v3;
	s18 =	smov.u32 @p1 s23  }
.LBB2_12:
0x3e1: {  	_ =	sfence.sel $0x180000  }
0x3e2: {  	[bflag:$0x0] =	sbarrier.arrive $0xFFFF  }
0x3e3: {  	p0 =	sne.s32 s1, $0x0;
	_ =	strace $0x9000004A  }
0x3e4: {  	s0 =	sadd.s32 @!p0 $0x100000, s0;
	[bflag:$0x2] =	sbarrier.arrive $0xFFFF  }
0x3e5: {  	[sflag:s0] =	ssyncadd.tile.s32 @!p0 $0x1;
	_ =	shalt  }
.Lfunc_end2:
_tile_overlayer_lowered:
.L_overlay_start_2:
0x3e6: {  	(tag) =	ssettag $0x2  }
0x3e7: {  	s0 =	rddreg [dreg:$0x0];
	s2 =	stileid.u32  }
0x3e8: {  	s1 =	rddreg [dreg:$0x1];
	p0 =	sne.s32 s2, $0x0  }
0x3e9: {  	s3 =	rddreg [dreg:$0x2];
	[bflag:$0x3] =	sbarrier.arrive $0xFFFF;
	s2 =	simm.s32 @!p0 $0x1C03  }
0x3ea: {  	[timem:s3], [sflag:s2] =	dma.local @!p0 [hbm:s0], s1  }
0x3eb: {  	s0 =	simm.s32 @!p0 $0x3  }
0x3ec: {  	_ =	swait.ge @!p0 [sflag:s0], s1  }
0x3ed: {  	s1 =	ssub.s32 @!p0 $0x0, s1;
	[sflag:s0] =	ssyncset.done @!p0 $0x0  }
0x3ee: {  	[sflag:s0] =	ssyncadd.s32 @!p0 s1  }
0x3ef: {  	[bflag:$0x3] =	sbarrier.arrive $0xFFFF  }
0x3f0: {  	_ =	shalt  }

// kernel: kernel.7.cloned.1.call-start
scs
__scs_entry_jumppad:
0x0: {  	(pc) =	sbr.rel $0x88, $3  }
0x1: {  	(tag) =	ssettag $0x0;
	lr =	simm.s32 $0x1  }
0x2: {  	[smem:$0x3F9B] =	sst lr;
	_ =	strace $0xD0000000  }
0x3: {  	_ = 	snop  }
0x4: {  	_ = 	snop  }
0x5: {  	_ = 	snop  }
0x6: {  	_ = 	snop  }
0x7: {  	_ = 	snop  }
__scs_overlays_trampoline_lowered:
0x8: {  	[smem:$0x3FAA] =	sst s0  }
0x9: {  	[smem:$0x3FAB] =	sst s1  }
0xa: {  	[smem:$0x3FAC] =	sst s2  }
0xb: {  	[smem:$0x3FAD] =	sst s3  }
0xc: {  	[smem:$0x3FAE] =	sst s4  }
0xd: {  	[smem:$0x3FAF] =	sst s5  }
0xe: {  	[smem:$0x3FB0] =	sst s6  }
0xf: {  	[smem:$0x3FB1] =	sst s7  }
0x10: {  	[smem:$0x3FB2] =	sst s8  }
0x11: {  	[smem:$0x3FB3] =	sst s9;
	s0 =	simm.s32 @!p0 $0x0  }
0x12: {  	s1 =	sld [smem:$0x3F99];
	s0 =	simm.s32 @p0 $0x1  }
0x13: {  	[smem:$0x3FB4] =	sst s0;
	s0 =	simm.s32 @!p1 $0x0  }
0x14: {  	s2 =	sld [smem:$0x3F98];
	s0 =	simm.s32 @p1 $0x1  }
0x15: {  	[smem:$0x3FB5] =	sst s0;
	s0 =	simm.s32 @!p2 $0x0  }
0x16: {  	s3 =	sld [smem:$0x3FDB];
	s0 =	simm.s32 @p2 $0x1  }
0x17: {  	s4 =	simm.s32 $0x1BF5;
	[smem:$0x3FB7] =	sst s0  }
0x18: {  	s0 =	sld [smem:$0x3F9A];
	_ =	swait.ge [sflag:s4], $0x0  }
0x19: {  	s7 =	sld [smem:$0x3F9B]  }
0x1a: {  	s8 =	sadd.s32 $0xFFFFE003, lr  }
0x1b: {  	s9 =	sadd.s32 $0xFFFFFEF7, lr;
	s5 =	simm.s32 $0xFFFFFFFF;
	p2 =	slt.u32 s8, $0xFFFFF086  }
0x1c: {  	p1 =	slt.u32 s9, $0xF7A;
	s5 =	simm.s32 @!p2 $0x0  }
0x1d: {  	s5 =	simm.s32 @p1 $0x1;
	p0 =	seq.s32 s7, s2  }
0x1e: {  	s7 =	smul.u32 @!p0 $0xF7A, s2;
	p2 =	seq.s32 @!p0 s5, $0x0  }
0x1f: {  	s9 =	smul.u32 $0xF7A, s1;
	s8 =	simm.s32 @!p0 $0x1BF5;
	p2 =	por !p2, p0  }
0x20: {  	[sflag:s8] =	ssyncset.s32 @!p0 $0xFFFFF086;
	s6 =	sadd.s32 @!p0 s3, s7;
	s7 =	simm.s32 @!p0 $0x108  }
0x21: {  	s3 =	sadd.s32 s3, s9;
	s6 =	sadd.s32 @!p0 $0x88, s6;
	s7 =	simm.s32 @p2 $0x1082  }
0x22: {  	[simem:s7], [sflag:s8] =	dma.local @!p0 [hbm:s6], $0xF7A  }
0x23: {  	s9 =	sor.u32 $0xD0000000, s2;
	s6 =	simm.s32 $0x108;
	_ =	swait.ge @!p0 [sflag:s8], $0x0  }
0x24: {  	s3 =	sadd.s32 $0x88, s3;
	s6 =	simm.s32 @!p1 $0x1082;
	[sflag:s4] =	ssyncset.s32 $0xFFFFF086  }
0x25: {  	[simem:s6], [sflag:s4] =	dma.local [hbm:s3], $0xF7A  }
0x26: {  	[smem:$0x3F9B] =	sst s1;
	(tag) =	ssettag s2;
	_ =	strace s9  }
0x27: {  	s1 =	sld [smem:$0x3FAB]  }
0x28: {  	s2 =	sld [smem:$0x3FAC]  }
0x29: {  	s4 =	sld [smem:$0x3FAE]  }
0x2a: {  	p0 =	seq.s32 s5, $0x0;
	s5 =	sld [smem:$0x3FAF]  }
0x2b: {  	s6 =	sld [smem:$0x3FB0]  }
0x2c: {  	s7 =	sld [smem:$0x3FB1]  }
0x2d: {  	s3 =	simm.s32 $0x108;
	s8 =	sld [smem:$0x3FB2]  }
0x2e: {  	s3 =	simm.s32 @!p0 $0x1082;
	s9 =	sld [smem:$0x3FB3]  }
0x2f: {  	lr =	sadd.s32 s0, s3;
	s0 =	sld [smem:$0x3FAA]  }
0x30: {  	s3 =	sld [smem:$0x3FAD]  }
0x31: {  	[smem:$0x3FB6] =	sst s10  }
0x32: {  	s10 =	sld [smem:$0x3FB4];
	_ =	sdelay $0x3  }
0x33: {  	p0 =	seq.s32 s10, $0x1;
	s10 =	sld [smem:$0x3FB6];
	_ =	sdelay $0x3  }
0x34: {  	[smem:$0x3FB6] =	sst s10  }
0x35: {  	s10 =	sld [smem:$0x3FB5];
	_ =	sdelay $0x3  }
0x36: {  	p1 =	seq.s32 s10, $0x1;
	s10 =	sld [smem:$0x3FB6];
	_ =	sdelay $0x3  }
0x37: {  	[smem:$0x3FB6] =	sst s10  }
0x38: {  	s10 =	sld [smem:$0x3FB7]  }
0x39: {  	_ = 	snop;
	(pc) =	sbr.ind lr, $3  }
0x3a: {  	_ = 	snop  }
0x3b: {  	_ = 	snop  }
0x3c: {  	p2 =	seq.s32 s10, $0x1;
	s10 =	sld [smem:$0x3FB6]  }
0x3d: {  	_ =	shalt  }
0x3e: {  	_ =	shalt  }
0x3f: {  	_ =	shalt  }
0x40: {  	_ =	shalt  }
0x41: {  	_ =	shalt  }
0x42: {  	_ =	shalt  }
0x43: {  	_ =	shalt  }
0x44: {  	_ =	shalt  }
0x45: {  	_ =	shalt  }
0x46: {  	_ =	shalt  }
0x47: {  	_ =	shalt  }
0x48: {  	_ =	shalt  }
0x49: {  	_ =	shalt  }
0x4a: {  	_ =	shalt  }
0x4b: {  	_ =	shalt  }
0x4c: {  	_ =	shalt  }
0x4d: {  	_ =	shalt  }
0x4e: {  	_ =	shalt  }
0x4f: {  	_ =	shalt  }
0x50: {  	_ =	shalt  }
0x51: {  	_ =	shalt  }
0x52: {  	_ =	shalt  }
0x53: {  	_ =	shalt  }
0x54: {  	_ =	shalt  }
0x55: {  	_ =	shalt  }
0x56: {  	_ =	shalt  }
0x57: {  	_ =	shalt  }
0x58: {  	_ =	shalt  }
0x59: {  	_ =	shalt  }
0x5a: {  	_ =	shalt  }
0x5b: {  	_ =	shalt  }
0x5c: {  	_ =	shalt  }
0x5d: {  	_ =	shalt  }
0x5e: {  	_ =	shalt  }
0x5f: {  	_ =	shalt  }
0x60: {  	_ =	shalt  }
0x61: {  	_ =	shalt  }
0x62: {  	_ =	shalt  }
0x63: {  	_ =	shalt  }
0x64: {  	_ =	shalt  }
0x65: {  	_ =	shalt  }
0x66: {  	_ =	shalt  }
0x67: {  	_ =	shalt  }
0x68: {  	_ =	shalt  }
0x69: {  	_ =	shalt  }
0x6a: {  	_ =	shalt  }
0x6b: {  	_ =	shalt  }
0x6c: {  	_ =	shalt  }
0x6d: {  	_ =	shalt  }
0x6e: {  	_ =	shalt  }
0x6f: {  	_ =	shalt  }
0x70: {  	_ =	shalt  }
0x71: {  	_ =	shalt  }
0x72: {  	_ =	shalt  }
0x73: {  	_ =	shalt  }
0x74: {  	_ =	shalt  }
0x75: {  	_ =	shalt  }
0x76: {  	_ =	shalt  }
0x77: {  	_ =	shalt  }
0x78: {  	_ =	shalt  }
0x79: {  	_ =	shalt  }
0x7a: {  	_ =	shalt  }
0x7b: {  	_ =	shalt  }
0x7c: {  	_ =	shalt  }
0x7d: {  	_ =	shalt  }
0x7e: {  	_ =	shalt  }
0x7f: {  	_ =	shalt  }
0x80: {  	_ =	shalt  }
0x81: {  	_ =	shalt  }
0x82: {  	_ =	shalt  }
0x83: {  	_ =	shalt  }
0x84: {  	_ =	shalt  }
0x85: {  	_ =	shalt  }
0x86: {  	_ =	shalt  }
0x87: {  	_ =	shalt  }
.Lfunc_end0:
.L_simem_size_0:
called_computation.2_lowered:
.L_overlay_start_0:
0x88: {  	s2 =	sld [smem:$0x3FD9]  }
0x89: {  	s3 =	sld [smem:$0x3FFE];
	_ =	sdelay $0x1  }
0x8a: {  	s1 =	srdreg.scid  }
0x8b: {  	s0 =	sand.u32 $0x1, s1  }
0x8c: {  	s14 =	sshll.u32 s0, $0xA;
	s2 =	sadd.s32 s3, s2  }
0x8d: {  	s2 =	sadd.s32 s2, s14  }
0x8e: {  	[smem:$0x3FC2] =	sst s2  }
0x8f: {  	_ = 	snop  }
0x90: {  	s2 =	sld [smem:$0x3FD0];
	_ =	sdelay $0x1  }
0x91: {  	s15 =	sld [smem:$0x3FC8]  }
0x92: {  	s5 =	simm.s32 $0xA;
	s6 =	simm.s32 $0x10;
	s4 =	sld [smem:$0x3FC6]  }
0x93: {  	[smem:s6], [sflag:s5] =	dma.local [hbm:s2], $0x1  }
0x94: {  	_ =	swait.eq [sflag:s5], $0x1  }
0x95: {  	s16 =	sld [smem:$0x11];
	[sflag:s5] =	ssyncset.done $0x0  }
0x96: {  	s17 =	sld [smem:$0x12];
	[sflag:s5] =	ssyncadd.s32 $0xFFFFFFFF  }
0x97: {  	s18 =	sld [smem:$0x13];
	(tm) =	ssettm $0x1  }
0x98: {  	s7 =	sld [smem:$0x3FFB];
	_ =	sdelay $0x3  }
0x99: {  	_ =	strace s7  }
0x9a: {  	s7 =	sld [smem:$0x3FFC];
	_ =	sdelay $0x3  }
0x9b: {  	_ =	strace s7  }
0x9c: {  	s7 =	sld [smem:$0x3FFD];
	_ =	sdelay $0x3  }
0x9d: {  	_ =	strace s7  }
0x9e: {  	_ =	strace $0x8FFFFFFF  }
0x9f: {  	s19 =	sld [smem:$0x3FDB];
	_ =	sdelay $0x1  }
0xa0: {  	s8 =	simm.s32 $_scs_section_size  }
0xa1: {  	s9 =	simm.s32 $_size__tile_overlayer_lowered;
	s10 =	simm.s32 $_tile_overlayer_lowered  }
0xa2: {  	s22 =	simm.s32 $0x1BFF;
	s21 =	sshll.u32 s10, $0x1;
	s7 =	sadd.s32 s8, s19  }
0xa3: {  	s11 =	simm.s32 $0x0;
	s20 =	sshll.u32 s9, $0x1;
	s9 =	sadd.s32 s21, s7  }
0xa4: {  	[timem:s11], [sflag:s22] =	dma.local [hbm:s9], s20  }
0xa5: {  	_ =	swait.ge [sflag:s22], s20  }
0xa6: {  	s8 =	ssub.s32 $0x0, s20;
	[sflag:s22] =	ssyncset.done $0x0  }
0xa7: {  	[sflag:s22] =	ssyncadd.s32 s8;
	_ =	sdelay $0x1  }
0xa8: {  	s23 =	simm.s32 $0x1B8B  }
0xa9: {  	_ =	swait.ge [sflag:s23], $0x1  }
0xaa: {  	[sflag:s23] =	ssyncset.done $0x0  }
0xab: {  	s25 =	simm.s32 $0x1B8E;
	s24 =	sld [smem:$0x3FFE];
	[sflag:s23] =	ssyncadd.s32 $0xFFFFFFFF  }
0xac: {  	s26 =	simm.s32 $execute0_lowered;
	[smem:$0x3FD2] =	sst s25  }
0xad: {  	s9 =	sshll.u32 s26, $0x1;
	_ =	strace $0x8000004C;
	[dreg:$0x1] =	wrdreg $0xFFFFFFFF  }
0xae: {  	s28 =	simm.s32 $_size_execute0_lowered;
	s7 =	sadd.s32 s7, s9;
	[dreg:$0x0] =	wrdreg $0x0  }
0xaf: {  	s9 =	sshll.u32 s28, $0x1;
	[dreg:$0x2] =	wrdreg s7  }
0xb0: {  	[dreg:$0x3] =	wrdreg s9  }
0xb1: {  	[dreg:$0x4] =	wrdreg $0xC0  }
0xb2: {  	_ =	task [dreg:s11], $0x5FFFF  }
0xb3: {  	[dreg:$0x1] =	wrdreg $0xFFFFFFFF  }
0xb4: {  	[dreg:$0x0] =	wrdreg $0x60  }
0xb5: {  	[dreg:$0x2] =	wrdreg s24  }
0xb6: {  	[dreg:$0x3] =	wrdreg s15  }
0xb7: {  	[dreg:$0x4] =	wrdreg s16  }
0xb8: {  	[dreg:$0x5] =	wrdreg s4  }
0xb9: {  	[dreg:$0x6] =	wrdreg s17  }
0xba: {  	[dreg:$0x7] =	wrdreg s18  }
0xbb: {  	[dreg:$0x8] =	wrdreg $0x9  }
0xbc: {  	_ =	task.clear_ibuf [dreg:s11], $0x9FFFF;
	_ =	strace $0x9000004C  }
0xbd: {  	s29 =	simm.s32 $0x9;
	_ =	strace $0x8000004E  }
0xbe: {  	_ =	swait.ge [sflag:s29], $0x1  }
0xbf: {  	[sflag:s29] =	ssyncadd.s32 $0xFFFFFFFF  }
0xc0: {  	_ =	strace $0x9000004E  }
0xc1: {  	_ =	sfence  }
0xc2: {  	s30 =	sld [smem:$0x0];
	_ =	sdelay $0x2  }
0xc3: {  	s31 =	sshll.u32 s1, $0xD;
	s1 =	sshrl.u32 s1, $0x2  }
0xc4: {  	s3 =	sand.u32 $0x4000, s31;
	s1 =	sadd.s32 s1, s30  }
0xc5: {  	s0 =	sor.u32 s3, s0;
	s1 =	sshll.u32 s1, $0x11  }
0xc6: {  	s0 =	sor.u32 s1, s0  }
0xc7: {  	s0 =	sadd.s32 $0x8F2B, s0  }
0xc8: {  	[sflag:s0] =	ssyncadd.remote.s32 $0x1  }
0xc9: {  	_ =	sfence.sel $0xFFFF  }
0xca: {  	[dreg:$0x0] =	wrdreg $0xFFFFFFFF;
	(pc) =	sbr.abs _section_cstart, $3  }
0xcb: {  	[dreg:$0x1] =	wrdreg $0xFFFFFFFF  }
0xcc: {  	_ =	task.clear_ibuf [dreg:s11], $0x2FFFF;
	_ =	strace $0x9FFFFFFF  }
0xcd: {  	(tm) =	ssettm $0x7FFFFFFF  }
tec
execute0_lowered:
.L_overlay_start_1:
0x0: {  	(tag) =	ssettag $0x1  }
0x1: {  	s2 =	rddreg [dreg:$0x0]  }
0x2: {  	s0 =	rddreg [dreg:$0x1];
	s29 =	srdreg.scid  }
0x3: {  	s28 =	rddreg [dreg:$0x2];
	s30 =	stileid.u32;
	s3 =	sand.u32 $0x1, s29  }
0x4: {  	s1 =	rddreg [dreg:$0x4];
	s31 =	sor.u32 s30, s3  }
0x5: {  	s4 =	rddreg [dreg:$0x5];
	p0 =	sne.s32 s31, $0x0  }
.Ltmp0:
0x6: {  	[dreg:$0x9] =	wrdreg s0;
	(pc) =	sbr.rel @p0 .LBB2_3-.Ltmp0, $4  }
0x7: {  	[dreg:$0xa] =	wrdreg s28  }
0x8: {  	[dreg:$0xf] =	wrdreg s1  }
0x9: {  	[dreg:$0x10] =	wrdreg s4  }
0xa: {  	s0 =	rddreg [dreg:$0x3];
	_ =	strace $0x8000004D  }
0xb: {  	s4 =	sadd.s32 $0x1800, s2  }
0xc: {  	s19 =	sadd.s32 $0x1A00, s2;
	s20 =	sadd.s32 $0x1C00, s2;
	s21 =	sadd.s32 $0x1E00, s2  }
0xd: {  	s22 =	sadd.s32 $0x2000, s2;
	s23 =	sadd.s32 $0x2200, s2;
	s3 =	ssub.s32 $0x2, s3  }
0xe: {  	s5 =	sadd.s32 $0x200, s0;
	s6 =	sadd.s32 $0x300, s0;
	s7 =	simm.s32 $0x0  }
0xf: {  	s25 =	simm.s32 $0x1000;
	s8 =	simm.s32 $0x2;
	s26 =	simm.s32 $0x2080  }
0x10: {  	s9 =	simm.s32 $0x2000;
	s10 =	simm.s32 $0x2100;
	[dreg:$0x7] =	wrdreg s4  }
0x11: {  	s11 =	simm.s32 $0x2D00;
	s13 =	simm.s32 $0x3900;
	[dreg:$0x8] =	wrdreg s19  }
0x12: {  	s14 =	simm.s32 $0x4500;
	s15 =	simm.s32 $0x5200;
	[dreg:$0xb] =	wrdreg s20  }
0x13: {  	s16 =	simm.s32 $0x5A00;
	s17 =	simm.s32 $0x6200;
	[dreg:$0xc] =	wrdreg s21  }
0x14: {  	s18 =	simm.s32 $0x6A00;
	s28 =	simm.s32 $0xB200;
	[dreg:$0xd] =	wrdreg s22  }
0x15: {  	s29 =	simm.s32 $0xBA00;
	s30 =	simm.s32 $0xC200;
	[dreg:$0xe] =	wrdreg s23  }
0x16: {  	s31 =	simm.s32 $0xCA00;
	s2 =	simm.s32 $0x1;
	[dreg:$0x11] =	wrdreg s25  }
0x17: {  	v3 =	vlaneseq.u32;
	s24 =	sshrl.u32 s3, $0x1;
	s4 =	sadd.s32 $0x100, s0;
	[dreg:$0x12] =	wrdreg s26  }
0x18: {  	s19 =	simm.s32 $0x7200;
	v0 =	vmul.u32 $0xFFFFFFFF, v3;
	s20 =	simm.s32 $0x7A00;
	s21 =	simm.s32 $0x8200  }
0x19: {  	vm0 =	vmmov $0xffff;
	s22 =	simm.s32 $0x8A00;
	s23 =	simm.s32 $0x9200;
	s25 =	simm.s32 $0xA200;
	v2 =	vshrl.u32 v3, $0x3;
	v1 =	vand.u32 $0x7, v3  }
0x1a: {  	s26 =	simm.s32 $0xAA00;
	v3 =	vor.u32 $0x8, v3;
	s3 =	ssub.s32 s3, s24;
	s24 =	simm.s32 $0x9A00;
	v2 =	vmul.u32 $0x8, v2;
	v0 =	vadd.s32 $0xF, v0  }
.LBB2_2:
0x1b: {  	s1 =	rddreg [dreg:$0x7]  }
0x1c: {  	[tilespmem:s7], [sflag:$0x2] =	stream.linear.gather [hbm4b:s1+s7], $0x1000, $0x38;
	[tilespmem:$0xD200] =	vst v63  }
0x1d: {  	_ =	swait.ge [sflag:s8], $0x1000  }
0x1e: {  	s1 =	rddreg [dreg:$0x8];
	[sflag:s8] =	ssyncset.done $0x0  }
0x1f: {  	s12 =	rddreg [dreg:$0x11];
	[sflag:s8] =	ssyncadd.s32 $0xFFFFF000  }
0x20: {  	[tilespmem:s12], [sflag:$0x2] =	stream.linear.gather [hbm4b:s1+s7], $0x1000, $0x38;
	[tilespmem:$0xD200] =	vst v63  }
0x21: {  	_ =	swait.ge [sflag:s8], $0x1000  }
0x22: {  	[sflag:s8] =	ssyncset.done $0x0  }
0x23: {  	s12 =	rddreg [dreg:$0x9];
	[sflag:s8] =	ssyncadd.s32 $0xFFFFF000  }
0x24: {  	[tilespmem:s9], [sflag:$0x2] =	stream.linear.gather [hbm4b:s12+s7], $0x80, $0x38;
	[tilespmem:$0xD200] =	vst v63  }
0x25: {  	_ =	swait.ge [sflag:s8], $0x80  }
0x26: {  	s1 =	rddreg [dreg:$0xa];
	[sflag:s8] =	ssyncset.done $0x0  }
0x27: {  	s12 =	rddreg [dreg:$0x12];
	[sflag:s8] =	ssyncadd.s32 $0xFFFFFF80  }
0x28: {  	[tilespmem:s12], [sflag:$0x2] =	stream.linear.gather [hbm4b:s1+s7], $0x80, $0x38;
	[tilespmem:$0xD200] =	vst v63  }
0x29: {  	_ =	swait.ge [sflag:s8], $0x80  }
0x2a: {  	[sflag:s8] =	ssyncset.done $0x0  }
0x2b: {  	s12 =	rddreg [dreg:$0xb];
	[sflag:s8] =	ssyncadd.s32 $0xFFFFFF80  }
0x2c: {  	[tilespmem:s10], [sflag:$0x2] =	stream.linear.gather [hbm4b:s12+s7], $0xA00, $0x38;
	[tilespmem:$0xD200] =	vst v63  }
0x2d: {  	_ =	swait.ge [sflag:s8], $0xA00  }
0x2e: {  	[sflag:s8] =	ssyncset.done $0x0  }
0x2f: {  	s12 =	rddreg [dreg:$0xc];
	[sflag:s8] =	ssyncadd.s32 $0xFFFFF600  }
0x30: {  	[tilespmem:s11], [sflag:$0x2] =	stream.linear.gather [hbm4b:s12+s7], $0xA00, $0x38;
	[tilespmem:$0xD200] =	vst v63  }
0x31: {  	_ =	swait.ge [sflag:s8], $0xA00  }
0x32: {  	[sflag:s8] =	ssyncset.done $0x0  }
0x33: {  	[sflag:s8] =	ssyncadd.s32 $0xFFFFF600  }
0x34: {  	v5 =	vld [tilespmem:$0x0]  }
0x35: {  	v6 =	vld [tilespmem:$0x1000]  }
0x36: {  	v4 =	vld [tilespmem:$0x80]  }
0x37: {  	v7 =	vld [tilespmem:$0x1080]  }
0x38: {  	v8 =	vld [tilespmem:$0x1100]  }
0x39: {  	v9 =	vld [tilespmem:$0x1180]  }
0x3a: {  	v10 =	vld [tilespmem:$0x1200]  }
0x3b: {  	v11 =	vld [tilespmem:$0x1280]  }
0x3c: {  	v12 =	vld [tilespmem:$0x1300]  }
0x3d: {  	v13 =	vld [tilespmem:$0x1380]  }
0x3e: {  	v14 =	vld [tilespmem:$0x1400]  }
0x3f: {  	v15 =	vld [tilespmem:$0x1480]  }
0x40: {  	v16 =	vld [tilespmem:$0x1500]  }
0x41: {  	v17 =	vld [tilespmem:$0x1580]  }
0x42: {  	v18 =	vld [tilespmem:$0x1600]  }
0x43: {  	v19 =	vld [tilespmem:$0x1680]  }
0x44: {  	v20 =	vld [tilespmem:$0x1700]  }
0x45: {  	v21 =	vld [tilespmem:$0x1780]  }
0x46: {  	v22 =	vld [tilespmem:$0x1800]  }
0x47: {  	v23 =	vld [tilespmem:$0x1880]  }
0x48: {  	v24 =	vld [tilespmem:$0x1900]  }
0x49: {  	v25 =	vld [tilespmem:$0x1980]  }
0x4a: {  	v28 =	vld [tilespmem:$0x180]  }
0x4b: {  	v31 =	vld [tilespmem:$0x280]  }
0x4c: {  	v32 =	vld [tilespmem:$0x380]  }
0x4d: {  	v58 =	vld [tilespmem:$0x480]  }
0x4e: {  	v62 =	vld [tilespmem:$0x580];
	v7 =	vor.u32 $0x100000, v7;
	v8 =	vor.u32 $0x200000, v8;
	v9 =	vor.u32 $0x300000, v9  }
0x4f: {  	v37 =	vld [tilespmem:$0x680];
	v10 =	vor.u32 $0x400000, v10;
	v11 =	vor.u32 $0x500000, v11;
	v12 =	vor.u32 $0x600000, v12  }
0x50: {  	v41 =	vld [tilespmem:$0x780];
	v13 =	vor.u32 $0x700000, v13;
	v14 =	vor.u32 $0x800000, v14;
	v15 =	vor.u32 $0x900000, v15  }
0x51: {  	v34 =	vld [tilespmem:$0x880];
	v16 =	vor.u32 $0xA00000, v16;
	v17 =	vor.u32 $0xB00000, v17;
	v18 =	vor.u32 $0xC00000, v18  }
0x52: {  	v26 =	vld [tilespmem:$0x1A00];
	v19 =	vor.u32 $0xD00000, v19;
	v20 =	vor.u32 $0xE00000, v20;
	v30 =	vperm.xlane v4, v0  }
0x53: {  	v27 =	vld [tilespmem:$0x1A80];
	v21 =	vor.u32 $0xF00000, v21;
	v28 =	vperm.xlane v28, v0;
	v57 =	vperm.xlane v31, v0  }
0x54: {  	v29 =	vld [tilespmem:$0x100];
	v22 =	vor.u32 $0x1000000, v22;
	v61 =	vperm.xlane v32, v0;
	v36 =	vperm.xlane v58, v0  }
0x55: {  	v53 =	vld [tilespmem:$0x1C00];
	v23 =	vor.u32 $0x1100000, v23;
	v40 =	vperm.xlane v62, v0;
	v31 =	vperm.xlane v37, v0  }
0x56: {  	v56 =	vld [tilespmem:$0x200];
	v24 =	vor.u32 $0x1200000, v24;
	v48 =	vperm.xlane v41, v0;
	v34 =	vperm.xlane v34, v0  }
0x57: {  	v60 =	vld [tilespmem:$0x400];
	v25 =	vor.u32 $0x1300000, v25;
	v7 =	vperm.xlane v7, v0;
	v9 =	vperm.xlane v9, v0  }
0x58: {  	v63 =	vld [tilespmem:$0x500];
	v4 =	vor.u32 $0x1400000, v26;
	v59 =	vperm.xlane v11, v0;
	v13 =	vperm.xlane v13, v0  }
0x59: {  	v39 =	vld [tilespmem:$0x600];
	v26 =	vor.u32 $0x1500000, v27;
	v38 =	vperm.xlane v15, v0;
	v17 =	vperm.xlane v17, v0  }
0x5a: {  	v43 =	vld [tilespmem:$0x700];
	v62 =	vor.u32 $0x1800000, v53;
	v45 =	vperm.xlane v19, v0;
	v21 =	vperm.xlane v21, v0  }
0x5b: {  	v44 =	vld [tilespmem:$0x800];
	v52 =	vperm.xlane v23, v0;
	v25 =	vperm.xlane v25, v0;
	vm1 =	veq.f32 v5, v30  }
0x5c: {  	v58 =	vld [tilespmem:$0x1E00];
	v33 =	vmax.f32 v5, v30;
	vm3 =	vgt.f32 v5, v30;
	vm4 =	vgt.f32 v29, v28  }
0x5d: {  	v11 =	vmax.f32 v29, v28;
	v32 =	vmax.f32 v56, v57;
	v42 =	vmax.f32 v60, v36  }
0x5e: {  	vm13 =	vgt.f32 v63, v40;
	v15 =	vmax.f32 v63, v40;
	vm2 =	vlt.s32 v6, v7  }
0x5f: {  	v5 =	vld [tilespmem:$0x300];
	v35 =	vmax.f32 v39, v31;
	vm14 =	vgt.f32 v43, v48;
	vm1 =	vmand vm1, vm2  }
0x60: {  	vm2 =	veq.f32 v29, v28;
	vm1 =	vmor vm3, vm1;
	vm3 =	vlt.s32 v8, v9  }
0x61: {  	v30 =	vmax.f32 v44, v34;
	v19 =	vor.u32 $0x1C00000, v58;
	vm2 =	vmand vm2, vm3  }
0x62: {  	v50 =	vld [tilespmem:$0xA80];
	v6 =	vsel vm1, v6, v7;
	vm3 =	vgt.f32 v56, v57;
	vm1 =	vmor vm4, vm2  }
0x63: {  	v55 =	vld [tilespmem:$0x1D00];
	vm2 =	vlt.s32 v10, v59;
	v8 =	vsel vm1, v8, v9;
	vm1 =	veq.f32 v56, v57  }
0x64: {  	vm12 =	vgt.f32 v5, v61;
	v9 =	vmax.f32 v43, v48;
	v57 =	vld [tilespmem:$0xB80];
	vm1 =	vmand vm1, vm2  }
0x65: {  	v47 =	vld [tilespmem:$0x980];
	vm2 =	veq.f32 v5, v61;
	vm1 =	vmor vm3, vm1;
	vm3 =	vlt.s32 v12, v13  }
0x66: {  	(xrf1) =	vsort.ascd.msk.f32 $0xffff, v33, v6;
	v5 =	vmax.f32 v5, v61;
	v61 =	vld [tilespmem:$0xB00];
	vm2 =	vmand vm2, vm3;
	v7 =	vsel vm1, v10, v59  }
0x67: {  	v51 =	vld [tilespmem:$0x1B00];
	(xrf1) =	vsort.ascd.msk.f32 $0xffff, v11, v8;
	vm3 =	vgt.f32 v60, v36;
	vm1 =	vmor vm12, vm2;
	vm2 =	vlt.s32 v14, v38  }
0x68: {  	v33 =	vor.u32 $0x1A00000, v55;
	(xrf1) =	vsort.ascd.msk.f32 $0xffff, v32, v7;
	v32 =	vld [tilespmem:$0xC80];
	v12 =	vsel vm1, v12, v13;
	vm1 =	veq.f32 v60, v36  }
0x69: {  	v36 =	vld [tilespmem:$0x1B80];
	v13 =	vperm.xlane v50, v0;
	v37 =	vperm.xlane v57, v0;
	vm1 =	vmand vm1, vm2  }
0x6a: {  	v60 =	vld [tilespmem:$0x1E80];
	vm2 =	veq.f32 v63, v40;
	vm1 =	vmor vm3, vm1;
	vm3 =	vlt.s32 v16, v17  }
0x6b: {  	v46 =	vld [tilespmem:$0x900];
	v63 =	vperm.xlane v26, v0;
	v8 =	vmax.f32 v61, v37;
	vm2 =	vmand vm2, vm3  }
0x6c: {  	v40 =	vld [tilespmem:$0x1F80];
	v10 =	vsel vm1, v14, v38;
	vm3 =	vgt.f32 v39, v31;
	vm1 =	vmor vm13, vm2  }
0x6d: {  	v54 =	vld [tilespmem:$0x1C80];
	vm2 =	vlt.s32 v18, v45;
	v7 =	vperm.xlane v32, v0;
	v16 =	vsel vm1, v16, v17  }
0x6e: {  	v38 =	vld [tilespmem:$0xD80];
	vm1 =	veq.f32 v39, v31;
	v17 =	vperm.xlane v47, v0;
	v31 =	vor.u32 $0x1600000, v51  }
0x6f: {  	v56 =	vld [tilespmem:$0x1D80];
	v59 =	vor.u32 $0x1700000, v36;
	v39 =	vor.u32 $0x1D00000, v60;
	vm1 =	vmand vm1, vm2  }
0x70: {  	v36 =	vld [tilespmem:$0x1F00];
	vm2 =	veq.f32 v43, v48;
	vm1 =	vmor vm3, vm1;
	vm3 =	vlt.s32 v20, v21  }
0x71: {  	(xrf1) =	vsort.ascd.msk.f32 $0xffff, v5, v12;
	v6 =	vperm.xlane v59, v0;
	v43 =	vld [tilespmem:$0xE80];
	v48 =	vor.u32 $0x1F00000, v40;
	vm2 =	vmand vm2, vm3  }
0x72: {  	(xrf1) =	vsort.ascd.msk.f32 $0xffff, v42, v10;
	v14 =	vsel vm1, v18, v45;
	vm3 =	vgt.f32 v44, v34;
	vm1 =	vmor vm14, vm2  }
0x73: {  	v10 =	vperm.xlane v38, v0;
	vm2 =	vlt.s32 v22, v52;
	v20 =	vsel vm1, v20, v21  }
0x74: {  	v49 =	vld [tilespmem:$0xA00];
	(xrf1) =	vsort.ascd.msk.f32 $0xffff, v15, v16;
	vm1 =	veq.f32 v44, v34;
	v21 =	vor.u32 $0x1900000, v54;
	v34 =	vor.u32 $0x1B00000, v56  }
0x75: {  	v45 =	vld [tilespmem:$0xE00];
	(xrf1) =	vsort.ascd.msk.f32 $0xffff, v35, v14;
	v42 =	vor.u32 $0x1E00000, v36;
	vm1 =	vmand vm1, vm2;
	vm2 =	veq.f32 v46, v17  }
0x76: {  	v44 =	vperm.xlane v21, v0;
	(xrf1) =	vsort.ascd.msk.f32 $0xffff, v9, v20;
	v50 =	vperm.xlane v43, v0;
	vm1 =	vmor vm3, vm1  }
0x77: {  	v9 =	vperm.xlane v48, v0;
	vm3 =	vlt.s32 v24, v25;
	v18 =	vsel vm1, v22, v52  }
0x78: {  	vm1 =	vgt.f32 v46, v17;
	vm2 =	vmand vm2, vm3;
	v17 =	vmax.f32 v46, v17  }
0x79: {  	vm3 =	vlt.s32 v4, v63;
	v46 =	vperm.xlane v34, v0;
	v52 =	vperm.xlane v39, v0  }
0x7a: {  	v5 =	vld [tilespmem:$0xC00];
	v53 =	vmax.f32 v45, v50;
	vm1 =	vmor vm1, vm2;
	vm2 =	veq.f32 v49, v13  }
0x7b: {  	v41 =	vld [tilespmem:$0xD00];
	v24 =	vsel vm1, v24, v25;
	vm1 =	vgt.f32 v49, v13;
	vm2 =	vmand vm2, vm3  }
0x7c: {  	v47 =	vld [tilespmem:$0xF80];
	vm8 =	vlt.s32 v42, v9;
	v13 =	vmax.f32 v49, v13;
	vm1 =	vmor vm1, vm2  }
0x7d: {  	vm2 =	vlt.s32 v31, v6;
	v4 =	vsel vm1, v4, v63;
	vm1 =	veq.f32 v61, v37  }
0x7e: {  	vm3 =	vgt.f32 v61, v37;
	vm15 =	vlt.s32 v33, v46;
	vm1 =	vmand vm1, vm2  }
0x7f: {  	vm2 =	veq.f32 v5, v7;
	vm1 =	vmor vm3, vm1;
	vm3 =	vlt.s32 v62, v44  }
0x80: {  	v49 =	vld [tilespmem:$0xF00];
	v6 =	vsel vm1, v31, v6;
	vm1 =	vgt.f32 v5, v7;
	v5 =	vmax.f32 v5, v7  }
0x81: {  	(xrf1) =	vsort.ascd.msk.f32 $0xffff, v30, v18;
	vm2 =	vmand vm2, vm3;
	vm3 =	veq.f32 v41, v10;
	v7 =	vperm.xlane v47, v0  }
0x82: {  	(xrf1) =	vsort.ascd.msk.f32 $0xffff, v17, v24;
	vm1 =	vmor vm1, vm2;
	vm2 =	vgt.f32 v41, v10;
	vm3 =	vmand vm3, vm15  }
0x83: {  	(xrf1) =	vsort.ascd.msk.f32 $0xffff, v13, v4;
	v10 =	vmax.f32 v41, v10;
	v4 =	vsel vm1, v62, v44;
	vm1 =	vmor vm2, vm3  }
0x84: {  	vm2 =	veq.f32 v45, v50;
	vm3 =	vlt.s32 v19, v52;
	v51 =	vsel vm1, v33, v46  }
0x85: {  	v55, v54, _ =	vpop (xrf1);
	(xrf1) =	vsort.ascd.msk.f32 $0xffff, v8, v6;
	vm1 =	vgt.f32 v45, v50;
	vm2 =	vmand vm2, vm3;
	vm3 =	veq.f32 v49, v7  }
0x86: {  	v6, v8, _ =	vpop (xrf1);
	(xrf1) =	vsort.ascd.msk.f32 $0xffff, v5, v4;
	vm1 =	vmor vm1, vm2;
	vm2 =	vgt.f32 v49, v7;
	vm3 =	vmand vm3, vm8  }
0x87: {  	(xrf1) =	vsort.ascd.msk.f32 $0xffff, v10, v51;
	v4 =	vperm.xlane v6, v0;
	v5 =	vperm.xlane v8, v0;
	vm2 =	vmor vm2, vm3  }
0x88: {  	v56, v57, _ =	vpop (xrf1);
	v7 =	vmax.f32 v49, v7;
	v58 =	vsel vm1, v19, v52;
	v9 =	vsel vm2, v42, v9  }
0x89: {  	v59, v60, _ =	vpop (xrf1);
	vm1 =	vgt.f32 v55, v4;
	vm2 =	veq.f32 v55, v4;
	vm3 =	vlt.s32 v54, v5  }
0x8a: {  	(xrf1) =	vsort.ascd.msk.f32 $0xffff, v53, v58;
	v61 =	vperm.xlane v59, v0;
	v62 =	vperm.xlane v60, v0;
	vm2 =	vmand vm2, vm3  }
0x8b: {  	v24, v63, _ =	vpop (xrf1);
	v4 =	vmax.f32 v55, v4;
	(xrf1) =	vsort.ascd.msk.f32 $0xffff, v7, v9;
	vm1 =	vmor vm1, vm2  }
0x8c: {  	vm2 =	vgt.f32 v56, v61;
	vm3 =	veq.f32 v56, v61;
	vm9 =	vlt.s32 v57, v62;
	v7, v9, _ =	vpop (xrf1)  }
0x8d: {  	vm3 =	vmand vm3, vm9;
	v7 =	vperm.xlane v7, v0;
	v9 =	vperm.xlane v9, v0  }
0x8e: {  	v6 =	vmax.f32 v56, v61;
	v5 =	vsel vm1, v54, v5;
	vm1 =	vmor vm2, vm3;
	v26, v25, _ =	vpop (xrf1)  }
0x8f: {  	v28, v27, _ =	vpop (xrf1);
	vm2 =	vgt.f32 v24, v7;
	vm3 =	veq.f32 v24, v7;
	vm10 =	vlt.s32 v63, v9  }
0x90: {  	v10 =	vperm.xlane v28, v0;
	v16 =	vperm.xlane v27, v0;
	vm3 =	vmand vm3, vm10  }
0x91: {  	v8 =	vsel vm1, v57, v62;
	v29, v18, _ =	vpop (xrf1);
	v7 =	vmax.f32 v24, v7;
	vm1 =	vmor vm2, vm3  }
0x92: {  	v30, v31, _ =	vpop (xrf1);
	vm2 =	vgt.f32 v26, v10;
	vm3 =	veq.f32 v26, v10;
	vm11 =	vlt.s32 v25, v16  }
0x93: {  	v12 =	vperm.xlane v30, v0;
	v13 =	vperm.xlane v31, v0;
	v33, v32, _ =	vpop (xrf1);
	vm3 =	vmand vm3, vm11  }
0x94: {  	(xrf1) =	vsort.ascd.msk.f32 $0xffff, v4, v5;
	v10 =	vmax.f32 v26, v10;
	v9 =	vsel vm1, v63, v9;
	v35, v34, _ =	vpop (xrf1);
	vm1 =	vmor vm2, vm3  }
0x95: {  	vm3 =	veq.f32 v29, v12;
	vm12 =	vlt.s32 v18, v13;
	v4 =	vperm.xlane v35, v0  }
0x96: {  	(xrf1) =	vsort.ascd.msk.f32 $0xffff, v6, v8;
	vm2 =	vgt.f32 v29, v12;
	v5 =	vperm.xlane v34, v0;
	v38, v37, _ =	vpop (xrf1);
	vm3 =	vmand vm3, vm12  }
0x97: {  	v12 =	vmax.f32 v29, v12;
	(xrf1) =	vsort.ascd.msk.f32 $0xffff, v7, v9;
	v36 =	vsel vm1, v25, v16;
	v39, v40, _ =	vpop (xrf1);
	vm1 =	vmor vm2, vm3  }
0x98: {  	vm2 =	vlt.s32 v32, v5;
	v41 =	vmax.f32 v33, v4;
	v14 =	vperm.xlane v39, v0  }
0x99: {  	vm3 =	vgt.f32 v33, v4;
	v13 =	vsel vm1, v18, v13;
	vm1 =	veq.f32 v33, v4;
	v4, v42, _ =	vpop (xrf1)  }
0x9a: {  	v15 =	vperm.xlane v40, v0;
	vm1 =	vmand vm1, vm2;
	(xrf1) =	vsort.ascd.msk.f32 $0xffff, v10, v36;
	vm2 =	veq.f32 v38, v14;
	v6, v10, _ =	vpop (xrf1)  }
0x9b: {  	vm1 =	vmor vm3, vm1;
	v6 =	vperm.xlane v6, v0;
	v10 =	vperm.xlane v10, v0  }
0x9c: {  	vm3 =	vlt.s32 v37, v15;
	v5 =	vsel vm1, v32, v5;
	vm1 =	vgt.f32 v38, v14  }
0x9d: {  	vm2 =	vmand vm2, vm3;
	vm3 =	veq.f32 v4, v6;
	vm13 =	vlt.s32 v42, v10  }
0x9e: {  	(xrf1) =	vsort.ascd.msk.f32 $0xffff, v12, v13;
	vm1 =	vmor vm1, vm2;
	vm2 =	vgt.f32 v4, v6;
	vm3 =	vmand vm3, vm13  }
0x9f: {  	(xrf1) =	vsort.ascd.msk.f32 $0xffff, v41, v5;
	v5 =	vmax.f32 v38, v14;
	v43 =	vsel vm1, v37, v15;
	vm1 =	vmor vm2, vm3  }
0xa0: {  	v4 =	vmax.f32 v4, v6;
	(xrf1) =	vsort.ascd.msk.f32 $0xffff, v5, v43;
	v5 =	vsel vm1, v42, v10  }
0xa1: {  	(xrf1) =	vsort.ascd.msk.f32 $0xffff, v4, v5;
	_ =	sdelay $0x4  }
0xa2: {  	v4, v5, _ =	vpop (xrf1)  }
0xa3: {  	v45, v44, _ =	vpop (xrf1)  }
0xa4: {  	v6 =	vperm.xlane v45, v0;
	v7 =	vperm.xlane v44, v0;
	v46, v47, _ =	vpop (xrf1)  }
0xa5: {  	v49, v48, _ =	vpop (xrf1)  }
0xa6: {  	vm2 =	veq.f32 v4, v6;
	vm3 =	vlt.s32 v5, v7;
	v10 =	vperm.xlane v49, v0  }
0xa7: {  	vm1 =	vgt.f32 v4, v6;
	v11 =	vperm.xlane v48, v0;
	vm2 =	vmand vm2, vm3  }
0xa8: {  	v12, v13, _ =	vpop (xrf1);
	v4 =	vmax.f32 v4, v6;
	vm1 =	vmor vm1, vm2  }
0xa9: {  	v51, v50, _ =	vpop (xrf1);
	vm2 =	vlt.s32 v47, v11;
	v5 =	vsel vm1, v5, v7;
	vm1 =	veq.f32 v46, v10  }
0xaa: {  	vm3 =	vgt.f32 v46, v10;
	v6 =	vperm.xlane v51, v0;
	v53, v52, _ =	vpop (xrf1);
	vm1 =	vmand vm1, vm2  }
0xab: {  	v54 =	vmax.f32 v46, v10;
	v14 =	vperm.xlane v50, v0;
	vm1 =	vmor vm3, vm1;
	v8, v10, _ =	vpop (xrf1)  }
0xac: {  	vm2 =	veq.f32 v12, v6;
	v8 =	vperm.xlane v8, v0;
	v10 =	vperm.xlane v10, v0  }
0xad: {  	vm3 =	vlt.s32 v13, v14;
	v9 =	vsel vm1, v47, v11;
	vm1 =	vgt.f32 v12, v6  }
0xae: {  	vm2 =	vmand vm2, vm3;
	vm3 =	veq.f32 v53, v8;
	vm14 =	vlt.s32 v52, v10  }
0xaf: {  	(xrf1) =	vsort.ascd.msk.f32 $0xffff, v4, v5;
	vm1 =	vmor vm1, vm2;
	vm2 =	vgt.f32 v53, v8;
	vm3 =	vmand vm3, vm14  }
0xb0: {  	v4 =	vmax.f32 v12, v6;
	(xrf1) =	vsort.ascd.msk.f32 $0xffff, v54, v9;
	v5 =	vsel vm1, v13, v14;
	vm1 =	vmor vm2, vm3  }
0xb1: {  	(xrf1) =	vsort.ascd.msk.f32 $0xffff, v4, v5;
	v4 =	vmax.f32 v53, v8;
	v5 =	vsel vm1, v52, v10  }
0xb2: {  	(xrf1) =	vsort.ascd.msk.f32 $0xffff, v4, v5;
	_ =	sdelay $0xa  }
0xb3: {  	v4, v5, _ =	vpop (xrf1)  }
0xb4: {  	v55, v56, _ =	vpop (xrf1)  }
0xb5: {  	v58, v57, _ =	vpop (xrf1)  }
0xb6: {  	v6 =	vperm.xlane v55, v0;
	v7 =	vperm.xlane v56, v0;
	v60, v59, _ =	vpop (xrf1)  }
0xb7: {  	v10 =	vperm.xlane v60, v0;
	v11 =	vperm.xlane v59, v0  }
0xb8: {  	vm1 =	vgt.f32 v4, v6;
	vm2 =	veq.f32 v4, v6;
	vm3 =	vlt.s32 v5, v7  }
0xb9: {  	vm2 =	vmand vm2, vm3;
	vm3 =	veq.f32 v58, v10;
	vm15 =	vlt.s32 v57, v11  }
0xba: {  	vm1 =	vmor vm1, vm2;
	vm2 =	vmand vm3, vm15;
	vm3 =	vgt.f32 v58, v10  }
0xbb: {  	v4 =	vmax.f32 v4, v6;
	v5 =	vsel vm1, v5, v7;
	vm1 =	vmor vm3, vm2  }
0xbc: {  	(xrf1) =	vsort.ascd.msk.f32 $0xffff, v4, v5;
	v4 =	vmax.f32 v58, v10;
	v5 =	vsel vm1, v57, v11  }
0xbd: {  	(xrf1) =	vsort.ascd.msk.f32 $0xffff, v4, v5;
	_ =	sdelay $0xc  }
0xbe: {  	v4, v5, _ =	vpop (xrf1)  }
0xbf: {  	v61, v62, _ =	vpop (xrf1)  }
0xc0: {  	v6 =	vperm.xlane v61, v0;
	v7 =	vperm.xlane v62, v0;
	_ =	sdelay $0x1  }
0xc1: {  	vm1 =	veq.f32 v4, v6;
	vm2 =	vlt.s32 v5, v7  }
0xc2: {  	vm3 =	vgt.f32 v4, v6;
	vm1 =	vmand vm1, vm2  }
0xc3: {  	vm1 =	vmor vm3, vm1  }
0xc4: {  	v4 =	vmax.f32 v4, v6;
	v5 =	vsel vm1, v5, v7  }
0xc5: {  	(xrf1) =	vsort.ascd.msk.f32 $0xffff, v4, v5;
	_ =	sdelay $0xd  }
0xc6: {  	v4, v5, _ =	vpop (xrf1)  }
0xc7: {  	v5 =	vxor.u32 $0x80000000, v5  }
0xc8: {  	(xrf1) =	vsort.ascd.msk.u32 $0xffff, v5, v4;
	_ =	sdelay $0xd  }
0xc9: {  	v4, v5, _ =	vpop (xrf1)  }
0xca: {  	v4 =	vxor.u32 $0x80000000, v4  }
0xcb: {  	(xrf1) =	vsort.dscd.msk.f32 $0xffff, v5, v4;
	_ =	sdelay $0xd  }
0xcc: {  	v63, v5, _ =	vpop (xrf1)  }
0xcd: {  	s12 =	simm.s32 $0x5100;
	s1 =	rddreg [dreg:$0xf];
	[tilespmem:$0x5100] =	vst v63  }
0xce: {  	[hbm4b:s1+s7] =	stream.linear.scatter [tilespmem:s12], [sflag:$0x2], $0x80, $0x38;
	[tilespmem:$0xD200] =	vst v63  }
0xcf: {  	v4 =	vshrl.u32 v5, $0x15;
	_ =	swait.ge [sflag:s8], $0x80  }
0xd0: {  	[sflag:s8] =	ssyncset.done $0x0  }
0xd1: {  	[sflag:s8] =	ssyncadd.s32 $0xFFFFFF80  }
0xd2: {  	v6 =	vld [tilespmem:$0x2080]  }
0xd3: {  	v14 =	vld [tilespmem:$0x2100]  }
0xd4: {  	v15 =	vld.idx.msk [tilespmem:v4+s10+$0x0], $0xffff;
	_ =	sdelay $0x3  }
0xd5: {  	vm1 =	vgt.s32 v6, $0x0  }
0xd6: {  	v7 =	vand.u32 $0xFFFFF, v5;
	vm2 =	veq.s32 v6, $0x0;
	v9 =	vsel vm1, v15, v14  }
0xd7: {  	v16 =	vld.idx.msk [tilespmem:v4+s9+$0x0], $0xffff;
	v9 =	vsel vm2, v7, v9  }
0xd8: {  	v17 =	vld [tilespmem:$0x2D00];
	[tilespmem:$0x3900] =	vst v9  }
0xd9: {  	v18 =	vld.idx.msk [tilespmem:v4+s11+$0x0], $0xffff;
	_ =	sdelay $0x2  }
0xda: {  	v19 =	vadd.s32 $0x80, v4  }
0xdb: {  	v8 =	vsub.f32 v63, v16  }
0xdc: {  	v9 =	vsel vm1, v18, v17  }
0xdd: {  	v9 =	vsel vm2, v8, v9  }
0xde: {  	v20 =	vld [tilespmem:$0x2180];
	[tilespmem:$0x4500] =	vst v9  }
0xdf: {  	v21 =	vld.idx.msk [tilespmem:v19+s10+$0x0], $0xffff;
	_ =	sdelay $0x3  }
0xe0: {  	vm1 =	vgt.s32 v6, $0x1  }
0xe1: {  	vm2 =	veq.s32 v6, $0x1;
	v9 =	vsel vm1, v21, v20  }
0xe2: {  	v9 =	vsel vm2, v7, v9  }
0xe3: {  	v22 =	vld [tilespmem:$0x2D80];
	[tilespmem:$0x3980] =	vst v9  }
0xe4: {  	v23 =	vld.idx.msk [tilespmem:v19+s11+$0x0], $0xffff;
	_ =	sdelay $0x2  }
0xe5: {  	v24 =	vadd.s32 $0x100, v4;
	_ =	sdelay $0x1  }
0xe6: {  	v9 =	vsel vm1, v23, v22  }
0xe7: {  	v9 =	vsel vm2, v8, v9  }
0xe8: {  	v25 =	vld [tilespmem:$0x2200];
	[tilespmem:$0x4580] =	vst v9  }
0xe9: {  	v26 =	vld.idx.msk [tilespmem:v24+s10+$0x0], $0xffff;
	_ =	sdelay $0x3  }
0xea: {  	vm1 =	vgt.s32 v6, $0x2  }
0xeb: {  	vm2 =	veq.s32 v6, $0x2;
	v9 =	vsel vm1, v26, v25  }
0xec: {  	v9 =	vsel vm2, v7, v9  }
0xed: {  	v27 =	vld [tilespmem:$0x2E00];
	[tilespmem:$0x3A00] =	vst v9  }
0xee: {  	v28 =	vld.idx.msk [tilespmem:v24+s11+$0x0], $0xffff;
	_ =	sdelay $0x2  }
0xef: {  	v29 =	vadd.s32 $0x180, v4;
	_ =	sdelay $0x1  }
0xf0: {  	v9 =	vsel vm1, v28, v27  }
0xf1: {  	v9 =	vsel vm2, v8, v9  }
0xf2: {  	v30 =	vld [tilespmem:$0x2280];
	[tilespmem:$0x4600] =	vst v9  }
0xf3: {  	v31 =	vld.idx.msk [tilespmem:v29+s10+$0x0], $0xffff;
	_ =	sdelay $0x3  }
0xf4: {  	vm1 =	vgt.s32 v6, $0x3  }
0xf5: {  	vm2 =	veq.s32 v6, $0x3;
	v9 =	vsel vm1, v31, v30  }
0xf6: {  	v9 =	vsel vm2, v7, v9  }
0xf7: {  	v32 =	vld [tilespmem:$0x2E80];
	[tilespmem:$0x3A80] =	vst v9  }
0xf8: {  	v33 =	vld.idx.msk [tilespmem:v29+s11+$0x0], $0xffff;
	_ =	sdelay $0x2  }
0xf9: {  	v34 =	vadd.s32 $0x200, v4;
	_ =	sdelay $0x1  }
0xfa: {  	v9 =	vsel vm1, v33, v32  }
0xfb: {  	v9 =	vsel vm2, v8, v9  }
0xfc: {  	v35 =	vld [tilespmem:$0x2300];
	[tilespmem:$0x4680] =	vst v9  }
0xfd: {  	v36 =	vld.idx.msk [tilespmem:v34+s10+$0x0], $0xffff;
	_ =	sdelay $0x3  }
0xfe: {  	vm1 =	vgt.s32 v6, $0x4  }
0xff: {  	vm2 =	veq.s32 v6, $0x4;
	v9 =	vsel vm1, v36, v35  }
0x100: {  	v9 =	vsel vm2, v7, v9  }
0x101: {  	v37 =	vld [tilespmem:$0x2F00];
	[tilespmem:$0x3B00] =	vst v9  }
0x102: {  	v38 =	vld.idx.msk [tilespmem:v34+s11+$0x0], $0xffff;
	_ =	sdelay $0x2  }
0x103: {  	v39 =	vadd.s32 $0x280, v4;
	_ =	sdelay $0x1  }
0x104: {  	v9 =	vsel vm1, v38, v37  }
0x105: {  	v9 =	vsel vm2, v8, v9  }
0x106: {  	v40 =	vld [tilespmem:$0x2380];
	[tilespmem:$0x4700] =	vst v9  }
0x107: {  	v41 =	vld.idx.msk [tilespmem:v39+s10+$0x0], $0xffff;
	_ =	sdelay $0x3  }
0x108: {  	vm1 =	vgt.s32 v6, $0x5  }
0x109: {  	vm2 =	veq.s32 v6, $0x5;
	v9 =	vsel vm1, v41, v40  }
0x10a: {  	v9 =	vsel vm2, v7, v9  }
0x10b: {  	v42 =	vld [tilespmem:$0x2F80];
	[tilespmem:$0x3B80] =	vst v9  }
0x10c: {  	v43 =	vld.idx.msk [tilespmem:v39+s11+$0x0], $0xffff;
	_ =	sdelay $0x2  }
0x10d: {  	v44 =	vadd.s32 $0x300, v4;
	_ =	sdelay $0x1  }
0x10e: {  	v9 =	vsel vm1, v43, v42  }
0x10f: {  	v9 =	vsel vm2, v8, v9  }
0x110: {  	v45 =	vld [tilespmem:$0x2400];
	[tilespmem:$0x4780] =	vst v9  }
0x111: {  	v46 =	vld.idx.msk [tilespmem:v44+s10+$0x0], $0xffff;
	_ =	sdelay $0x3  }
0x112: {  	vm1 =	vgt.s32 v6, $0x6  }
0x113: {  	vm2 =	veq.s32 v6, $0x6;
	v9 =	vsel vm1, v46, v45  }
0x114: {  	v9 =	vsel vm2, v7, v9  }
0x115: {  	v47 =	vld [tilespmem:$0x3000];
	[tilespmem:$0x3C00] =	vst v9  }
0x116: {  	v48 =	vld.idx.msk [tilespmem:v44+s11+$0x0], $0xffff;
	_ =	sdelay $0x2  }
0x117: {  	v49 =	vadd.s32 $0x380, v4;
	_ =	sdelay $0x1  }
0x118: {  	v9 =	vsel vm1, v48, v47  }
0x119: {  	v9 =	vsel vm2, v8, v9  }
0x11a: {  	v50 =	vld [tilespmem:$0x2480];
	[tilespmem:$0x4800] =	vst v9  }
0x11b: {  	v51 =	vld.idx.msk [tilespmem:v49+s10+$0x0], $0xffff;
	_ =	sdelay $0x3  }
0x11c: {  	vm1 =	vgt.s32 v6, $0x7  }
0x11d: {  	vm2 =	veq.s32 v6, $0x7;
	v9 =	vsel vm1, v51, v50  }
0x11e: {  	v9 =	vsel vm2, v7, v9  }
0x11f: {  	v52 =	vld [tilespmem:$0x3080];
	[tilespmem:$0x3C80] =	vst v9  }
0x120: {  	v53 =	vld.idx.msk [tilespmem:v49+s11+$0x0], $0xffff;
	_ =	sdelay $0x2  }
0x121: {  	v54 =	vadd.s32 $0x400, v4;
	_ =	sdelay $0x1  }
0x122: {  	v9 =	vsel vm1, v53, v52  }
0x123: {  	v9 =	vsel vm2, v8, v9  }
0x124: {  	v55 =	vld [tilespmem:$0x2500];
	[tilespmem:$0x4880] =	vst v9  }
0x125: {  	v56 =	vld.idx.msk [tilespmem:v54+s10+$0x0], $0xffff;
	_ =	sdelay $0x3  }
0x126: {  	vm1 =	vgt.s32 v6, $0x8  }
0x127: {  	vm2 =	veq.s32 v6, $0x8;
	v9 =	vsel vm1, v56, v55  }
0x128: {  	v9 =	vsel vm2, v7, v9  }
0x129: {  	v57 =	vld [tilespmem:$0x3100];
	[tilespmem:$0x3D00] =	vst v9  }
0x12a: {  	v58 =	vld.idx.msk [tilespmem:v54+s11+$0x0], $0xffff;
	_ =	sdelay $0x2  }
0x12b: {  	v59 =	vadd.s32 $0x480, v4;
	_ =	sdelay $0x1  }
0x12c: {  	v9 =	vsel vm1, v58, v57  }
0x12d: {  	v9 =	vsel vm2, v8, v9  }
0x12e: {  	v60 =	vld [tilespmem:$0x2580];
	[tilespmem:$0x4900] =	vst v9  }
0x12f: {  	v61 =	vld.idx.msk [tilespmem:v59+s10+$0x0], $0xffff;
	_ =	sdelay $0x3  }
0x130: {  	vm1 =	vgt.s32 v6, $0x9  }
0x131: {  	vm2 =	veq.s32 v6, $0x9;
	v9 =	vsel vm1, v61, v60  }
0x132: {  	v9 =	vsel vm2, v7, v9  }
0x133: {  	v62 =	vld [tilespmem:$0x3180];
	[tilespmem:$0x3D80] =	vst v9  }
0x134: {  	v63 =	vld.idx.msk [tilespmem:v59+s11+$0x0], $0xffff;
	_ =	sdelay $0x2  }
0x135: {  	v12 =	vadd.s32 $0x500, v4;
	_ =	sdelay $0x1  }
0x136: {  	v9 =	vsel vm1, v63, v62  }
0x137: {  	v9 =	vsel vm2, v8, v9  }
0x138: {  	v13 =	vld [tilespmem:$0x2600];
	[tilespmem:$0x4980] =	vst v9  }
0x139: {  	v14 =	vld.idx.msk [tilespmem:v12+s10+$0x0], $0xffff;
	_ =	sdelay $0x3  }
0x13a: {  	vm1 =	vgt.s32 v6, $0xA  }
0x13b: {  	vm2 =	veq.s32 v6, $0xA;
	v9 =	vsel vm1, v14, v13  }
0x13c: {  	v9 =	vsel vm2, v7, v9  }
0x13d: {  	v15 =	vld [tilespmem:$0x3200];
	[tilespmem:$0x3E00] =	vst v9  }
0x13e: {  	v16 =	vld.idx.msk [tilespmem:v12+s11+$0x0], $0xffff;
	_ =	sdelay $0x2  }
0x13f: {  	v17 =	vadd.s32 $0x580, v4;
	_ =	sdelay $0x1  }
0x140: {  	v9 =	vsel vm1, v16, v15  }
0x141: {  	v9 =	vsel vm2, v8, v9  }
0x142: {  	v18 =	vld [tilespmem:$0x2680];
	[tilespmem:$0x4A00] =	vst v9  }
0x143: {  	v19 =	vld.idx.msk [tilespmem:v17+s10+$0x0], $0xffff;
	_ =	sdelay $0x3  }
0x144: {  	vm1 =	vgt.s32 v6, $0xB  }
0x145: {  	vm2 =	veq.s32 v6, $0xB;
	v9 =	vsel vm1, v19, v18  }
0x146: {  	v9 =	vsel vm2, v7, v9  }
0x147: {  	v20 =	vld [tilespmem:$0x3280];
	[tilespmem:$0x3E80] =	vst v9  }
0x148: {  	v21 =	vld.idx.msk [tilespmem:v17+s11+$0x0], $0xffff;
	_ =	sdelay $0x2  }
0x149: {  	v22 =	vadd.s32 $0x600, v4;
	_ =	sdelay $0x1  }
0x14a: {  	v9 =	vsel vm1, v21, v20  }
0x14b: {  	v9 =	vsel vm2, v8, v9  }
0x14c: {  	v23 =	vld [tilespmem:$0x2700];
	[tilespmem:$0x4A80] =	vst v9  }
0x14d: {  	v24 =	vld.idx.msk [tilespmem:v22+s10+$0x0], $0xffff;
	_ =	sdelay $0x3  }
0x14e: {  	vm1 =	vgt.s32 v6, $0xC  }
0x14f: {  	vm2 =	veq.s32 v6, $0xC;
	v9 =	vsel vm1, v24, v23  }
0x150: {  	v9 =	vsel vm2, v7, v9  }
0x151: {  	v25 =	vld [tilespmem:$0x3300];
	[tilespmem:$0x3F00] =	vst v9  }
0x152: {  	v26 =	vld.idx.msk [tilespmem:v22+s11+$0x0], $0xffff;
	_ =	sdelay $0x2  }
0x153: {  	v27 =	vadd.s32 $0x680, v4;
	_ =	sdelay $0x1  }
0x154: {  	v9 =	vsel vm1, v26, v25  }
0x155: {  	v9 =	vsel vm2, v8, v9  }
0x156: {  	v28 =	vld [tilespmem:$0x2780];
	[tilespmem:$0x4B00] =	vst v9  }
0x157: {  	v29 =	vld.idx.msk [tilespmem:v27+s10+$0x0], $0xffff;
	_ =	sdelay $0x3  }
0x158: {  	vm1 =	vgt.s32 v6, $0xD  }
0x159: {  	vm2 =	veq.s32 v6, $0xD;
	v9 =	vsel vm1, v29, v28  }
0x15a: {  	v9 =	vsel vm2, v7, v9  }
0x15b: {  	v30 =	vld [tilespmem:$0x3380];
	[tilespmem:$0x3F80] =	vst v9  }
0x15c: {  	v31 =	vld.idx.msk [tilespmem:v27+s11+$0x0], $0xffff;
	_ =	sdelay $0x2  }
0x15d: {  	v32 =	vadd.s32 $0x700, v4;
	_ =	sdelay $0x1  }
0x15e: {  	v9 =	vsel vm1, v31, v30  }
0x15f: {  	v9 =	vsel vm2, v8, v9  }
0x160: {  	v33 =	vld [tilespmem:$0x2800];
	[tilespmem:$0x4B80] =	vst v9  }
0x161: {  	v34 =	vld.idx.msk [tilespmem:v32+s10+$0x0], $0xffff;
	_ =	sdelay $0x3  }
0x162: {  	vm1 =	vgt.s32 v6, $0xE  }
0x163: {  	vm2 =	veq.s32 v6, $0xE;
	v9 =	vsel vm1, v34, v33  }
0x164: {  	v9 =	vsel vm2, v7, v9  }
0x165: {  	v35 =	vld [tilespmem:$0x3400];
	[tilespmem:$0x4000] =	vst v9  }
0x166: {  	v36 =	vld.idx.msk [tilespmem:v32+s11+$0x0], $0xffff;
	_ =	sdelay $0x2  }
0x167: {  	v37 =	vadd.s32 $0x780, v4;
	_ =	sdelay $0x1  }
0x168: {  	v9 =	vsel vm1, v36, v35  }
0x169: {  	v9 =	vsel vm2, v8, v9  }
0x16a: {  	v38 =	vld [tilespmem:$0x2880];
	[tilespmem:$0x4C00] =	vst v9  }
0x16b: {  	v39 =	vld.idx.msk [tilespmem:v37+s10+$0x0], $0xffff;
	_ =	sdelay $0x3  }
0x16c: {  	vm1 =	vgt.s32 v6, $0xF  }
0x16d: {  	vm2 =	veq.s32 v6, $0xF;
	v9 =	vsel vm1, v39, v38  }
0x16e: {  	v9 =	vsel vm2, v7, v9  }
0x16f: {  	v40 =	vld [tilespmem:$0x3480];
	[tilespmem:$0x4080] =	vst v9  }
0x170: {  	v41 =	vld.idx.msk [tilespmem:v37+s11+$0x0], $0xffff;
	_ =	sdelay $0x2  }
0x171: {  	v42 =	vor.u32 $0x800, v4;
	_ =	sdelay $0x1  }
0x172: {  	v9 =	vsel vm1, v41, v40  }
0x173: {  	v9 =	vsel vm2, v8, v9  }
0x174: {  	v43 =	vld [tilespmem:$0x2900];
	[tilespmem:$0x4C80] =	vst v9  }
0x175: {  	v44 =	vld.idx.msk [tilespmem:v42+s10+$0x0], $0xffff;
	_ =	sdelay $0x3  }
0x176: {  	vm1 =	vgt.s32 v6, $0x10  }
0x177: {  	vm2 =	veq.s32 v6, $0x10;
	v9 =	vsel vm1, v44, v43  }
0x178: {  	v9 =	vsel vm2, v7, v9  }
0x179: {  	v45 =	vld [tilespmem:$0x3500];
	[tilespmem:$0x4100] =	vst v9  }
0x17a: {  	v46 =	vld.idx.msk [tilespmem:v42+s11+$0x0], $0xffff;
	_ =	sdelay $0x2  }
0x17b: {  	v47 =	vadd.s32 $0x880, v4;
	_ =	sdelay $0x1  }
0x17c: {  	v9 =	vsel vm1, v46, v45  }
0x17d: {  	v9 =	vsel vm2, v8, v9  }
0x17e: {  	v48 =	vld [tilespmem:$0x2980];
	[tilespmem:$0x4D00] =	vst v9  }
0x17f: {  	v49 =	vld.idx.msk [tilespmem:v47+s10+$0x0], $0xffff;
	_ =	sdelay $0x3  }
0x180: {  	vm1 =	vgt.s32 v6, $0x11  }
0x181: {  	vm2 =	veq.s32 v6, $0x11;
	v9 =	vsel vm1, v49, v48  }
0x182: {  	v9 =	vsel vm2, v7, v9  }
0x183: {  	v50 =	vld [tilespmem:$0x3580];
	[tilespmem:$0x4180] =	vst v9  }
0x184: {  	v51 =	vld.idx.msk [tilespmem:v47+s11+$0x0], $0xffff;
	_ =	sdelay $0x2  }
0x185: {  	v52 =	vadd.s32 $0x900, v4;
	_ =	sdelay $0x1  }
0x186: {  	v9 =	vsel vm1, v51, v50  }
0x187: {  	v9 =	vsel vm2, v8, v9  }
0x188: {  	v53 =	vld [tilespmem:$0x2A00];
	[tilespmem:$0x4D80] =	vst v9  }
0x189: {  	v54 =	vld.idx.msk [tilespmem:v52+s10+$0x0], $0xffff;
	_ =	sdelay $0x3  }
0x18a: {  	vm1 =	vgt.s32 v6, $0x12  }
0x18b: {  	vm2 =	veq.s32 v6, $0x12;
	v9 =	vsel vm1, v54, v53  }
0x18c: {  	v9 =	vsel vm2, v7, v9  }
0x18d: {  	v55 =	vld [tilespmem:$0x3600];
	[tilespmem:$0x4200] =	vst v9  }
0x18e: {  	v56 =	vld.idx.msk [tilespmem:v52+s11+$0x0], $0xffff;
	_ =	sdelay $0x2  }
0x18f: {  	v57 =	vadd.s32 $0x980, v4;
	_ =	sdelay $0x1  }
0x190: {  	v9 =	vsel vm1, v56, v55  }
0x191: {  	v9 =	vsel vm2, v8, v9  }
0x192: {  	v58 =	vld [tilespmem:$0x2A80];
	[tilespmem:$0x4E00] =	vst v9  }
0x193: {  	v59 =	vld.idx.msk [tilespmem:v57+s10+$0x0], $0xffff;
	_ =	sdelay $0x3  }
0x194: {  	vm1 =	vgt.s32 v6, $0x13  }
0x195: {  	vm2 =	veq.s32 v6, $0x13;
	v60 =	vsel vm1, v59, v58  }
0x196: {  	v6 =	vsel vm2, v7, v60  }
0x197: {  	v61 =	vld [tilespmem:$0x3680];
	[tilespmem:$0x4280] =	vst v6  }
0x198: {  	v62 =	vld.idx.msk [tilespmem:v57+s11+$0x0], $0xffff;
	_ =	sdelay $0x4  }
0x199: {  	v6 =	vsel vm1, v62, v61  }
0x19a: {  	v6 =	vsel vm2, v8, v6  }
0x19b: {  	s12 =	rddreg [dreg:$0xd];
	[tilespmem:$0x4E80] =	vst v6  }
0x19c: {  	v5 =	vshrl.u32 v5, $0x12;
	[hbm4b:s12+s7] =	stream.linear.scatter [tilespmem:s13], [sflag:$0x2], $0xA00, $0x38;
	[tilespmem:$0xD200] =	vst v63  }
0x19d: {  	v5 =	vand.u32 $0x3FC0, v5;
	v63 =	vand.u32 $0x7, v4;
	_ =	swait.ge [sflag:s8], $0xA00  }
0x19e: {  	v5 =	vor.u32 v63, v5;
	[sflag:s8] =	ssyncset.done $0x0  }
0x19f: {  	v6 =	vperm.xlane v5, v1;
	s12 =	rddreg [dreg:$0xe];
	[sflag:s8] =	ssyncadd.s32 $0xFFFFF600  }
0x1a0: {  	[hbm4b:s12+s7] =	stream.linear.scatter [tilespmem:s14], [sflag:$0x2], $0xA00, $0x38;
	[tilespmem:$0xD200] =	vst v63  }
0x1a1: {  	v6 =	vadd.s32 v2, v6;
	_ =	swait.ge [sflag:s8], $0xA00  }
0x1a2: {  	[sflag:s8] =	ssyncset.done $0x0  }
0x1a3: {  	[sflag:s8] =	ssyncadd.s32 $0xFFFFF600  }
0x1a4: {  	[tilespmem:$0x5180] =	vst v4;
	v4 =	vadd.s32 $0x10, v4  }
0x1a5: {  	[tilespmem:$0x5190] =	vst v4  }
0x1a6: {  	[tilespmem:s15], [sflag:$0x1] =	stream.indirect_vreg.gather [hbm4b:s0+s7], $0x80, v6, vm0, $0xb8;
	[tilespmem:$0xD200] =	vst v63  }
0x1a7: {  	v4 =	vperm.xlane v5, v3  }
0x1a8: {  	[tilespmem:s16], [sflag:$0x1] =	stream.indirect_vreg.gather [hbm4b:s4+s7], $0x80, v6, vm0, $0xb8;
	[tilespmem:$0xD200] =	vst v63  }
0x1a9: {  	v4 =	vadd.s32 v2, v4  }
0x1aa: {  	[tilespmem:s17], [sflag:$0x1] =	stream.indirect_vreg.gather [hbm4b:s5+s7], $0x80, v6, vm0, $0xb8;
	[tilespmem:$0xD200] =	vst v63  }
0x1ab: {  	_ = 	snop  }
0x1ac: {  	[tilespmem:s18], [sflag:$0x1] =	stream.indirect_vreg.gather [hbm4b:s6+s7], $0x80, v6, vm0, $0xb8;
	[tilespmem:$0xD200] =	vst v63  }
0x1ad: {  	_ = 	snop  }
0x1ae: {  	[tilespmem:s19], [sflag:$0x1] =	stream.indirect_vreg.gather [hbm4b:s0+s7], $0x80, v4, vm0, $0xb8;
	[tilespmem:$0xD200] =	vst v63  }
0x1af: {  	_ = 	snop  }
0x1b0: {  	[tilespmem:s20], [sflag:$0x1] =	stream.indirect_vreg.gather [hbm4b:s4+s7], $0x80, v4, vm0, $0xb8;
	[tilespmem:$0xD200] =	vst v63  }
0x1b1: {  	_ = 	snop  }
0x1b2: {  	[tilespmem:s21], [sflag:$0x1] =	stream.indirect_vreg.gather [hbm4b:s5+s7], $0x80, v4, vm0, $0xb8;
	[tilespmem:$0xD200] =	vst v63  }
0x1b3: {  	_ = 	snop  }
0x1b4: {  	[tilespmem:s22], [sflag:$0x1] =	stream.indirect_vreg.gather [hbm4b:s6+s7], $0x80, v4, vm0, $0xb8;
	[tilespmem:$0xD200] =	vst v63  }
0x1b5: {  	v4 =	vld [tilespmem:$0x5190];
	_ =	sdelay $0x4  }
0x1b6: {  	v5 =	vshll.u32 v4, $0x3  }
0x1b7: {  	v4 =	vand.u32 $0x7, v4;
	v5 =	vand.u32 $0xFFFFFFC0, v5  }
0x1b8: {  	v4 =	vor.u32 v4, v5  }
0x1b9: {  	v5 =	vperm.xlane v4, v1;
	_ =	sdelay $0x1  }
0x1ba: {  	v5 =	vadd.s32 v2, v5;
	_ =	sdelay $0x4  }
0x1bb: {  	[tilespmem:s23], [sflag:$0x1] =	stream.indirect_vreg.gather [hbm4b:s0+s7], $0x80, v5, vm0, $0xb8;
	[tilespmem:$0xD200] =	vst v63  }
0x1bc: {  	v4 =	vperm.xlane v4, v3  }
0x1bd: {  	[tilespmem:s24], [sflag:$0x1] =	stream.indirect_vreg.gather [hbm4b:s4+s7], $0x80, v5, vm0, $0xb8;
	[tilespmem:$0xD200] =	vst v63  }
0x1be: {  	v4 =	vadd.s32 v2, v4  }
0x1bf: {  	[tilespmem:s25], [sflag:$0x1] =	stream.indirect_vreg.gather [hbm4b:s5+s7], $0x80, v5, vm0, $0xb8;
	[tilespmem:$0xD200] =	vst v63  }
0x1c0: {  	_ = 	snop  }
0x1c1: {  	[tilespmem:s26], [sflag:$0x1] =	stream.indirect_vreg.gather [hbm4b:s6+s7], $0x80, v5, vm0, $0xb8;
	[tilespmem:$0xD200] =	vst v63  }
0x1c2: {  	_ = 	snop  }
0x1c3: {  	[tilespmem:s28], [sflag:$0x1] =	stream.indirect_vreg.gather [hbm4b:s0+s7], $0x80, v4, vm0, $0xb8;
	[tilespmem:$0xD200] =	vst v63  }
0x1c4: {  	_ = 	snop  }
0x1c5: {  	[tilespmem:s29], [sflag:$0x1] =	stream.indirect_vreg.gather [hbm4b:s4+s7], $0x80, v4, vm0, $0xb8;
	[tilespmem:$0xD200] =	vst v63  }
0x1c6: {  	_ = 	snop  }
0x1c7: {  	[tilespmem:s30], [sflag:$0x1] =	stream.indirect_vreg.gather [hbm4b:s5+s7], $0x80, v4, vm0, $0xb8;
	[tilespmem:$0xD200] =	vst v63  }
0x1c8: {  	_ = 	snop  }
0x1c9: {  	[tilespmem:s31], [sflag:$0x1] =	stream.indirect_vreg.gather [hbm4b:s6+s7], $0x80, v4, vm0, $0xb8;
	[tilespmem:$0xD200] =	vst v63  }
0x1ca: {  	_ =	swait.ge [sflag:s2], $0x8000  }
0x1cb: {  	p0 =	sne.s32 s3, $0x1;
	[sflag:s2] =	ssyncset.done $0x0  }
.Ltmp1:
0x1cc: {  	s12 =	rddreg [dreg:$0x10];
	[sflag:s2] =	ssyncadd.s32 $0xFFFF8000;
	(pc) =	sbr.rel @p0 .LBB2_2-.Ltmp1, $4  }
0x1cd: {  	[hbm4b:s12+s7] =	stream.linear.scatter [tilespmem:s15], [sflag:$0x2], $0x8000, $0x38;
	[tilespmem:$0xD200] =	vst v63  }
0x1ce: {  	_ =	swait.ge [sflag:s8], $0x8000  }
0x1cf: {  	[sflag:s8] =	ssyncset.done $0x0  }
0x1d0: {  	s3 =	sadd.s32 $0xFFFFFFFF, s3;
	[sflag:s8] =	ssyncadd.s32 $0xFFFF8000  }
.LBB2_3:
0x1d1: {  	_ =	sfence.sel $0x180000  }
0x1d2: {  	[bflag:$0x0] =	sbarrier.arrive $0xFFFF  }
0x1d3: {  	_ =	strace $0x9000004D  }
0x1d4: {  	s0 =	stileid.u32;
	[bflag:$0x2] =	sbarrier.arrive $0xFFFF  }
0x1d5: {  	p0 =	sne.s32 s0, $0x0;
	s0 =	rddreg [dreg:$0x6]  }
0x1d6: {  	s0 =	sadd.s32 @!p0 $0x100000, s0  }
0x1d7: {  	[sflag:s0] =	ssyncadd.tile.s32 @!p0 $0x1;
	_ =	shalt  }
.Lfunc_end2:
_tile_overlayer_lowered:
.L_overlay_start_2:
0x1d8: {  	(tag) =	ssettag $0x2  }
0x1d9: {  	s0 =	rddreg [dreg:$0x0];
	s2 =	stileid.u32  }
0x1da: {  	s1 =	rddreg [dreg:$0x1];
	p0 =	sne.s32 s2, $0x0  }
0x1db: {  	s3 =	rddreg [dreg:$0x2];
	[bflag:$0x3] =	sbarrier.arrive $0xFFFF;
	s2 =	simm.s32 @!p0 $0x1C02  }
0x1dc: {  	[timem:s3], [sflag:s2] =	dma.local @!p0 [hbm:s0], s1  }
0x1dd: {  	s0 =	simm.s32 @!p0 $0x2  }
0x1de: {  	_ =	swait.ge @!p0 [sflag:s0], s1  }
0x1df: {  	s1 =	ssub.s32 @!p0 $0x0, s1;
	[sflag:s0] =	ssyncset.done @!p0 $0x0  }
0x1e0: {  	[sflag:s0] =	ssyncadd.s32 @!p0 s1  }
0x1e1: {  	[bflag:$0x3] =	sbarrier.arrive $0xFFFF  }
0x1e2: {  	_ =	shalt  }

// kernel: sparse-core-data-format-call.cloned.1.call-start
scs
called_computation_lowered:
.L_overlay_start_0:
0x0: {  	s1 =	sld [smem:$0x3FD9]  }
0x1: {  	s2 =	sld [smem:$0x3FFE];
	_ =	sdelay $0x1  }
0x2: {  	s3 =	srdreg.scid  }
0x3: {  	s0 =	sand.u32 $0x1, s3  }
0x4: {  	s17 =	sshll.u32 s0, $0xA;
	s1 =	sadd.s32 s2, s1  }
0x5: {  	s1 =	sadd.s32 s1, s17  }
0x6: {  	[smem:$0x3FC2] =	sst s1  }
0x7: {  	_ = 	snop  }
0x8: {  	(tm) =	ssettm $0x1  }
0x9: {  	s18 =	sld [smem:$0x3FFB];
	_ =	sdelay $0x3  }
0xa: {  	_ =	strace s18  }
0xb: {  	s1 =	sld [smem:$0x3FFC];
	_ =	sdelay $0x3  }
0xc: {  	_ =	strace s1  }
0xd: {  	s1 =	sld [smem:$0x3FFD];
	_ =	sdelay $0x3  }
0xe: {  	_ =	strace s1  }
0xf: {  	_ =	strace $0x8FFFFFFF  }
0x10: {  	s19 =	sld [smem:$0x3FDB];
	_ =	sdelay $0x1  }
0x11: {  	s20 =	simm.s32 $_scs_section_size  }
0x12: {  	s4 =	simm.s32 $_size__tile_overlayer_lowered;
	s5 =	simm.s32 $_tile_overlayer_lowered  }
0x13: {  	s23 =	simm.s32 $0x1BFF;
	s22 =	sshll.u32 s5, $0x1;
	s1 =	sadd.s32 s20, s19  }
0x14: {  	s6 =	simm.s32 $0x0;
	s21 =	sshll.u32 s4, $0x1;
	s4 =	sadd.s32 s22, s1  }
0x15: {  	[timem:s6], [sflag:s23] =	dma.local [hbm:s4], s21  }
0x16: {  	_ =	swait.ge [sflag:s23], s21  }
0x17: {  	s2 =	ssub.s32 $0x0, s21;
	[sflag:s23] =	ssyncset.done $0x0  }
0x18: {  	[sflag:s23] =	ssyncadd.s32 s2;
	_ =	sdelay $0x1  }
0x19: {  	s24 =	simm.s32 $0x1B8B  }
0x1a: {  	_ =	swait.ge [sflag:s24], $0x1  }
0x1b: {  	[sflag:s24] =	ssyncset.done $0x0  }
0x1c: {  	s26 =	simm.s32 $0x1B8E;
	s25 =	sld [smem:$0x3FFE];
	[sflag:s24] =	ssyncadd.s32 $0xFFFFFFFF  }
0x1d: {  	s27 =	simm.s32 $execute0_lowered;
	[smem:$0x3FD2] =	sst s26  }
0x1e: {  	s4 =	sshll.u32 s27, $0x1;
	_ =	strace $0x80000046;
	[dreg:$0x1] =	wrdreg $0xFFFFFFFF  }
0x1f: {  	s28 =	simm.s32 $_size_execute0_lowered;
	s1 =	sadd.s32 s1, s4;
	[dreg:$0x0] =	wrdreg $0x0  }
0x20: {  	s4 =	sshll.u32 s28, $0x1;
	[dreg:$0x2] =	wrdreg s1  }
0x21: {  	[dreg:$0x3] =	wrdreg s4  }
0x22: {  	[dreg:$0x4] =	wrdreg $0xC0  }
0x23: {  	_ =	task [dreg:s6], $0x5FFFF  }
0x24: {  	[dreg:$0x1] =	wrdreg $0xFFFFFFFF  }
0x25: {  	[dreg:$0x0] =	wrdreg $0x60  }
0x26: {  	[dreg:$0x2] =	wrdreg s25  }
0x27: {  	[dreg:$0x3] =	wrdreg $0x9  }
0x28: {  	_ =	task.clear_ibuf [dreg:s6], $0x4FFFF;
	_ =	strace $0x90000046  }
0x29: {  	s29 =	simm.s32 $0x9;
	_ =	strace $0x80000048  }
0x2a: {  	_ =	swait.ge [sflag:s29], $0x1  }
0x2b: {  	[sflag:s29] =	ssyncadd.s32 $0xFFFFFFFF  }
0x2c: {  	_ =	strace $0x90000048  }
0x2d: {  	_ =	sfence  }
0x2e: {  	s30 =	sld [smem:$0x0];
	_ =	sdelay $0x2  }
0x2f: {  	s31 =	sshll.u32 s3, $0xD;
	s3 =	sshrl.u32 s3, $0x2  }
0x30: {  	s2 =	sand.u32 $0x4000, s31;
	s1 =	sadd.s32 s3, s30  }
0x31: {  	s0 =	sor.u32 s2, s0;
	s1 =	sshll.u32 s1, $0x11  }
0x32: {  	s0 =	sor.u32 s1, s0  }
0x33: {  	s0 =	sadd.s32 $0x8F2B, s0  }
0x34: {  	[sflag:s0] =	ssyncadd.remote.s32 $0x1  }
0x35: {  	_ =	sfence.sel $0xFFFF  }
0x36: {  	[dreg:$0x0] =	wrdreg $0xFFFFFFFF;
	(pc) =	sbr.abs _section_cstart, $3  }
0x37: {  	[dreg:$0x1] =	wrdreg $0xFFFFFFFF  }
0x38: {  	_ =	task.clear_ibuf [dreg:s6], $0x2FFFF;
	_ =	strace $0x9FFFFFFF  }
0x39: {  	(tm) =	ssettm $0x7FFFFFFF  }
tec
execute0_lowered:
.L_overlay_start_1:
0x0: {  	(tag) =	ssettag $0x1  }
0x1: {  	s0 =	stileid.u32;
	s1 =	srdreg.scid  }
0x2: {  	s7 =	rddreg [dreg:$0x0];
	s31 =	simm.s32 $0x2;
	s15 =	simm.s32 $0x0  }
0x3: {  	s9 =	simm.s32 $0x800;
	s2 =	sshll.u32 s0, $0x3;
	s1 =	sshll.u32 s1, $0x7  }
0x4: {  	s10 =	simm.s32 $0xFA000;
	s1 =	sor.u32 s2, s1;
	s2 =	sand.u32 $0x1, s0  }
0x5: {  	s11 =	simm.s32 $0x0;
	s1 =	sand.u32 $0xF0, s1;
	s4 =	ssub.s32 $0x2, s2  }
0x6: {  	s16 =	simm.s32 $0x0;
	s3 =	ssub.s32 $0x1F40, s1;
	s6 =	sshrl.u32 s4, $0x1  }
0x7: {  	s4 =	sand.u32 $0x1, s4;
	s5 =	sand.u32 $0xF0, s3;
	s8 =	sshrl.u32 s3, $0x8  }
0x8: {  	s3 =	rddreg [dreg:$0x1];
	p0 =	sne.s32 s5, $0x0;
	s5 =	simm.s32 $0x1  }
.Ltmp0:
0x9: {  	s6 =	sadd.s32 s4, s6;
	s5 =	simm.s32 @!p0 $0x0;
	(pc) =	sbr.rel .LBB1_1-.Ltmp0, $4  }
0xa: {  	_ =	strace $0x80000047;
	s4 =	simm.s32 $0x1;
	s5 =	sadd.s32 s5, s8  }
0xb: {  	s14 =	simm.s32 $0x0;
	[sflag:s4] =	ssyncpa.u1 $0x0;
	s5 =	smul.u32 s6, s5  }
0xc: {  	s13 =	smov.u32 s2;
	s12 =	smov.u32 s1;
	[sflag:s31] =	ssyncpa.u1 $0x0  }
0xd: {  	s6 =	sadd.s32 $0x1E9E00, s7;
	s7 =	sadd.s32 $0x3DDE00, s7;
	s8 =	sadd.s32 $0x1, s5  }
.LBB1_7:
0xe: {  	s17 =	sadd.s32 $0x100, s12  }
0xf: {  	s15 =	sadd.s32 $0x2, s13;
	s19 =	smov.u32 s13;
	p1 =	sgt.s32 s17, $0x1F3F  }
0x10: {  	s19 =	smov.u32 @p1 s15  }
0x11: {  	s17 =	smov.u32 @p1 s1;
	p1 =	sgt.s32 s19, $0x1  }
0x12: {  	s19 =	smov.u32 @p1 s2;
	p1 =	sne.s32 s14, s8  }
.Ltmp1:
0x13: {  	p0 =	slt.u32 s14, $0x2;
	(pc) =	sbr.rel @!p1 .LBB1_8-.Ltmp1, $4  }
0x14: {  	s18 =	simm.s32 @!p0 $0x2  }
0x15: {  	s16 =	smov.u32 s13;
	s11 =	sadd.s32 $0x4000, s11;
	_ =	swait.ge @!p0 [sflag:s18], $0x4000  }
0x16: {  	s15 =	smov.u32 s12;
	[sflag:s18] =	ssyncset.done @!p0 $0x0;
	s12 =	smov.u32 s17  }
0x17: {  	s14 =	sadd.s32 $0x1, s14;
	[sflag:s18] =	ssyncadd.s32 @!p0 $0xFFFFC000;
	s13 =	smov.u32 s19  }
.LBB1_1:
0x18: {  	p0 =	sge.u32 s14, s5  }
0x19: {  	s17 =	smul.u32 @!p0 $0xFA000, s13  }
0x1a: {  	s31 =	sadd.s32 $0xFFFFFFFF, s14;
	s18 =	sxor.u32 @!p0 $0xFFFFFFFF, s14  }
0x1b: {  	s19 =	sshll.u32 @!p0 s12, $0x7;
	s18 =	sshll.u32 @!p0 s18, $0xE;
	s17 =	sadd.s32 @!p0 s6, s17  }
0x1c: {  	s18 =	sand.u32 @!p0 $0x4000, s18;
	s17 =	sadd.s32 @!p0 s19, s17;
	s19 =	simm.s32 @!p0 $0x0  }
0x1d: {  	[tilespmem:s18], [sflag:$0x1] =	stream.linear.gather @!p0 [hbm4b:s17+s19], $0x4000, $0x38;
	[tilespmem:$0x10000] =	vst v63  }
0x1e: {  	p0 =	sge.u32 s31, s5  }
.Ltmp2:
0x1f: {  	_ = 	snop;
	(pc) =	sbr.rel @p0 .LBB1_7-.Ltmp2, $1  }
0x20: {  	_ =	sdelay $0x3  }
0x21: {  	s17 =	sand.u32 $0x4000, s11  }
0x22: {  	_ =	swait.ge [sflag:s4], $0x4000;
	s20 =	sshll.u32 s14, $0xE;
	s18 =	sor.u32 $0x8040, s17  }
0x23: {  	s19 =	sor.u32 $0x40, s17;
	[sflag:s4] =	ssyncset.done $0x0;
	s31 =	sand.u32 $0x4000, s20  }
0x24: {  	s20 =	simm.s32 $0x0;
	[sflag:s4] =	ssyncadd.s32 $0xFFFFC000;
	s17 =	sor.u32 $0x8000, s31  }
.LBB1_3:
0x25: {  	v0 =	vmov s19;
	_ =	sdelay $0x3  }
0x26: {  	s22 =	simm.s32 $0x0  }
0x27: {  	v6 =	vld.idx.msk [tilespmem:v0+s22+$0x30 ss:$0x1], $0xffff  }
0x28: {  	v7 =	vld.idx.msk [tilespmem:v0+s22+$0xFFFFFFC0 ss:$0x1], $0xffff  }
0x29: {  	v5 =	vld.idx.msk [tilespmem:v0+s22+$0xFFFFFFD0 ss:$0x1], $0xffff  }
0x2a: {  	v4 =	vld.idx.msk [tilespmem:v0+s22+$0xFFFFFFE0 ss:$0x1], $0xffff  }
0x2b: {  	v3 =	vld.idx.msk [tilespmem:v0+s22+$0xFFFFFFF0 ss:$0x1], $0xffff  }
0x2c: {  	v1 =	vld.idx.msk [tilespmem:v0+s22+$0x0 ss:$0x1], $0xffff  }
0x2d: {  	v2 =	vld.idx.msk [tilespmem:v0+s22+$0x10 ss:$0x1], $0xffff;
	[tilespmem:s18+$0x30] =	vst v6  }
0x2e: {  	s21 =	simm.s32 $0x80;
	s23 =	simm.s32 $0x400;
	[tilespmem:s18+$0xFFFFFFC0] =	vst v7;
	v6 =	vld.idx.msk [tilespmem:v0+s22+$0x20 ss:$0x1], $0xffff;
	s22 =	smov.u32 s18  }
.LBB1_4:
0x2f: {  	p0 =	sne.s32 s23, $0xE00;
	v7 =	vld.idx.msk [tilespmem:v0+s21+$0x30 ss:$0x1], $0xffff;
	[tilespmem:s22+$0xFFFFFFD0] =	vst v5  }
0x30: {  	v8 =	vld.idx.msk [tilespmem:v0+s21+$0xFFFFFFC0 ss:$0x1], $0xffff;
	[tilespmem:s22+$0xFFFFFFE0] =	vst v4  }
0x31: {  	v5 =	vld.idx.msk [tilespmem:v0+s21+$0xFFFFFFD0 ss:$0x1], $0xffff;
	[tilespmem:s22+$0xFFFFFFF0] =	vst v3  }
.Ltmp3:
0x32: {  	v4 =	vld.idx.msk [tilespmem:v0+s21+$0xFFFFFFE0 ss:$0x1], $0xffff;
	[tilespmem:s22+$0x0] =	vst v1;
	(pc) =	sbr.rel @p0 .LBB1_4-.Ltmp3, $4  }
0x33: {  	v3 =	vld.idx.msk [tilespmem:v0+s21+$0xFFFFFFF0 ss:$0x1], $0xffff;
	[tilespmem:s22+$0x10] =	vst v2  }
0x34: {  	v1 =	vld.idx.msk [tilespmem:v0+s21+$0x0 ss:$0x1], $0xffff;
	[tilespmem:s22+$0x20] =	vst v6;
	s22 =	sadd.s32 $0x800, s22  }
0x35: {  	v2 =	vld.idx.msk [tilespmem:v0+s21+$0x10 ss:$0x1], $0xffff;
	[tilespmem:s22+$0x30] =	vst v7  }
0x36: {  	[tilespmem:s22+$0xFFFFFFC0] =	vst v8;
	v6 =	vld.idx.msk [tilespmem:v0+s21+$0x20 ss:$0x1], $0xffff;
	s21 =	sshra.s32 s23, $0x2;
	s23 =	sadd.s32 $0x200, s23  }
0x37: {  	_ =	sdelay $0x2  }
0x38: {  	[tilespmem:s22+$0xFFFFFFD0] =	vst v5  }
0x39: {  	v56 =	vld.idx.msk [tilespmem:v0+s21+$0x30 ss:$0x1], $0xffff;
	[tilespmem:s22+$0xFFFFFFE0] =	vst v4  }
0x3a: {  	v57 =	vld.idx.msk [tilespmem:v0+s21+$0xFFFFFFC0 ss:$0x1], $0xffff;
	[tilespmem:s22+$0xFFFFFFF0] =	vst v3  }
0x3b: {  	v58 =	vld.idx.msk [tilespmem:v0+s21+$0xFFFFFFD0 ss:$0x1], $0xffff;
	[tilespmem:s22+$0x0] =	vst v1  }
0x3c: {  	v59 =	vld.idx.msk [tilespmem:v0+s21+$0xFFFFFFE0 ss:$0x1], $0xffff;
	[tilespmem:s22+$0x10] =	vst v2  }
0x3d: {  	v60 =	vld.idx.msk [tilespmem:v0+s21+$0xFFFFFFF0 ss:$0x1], $0xffff;
	s31 =	sadd.s32 $0x800, s22;
	[tilespmem:s22+$0x20] =	vst v6  }
0x3e: {  	v61 =	vld.idx.msk [tilespmem:v0+s21+$0x0 ss:$0x1], $0xffff;
	[tilespmem:s31+$0x30] =	vst v56  }
0x3f: {  	v62 =	vld.idx.msk [tilespmem:v0+s21+$0x10 ss:$0x1], $0xffff;
	s20 =	sadd.s32 $0x1, s20;
	[tilespmem:s31+$0xFFFFFFC0] =	vst v57  }
0x40: {  	v63 =	vld.idx.msk [tilespmem:v0+s21+$0x20 ss:$0x1], $0xffff;
	p0 =	sne.s32 s20, $0x10;
	[tilespmem:s31+$0xFFFFFFD0] =	vst v58  }
.Ltmp4:
0x41: {  	[tilespmem:s31+$0xFFFFFFE0] =	vst v59;
	(pc) =	sbr.rel @p0 .LBB1_3-.Ltmp4, $4  }
0x42: {  	[tilespmem:s31+$0xFFFFFFF0] =	vst v60  }
0x43: {  	[tilespmem:s31+$0x0] =	vst v61  }
0x44: {  	[tilespmem:s31+$0x10] =	vst v62  }
0x45: {  	s18 =	sadd.s32 $0x80, s18;
	s19 =	sadd.s32 $0x400, s19;
	[tilespmem:s31+$0x20] =	vst v63  }
0x46: {  	s15 =	sand.u32 $0x1FFFFFF, s15  }
0x47: {  	s18 =	smulhi.u32 $0x20C49BB, s15;
	_ =	sdelay $0x1  }
0x48: {  	s16 =	smul.u32 $0xFA000, s16;
	s18 =	sshrl.u32 s18, $0x6  }
0x49: {  	s18 =	smul.u32 $0x1F40, s18  }
.Ltmp5:
0x4a: {  	_ = 	snop;
	(pc) =	sbr.rel .LBB1_7-.Ltmp5, $4  }
0x4b: {  	s15 =	ssub.s32 s15, s18  }
0x4c: {  	s16 =	sadd.s32 s7, s16;
	s15 =	sshll.u32 s15, $0x4  }
0x4d: {  	s15 =	sadd.s32 s15, s16  }
0x4e: {  	[hbm4b:s15+s9] =	stream.strided.scatter [tilespmem:s17], [sflag:$0x2], $0x4000, s10, s9, $0x38;
	[tilespmem:$0x10000] =	vst v63  }
.LBB1_8:
0x4f: {  	_ =	sfence.sel $0x180000  }
0x50: {  	s1 =	simm.s32 $0x1;
	[bflag:$0x0] =	sbarrier.arrive $0xFFFF  }
0x51: {  	s31 =	simm.s32 $0x2;
	[sflag:s1] =	ssyncpa.u1 $0x1  }
0x52: {  	[sflag:s31] =	ssyncpa.u1 $0x1  }
0x53: {  	p0 =	sne.s32 s0, $0x0;
	_ =	strace $0x90000047  }
0x54: {  	s0 =	sadd.s32 @!p0 $0x100000, s3;
	[bflag:$0x2] =	sbarrier.arrive $0xFFFF  }
0x55: {  	[sflag:s0] =	ssyncadd.tile.s32 @!p0 $0x1;
	_ =	shalt  }
.Lfunc_end1:
_tile_overlayer_lowered:
.L_overlay_start_2:
0x56: {  	(tag) =	ssettag $0x2  }
0x57: {  	s0 =	rddreg [dreg:$0x0];
	s2 =	stileid.u32  }
0x58: {  	s1 =	rddreg [dreg:$0x1];
	p0 =	sne.s32 s2, $0x0  }
0x59: {  	s3 =	rddreg [dreg:$0x2];
	[bflag:$0x3] =	sbarrier.arrive $0xFFFF;
	s2 =	simm.s32 @!p0 $0x1C01  }
0x5a: {  	[timem:s3], [sflag:s2] =	dma.local @!p0 [hbm:s0], s1  }
0x5b: {  	s0 =	simm.s32 @!p0 $0x1  }
0x5c: {  	_ =	swait.ge @!p0 [sflag:s0], s1  }
0x5d: {  	s1 =	ssub.s32 @!p0 $0x0, s1;
	[sflag:s0] =	ssyncset.done @!p0 $0x0  }
0x5e: {  	[sflag:s0] =	ssyncadd.s32 @!p0 s1  }
0x5f: {  	[bflag:$0x3] =	sbarrier.arrive $0xFFFF  }
0x60: {  	_ =	shalt  }

</sc_bundles>
